<compile_context>
chip_gen: v7x
topology: tpu7x:2x2x1
jax: 0.10.2.dev20260603
libtpu: 0.0.44.dev20260713+nightly
codegen_flags: <defaults>
</compile_context>

<pallas_src>
import functools

import jax
import jax.numpy as jnp
from jax import lax
from jax.experimental import pallas as pl
from jax.experimental.pallas import tpu as pltpu
from jax.experimental.pallas import tpu_sc as plsc

N = 10000
E = 320000
G = 64
DP = 128

NC, NS = 2, 16
NW = NC * NS
EPT = E // NW
NCHUNK, CHUNK = 80, 125
NBLK, BCH = 5, 16
ND = 10240
NPT = ND // NS
WBC = 128
NWB = NPT // WBC

_MESH = dict(core_axis_name="c", subcore_axis_name="s", num_cores=NC,
             num_subcores=NS)



def _make_edge_scatter():
    mesh = plsc.VectorSubcoreMesh(**_MESH)

    @functools.partial(
        pl.kernel,
        out_type=jax.ShapeDtypeStruct((NC, ND, DP), jnp.float32),
        mesh=mesh,
        scratch_types=[
            pltpu.VMEM((BCH, CHUNK), jnp.int32),
            pltpu.VMEM((BCH, CHUNK), jnp.int32),
            pltpu.VMEM((WBC, DP), jnp.float32),
            pltpu.VMEM((WBC, DP), jnp.float32),
            pltpu.VMEM_SHARED((ND, DP), jnp.float32),
            pltpu.SemaphoreType.DMA,
            pltpu.SemaphoreType.DMA,
        ],
    )
    def edge_kernel(y_hbm, src_hbm, dst_hbm, out_hbm, src_b, dst_b, r0, r1,
                    acc_sp, sem0, sem1):
        cid = lax.axis_index("c")
        sid = lax.axis_index("s")
        wid = cid * NS + sid
        zero = jnp.zeros((16,), jnp.float32)

        def zrow(i, _):
            for c in range(DP // 16):
                r0[i, pl.ds(c * 16, 16)] = zero
            return _

        lax.fori_loop(0, WBC, zrow, 0)

        def zcopy(k, _):
            pltpu.sync_copy(r0, acc_sp.at[pl.ds(sid * NPT + k * WBC, WBC)])
            return _

        lax.fori_loop(0, NWB, zcopy, 0)
        plsc.subcore_barrier()

        bufs = (r0, r1)
        sems = (sem0, sem1)

        def blk(b, _):
            pltpu.sync_copy(src_hbm.at[wid, pl.ds(b * BCH, BCH)], src_b)
            pltpu.sync_copy(dst_hbm.at[wid, pl.ds(b * BCH, BCH)], dst_b)
            pltpu.async_copy(y_hbm.at[src_b.at[0]],
                             r0.at[pl.ds(0, CHUNK)], sem0)

            def step(s, _2):
                for p in range(2):
                    c = 2 * s + p
                    buf, sem = bufs[p], sems[p]
                    obuf, osem = bufs[1 - p], sems[1 - p]
                    pltpu.make_async_copy(y_hbm.at[src_b.at[c]],
                                          buf.at[pl.ds(0, CHUNK)], sem).wait()

                    @pl.when(c + 1 < BCH)
                    def _3():
                        pltpu.async_copy(y_hbm.at[src_b.at[c + 1]],
                                         obuf.at[pl.ds(0, CHUNK)], osem)

                    pltpu.sync_copy(buf.at[pl.ds(0, CHUNK)],
                                    acc_sp.at[dst_b.at[c]], add=True)
                return _2

            lax.fori_loop(0, BCH // 2, step, 0)
            return _

        lax.fori_loop(0, NBLK, blk, 0)
        plsc.subcore_barrier()

        def wb(k, _):
            pltpu.sync_copy(acc_sp.at[pl.ds(sid * NPT + k * WBC, WBC)],
                            r0)
            pltpu.sync_copy(r0,
                            out_hbm.at[cid, pl.ds(sid * NPT + k * WBC, WBC)])
            return _

        lax.fori_loop(0, NWB, wb, 0)

    return edge_kernel


def _make_deg_kernel():
    mesh = plsc.VectorSubcoreMesh(**_MESH)

    @functools.partial(
        pl.kernel,
        out_type=jax.ShapeDtypeStruct((NC, ND, DP), jnp.float32),
        mesh=mesh,
        scratch_types=[
            pltpu.VMEM((NCHUNK, CHUNK), jnp.int32),
            pltpu.VMEM((WBC, DP), jnp.float32),
            pltpu.VMEM_SHARED((ND, DP), jnp.float32),
        ],
    )
    def deg_kernel(dst_hbm, out_hbm, dst_v, buf_v, acc_sp):
        cid = lax.axis_index("c")
        sid = lax.axis_index("s")
        wid = cid * NS + sid
        pltpu.sync_copy(dst_hbm.at[wid], dst_v)
        zero = jnp.zeros((16,), jnp.float32)
        one = jnp.full((16,), 1.0, jnp.float32)

        def zrow(i, _):
            for c in range(DP // 16):
                buf_v[i, pl.ds(c * 16, 16)] = zero
            return _

        lax.fori_loop(0, WBC, zrow, 0)

        def zcopy(k, _):
            pltpu.sync_copy(buf_v,
                            acc_sp.at[pl.ds(sid * NPT + k * WBC, WBC)])
            return _

        lax.fori_loop(0, NWB, zcopy, 0)

        def orow(i, _):
            buf_v[i, pl.ds(0, 16)] = one
            return _

        lax.fori_loop(0, CHUNK, orow, 0)
        plsc.subcore_barrier()

        def chunk(j, _):
            pltpu.sync_copy(buf_v.at[pl.ds(0, CHUNK)],
                            acc_sp.at[dst_v.at[j]], add=True)
            return _

        lax.fori_loop(0, NCHUNK, chunk, 0)
        plsc.subcore_barrier()

        def wb(k, _):
            pltpu.sync_copy(acc_sp.at[pl.ds(sid * NPT + k * WBC, WBC)],
                            buf_v)
            pltpu.sync_copy(buf_v,
                            out_hbm.at[cid, pl.ds(sid * NPT + k * WBC, WBC)])
            return _

        lax.fori_loop(0, NWB, wb, 0)

    return deg_kernel


_deg_call = _make_deg_kernel()


_edge_call = _make_edge_scatter()



def _pad_cols(a):
    return jnp.concatenate(
        [a, jnp.zeros((a.shape[0], DP - a.shape[1]), a.dtype)], axis=1)


def _tc_prep(deg_parts, x, W1):

    def body(degp_ref, x_ref, w_ref, dinv_ref, y_ref):
        degp = degp_ref[...]
        deg = 1.0 + degp[0, :N, 0] + degp[1, :N, 0]
        dinv = (1.0 / jnp.sqrt(deg))[:, None]
        dinv_ref[...] = dinv
        xw = jnp.dot(x_ref[...], w_ref[...],
                     preferred_element_type=jnp.float32)
        y_ref[...] = _pad_cols(xw * dinv)

    return pl.pallas_call(
        body,
        out_shape=(jax.ShapeDtypeStruct((N, 1), jnp.float32),
                   jax.ShapeDtypeStruct((N, DP), jnp.float32)),
    )(deg_parts, x, W1)


def _tc_mid(S_parts, y, dinv, b, W):
    df = W.shape[0]

    def body(s_ref, y_ref, dinv_ref, b_ref, w_ref, out_ref):
        s = s_ref[...]
        dinv = dinv_ref[...]
        t = (s[0, :N, :df] + s[1, :N, :df] + y_ref[:, :df])
        h = jax.nn.relu(dinv * t + b_ref[...])
        out_ref[...] = _pad_cols(
            jnp.dot(h, w_ref[...], preferred_element_type=jnp.float32) * dinv)

    return pl.pallas_call(
        body,
        out_shape=jax.ShapeDtypeStruct((N, DP), jnp.float32),
    )(S_parts, y, dinv, b, W)


def _tc_final(S_parts, y, dinv, b, batch2, fc1_W, fc1_b, fc2_W, fc2_b):
    df = fc1_W.shape[0]

    def body(s_ref, y_ref, dinv_ref, b_ref, batch_ref, w1_ref, b1_ref,
             w2_ref, b2_ref, out_ref):
        s = s_ref[...]
        t = (s[0, :N, :df] + s[1, :N, :df] + y_ref[:, :df])
        h = jax.nn.relu(dinv_ref[...] * t + b_ref[...])
        gids = lax.broadcasted_iota(jnp.int32, (N, G), 1)
        onehot = (batch_ref[...] == gids).astype(jnp.float32)
        sums = lax.dot_general(onehot, h, (((0,), (0,)), ((), ())),
                               preferred_element_type=jnp.float32,
                               precision=lax.Precision.HIGHEST)
        cnts = jnp.sum(onehot, axis=0)[:, None]
        pooled = sums / jnp.maximum(cnts, 1.0)
        hh = jax.nn.relu(jnp.dot(pooled, w1_ref[...],
                                 preferred_element_type=jnp.float32)
                         + b1_ref[...])
        out_ref[...] = jnp.dot(hh, w2_ref[...],
                               preferred_element_type=jnp.float32) + b2_ref[...]

    return pl.pallas_call(
        body,
        out_shape=jax.ShapeDtypeStruct((G, 1), jnp.float32),
    )(S_parts, y, dinv, b, batch2, fc1_W, fc1_b, fc2_W, fc2_b)



def kernel(x, edge_index, batch, W1, b1, W2, b2, W3, b3, fc1_W, fc1_b,
           fc2_W, fc2_b):
    src = edge_index[0].reshape(NW, NCHUNK, CHUNK)
    dst = edge_index[1].reshape(NW, NCHUNK, CHUNK)

    deg_parts = _deg_call(dst)
    dinv, y1 = _tc_prep(deg_parts, x, W1)

    S1 = _edge_call(y1, src, dst)
    y2 = _tc_mid(S1, y1, dinv, b1.reshape(1, -1), W2)

    S2 = _edge_call(y2, src, dst)
    y3 = _tc_mid(S2, y2, dinv, b2.reshape(1, -1), W3)

    S3 = _edge_call(y3, src, dst)
    return _tc_final(S3, y3, dinv, b3.reshape(1, -1), batch.reshape(-1, 1),
                     fc1_W, fc1_b.reshape(1, -1), fc2_W, fc2_b.reshape(1, -1))

# --- scband reference (transcript-rebuilt; emitter-appended) ---
"""Pipeline reference for scband-gcn-net-64991445123406 (READ-ONLY COPY).

The authoritative reference and input builder live on the scoring server;
editing this copy changes nothing except your own understanding.
"""

import jax, jax.numpy as jnp
import numpy as np

N = 10000
E = 320000
D = 128
G = 64


def setup_inputs(seed: int = 0) -> dict:
    key = jax.random.key(seed)
    ks = jax.random.split(key, 14)
    x = jax.random.normal(ks[0], (N, D), dtype=jnp.float32)
    edge_index = jax.random.randint(ks[1], (2, E), 0, N, dtype=jnp.int32)
    batch = jnp.sort(jax.random.randint(ks[2], (N,), 0, G, dtype=jnp.int32))
    W1 = jax.random.normal(ks[3], (D, 32), dtype=jnp.float32) * 0.1
    b1 = jnp.zeros((32,), dtype=jnp.float32)
    W2 = jax.random.normal(ks[4], (32, 64), dtype=jnp.float32) * 0.1
    b2 = jnp.zeros((64,), dtype=jnp.float32)
    W3 = jax.random.normal(ks[5], (64, 64), dtype=jnp.float32) * 0.1
    b3 = jnp.zeros((64,), dtype=jnp.float32)
    fc1_W = jax.random.normal(ks[6], (64, 32), dtype=jnp.float32) * 0.1
    fc1_b = jnp.zeros((32,), dtype=jnp.float32)
    fc2_W = jax.random.normal(ks[7], (32, 1), dtype=jnp.float32) * 0.1
    fc2_b = jnp.zeros((1,), dtype=jnp.float32)
    return {"x": x, "edge_index": edge_index, "batch": batch,
            "W1": W1, "b1": b1, "W2": W2, "b2": b2, "W3": W3, "b3": b3,
            "fc1_W": fc1_W, "fc1_b": fc1_b, "fc2_W": fc2_W, "fc2_b": fc2_b}


def gcn_conv(x, edge_index, W, b):
    # PyG GCNConv: x' = x @ W; symmetric norm with added self-loops; scatter-add; + bias
    n = x.shape[0]
    loop = jnp.arange(n, dtype=edge_index.dtype)
    src = jnp.concatenate([edge_index[0], loop])
    dst = jnp.concatenate([edge_index[1], loop])
    deg = jnp.zeros((n,), dtype=x.dtype).at[dst].add(1.0)
    dinv = jnp.where(deg > 0, 1.0 / jnp.sqrt(deg), 0.0)
    norm = dinv[src] * dinv[dst]
    xw = x @ W
    msg = xw[src] * norm[:, None]
    out = jax.ops.segment_sum(msg, dst, num_segments=n)
    return out + b


def reference(x, edge_index, batch, W1, b1, W2, b2, W3, b3, fc1_W, fc1_b, fc2_W, fc2_b):
    h = jax.nn.relu(gcn_conv(x, edge_index, W1, b1))
    h = jax.nn.relu(gcn_conv(h, edge_index, W2, b2))
    h = jax.nn.relu(gcn_conv(h, edge_index, W3, b3))
    # global_mean_pool
    sums = jax.ops.segment_sum(h, batch, num_segments=G)
    cnts = jax.ops.segment_sum(jnp.ones((h.shape[0],), dtype=h.dtype), batch, num_segments=G)
    pooled = sums / jnp.maximum(cnts, 1.0)[:, None]
    h = jax.nn.relu(pooled @ fc1_W + fc1_b)
    return h @ fc2_W + fc2_b

if __name__ == "__main__":
    import jax
    _d = setup_inputs()
    print(jax.jit(kernel)(*tuple(_d.values())))

</pallas_src>

<mosaic_0001>
#map = affine_map<(d0, d1) -> (0, 0)>
#map1 = affine_map<(d0, d1) -> (0, 0, 0)>
module attributes {stable_mosaic.version = 14 : i64} {
  func.func @edge_kernel(%arg0: i32, %arg1: i32, %arg2: memref<10000x128xf32, #tpu.memory_space<hbm>>, %arg3: memref<32x80x125xi32, #tpu.memory_space<hbm>>, %arg4: memref<32x80x125xi32, #tpu.memory_space<hbm>>, %arg5: memref<2x10240x128xf32, #tpu.memory_space<hbm>>, %arg6: memref<16x125xi32, #tpu.memory_space<vmem>>, %arg7: memref<16x125xi32, #tpu.memory_space<vmem>>, %arg8: memref<128x128xf32, #tpu.memory_space<vmem>>, %arg9: memref<128x128xf32, #tpu.memory_space<vmem>>, %arg10: memref<10240x128xf32, #tpu.memory_space<vmem_shared>>, %arg11: memref<!tpu.dma_semaphore, #tpu.memory_space<semaphore_mem>>, %arg12: memref<!tpu.dma_semaphore, #tpu.memory_space<semaphore_mem>>) attributes {dimension_semantics = [#tpu.dimension_semantics<core_parallel>, #tpu.dimension_semantics<subcore_parallel>], iteration_bounds = array<i64: 2, 16>, scalar_prefetch = 0 : i64, scratch_operands = 7 : i64, tpu.core_type = #tpu.core_type<sc_vector_subcore>, window_params = [{transform_indices = #map}, {transform_indices = #map1}, {transform_indices = #map1}, {transform_indices = #map1}]} {
    %mul3A = arith.constant 16 : i32
    %mul3A_0 = arith.muli %arg0, %mul3A : i32
    %add3A = arith.addi %mul3A_0, %arg1 : i32
    %broadcast_in_dim3A = arith.constant 0.000000e+00 : f32
    %broadcast_in_dim3A_1 = vector.broadcast %broadcast_in_dim3A : f32 to vector<16xf32>
    %scan3A = arith.constant 0 : i32
    %scan3A_2 = arith.constant 0 : i32
    %scan3A_3 = arith.constant 128 : i32
    %scan3A_4 = arith.addi %scan3A_2, %scan3A_3 : i32
    %scan3A_5 = arith.constant 1 : i32
    scf.for %scan3A_26 = %scan3A_2 to %scan3A_4 step %scan3A_5  : i32 {
      %swap3A = arith.index_cast %scan3A_26 : i32 to index
      %swap3A_27 = arith.constant 0 : index
      %swap3A_28 = tpu.vector_load %arg8[%swap3A, %swap3A_27] {strides = array<i32>} : memref<128x128xf32, #tpu.memory_space<vmem>>, vector<1x16xf32>,
      %swap3A_29 = vector.shape_cast %swap3A_28 : vector<1x16xf32> to vector<16xf32>
      %swap3A_30 = vector.shape_cast %broadcast_in_dim3A_1 : vector<16xf32> to vector<1x16xf32>
      tpu.vector_store %arg8[%swap3A, %swap3A_27], %swap3A_30 {strides = array<i32>} : memref<128x128xf32, #tpu.memory_space<vmem>>, vector<1x16xf32>,
      %swap3A_31 = arith.index_cast %scan3A_26 : i32 to index
      %swap3A_32 = arith.constant 16 : index
      %swap3A_33 = tpu.vector_load %arg8[%swap3A_31, %swap3A_32] {strides = array<i32>} : memref<128x128xf32, #tpu.memory_space<vmem>>, vector<1x16xf32>,
      %swap3A_34 = vector.shape_cast %swap3A_33 : vector<1x16xf32> to vector<16xf32>
      %swap3A_35 = vector.shape_cast %broadcast_in_dim3A_1 : vector<16xf32> to vector<1x16xf32>
      tpu.vector_store %arg8[%swap3A_31, %swap3A_32], %swap3A_35 {strides = array<i32>} : memref<128x128xf32, #tpu.memory_space<vmem>>, vector<1x16xf32>,
      %swap3A_36 = arith.index_cast %scan3A_26 : i32 to index
      %swap3A_37 = arith.constant 32 : index
      %swap3A_38 = tpu.vector_load %arg8[%swap3A_36, %swap3A_37] {strides = array<i32>} : memref<128x128xf32, #tpu.memory_space<vmem>>, vector<1x16xf32>,
      %swap3A_39 = vector.shape_cast %swap3A_38 : vector<1x16xf32> to vector<16xf32>
      %swap3A_40 = vector.shape_cast %broadcast_in_dim3A_1 : vector<16xf32> to vector<1x16xf32>
      tpu.vector_store %arg8[%swap3A_36, %swap3A_37], %swap3A_40 {strides = array<i32>} : memref<128x128xf32, #tpu.memory_space<vmem>>, vector<1x16xf32>,
      %swap3A_41 = arith.index_cast %scan3A_26 : i32 to index
      %swap3A_42 = arith.constant 48 : index
      %swap3A_43 = tpu.vector_load %arg8[%swap3A_41, %swap3A_42] {strides = array<i32>} : memref<128x128xf32, #tpu.memory_space<vmem>>, vector<1x16xf32>,
      %swap3A_44 = vector.shape_cast %swap3A_43 : vector<1x16xf32> to vector<16xf32>
      %swap3A_45 = vector.shape_cast %broadcast_in_dim3A_1 : vector<16xf32> to vector<1x16xf32>
      tpu.vector_store %arg8[%swap3A_41, %swap3A_42], %swap3A_45 {strides = array<i32>} : memref<128x128xf32, #tpu.memory_space<vmem>>, vector<1x16xf32>,
      %swap3A_46 = arith.index_cast %scan3A_26 : i32 to index
      %swap3A_47 = arith.constant 64 : index
      %swap3A_48 = tpu.vector_load %arg8[%swap3A_46, %swap3A_47] {strides = array<i32>} : memref<128x128xf32, #tpu.memory_space<vmem>>, vector<1x16xf32>,
      %swap3A_49 = vector.shape_cast %swap3A_48 : vector<1x16xf32> to vector<16xf32>
      %swap3A_50 = vector.shape_cast %broadcast_in_dim3A_1 : vector<16xf32> to vector<1x16xf32>
      tpu.vector_store %arg8[%swap3A_46, %swap3A_47], %swap3A_50 {strides = array<i32>} : memref<128x128xf32, #tpu.memory_space<vmem>>, vector<1x16xf32>,
      %swap3A_51 = arith.index_cast %scan3A_26 : i32 to index
      %swap3A_52 = arith.constant 80 : index
      %swap3A_53 = tpu.vector_load %arg8[%swap3A_51, %swap3A_52] {strides = array<i32>} : memref<128x128xf32, #tpu.memory_space<vmem>>, vector<1x16xf32>,
      %swap3A_54 = vector.shape_cast %swap3A_53 : vector<1x16xf32> to vector<16xf32>
      %swap3A_55 = vector.shape_cast %broadcast_in_dim3A_1 : vector<16xf32> to vector<1x16xf32>
      tpu.vector_store %arg8[%swap3A_51, %swap3A_52], %swap3A_55 {strides = array<i32>} : memref<128x128xf32, #tpu.memory_space<vmem>>, vector<1x16xf32>,
      %swap3A_56 = arith.index_cast %scan3A_26 : i32 to index
      %swap3A_57 = arith.constant 96 : index
      %swap3A_58 = tpu.vector_load %arg8[%swap3A_56, %swap3A_57] {strides = array<i32>} : memref<128x128xf32, #tpu.memory_space<vmem>>, vector<1x16xf32>,
      %swap3A_59 = vector.shape_cast %swap3A_58 : vector<1x16xf32> to vector<16xf32>
      %swap3A_60 = vector.shape_cast %broadcast_in_dim3A_1 : vector<16xf32> to vector<1x16xf32>
      tpu.vector_store %arg8[%swap3A_56, %swap3A_57], %swap3A_60 {strides = array<i32>} : memref<128x128xf32, #tpu.memory_space<vmem>>, vector<1x16xf32>,
      %swap3A_61 = arith.index_cast %scan3A_26 : i32 to index
      %swap3A_62 = arith.constant 112 : index
      %swap3A_63 = tpu.vector_load %arg8[%swap3A_61, %swap3A_62] {strides = array<i32>} : memref<128x128xf32, #tpu.memory_space<vmem>>, vector<1x16xf32>,
      %swap3A_64 = vector.shape_cast %swap3A_63 : vector<1x16xf32> to vector<16xf32>
      %swap3A_65 = vector.shape_cast %broadcast_in_dim3A_1 : vector<16xf32> to vector<1x16xf32>
      tpu.vector_store %arg8[%swap3A_61, %swap3A_62], %swap3A_65 {strides = array<i32>} : memref<128x128xf32, #tpu.memory_space<vmem>>, vector<1x16xf32>,
    }
    %scan3A_6 = arith.constant 128 : i32
    %scan3A_7 = arith.constant 0 : i32
    %scan3A_8 = arith.constant 0 : i32
    %scan3A_9 = arith.constant 5 : i32
    %scan3A_10 = arith.addi %scan3A_8, %scan3A_9 : i32
    %scan3A_11 = arith.constant 1 : i32
    scf.for %scan3A_26 = %scan3A_8 to %scan3A_10 step %scan3A_11  : i32 {
      %mul3A_27 = arith.constant 640 : i32
      %mul3A_28 = arith.muli %arg1, %mul3A_27 : i32
      %mul3A_29 = arith.constant 128 : i32
      %mul3A_30 = arith.muli %scan3A_26, %mul3A_29 : i32
      %add3A_31 = arith.addi %mul3A_28, %mul3A_30 : i32
      "tpu.region"() ({
        %run_scoped3A = tpu.sem_alloc : memref<!tpu.dma_semaphore, #tpu.memory_space<semaphore_mem>>
        %dma_start3A = arith.constant 0 : i32
        %dma_start3A_32 = tpu.memref_slice %arg10[%add3A_31, %dma_start3A] : memref<10240x128xf32, #tpu.memory_space<vmem_shared>> -> memref<128x128xf32, #tpu.memory_space<vmem_shared>>
        %dma_start3A_33 = arith.constant 0 : i32
        %dma_start3A_34 = tpu.memref_slice %arg10[%add3A_31, %dma_start3A_33] : memref<10240x128xf32, #tpu.memory_space<vmem_shared>> -> memref<128x128xf32, #tpu.memory_space<vmem_shared>>
        tpu.enqueue_dma source(%arg8 : memref<128x128xf32, #tpu.memory_space<vmem>>) target(%dma_start3A_34 : memref<128x128xf32, #tpu.memory_space<vmem_shared>>) target_semaphore(%run_scoped3A : memref<!tpu.dma_semaphore, #tpu.memory_space<semaphore_mem>>)
        %dma_wait3A = arith.constant 0 : i32
        %dma_wait3A_35 = tpu.memref_slice %arg10[%add3A_31, %dma_wait3A] : memref<10240x128xf32, #tpu.memory_space<vmem_shared>> -> memref<128x128xf32, #tpu.memory_space<vmem_shared>>
        %dma_wait3A_36 = arith.constant 0 : i32
        %dma_wait3A_37 = tpu.memref_slice %arg10[%add3A_31, %dma_wait3A_36] : memref<10240x128xf32, #tpu.memory_space<vmem_shared>> -> memref<128x128xf32, #tpu.memory_space<vmem_shared>>
        tpu.wait_dma2 semaphore(%run_scoped3A : memref<!tpu.dma_semaphore, #tpu.memory_space<semaphore_mem>>) src(%arg8 : memref<128x128xf32, #tpu.memory_space<vmem>>) dst(%dma_wait3A_37 : memref<128x128xf32, #tpu.memory_space<vmem_shared>>)
        tpu.yield
      }) : () -> ()
    }
    %scan3A_12 = arith.constant 5 : i32
    %barrier3A = arith.constant 0 : index
    tpu.barrier barrier_id(%barrier3A)
    %scan3A_13 = arith.constant 0 : i32
    %scan3A_14 = arith.constant 0 : i32
    %scan3A_15 = arith.constant 5 : i32
    %scan3A_16 = arith.addi %scan3A_14, %scan3A_15 : i32
    %scan3A_17 = arith.constant 1 : i32
    scf.for %scan3A_26 = %scan3A_14 to %scan3A_16 step %scan3A_17  : i32 {
      %mul3A_27 = arith.constant 16 : i32
      %mul3A_28 = arith.muli %scan3A_26, %mul3A_27 : i32
      "tpu.region"() ({
        %run_scoped3A = tpu.sem_alloc : memref<!tpu.dma_semaphore, #tpu.memory_space<semaphore_mem>>
        %dma_start3A_46 = arith.constant 0 : i32
        %dma_start3A_47 = tpu.memref_slice %arg3[%add3A, %mul3A_28, %dma_start3A_46] : memref<32x80x125xi32, #tpu.memory_space<hbm>> -> memref<1x16x125xi32, #tpu.memory_space<hbm>>
        %dma_start3A_48 = tpu.memref_squeeze %dma_start3A_47 : memref<1x16x125xi32, #tpu.memory_space<hbm>> -> memref<16x125xi32, #tpu.memory_space<hbm>>
        %dma_start3A_49 = arith.constant 0 : i32
        %dma_start3A_50 = tpu.memref_slice %arg3[%add3A, %mul3A_28, %dma_start3A_49] : memref<32x80x125xi32, #tpu.memory_space<hbm>> -> memref<1x16x125xi32, #tpu.memory_space<hbm>>
        %dma_start3A_51 = tpu.memref_squeeze %dma_start3A_50 : memref<1x16x125xi32, #tpu.memory_space<hbm>> -> memref<16x125xi32, #tpu.memory_space<hbm>>
        tpu.enqueue_dma source(%dma_start3A_51 : memref<16x125xi32, #tpu.memory_space<hbm>>) target(%arg6 : memref<16x125xi32, #tpu.memory_space<vmem>>) target_semaphore(%run_scoped3A : memref<!tpu.dma_semaphore, #tpu.memory_space<semaphore_mem>>)
        %dma_wait3A = arith.constant 0 : i32
        %dma_wait3A_52 = tpu.memref_slice %arg3[%add3A, %mul3A_28, %dma_wait3A] : memref<32x80x125xi32, #tpu.memory_space<hbm>> -> memref<1x16x125xi32, #tpu.memory_space<hbm>>
        %dma_wait3A_53 = tpu.memref_squeeze %dma_wait3A_52 : memref<1x16x125xi32, #tpu.memory_space<hbm>> -> memref<16x125xi32, #tpu.memory_space<hbm>>
        %dma_wait3A_54 = arith.constant 0 : i32
        %dma_wait3A_55 = tpu.memref_slice %arg3[%add3A, %mul3A_28, %dma_wait3A_54] : memref<32x80x125xi32, #tpu.memory_space<hbm>> -> memref<1x16x125xi32, #tpu.memory_space<hbm>>
        %dma_wait3A_56 = tpu.memref_squeeze %dma_wait3A_55 : memref<1x16x125xi32, #tpu.memory_space<hbm>> -> memref<16x125xi32, #tpu.memory_space<hbm>>
        tpu.wait_dma2 semaphore(%run_scoped3A : memref<!tpu.dma_semaphore, #tpu.memory_space<semaphore_mem>>) src(%dma_wait3A_56 : memref<16x125xi32, #tpu.memory_space<hbm>>) dst(%arg6 : memref<16x125xi32, #tpu.memory_space<vmem>>)
        tpu.yield
      }) : () -> ()
      %mul3A_29 = arith.constant 16 : i32
      %mul3A_30 = arith.muli %scan3A_26, %mul3A_29 : i32
      "tpu.region"() ({
        %run_scoped3A = tpu.sem_alloc : memref<!tpu.dma_semaphore, #tpu.memory_space<semaphore_mem>>
        %dma_start3A_46 = arith.constant 0 : i32
        %dma_start3A_47 = tpu.memref_slice %arg4[%add3A, %mul3A_30, %dma_start3A_46] : memref<32x80x125xi32, #tpu.memory_space<hbm>> -> memref<1x16x125xi32, #tpu.memory_space<hbm>>
        %dma_start3A_48 = tpu.memref_squeeze %dma_start3A_47 : memref<1x16x125xi32, #tpu.memory_space<hbm>> -> memref<16x125xi32, #tpu.memory_space<hbm>>
        %dma_start3A_49 = arith.constant 0 : i32
        %dma_start3A_50 = tpu.memref_slice %arg4[%add3A, %mul3A_30, %dma_start3A_49] : memref<32x80x125xi32, #tpu.memory_space<hbm>> -> memref<1x16x125xi32, #tpu.memory_space<hbm>>
        %dma_start3A_51 = tpu.memref_squeeze %dma_start3A_50 : memref<1x16x125xi32, #tpu.memory_space<hbm>> -> memref<16x125xi32, #tpu.memory_space<hbm>>
        tpu.enqueue_dma source(%dma_start3A_51 : memref<16x125xi32, #tpu.memory_space<hbm>>) target(%arg7 : memref<16x125xi32, #tpu.memory_space<vmem>>) target_semaphore(%run_scoped3A : memref<!tpu.dma_semaphore, #tpu.memory_space<semaphore_mem>>)
        %dma_wait3A = arith.constant 0 : i32
        %dma_wait3A_52 = tpu.memref_slice %arg4[%add3A, %mul3A_30, %dma_wait3A] : memref<32x80x125xi32, #tpu.memory_space<hbm>> -> memref<1x16x125xi32, #tpu.memory_space<hbm>>
        %dma_wait3A_53 = tpu.memref_squeeze %dma_wait3A_52 : memref<1x16x125xi32, #tpu.memory_space<hbm>> -> memref<16x125xi32, #tpu.memory_space<hbm>>
        %dma_wait3A_54 = arith.constant 0 : i32
        %dma_wait3A_55 = tpu.memref_slice %arg4[%add3A, %mul3A_30, %dma_wait3A_54] : memref<32x80x125xi32, #tpu.memory_space<hbm>> -> memref<1x16x125xi32, #tpu.memory_space<hbm>>
        %dma_wait3A_56 = tpu.memref_squeeze %dma_wait3A_55 : memref<1x16x125xi32, #tpu.memory_space<hbm>> -> memref<16x125xi32, #tpu.memory_space<hbm>>
        tpu.wait_dma2 semaphore(%run_scoped3A : memref<!tpu.dma_semaphore, #tpu.memory_space<semaphore_mem>>) src(%dma_wait3A_56 : memref<16x125xi32, #tpu.memory_space<hbm>>) dst(%arg7 : memref<16x125xi32, #tpu.memory_space<vmem>>)
        tpu.yield
      }) : () -> ()
      %dma_start3A = arith.constant 0 : i32
      %dma_start3A_31 = arith.constant 0 : i32
      %dma_start3A_32 = arith.constant 0 : i32
      %dma_start3A_33 = tpu.memref_slice %arg8[%dma_start3A_31, %dma_start3A_32] : memref<128x128xf32, #tpu.memory_space<vmem>> -> memref<125x128xf32, #tpu.memory_space<vmem>>
      %dma_start3A_34 = arith.constant 0 : i32
      %dma_start3A_35 = tpu.memref_slice %arg6[%dma_start3A, %dma_start3A_34] : memref<16x125xi32, #tpu.memory_space<vmem>> -> memref<1x125xi32, #tpu.memory_space<vmem>>
      %dma_start3A_36 = tpu.memref_squeeze %dma_start3A_35 : memref<1x125xi32, #tpu.memory_space<vmem>> -> memref<125xi32, #tpu.memory_space<vmem>>
      %dma_start3A_37 = arith.constant 0 : i32
      %dma_start3A_38 = arith.constant 0 : i32
      %dma_start3A_39 = tpu.memref_slice %arg2[%dma_start3A_37, %dma_start3A_38] : memref<10000x128xf32, #tpu.memory_space<hbm>> -> memref<10000x128xf32, #tpu.memory_space<hbm>>
      tpu.enqueue_indirect_dma source(%dma_start3A_39 : memref<10000x128xf32, #tpu.memory_space<hbm>>) target(%dma_start3A_33 : memref<125x128xf32, #tpu.memory_space<vmem>>) offsets(%dma_start3A_36 : memref<125xi32, #tpu.memory_space<vmem>>) semaphore(%arg11 : memref<!tpu.dma_semaphore, #tpu.memory_space<semaphore_mem>>)
      %scan3A_40 = arith.constant 0 : i32
      %scan3A_41 = arith.constant 0 : i32
      %scan3A_42 = arith.constant 8 : i32
      %scan3A_43 = arith.addi %scan3A_41, %scan3A_42 : i32
      %scan3A_44 = arith.constant 1 : i32
      scf.for %scan3A_46 = %scan3A_41 to %scan3A_43 step %scan3A_44  : i32 {
        %mul3A_47 = arith.constant 2 : i32
        %mul3A_48 = arith.muli %mul3A_47, %scan3A_46 : i32
        %add3A_49 = arith.constant 0 : i32
        %add3A_50 = arith.addi %mul3A_48, %add3A_49 : i32
        %dma_wait3A = arith.constant 0 : i32
        %dma_wait3A_51 = arith.constant 0 : i32
        %dma_wait3A_52 = tpu.memref_slice %arg8[%dma_wait3A, %dma_wait3A_51] : memref<128x128xf32, #tpu.memory_space<vmem>> -> memref<125x128xf32, #tpu.memory_space<vmem>>
        %dma_wait3A_53 = arith.constant 0 : i32
        %dma_wait3A_54 = tpu.memref_slice %arg6[%add3A_50, %dma_wait3A_53] : memref<16x125xi32, #tpu.memory_space<vmem>> -> memref<1x125xi32, #tpu.memory_space<vmem>>
        %dma_wait3A_55 = tpu.memref_squeeze %dma_wait3A_54 : memref<1x125xi32, #tpu.memory_space<vmem>> -> memref<125xi32, #tpu.memory_space<vmem>>
        %dma_wait3A_56 = arith.constant 0 : i32
        %dma_wait3A_57 = arith.constant 0 : i32
        %dma_wait3A_58 = tpu.memref_slice %arg2[%dma_wait3A_56, %dma_wait3A_57] : memref<10000x128xf32, #tpu.memory_space<hbm>> -> memref<10000x128xf32, #tpu.memory_space<hbm>>
        tpu.wait_indirect_dma semaphore(%arg11 : memref<!tpu.dma_semaphore, #tpu.memory_space<semaphore_mem>>) src(%dma_wait3A_58 : memref<10000x128xf32, #tpu.memory_space<hbm>>) dst(%dma_wait3A_52 : memref<125x128xf32, #tpu.memory_space<vmem>>)
        %add3A_59 = arith.constant 1 : i32
        %add3A_60 = arith.addi %add3A_50, %add3A_59 : i32
        %lt3A = arith.constant 16 : i32
        %lt3A_61 = arith.cmpi slt, %add3A_60, %lt3A : i32
        %convert_element_type3A = arith.extui %lt3A_61 : i1 to i32
        %cond3A = arith.constant 0 : i32
        %cond3A_62 = arith.cmpi ne, %convert_element_type3A, %cond3A : i32
        scf.if %cond3A_62 {
          %add3A_83 = arith.constant 1 : i32
          %add3A_84 = arith.addi %add3A_50, %add3A_83 : i32
          %dma_start3A_85 = arith.constant 0 : i32
          %dma_start3A_86 = arith.constant 0 : i32
          %dma_start3A_87 = tpu.memref_slice %arg9[%dma_start3A_85, %dma_start3A_86] : memref<128x128xf32, #tpu.memory_space<vmem>> -> memref<125x128xf32, #tpu.memory_space<vmem>>
          %dma_start3A_88 = arith.constant 0 : i32
          %dma_start3A_89 = tpu.memref_slice %arg6[%add3A_84, %dma_start3A_88] : memref<16x125xi32, #tpu.memory_space<vmem>> -> memref<1x125xi32, #tpu.memory_space<vmem>>
          %dma_start3A_90 = tpu.memref_squeeze %dma_start3A_89 : memref<1x125xi32, #tpu.memory_space<vmem>> -> memref<125xi32, #tpu.memory_space<vmem>>
          %dma_start3A_91 = arith.constant 0 : i32
          %dma_start3A_92 = arith.constant 0 : i32
          %dma_start3A_93 = tpu.memref_slice %arg2[%dma_start3A_91, %dma_start3A_92] : memref<10000x128xf32, #tpu.memory_space<hbm>> -> memref<10000x128xf32, #tpu.memory_space<hbm>>
          tpu.enqueue_indirect_dma source(%dma_start3A_93 : memref<10000x128xf32, #tpu.memory_space<hbm>>) target(%dma_start3A_87 : memref<125x128xf32, #tpu.memory_space<vmem>>) offsets(%dma_start3A_90 : memref<125xi32, #tpu.memory_space<vmem>>) semaphore(%arg12 : memref<!tpu.dma_semaphore, #tpu.memory_space<semaphore_mem>>)
        } else {
        }
        "tpu.region"() ({
          %run_scoped3A = tpu.sem_alloc : memref<!tpu.dma_semaphore, #tpu.memory_space<semaphore_mem>>
          %dma_start3A_83 = arith.constant 0 : i32
          %dma_start3A_84 = arith.constant 0 : i32
          %dma_start3A_85 = tpu.memref_slice %arg8[%dma_start3A_83, %dma_start3A_84] : memref<128x128xf32, #tpu.memory_space<vmem>> -> memref<125x128xf32, #tpu.memory_space<vmem>>
          %dma_start3A_86 = arith.constant 0 : i32
          %dma_start3A_87 = tpu.memref_slice %arg7[%add3A_50, %dma_start3A_86] : memref<16x125xi32, #tpu.memory_space<vmem>> -> memref<1x125xi32, #tpu.memory_space<vmem>>
          %dma_start3A_88 = tpu.memref_squeeze %dma_start3A_87 : memref<1x125xi32, #tpu.memory_space<vmem>> -> memref<125xi32, #tpu.memory_space<vmem>>
          %dma_start3A_89 = arith.constant 0 : i32
          %dma_start3A_90 = arith.constant 0 : i32
          %dma_start3A_91 = tpu.memref_slice %arg10[%dma_start3A_89, %dma_start3A_90] : memref<10240x128xf32, #tpu.memory_space<vmem_shared>> -> memref<10240x128xf32, #tpu.memory_space<vmem_shared>>
          tpu.enqueue_indirect_dma source(%dma_start3A_85 : memref<125x128xf32, #tpu.memory_space<vmem>>) target(%dma_start3A_91 : memref<10240x128xf32, #tpu.memory_space<vmem_shared>>) offsets(%dma_start3A_88 : memref<125xi32, #tpu.memory_space<vmem>>) semaphore(%run_scoped3A : memref<!tpu.dma_semaphore, #tpu.memory_space<semaphore_mem>>) {add = true}
          %dma_wait3A_92 = arith.constant 0 : i32
          %dma_wait3A_93 = arith.constant 0 : i32
          %dma_wait3A_94 = tpu.memref_slice %arg8[%dma_wait3A_92, %dma_wait3A_93] : memref<128x128xf32, #tpu.memory_space<vmem>> -> memref<125x128xf32, #tpu.memory_space<vmem>>
          %dma_wait3A_95 = arith.constant 0 : i32
          %dma_wait3A_96 = tpu.memref_slice %arg7[%add3A_50, %dma_wait3A_95] : memref<16x125xi32, #tpu.memory_space<vmem>> -> memref<1x125xi32, #tpu.memory_space<vmem>>
          %dma_wait3A_97 = tpu.memref_squeeze %dma_wait3A_96 : memref<1x125xi32, #tpu.memory_space<vmem>> -> memref<125xi32, #tpu.memory_space<vmem>>
          %dma_wait3A_98 = arith.constant 0 : i32
          %dma_wait3A_99 = arith.constant 0 : i32
          %dma_wait3A_100 = tpu.memref_slice %arg10[%dma_wait3A_98, %dma_wait3A_99] : memref<10240x128xf32, #tpu.memory_space<vmem_shared>> -> memref<10240x128xf32, #tpu.memory_space<vmem_shared>>
          tpu.wait_indirect_dma semaphore(%run_scoped3A : memref<!tpu.dma_semaphore, #tpu.memory_space<semaphore_mem>>) src(%dma_wait3A_94 : memref<125x128xf32, #tpu.memory_space<vmem>>) dst(%dma_wait3A_100 : memref<10240x128xf32, #tpu.memory_space<vmem_shared>>)
          tpu.yield
        }) : () -> ()
        %mul3A_63 = arith.constant 2 : i32
        %mul3A_64 = arith.muli %mul3A_63, %scan3A_46 : i32
        %add3A_65 = arith.constant 1 : i32
        %add3A_66 = arith.addi %mul3A_64, %add3A_65 : i32
        %dma_wait3A_67 = arith.constant 0 : i32
        %dma_wait3A_68 = arith.constant 0 : i32
        %dma_wait3A_69 = tpu.memref_slice %arg9[%dma_wait3A_67, %dma_wait3A_68] : memref<128x128xf32, #tpu.memory_space<vmem>> -> memref<125x128xf32, #tpu.memory_space<vmem>>
        %dma_wait3A_70 = arith.constant 0 : i32
        %dma_wait3A_71 = tpu.memref_slice %arg6[%add3A_66, %dma_wait3A_70] : memref<16x125xi32, #tpu.memory_space<vmem>> -> memref<1x125xi32, #tpu.memory_space<vmem>>
        %dma_wait3A_72 = tpu.memref_squeeze %dma_wait3A_71 : memref<1x125xi32, #tpu.memory_space<vmem>> -> memref<125xi32, #tpu.memory_space<vmem>>
        %dma_wait3A_73 = arith.constant 0 : i32
        %dma_wait3A_74 = arith.constant 0 : i32
        %dma_wait3A_75 = tpu.memref_slice %arg2[%dma_wait3A_73, %dma_wait3A_74] : memref<10000x128xf32, #tpu.memory_space<hbm>> -> memref<10000x128xf32, #tpu.memory_space<hbm>>
        tpu.wait_indirect_dma semaphore(%arg12 : memref<!tpu.dma_semaphore, #tpu.memory_space<semaphore_mem>>) src(%dma_wait3A_75 : memref<10000x128xf32, #tpu.memory_space<hbm>>) dst(%dma_wait3A_69 : memref<125x128xf32, #tpu.memory_space<vmem>>)
        %add3A_76 = arith.constant 1 : i32
        %add3A_77 = arith.addi %add3A_66, %add3A_76 : i32
        %lt3A_78 = arith.constant 16 : i32
        %lt3A_79 = arith.cmpi slt, %add3A_77, %lt3A_78 : i32
        %convert_element_type3A_80 = arith.extui %lt3A_79 : i1 to i32
        %cond3A_81 = arith.constant 0 : i32
        %cond3A_82 = arith.cmpi ne, %convert_element_type3A_80, %cond3A_81 : i32
        scf.if %cond3A_82 {
          %add3A_83 = arith.constant 1 : i32
          %add3A_84 = arith.addi %add3A_66, %add3A_83 : i32
          %dma_start3A_85 = arith.constant 0 : i32
          %dma_start3A_86 = arith.constant 0 : i32
          %dma_start3A_87 = tpu.memref_slice %arg8[%dma_start3A_85, %dma_start3A_86] : memref<128x128xf32, #tpu.memory_space<vmem>> -> memref<125x128xf32, #tpu.memory_space<vmem>>
          %dma_start3A_88 = arith.constant 0 : i32
          %dma_start3A_89 = tpu.memref_slice %arg6[%add3A_84, %dma_start3A_88] : memref<16x125xi32, #tpu.memory_space<vmem>> -> memref<1x125xi32, #tpu.memory_space<vmem>>
          %dma_start3A_90 = tpu.memref_squeeze %dma_start3A_89 : memref<1x125xi32, #tpu.memory_space<vmem>> -> memref<125xi32, #tpu.memory_space<vmem>>
          %dma_start3A_91 = arith.constant 0 : i32
          %dma_start3A_92 = arith.constant 0 : i32
          %dma_start3A_93 = tpu.memref_slice %arg2[%dma_start3A_91, %dma_start3A_92] : memref<10000x128xf32, #tpu.memory_space<hbm>> -> memref<10000x128xf32, #tpu.memory_space<hbm>>
          tpu.enqueue_indirect_dma source(%dma_start3A_93 : memref<10000x128xf32, #tpu.memory_space<hbm>>) target(%dma_start3A_87 : memref<125x128xf32, #tpu.memory_space<vmem>>) offsets(%dma_start3A_90 : memref<125xi32, #tpu.memory_space<vmem>>) semaphore(%arg11 : memref<!tpu.dma_semaphore, #tpu.memory_space<semaphore_mem>>)
        } else {
        }
        "tpu.region"() ({
          %run_scoped3A = tpu.sem_alloc : memref<!tpu.dma_semaphore, #tpu.memory_space<semaphore_mem>>
          %dma_start3A_83 = arith.constant 0 : i32
          %dma_start3A_84 = arith.constant 0 : i32
          %dma_start3A_85 = tpu.memref_slice %arg9[%dma_start3A_83, %dma_start3A_84] : memref<128x128xf32, #tpu.memory_space<vmem>> -> memref<125x128xf32, #tpu.memory_space<vmem>>
          %dma_start3A_86 = arith.constant 0 : i32
          %dma_start3A_87 = tpu.memref_slice %arg7[%add3A_66, %dma_start3A_86] : memref<16x125xi32, #tpu.memory_space<vmem>> -> memref<1x125xi32, #tpu.memory_space<vmem>>
          %dma_start3A_88 = tpu.memref_squeeze %dma_start3A_87 : memref<1x125xi32, #tpu.memory_space<vmem>> -> memref<125xi32, #tpu.memory_space<vmem>>
          %dma_start3A_89 = arith.constant 0 : i32
          %dma_start3A_90 = arith.constant 0 : i32
          %dma_start3A_91 = tpu.memref_slice %arg10[%dma_start3A_89, %dma_start3A_90] : memref<10240x128xf32, #tpu.memory_space<vmem_shared>> -> memref<10240x128xf32, #tpu.memory_space<vmem_shared>>
          tpu.enqueue_indirect_dma source(%dma_start3A_85 : memref<125x128xf32, #tpu.memory_space<vmem>>) target(%dma_start3A_91 : memref<10240x128xf32, #tpu.memory_space<vmem_shared>>) offsets(%dma_start3A_88 : memref<125xi32, #tpu.memory_space<vmem>>) semaphore(%run_scoped3A : memref<!tpu.dma_semaphore, #tpu.memory_space<semaphore_mem>>) {add = true}
          %dma_wait3A_92 = arith.constant 0 : i32
          %dma_wait3A_93 = arith.constant 0 : i32
          %dma_wait3A_94 = tpu.memref_slice %arg9[%dma_wait3A_92, %dma_wait3A_93] : memref<128x128xf32, #tpu.memory_space<vmem>> -> memref<125x128xf32, #tpu.memory_space<vmem>>
          %dma_wait3A_95 = arith.constant 0 : i32
          %dma_wait3A_96 = tpu.memref_slice %arg7[%add3A_66, %dma_wait3A_95] : memref<16x125xi32, #tpu.memory_space<vmem>> -> memref<1x125xi32, #tpu.memory_space<vmem>>
          %dma_wait3A_97 = tpu.memref_squeeze %dma_wait3A_96 : memref<1x125xi32, #tpu.memory_space<vmem>> -> memref<125xi32, #tpu.memory_space<vmem>>
          %dma_wait3A_98 = arith.constant 0 : i32
          %dma_wait3A_99 = arith.constant 0 : i32
          %dma_wait3A_100 = tpu.memref_slice %arg10[%dma_wait3A_98, %dma_wait3A_99] : memref<10240x128xf32, #tpu.memory_space<vmem_shared>> -> memref<10240x128xf32, #tpu.memory_space<vmem_shared>>
          tpu.wait_indirect_dma semaphore(%run_scoped3A : memref<!tpu.dma_semaphore, #tpu.memory_space<semaphore_mem>>) src(%dma_wait3A_94 : memref<125x128xf32, #tpu.memory_space<vmem>>) dst(%dma_wait3A_100 : memref<10240x128xf32, #tpu.memory_space<vmem_shared>>)
          tpu.yield
        }) : () -> ()
      }
      %scan3A_45 = arith.constant 8 : i32
    }
    %scan3A_18 = arith.constant 5 : i32
    %barrier3A_19 = arith.constant 0 : index
    tpu.barrier barrier_id(%barrier3A_19)
    %scan3A_20 = arith.constant 0 : i32
    %scan3A_21 = arith.constant 0 : i32
    %scan3A_22 = arith.constant 5 : i32
    %scan3A_23 = arith.addi %scan3A_21, %scan3A_22 : i32
    %scan3A_24 = arith.constant 1 : i32
    scf.for %scan3A_26 = %scan3A_21 to %scan3A_23 step %scan3A_24  : i32 {
      %mul3A_27 = arith.constant 640 : i32
      %mul3A_28 = arith.muli %arg1, %mul3A_27 : i32
      %mul3A_29 = arith.constant 128 : i32
      %mul3A_30 = arith.muli %scan3A_26, %mul3A_29 : i32
      %add3A_31 = arith.addi %mul3A_28, %mul3A_30 : i32
      "tpu.region"() ({
        %run_scoped3A = tpu.sem_alloc : memref<!tpu.dma_semaphore, #tpu.memory_space<semaphore_mem>>
        %dma_start3A = arith.constant 0 : i32
        %dma_start3A_37 = tpu.memref_slice %arg10[%add3A_31, %dma_start3A] : memref<10240x128xf32, #tpu.memory_space<vmem_shared>> -> memref<128x128xf32, #tpu.memory_space<vmem_shared>>
        %dma_start3A_38 = arith.constant 0 : i32
        %dma_start3A_39 = tpu.memref_slice %arg10[%add3A_31, %dma_start3A_38] : memref<10240x128xf32, #tpu.memory_space<vmem_shared>> -> memref<128x128xf32, #tpu.memory_space<vmem_shared>>
        tpu.enqueue_dma source(%dma_start3A_39 : memref<128x128xf32, #tpu.memory_space<vmem_shared>>) target(%arg8 : memref<128x128xf32, #tpu.memory_space<vmem>>) target_semaphore(%run_scoped3A : memref<!tpu.dma_semaphore, #tpu.memory_space<semaphore_mem>>)
        %dma_wait3A = arith.constant 0 : i32
        %dma_wait3A_40 = tpu.memref_slice %arg10[%add3A_31, %dma_wait3A] : memref<10240x128xf32, #tpu.memory_space<vmem_shared>> -> memref<128x128xf32, #tpu.memory_space<vmem_shared>>
        %dma_wait3A_41 = arith.constant 0 : i32
        %dma_wait3A_42 = tpu.memref_slice %arg10[%add3A_31, %dma_wait3A_41] : memref<10240x128xf32, #tpu.memory_space<vmem_shared>> -> memref<128x128xf32, #tpu.memory_space<vmem_shared>>
        tpu.wait_dma2 semaphore(%run_scoped3A : memref<!tpu.dma_semaphore, #tpu.memory_space<semaphore_mem>>) src(%dma_wait3A_42 : memref<128x128xf32, #tpu.memory_space<vmem_shared>>) dst(%arg8 : memref<128x128xf32, #tpu.memory_space<vmem>>)
        tpu.yield
      }) : () -> ()
      %mul3A_32 = arith.constant 640 : i32
      %mul3A_33 = arith.muli %arg1, %mul3A_32 : i32
      %mul3A_34 = arith.constant 128 : i32
      %mul3A_35 = arith.muli %scan3A_26, %mul3A_34 : i32
      %add3A_36 = arith.addi %mul3A_33, %mul3A_35 : i32
      "tpu.region"() ({
        %run_scoped3A = tpu.sem_alloc : memref<!tpu.dma_semaphore, #tpu.memory_space<semaphore_mem>>
        %dma_start3A = arith.constant 0 : i32
        %dma_start3A_37 = tpu.memref_slice %arg5[%arg0, %add3A_36, %dma_start3A] : memref<2x10240x128xf32, #tpu.memory_space<hbm>> -> memref<1x128x128xf32, #tpu.memory_space<hbm>>
        %dma_start3A_38 = tpu.memref_squeeze %dma_start3A_37 : memref<1x128x128xf32, #tpu.memory_space<hbm>> -> memref<128x128xf32, #tpu.memory_space<hbm>>
        %dma_start3A_39 = arith.constant 0 : i32
        %dma_start3A_40 = tpu.memref_slice %arg5[%arg0, %add3A_36, %dma_start3A_39] : memref<2x10240x128xf32, #tpu.memory_space<hbm>> -> memref<1x128x128xf32, #tpu.memory_space<hbm>>
        %dma_start3A_41 = tpu.memref_squeeze %dma_start3A_40 : memref<1x128x128xf32, #tpu.memory_space<hbm>> -> memref<128x128xf32, #tpu.memory_space<hbm>>
        tpu.enqueue_dma source(%arg8 : memref<128x128xf32, #tpu.memory_space<vmem>>) target(%dma_start3A_41 : memref<128x128xf32, #tpu.memory_space<hbm>>) target_semaphore(%run_scoped3A : memref<!tpu.dma_semaphore, #tpu.memory_space<semaphore_mem>>)
        %dma_wait3A = arith.constant 0 : i32
        %dma_wait3A_42 = tpu.memref_slice %arg5[%arg0, %add3A_36, %dma_wait3A] : memref<2x10240x128xf32, #tpu.memory_space<hbm>> -> memref<1x128x128xf32, #tpu.memory_space<hbm>>
        %dma_wait3A_43 = tpu.memref_squeeze %dma_wait3A_42 : memref<1x128x128xf32, #tpu.memory_space<hbm>> -> memref<128x128xf32, #tpu.memory_space<hbm>>
        %dma_wait3A_44 = arith.constant 0 : i32
        %dma_wait3A_45 = tpu.memref_slice %arg5[%arg0, %add3A_36, %dma_wait3A_44] : memref<2x10240x128xf32, #tpu.memory_space<hbm>> -> memref<1x128x128xf32, #tpu.memory_space<hbm>>
        %dma_wait3A_46 = tpu.memref_squeeze %dma_wait3A_45 : memref<1x128x128xf32, #tpu.memory_space<hbm>> -> memref<128x128xf32, #tpu.memory_space<hbm>>
        tpu.wait_dma2 semaphore(%run_scoped3A : memref<!tpu.dma_semaphore, #tpu.memory_space<semaphore_mem>>) src(%arg8 : memref<128x128xf32, #tpu.memory_space<vmem>>) dst(%dma_wait3A_46 : memref<128x128xf32, #tpu.memory_space<hbm>>)
        tpu.yield
      }) : () -> ()
    }
    %scan3A_25 = arith.constant 5 : i32
    return
  }
}

#map = affine_map<(d0, d1) -> (0, 0, 0)>
module attributes {stable_mosaic.version = 14 : i64} {
  func.func @deg_kernel(%arg0: i32, %arg1: i32, %arg2: memref<32x80x125xi32, #tpu.memory_space<hbm>>, %arg3: memref<2x10240x128xf32, #tpu.memory_space<hbm>>, %arg4: memref<80x125xi32, #tpu.memory_space<vmem>>, %arg5: memref<128x128xf32, #tpu.memory_space<vmem>>, %arg6: memref<10240x128xf32, #tpu.memory_space<vmem_shared>>) attributes {dimension_semantics = [#tpu.dimension_semantics<core_parallel>, #tpu.dimension_semantics<subcore_parallel>], iteration_bounds = array<i64: 2, 16>, scalar_prefetch = 0 : i64, scratch_operands = 3 : i64, tpu.core_type = #tpu.core_type<sc_vector_subcore>, window_params = [{transform_indices = #map}, {transform_indices = #map}]} {
    %mul3A = arith.constant 16 : i32
    %mul3A_0 = arith.muli %arg0, %mul3A : i32
    %add3A = arith.addi %mul3A_0, %arg1 : i32
    "tpu.region"() ({
      %run_scoped3A = tpu.sem_alloc : memref<!tpu.dma_semaphore, #tpu.memory_space<semaphore_mem>>
      %dma_start3A = arith.constant 0 : i32
      %dma_start3A_34 = arith.constant 0 : i32
      %dma_start3A_35 = tpu.memref_slice %arg2[%add3A, %dma_start3A, %dma_start3A_34] : memref<32x80x125xi32, #tpu.memory_space<hbm>> -> memref<1x80x125xi32, #tpu.memory_space<hbm>>
      %dma_start3A_36 = tpu.memref_squeeze %dma_start3A_35 : memref<1x80x125xi32, #tpu.memory_space<hbm>> -> memref<80x125xi32, #tpu.memory_space<hbm>>
      %dma_start3A_37 = arith.constant 0 : i32
      %dma_start3A_38 = arith.constant 0 : i32
      %dma_start3A_39 = tpu.memref_slice %arg2[%add3A, %dma_start3A_37, %dma_start3A_38] : memref<32x80x125xi32, #tpu.memory_space<hbm>> -> memref<1x80x125xi32, #tpu.memory_space<hbm>>
      %dma_start3A_40 = tpu.memref_squeeze %dma_start3A_39 : memref<1x80x125xi32, #tpu.memory_space<hbm>> -> memref<80x125xi32, #tpu.memory_space<hbm>>
      tpu.enqueue_dma source(%dma_start3A_40 : memref<80x125xi32, #tpu.memory_space<hbm>>) target(%arg4 : memref<80x125xi32, #tpu.memory_space<vmem>>) target_semaphore(%run_scoped3A : memref<!tpu.dma_semaphore, #tpu.memory_space<semaphore_mem>>)
      %dma_wait3A = arith.constant 0 : i32
      %dma_wait3A_41 = arith.constant 0 : i32
      %dma_wait3A_42 = tpu.memref_slice %arg2[%add3A, %dma_wait3A, %dma_wait3A_41] : memref<32x80x125xi32, #tpu.memory_space<hbm>> -> memref<1x80x125xi32, #tpu.memory_space<hbm>>
      %dma_wait3A_43 = tpu.memref_squeeze %dma_wait3A_42 : memref<1x80x125xi32, #tpu.memory_space<hbm>> -> memref<80x125xi32, #tpu.memory_space<hbm>>
      %dma_wait3A_44 = arith.constant 0 : i32
      %dma_wait3A_45 = arith.constant 0 : i32
      %dma_wait3A_46 = tpu.memref_slice %arg2[%add3A, %dma_wait3A_44, %dma_wait3A_45] : memref<32x80x125xi32, #tpu.memory_space<hbm>> -> memref<1x80x125xi32, #tpu.memory_space<hbm>>
      %dma_wait3A_47 = tpu.memref_squeeze %dma_wait3A_46 : memref<1x80x125xi32, #tpu.memory_space<hbm>> -> memref<80x125xi32, #tpu.memory_space<hbm>>
      tpu.wait_dma2 semaphore(%run_scoped3A : memref<!tpu.dma_semaphore, #tpu.memory_space<semaphore_mem>>) src(%dma_wait3A_47 : memref<80x125xi32, #tpu.memory_space<hbm>>) dst(%arg4 : memref<80x125xi32, #tpu.memory_space<vmem>>)
      tpu.yield
    }) : () -> ()
    %broadcast_in_dim3A = arith.constant 0.000000e+00 : f32
    %broadcast_in_dim3A_1 = vector.broadcast %broadcast_in_dim3A : f32 to vector<16xf32>
    %broadcast_in_dim3A_2 = arith.constant 1.000000e+00 : f32
    %broadcast_in_dim3A_3 = vector.broadcast %broadcast_in_dim3A_2 : f32 to vector<16xf32>
    %scan3A = arith.constant 0 : i32
    %scan3A_4 = arith.constant 0 : i32
    %scan3A_5 = arith.constant 128 : i32
    %scan3A_6 = arith.addi %scan3A_4, %scan3A_5 : i32
    %scan3A_7 = arith.constant 1 : i32
    scf.for %scan3A_34 = %scan3A_4 to %scan3A_6 step %scan3A_7  : i32 {
      %swap3A = arith.index_cast %scan3A_34 : i32 to index
      %swap3A_35 = arith.constant 0 : index
      %swap3A_36 = tpu.vector_load %arg5[%swap3A, %swap3A_35] {strides = array<i32>} : memref<128x128xf32, #tpu.memory_space<vmem>>, vector<1x16xf32>,
      %swap3A_37 = vector.shape_cast %swap3A_36 : vector<1x16xf32> to vector<16xf32>
      %swap3A_38 = vector.shape_cast %broadcast_in_dim3A_1 : vector<16xf32> to vector<1x16xf32>
      tpu.vector_store %arg5[%swap3A, %swap3A_35], %swap3A_38 {strides = array<i32>} : memref<128x128xf32, #tpu.memory_space<vmem>>, vector<1x16xf32>,
      %swap3A_39 = arith.index_cast %scan3A_34 : i32 to index
      %swap3A_40 = arith.constant 16 : index
      %swap3A_41 = tpu.vector_load %arg5[%swap3A_39, %swap3A_40] {strides = array<i32>} : memref<128x128xf32, #tpu.memory_space<vmem>>, vector<1x16xf32>,
      %swap3A_42 = vector.shape_cast %swap3A_41 : vector<1x16xf32> to vector<16xf32>
      %swap3A_43 = vector.shape_cast %broadcast_in_dim3A_1 : vector<16xf32> to vector<1x16xf32>
      tpu.vector_store %arg5[%swap3A_39, %swap3A_40], %swap3A_43 {strides = array<i32>} : memref<128x128xf32, #tpu.memory_space<vmem>>, vector<1x16xf32>,
      %swap3A_44 = arith.index_cast %scan3A_34 : i32 to index
      %swap3A_45 = arith.constant 32 : index
      %swap3A_46 = tpu.vector_load %arg5[%swap3A_44, %swap3A_45] {strides = array<i32>} : memref<128x128xf32, #tpu.memory_space<vmem>>, vector<1x16xf32>,
      %swap3A_47 = vector.shape_cast %swap3A_46 : vector<1x16xf32> to vector<16xf32>
      %swap3A_48 = vector.shape_cast %broadcast_in_dim3A_1 : vector<16xf32> to vector<1x16xf32>
      tpu.vector_store %arg5[%swap3A_44, %swap3A_45], %swap3A_48 {strides = array<i32>} : memref<128x128xf32, #tpu.memory_space<vmem>>, vector<1x16xf32>,
      %swap3A_49 = arith.index_cast %scan3A_34 : i32 to index
      %swap3A_50 = arith.constant 48 : index
      %swap3A_51 = tpu.vector_load %arg5[%swap3A_49, %swap3A_50] {strides = array<i32>} : memref<128x128xf32, #tpu.memory_space<vmem>>, vector<1x16xf32>,
      %swap3A_52 = vector.shape_cast %swap3A_51 : vector<1x16xf32> to vector<16xf32>
      %swap3A_53 = vector.shape_cast %broadcast_in_dim3A_1 : vector<16xf32> to vector<1x16xf32>
      tpu.vector_store %arg5[%swap3A_49, %swap3A_50], %swap3A_53 {strides = array<i32>} : memref<128x128xf32, #tpu.memory_space<vmem>>, vector<1x16xf32>,
      %swap3A_54 = arith.index_cast %scan3A_34 : i32 to index
      %swap3A_55 = arith.constant 64 : index
      %swap3A_56 = tpu.vector_load %arg5[%swap3A_54, %swap3A_55] {strides = array<i32>} : memref<128x128xf32, #tpu.memory_space<vmem>>, vector<1x16xf32>,
      %swap3A_57 = vector.shape_cast %swap3A_56 : vector<1x16xf32> to vector<16xf32>
      %swap3A_58 = vector.shape_cast %broadcast_in_dim3A_1 : vector<16xf32> to vector<1x16xf32>
      tpu.vector_store %arg5[%swap3A_54, %swap3A_55], %swap3A_58 {strides = array<i32>} : memref<128x128xf32, #tpu.memory_space<vmem>>, vector<1x16xf32>,
      %swap3A_59 = arith.index_cast %scan3A_34 : i32 to index
      %swap3A_60 = arith.constant 80 : index
      %swap3A_61 = tpu.vector_load %arg5[%swap3A_59, %swap3A_60] {strides = array<i32>} : memref<128x128xf32, #tpu.memory_space<vmem>>, vector<1x16xf32>,
      %swap3A_62 = vector.shape_cast %swap3A_61 : vector<1x16xf32> to vector<16xf32>
      %swap3A_63 = vector.shape_cast %broadcast_in_dim3A_1 : vector<16xf32> to vector<1x16xf32>
      tpu.vector_store %arg5[%swap3A_59, %swap3A_60], %swap3A_63 {strides = array<i32>} : memref<128x128xf32, #tpu.memory_space<vmem>>, vector<1x16xf32>,
      %swap3A_64 = arith.index_cast %scan3A_34 : i32 to index
      %swap3A_65 = arith.constant 96 : index
      %swap3A_66 = tpu.vector_load %arg5[%swap3A_64, %swap3A_65] {strides = array<i32>} : memref<128x128xf32, #tpu.memory_space<vmem>>, vector<1x16xf32>,
      %swap3A_67 = vector.shape_cast %swap3A_66 : vector<1x16xf32> to vector<16xf32>
      %swap3A_68 = vector.shape_cast %broadcast_in_dim3A_1 : vector<16xf32> to vector<1x16xf32>
      tpu.vector_store %arg5[%swap3A_64, %swap3A_65], %swap3A_68 {strides = array<i32>} : memref<128x128xf32, #tpu.memory_space<vmem>>, vector<1x16xf32>,
      %swap3A_69 = arith.index_cast %scan3A_34 : i32 to index
      %swap3A_70 = arith.constant 112 : index
      %swap3A_71 = tpu.vector_load %arg5[%swap3A_69, %swap3A_70] {strides = array<i32>} : memref<128x128xf32, #tpu.memory_space<vmem>>, vector<1x16xf32>,
      %swap3A_72 = vector.shape_cast %swap3A_71 : vector<1x16xf32> to vector<16xf32>
      %swap3A_73 = vector.shape_cast %broadcast_in_dim3A_1 : vector<16xf32> to vector<1x16xf32>
      tpu.vector_store %arg5[%swap3A_69, %swap3A_70], %swap3A_73 {strides = array<i32>} : memref<128x128xf32, #tpu.memory_space<vmem>>, vector<1x16xf32>,
    }
    %scan3A_8 = arith.constant 128 : i32
    %scan3A_9 = arith.constant 0 : i32
    %scan3A_10 = arith.constant 0 : i32
    %scan3A_11 = arith.constant 5 : i32
    %scan3A_12 = arith.addi %scan3A_10, %scan3A_11 : i32
    %scan3A_13 = arith.constant 1 : i32
    scf.for %scan3A_34 = %scan3A_10 to %scan3A_12 step %scan3A_13  : i32 {
      %mul3A_35 = arith.constant 640 : i32
      %mul3A_36 = arith.muli %arg1, %mul3A_35 : i32
      %mul3A_37 = arith.constant 128 : i32
      %mul3A_38 = arith.muli %scan3A_34, %mul3A_37 : i32
      %add3A_39 = arith.addi %mul3A_36, %mul3A_38 : i32
      "tpu.region"() ({
        %run_scoped3A = tpu.sem_alloc : memref<!tpu.dma_semaphore, #tpu.memory_space<semaphore_mem>>
        %dma_start3A = arith.constant 0 : i32
        %dma_start3A_40 = tpu.memref_slice %arg6[%add3A_39, %dma_start3A] : memref<10240x128xf32, #tpu.memory_space<vmem_shared>> -> memref<128x128xf32, #tpu.memory_space<vmem_shared>>
        %dma_start3A_41 = arith.constant 0 : i32
        %dma_start3A_42 = tpu.memref_slice %arg6[%add3A_39, %dma_start3A_41] : memref<10240x128xf32, #tpu.memory_space<vmem_shared>> -> memref<128x128xf32, #tpu.memory_space<vmem_shared>>
        tpu.enqueue_dma source(%arg5 : memref<128x128xf32, #tpu.memory_space<vmem>>) target(%dma_start3A_42 : memref<128x128xf32, #tpu.memory_space<vmem_shared>>) target_semaphore(%run_scoped3A : memref<!tpu.dma_semaphore, #tpu.memory_space<semaphore_mem>>)
        %dma_wait3A = arith.constant 0 : i32
        %dma_wait3A_43 = tpu.memref_slice %arg6[%add3A_39, %dma_wait3A] : memref<10240x128xf32, #tpu.memory_space<vmem_shared>> -> memref<128x128xf32, #tpu.memory_space<vmem_shared>>
        %dma_wait3A_44 = arith.constant 0 : i32
        %dma_wait3A_45 = tpu.memref_slice %arg6[%add3A_39, %dma_wait3A_44] : memref<10240x128xf32, #tpu.memory_space<vmem_shared>> -> memref<128x128xf32, #tpu.memory_space<vmem_shared>>
        tpu.wait_dma2 semaphore(%run_scoped3A : memref<!tpu.dma_semaphore, #tpu.memory_space<semaphore_mem>>) src(%arg5 : memref<128x128xf32, #tpu.memory_space<vmem>>) dst(%dma_wait3A_45 : memref<128x128xf32, #tpu.memory_space<vmem_shared>>)
        tpu.yield
      }) : () -> ()
    }
    %scan3A_14 = arith.constant 5 : i32
    %scan3A_15 = arith.constant 0 : i32
    %scan3A_16 = arith.constant 0 : i32
    %scan3A_17 = arith.constant 125 : i32
    %scan3A_18 = arith.addi %scan3A_16, %scan3A_17 : i32
    %scan3A_19 = arith.constant 1 : i32
    scf.for %scan3A_34 = %scan3A_16 to %scan3A_18 step %scan3A_19  : i32 {
      %swap3A = arith.index_cast %scan3A_34 : i32 to index
      %swap3A_35 = arith.constant 0 : index
      %swap3A_36 = tpu.vector_load %arg5[%swap3A, %swap3A_35] {strides = array<i32>} : memref<128x128xf32, #tpu.memory_space<vmem>>, vector<1x16xf32>,
      %swap3A_37 = vector.shape_cast %swap3A_36 : vector<1x16xf32> to vector<16xf32>
      %swap3A_38 = vector.shape_cast %broadcast_in_dim3A_3 : vector<16xf32> to vector<1x16xf32>
      tpu.vector_store %arg5[%swap3A, %swap3A_35], %swap3A_38 {strides = array<i32>} : memref<128x128xf32, #tpu.memory_space<vmem>>, vector<1x16xf32>,
    }
    %scan3A_20 = arith.constant 125 : i32
    %barrier3A = arith.constant 0 : index
    tpu.barrier barrier_id(%barrier3A)
    %scan3A_21 = arith.constant 0 : i32
    %scan3A_22 = arith.constant 0 : i32
    %scan3A_23 = arith.constant 80 : i32
    %scan3A_24 = arith.addi %scan3A_22, %scan3A_23 : i32
    %scan3A_25 = arith.constant 1 : i32
    scf.for %scan3A_34 = %scan3A_22 to %scan3A_24 step %scan3A_25  : i32 {
      "tpu.region"() ({
        %run_scoped3A = tpu.sem_alloc : memref<!tpu.dma_semaphore, #tpu.memory_space<semaphore_mem>>
        %dma_start3A = arith.constant 0 : i32
        %dma_start3A_35 = arith.constant 0 : i32
        %dma_start3A_36 = tpu.memref_slice %arg5[%dma_start3A, %dma_start3A_35] : memref<128x128xf32, #tpu.memory_space<vmem>> -> memref<125x128xf32, #tpu.memory_space<vmem>>
        %dma_start3A_37 = arith.constant 0 : i32
        %dma_start3A_38 = tpu.memref_slice %arg4[%scan3A_34, %dma_start3A_37] : memref<80x125xi32, #tpu.memory_space<vmem>> -> memref<1x125xi32, #tpu.memory_space<vmem>>
        %dma_start3A_39 = tpu.memref_squeeze %dma_start3A_38 : memref<1x125xi32, #tpu.memory_space<vmem>> -> memref<125xi32, #tpu.memory_space<vmem>>
        %dma_start3A_40 = arith.constant 0 : i32
        %dma_start3A_41 = arith.constant 0 : i32
        %dma_start3A_42 = tpu.memref_slice %arg6[%dma_start3A_40, %dma_start3A_41] : memref<10240x128xf32, #tpu.memory_space<vmem_shared>> -> memref<10240x128xf32, #tpu.memory_space<vmem_shared>>
        tpu.enqueue_indirect_dma source(%dma_start3A_36 : memref<125x128xf32, #tpu.memory_space<vmem>>) target(%dma_start3A_42 : memref<10240x128xf32, #tpu.memory_space<vmem_shared>>) offsets(%dma_start3A_39 : memref<125xi32, #tpu.memory_space<vmem>>) semaphore(%run_scoped3A : memref<!tpu.dma_semaphore, #tpu.memory_space<semaphore_mem>>) {add = true}
        %dma_wait3A = arith.constant 0 : i32
        %dma_wait3A_43 = arith.constant 0 : i32
        %dma_wait3A_44 = tpu.memref_slice %arg5[%dma_wait3A, %dma_wait3A_43] : memref<128x128xf32, #tpu.memory_space<vmem>> -> memref<125x128xf32, #tpu.memory_space<vmem>>
        %dma_wait3A_45 = arith.constant 0 : i32
        %dma_wait3A_46 = tpu.memref_slice %arg4[%scan3A_34, %dma_wait3A_45] : memref<80x125xi32, #tpu.memory_space<vmem>> -> memref<1x125xi32, #tpu.memory_space<vmem>>
        %dma_wait3A_47 = tpu.memref_squeeze %dma_wait3A_46 : memref<1x125xi32, #tpu.memory_space<vmem>> -> memref<125xi32, #tpu.memory_space<vmem>>
        %dma_wait3A_48 = arith.constant 0 : i32
        %dma_wait3A_49 = arith.constant 0 : i32
        %dma_wait3A_50 = tpu.memref_slice %arg6[%dma_wait3A_48, %dma_wait3A_49] : memref<10240x128xf32, #tpu.memory_space<vmem_shared>> -> memref<10240x128xf32, #tpu.memory_space<vmem_shared>>
        tpu.wait_indirect_dma semaphore(%run_scoped3A : memref<!tpu.dma_semaphore, #tpu.memory_space<semaphore_mem>>) src(%dma_wait3A_44 : memref<125x128xf32, #tpu.memory_space<vmem>>) dst(%dma_wait3A_50 : memref<10240x128xf32, #tpu.memory_space<vmem_shared>>)
        tpu.yield
      }) : () -> ()
    }
    %scan3A_26 = arith.constant 80 : i32
    %barrier3A_27 = arith.constant 0 : index
    tpu.barrier barrier_id(%barrier3A_27)
    %scan3A_28 = arith.constant 0 : i32
    %scan3A_29 = arith.constant 0 : i32
    %scan3A_30 = arith.constant 5 : i32
    %scan3A_31 = arith.addi %scan3A_29, %scan3A_30 : i32
    %scan3A_32 = arith.constant 1 : i32
    scf.for %scan3A_34 = %scan3A_29 to %scan3A_31 step %scan3A_32  : i32 {
      %mul3A_35 = arith.constant 640 : i32
      %mul3A_36 = arith.muli %arg1, %mul3A_35 : i32
      %mul3A_37 = arith.constant 128 : i32
      %mul3A_38 = arith.muli %scan3A_34, %mul3A_37 : i32
      %add3A_39 = arith.addi %mul3A_36, %mul3A_38 : i32
      "tpu.region"() ({
        %run_scoped3A = tpu.sem_alloc : memref<!tpu.dma_semaphore, #tpu.memory_space<semaphore_mem>>
        %dma_start3A = arith.constant 0 : i32
        %dma_start3A_45 = tpu.memref_slice %arg6[%add3A_39, %dma_start3A] : memref<10240x128xf32, #tpu.memory_space<vmem_shared>> -> memref<128x128xf32, #tpu.memory_space<vmem_shared>>
        %dma_start3A_46 = arith.constant 0 : i32
        %dma_start3A_47 = tpu.memref_slice %arg6[%add3A_39, %dma_start3A_46] : memref<10240x128xf32, #tpu.memory_space<vmem_shared>> -> memref<128x128xf32, #tpu.memory_space<vmem_shared>>
        tpu.enqueue_dma source(%dma_start3A_47 : memref<128x128xf32, #tpu.memory_space<vmem_shared>>) target(%arg5 : memref<128x128xf32, #tpu.memory_space<vmem>>) target_semaphore(%run_scoped3A : memref<!tpu.dma_semaphore, #tpu.memory_space<semaphore_mem>>)
        %dma_wait3A = arith.constant 0 : i32
        %dma_wait3A_48 = tpu.memref_slice %arg6[%add3A_39, %dma_wait3A] : memref<10240x128xf32, #tpu.memory_space<vmem_shared>> -> memref<128x128xf32, #tpu.memory_space<vmem_shared>>
        %dma_wait3A_49 = arith.constant 0 : i32
        %dma_wait3A_50 = tpu.memref_slice %arg6[%add3A_39, %dma_wait3A_49] : memref<10240x128xf32, #tpu.memory_space<vmem_shared>> -> memref<128x128xf32, #tpu.memory_space<vmem_shared>>
        tpu.wait_dma2 semaphore(%run_scoped3A : memref<!tpu.dma_semaphore, #tpu.memory_space<semaphore_mem>>) src(%dma_wait3A_50 : memref<128x128xf32, #tpu.memory_space<vmem_shared>>) dst(%arg5 : memref<128x128xf32, #tpu.memory_space<vmem>>)
        tpu.yield
      }) : () -> ()
      %mul3A_40 = arith.constant 640 : i32
      %mul3A_41 = arith.muli %arg1, %mul3A_40 : i32
      %mul3A_42 = arith.constant 128 : i32
      %mul3A_43 = arith.muli %scan3A_34, %mul3A_42 : i32
      %add3A_44 = arith.addi %mul3A_41, %mul3A_43 : i32
      "tpu.region"() ({
        %run_scoped3A = tpu.sem_alloc : memref<!tpu.dma_semaphore, #tpu.memory_space<semaphore_mem>>
        %dma_start3A = arith.constant 0 : i32
        %dma_start3A_45 = tpu.memref_slice %arg3[%arg0, %add3A_44, %dma_start3A] : memref<2x10240x128xf32, #tpu.memory_space<hbm>> -> memref<1x128x128xf32, #tpu.memory_space<hbm>>
        %dma_start3A_46 = tpu.memref_squeeze %dma_start3A_45 : memref<1x128x128xf32, #tpu.memory_space<hbm>> -> memref<128x128xf32, #tpu.memory_space<hbm>>
        %dma_start3A_47 = arith.constant 0 : i32
        %dma_start3A_48 = tpu.memref_slice %arg3[%arg0, %add3A_44, %dma_start3A_47] : memref<2x10240x128xf32, #tpu.memory_space<hbm>> -> memref<1x128x128xf32, #tpu.memory_space<hbm>>
        %dma_start3A_49 = tpu.memref_squeeze %dma_start3A_48 : memref<1x128x128xf32, #tpu.memory_space<hbm>> -> memref<128x128xf32, #tpu.memory_space<hbm>>
        tpu.enqueue_dma source(%arg5 : memref<128x128xf32, #tpu.memory_space<vmem>>) target(%dma_start3A_49 : memref<128x128xf32, #tpu.memory_space<hbm>>) target_semaphore(%run_scoped3A : memref<!tpu.dma_semaphore, #tpu.memory_space<semaphore_mem>>)
        %dma_wait3A = arith.constant 0 : i32
        %dma_wait3A_50 = tpu.memref_slice %arg3[%arg0, %add3A_44, %dma_wait3A] : memref<2x10240x128xf32, #tpu.memory_space<hbm>> -> memref<1x128x128xf32, #tpu.memory_space<hbm>>
        %dma_wait3A_51 = tpu.memref_squeeze %dma_wait3A_50 : memref<1x128x128xf32, #tpu.memory_space<hbm>> -> memref<128x128xf32, #tpu.memory_space<hbm>>
        %dma_wait3A_52 = arith.constant 0 : i32
        %dma_wait3A_53 = tpu.memref_slice %arg3[%arg0, %add3A_44, %dma_wait3A_52] : memref<2x10240x128xf32, #tpu.memory_space<hbm>> -> memref<1x128x128xf32, #tpu.memory_space<hbm>>
        %dma_wait3A_54 = tpu.memref_squeeze %dma_wait3A_53 : memref<1x128x128xf32, #tpu.memory_space<hbm>> -> memref<128x128xf32, #tpu.memory_space<hbm>>
        tpu.wait_dma2 semaphore(%run_scoped3A : memref<!tpu.dma_semaphore, #tpu.memory_space<semaphore_mem>>) src(%arg5 : memref<128x128xf32, #tpu.memory_space<vmem>>) dst(%dma_wait3A_54 : memref<128x128xf32, #tpu.memory_space<hbm>>)
        tpu.yield
      }) : () -> ()
    }
    %scan3A_33 = arith.constant 5 : i32
    return
  }
}

#map = affine_map<(d0, d1) -> (0, 0)>
#map1 = affine_map<(d0, d1) -> (0, 0, 0)>
module attributes {stable_mosaic.version = 14 : i64} {
  func.func @edge_kernel(%arg0: i32, %arg1: i32, %arg2: memref<10000x128xf32, #tpu.memory_space<hbm>>, %arg3: memref<32x80x125xi32, #tpu.memory_space<hbm>>, %arg4: memref<32x80x125xi32, #tpu.memory_space<hbm>>, %arg5: memref<2x10240x128xf32, #tpu.memory_space<hbm>>, %arg6: memref<16x125xi32, #tpu.memory_space<vmem>>, %arg7: memref<16x125xi32, #tpu.memory_space<vmem>>, %arg8: memref<128x128xf32, #tpu.memory_space<vmem>>, %arg9: memref<128x128xf32, #tpu.memory_space<vmem>>, %arg10: memref<10240x128xf32, #tpu.memory_space<vmem_shared>>, %arg11: memref<!tpu.dma_semaphore, #tpu.memory_space<semaphore_mem>>, %arg12: memref<!tpu.dma_semaphore, #tpu.memory_space<semaphore_mem>>) attributes {dimension_semantics = [#tpu.dimension_semantics<core_parallel>, #tpu.dimension_semantics<subcore_parallel>], iteration_bounds = array<i64: 2, 16>, scalar_prefetch = 0 : i64, scratch_operands = 7 : i64, tpu.core_type = #tpu.core_type<sc_vector_subcore>, window_params = [{transform_indices = #map}, {transform_indices = #map1}, {transform_indices = #map1}, {transform_indices = #map1}]} {
    %mul3A = arith.constant 16 : i32
    %mul3A_0 = arith.muli %arg0, %mul3A : i32
    %add3A = arith.addi %mul3A_0, %arg1 : i32
    %broadcast_in_dim3A = arith.constant 0.000000e+00 : f32
    %broadcast_in_dim3A_1 = vector.broadcast %broadcast_in_dim3A : f32 to vector<16xf32>
    %scan3A = arith.constant 0 : i32
    %scan3A_2 = arith.constant 0 : i32
    %scan3A_3 = arith.constant 128 : i32
    %scan3A_4 = arith.addi %scan3A_2, %scan3A_3 : i32
    %scan3A_5 = arith.constant 1 : i32
    scf.for %scan3A_26 = %scan3A_2 to %scan3A_4 step %scan3A_5  : i32 {
      %swap3A = arith.index_cast %scan3A_26 : i32 to index
      %swap3A_27 = arith.constant 0 : index
      %swap3A_28 = tpu.vector_load %arg8[%swap3A, %swap3A_27] {strides = array<i32>} : memref<128x128xf32, #tpu.memory_space<vmem>>, vector<1x16xf32>,
      %swap3A_29 = vector.shape_cast %swap3A_28 : vector<1x16xf32> to vector<16xf32>
      %swap3A_30 = vector.shape_cast %broadcast_in_dim3A_1 : vector<16xf32> to vector<1x16xf32>
      tpu.vector_store %arg8[%swap3A, %swap3A_27], %swap3A_30 {strides = array<i32>} : memref<128x128xf32, #tpu.memory_space<vmem>>, vector<1x16xf32>,
      %swap3A_31 = arith.index_cast %scan3A_26 : i32 to index
      %swap3A_32 = arith.constant 16 : index
      %swap3A_33 = tpu.vector_load %arg8[%swap3A_31, %swap3A_32] {strides = array<i32>} : memref<128x128xf32, #tpu.memory_space<vmem>>, vector<1x16xf32>,
      %swap3A_34 = vector.shape_cast %swap3A_33 : vector<1x16xf32> to vector<16xf32>
      %swap3A_35 = vector.shape_cast %broadcast_in_dim3A_1 : vector<16xf32> to vector<1x16xf32>
      tpu.vector_store %arg8[%swap3A_31, %swap3A_32], %swap3A_35 {strides = array<i32>} : memref<128x128xf32, #tpu.memory_space<vmem>>, vector<1x16xf32>,
      %swap3A_36 = arith.index_cast %scan3A_26 : i32 to index
      %swap3A_37 = arith.constant 32 : index
      %swap3A_38 = tpu.vector_load %arg8[%swap3A_36, %swap3A_37] {strides = array<i32>} : memref<128x128xf32, #tpu.memory_space<vmem>>, vector<1x16xf32>,
      %swap3A_39 = vector.shape_cast %swap3A_38 : vector<1x16xf32> to vector<16xf32>
      %swap3A_40 = vector.shape_cast %broadcast_in_dim3A_1 : vector<16xf32> to vector<1x16xf32>
      tpu.vector_store %arg8[%swap3A_36, %swap3A_37], %swap3A_40 {strides = array<i32>} : memref<128x128xf32, #tpu.memory_space<vmem>>, vector<1x16xf32>,
      %swap3A_41 = arith.index_cast %scan3A_26 : i32 to index
      %swap3A_42 = arith.constant 48 : index
      %swap3A_43 = tpu.vector_load %arg8[%swap3A_41, %swap3A_42] {strides = array<i32>} : memref<128x128xf32, #tpu.memory_space<vmem>>, vector<1x16xf32>,
      %swap3A_44 = vector.shape_cast %swap3A_43 : vector<1x16xf32> to vector<16xf32>
      %swap3A_45 = vector.shape_cast %broadcast_in_dim3A_1 : vector<16xf32> to vector<1x16xf32>
      tpu.vector_store %arg8[%swap3A_41, %swap3A_42], %swap3A_45 {strides = array<i32>} : memref<128x128xf32, #tpu.memory_space<vmem>>, vector<1x16xf32>,
      %swap3A_46 = arith.index_cast %scan3A_26 : i32 to index
      %swap3A_47 = arith.constant 64 : index
      %swap3A_48 = tpu.vector_load %arg8[%swap3A_46, %swap3A_47] {strides = array<i32>} : memref<128x128xf32, #tpu.memory_space<vmem>>, vector<1x16xf32>,
      %swap3A_49 = vector.shape_cast %swap3A_48 : vector<1x16xf32> to vector<16xf32>
      %swap3A_50 = vector.shape_cast %broadcast_in_dim3A_1 : vector<16xf32> to vector<1x16xf32>
      tpu.vector_store %arg8[%swap3A_46, %swap3A_47], %swap3A_50 {strides = array<i32>} : memref<128x128xf32, #tpu.memory_space<vmem>>, vector<1x16xf32>,
      %swap3A_51 = arith.index_cast %scan3A_26 : i32 to index
      %swap3A_52 = arith.constant 80 : index
      %swap3A_53 = tpu.vector_load %arg8[%swap3A_51, %swap3A_52] {strides = array<i32>} : memref<128x128xf32, #tpu.memory_space<vmem>>, vector<1x16xf32>,
      %swap3A_54 = vector.shape_cast %swap3A_53 : vector<1x16xf32> to vector<16xf32>
      %swap3A_55 = vector.shape_cast %broadcast_in_dim3A_1 : vector<16xf32> to vector<1x16xf32>
      tpu.vector_store %arg8[%swap3A_51, %swap3A_52], %swap3A_55 {strides = array<i32>} : memref<128x128xf32, #tpu.memory_space<vmem>>, vector<1x16xf32>,
      %swap3A_56 = arith.index_cast %scan3A_26 : i32 to index
      %swap3A_57 = arith.constant 96 : index
      %swap3A_58 = tpu.vector_load %arg8[%swap3A_56, %swap3A_57] {strides = array<i32>} : memref<128x128xf32, #tpu.memory_space<vmem>>, vector<1x16xf32>,
      %swap3A_59 = vector.shape_cast %swap3A_58 : vector<1x16xf32> to vector<16xf32>
      %swap3A_60 = vector.shape_cast %broadcast_in_dim3A_1 : vector<16xf32> to vector<1x16xf32>
      tpu.vector_store %arg8[%swap3A_56, %swap3A_57], %swap3A_60 {strides = array<i32>} : memref<128x128xf32, #tpu.memory_space<vmem>>, vector<1x16xf32>,
      %swap3A_61 = arith.index_cast %scan3A_26 : i32 to index
      %swap3A_62 = arith.constant 112 : index
      %swap3A_63 = tpu.vector_load %arg8[%swap3A_61, %swap3A_62] {strides = array<i32>} : memref<128x128xf32, #tpu.memory_space<vmem>>, vector<1x16xf32>,
      %swap3A_64 = vector.shape_cast %swap3A_63 : vector<1x16xf32> to vector<16xf32>
      %swap3A_65 = vector.shape_cast %broadcast_in_dim3A_1 : vector<16xf32> to vector<1x16xf32>
      tpu.vector_store %arg8[%swap3A_61, %swap3A_62], %swap3A_65 {strides = array<i32>} : memref<128x128xf32, #tpu.memory_space<vmem>>, vector<1x16xf32>,
    }
    %scan3A_6 = arith.constant 128 : i32
    %scan3A_7 = arith.constant 0 : i32
    %scan3A_8 = arith.constant 0 : i32
    %scan3A_9 = arith.constant 5 : i32
    %scan3A_10 = arith.addi %scan3A_8, %scan3A_9 : i32
    %scan3A_11 = arith.constant 1 : i32
    scf.for %scan3A_26 = %scan3A_8 to %scan3A_10 step %scan3A_11  : i32 {
      %mul3A_27 = arith.constant 640 : i32
      %mul3A_28 = arith.muli %arg1, %mul3A_27 : i32
      %mul3A_29 = arith.constant 128 : i32
      %mul3A_30 = arith.muli %scan3A_26, %mul3A_29 : i32
      %add3A_31 = arith.addi %mul3A_28, %mul3A_30 : i32
      "tpu.region"() ({
        %run_scoped3A = tpu.sem_alloc : memref<!tpu.dma_semaphore, #tpu.memory_space<semaphore_mem>>
        %dma_start3A = arith.constant 0 : i32
        %dma_start3A_32 = tpu.memref_slice %arg10[%add3A_31, %dma_start3A] : memref<10240x128xf32, #tpu.memory_space<vmem_shared>> -> memref<128x128xf32, #tpu.memory_space<vmem_shared>>
        %dma_start3A_33 = arith.constant 0 : i32
        %dma_start3A_34 = tpu.memref_slice %arg10[%add3A_31, %dma_start3A_33] : memref<10240x128xf32, #tpu.memory_space<vmem_shared>> -> memref<128x128xf32, #tpu.memory_space<vmem_shared>>
        tpu.enqueue_dma source(%arg8 : memref<128x128xf32, #tpu.memory_space<vmem>>) target(%dma_start3A_34 : memref<128x128xf32, #tpu.memory_space<vmem_shared>>) target_semaphore(%run_scoped3A : memref<!tpu.dma_semaphore, #tpu.memory_space<semaphore_mem>>)
        %dma_wait3A = arith.constant 0 : i32
        %dma_wait3A_35 = tpu.memref_slice %arg10[%add3A_31, %dma_wait3A] : memref<10240x128xf32, #tpu.memory_space<vmem_shared>> -> memref<128x128xf32, #tpu.memory_space<vmem_shared>>
        %dma_wait3A_36 = arith.constant 0 : i32
        %dma_wait3A_37 = tpu.memref_slice %arg10[%add3A_31, %dma_wait3A_36] : memref<10240x128xf32, #tpu.memory_space<vmem_shared>> -> memref<128x128xf32, #tpu.memory_space<vmem_shared>>
        tpu.wait_dma2 semaphore(%run_scoped3A : memref<!tpu.dma_semaphore, #tpu.memory_space<semaphore_mem>>) src(%arg8 : memref<128x128xf32, #tpu.memory_space<vmem>>) dst(%dma_wait3A_37 : memref<128x128xf32, #tpu.memory_space<vmem_shared>>)
        tpu.yield
      }) : () -> ()
    }
    %scan3A_12 = arith.constant 5 : i32
    %barrier3A = arith.constant 0 : index
    tpu.barrier barrier_id(%barrier3A)
    %scan3A_13 = arith.constant 0 : i32
    %scan3A_14 = arith.constant 0 : i32
    %scan3A_15 = arith.constant 5 : i32
    %scan3A_16 = arith.addi %scan3A_14, %scan3A_15 : i32
    %scan3A_17 = arith.constant 1 : i32
    scf.for %scan3A_26 = %scan3A_14 to %scan3A_16 step %scan3A_17  : i32 {
      %mul3A_27 = arith.constant 16 : i32
      %mul3A_28 = arith.muli %scan3A_26, %mul3A_27 : i32
      "tpu.region"() ({
        %run_scoped3A = tpu.sem_alloc : memref<!tpu.dma_semaphore, #tpu.memory_space<semaphore_mem>>
        %dma_start3A_46 = arith.constant 0 : i32
        %dma_start3A_47 = tpu.memref_slice %arg3[%add3A, %mul3A_28, %dma_start3A_46] : memref<32x80x125xi32, #tpu.memory_space<hbm>> -> memref<1x16x125xi32, #tpu.memory_space<hbm>>
        %dma_start3A_48 = tpu.memref_squeeze %dma_start3A_47 : memref<1x16x125xi32, #tpu.memory_space<hbm>> -> memref<16x125xi32, #tpu.memory_space<hbm>>
        %dma_start3A_49 = arith.constant 0 : i32
        %dma_start3A_50 = tpu.memref_slice %arg3[%add3A, %mul3A_28, %dma_start3A_49] : memref<32x80x125xi32, #tpu.memory_space<hbm>> -> memref<1x16x125xi32, #tpu.memory_space<hbm>>
        %dma_start3A_51 = tpu.memref_squeeze %dma_start3A_50 : memref<1x16x125xi32, #tpu.memory_space<hbm>> -> memref<16x125xi32, #tpu.memory_space<hbm>>
        tpu.enqueue_dma source(%dma_start3A_51 : memref<16x125xi32, #tpu.memory_space<hbm>>) target(%arg6 : memref<16x125xi32, #tpu.memory_space<vmem>>) target_semaphore(%run_scoped3A : memref<!tpu.dma_semaphore, #tpu.memory_space<semaphore_mem>>)
        %dma_wait3A = arith.constant 0 : i32
        %dma_wait3A_52 = tpu.memref_slice %arg3[%add3A, %mul3A_28, %dma_wait3A] : memref<32x80x125xi32, #tpu.memory_space<hbm>> -> memref<1x16x125xi32, #tpu.memory_space<hbm>>
        %dma_wait3A_53 = tpu.memref_squeeze %dma_wait3A_52 : memref<1x16x125xi32, #tpu.memory_space<hbm>> -> memref<16x125xi32, #tpu.memory_space<hbm>>
        %dma_wait3A_54 = arith.constant 0 : i32
        %dma_wait3A_55 = tpu.memref_slice %arg3[%add3A, %mul3A_28, %dma_wait3A_54] : memref<32x80x125xi32, #tpu.memory_space<hbm>> -> memref<1x16x125xi32, #tpu.memory_space<hbm>>
        %dma_wait3A_56 = tpu.memref_squeeze %dma_wait3A_55 : memref<1x16x125xi32, #tpu.memory_space<hbm>> -> memref<16x125xi32, #tpu.memory_space<hbm>>
        tpu.wait_dma2 semaphore(%run_scoped3A : memref<!tpu.dma_semaphore, #tpu.memory_space<semaphore_mem>>) src(%dma_wait3A_56 : memref<16x125xi32, #tpu.memory_space<hbm>>) dst(%arg6 : memref<16x125xi32, #tpu.memory_space<vmem>>)
        tpu.yield
      }) : () -> ()
      %mul3A_29 = arith.constant 16 : i32
      %mul3A_30 = arith.muli %scan3A_26, %mul3A_29 : i32
      "tpu.region"() ({
        %run_scoped3A = tpu.sem_alloc : memref<!tpu.dma_semaphore, #tpu.memory_space<semaphore_mem>>
        %dma_start3A_46 = arith.constant 0 : i32
        %dma_start3A_47 = tpu.memref_slice %arg4[%add3A, %mul3A_30, %dma_start3A_46] : memref<32x80x125xi32, #tpu.memory_space<hbm>> -> memref<1x16x125xi32, #tpu.memory_space<hbm>>
        %dma_start3A_48 = tpu.memref_squeeze %dma_start3A_47 : memref<1x16x125xi32, #tpu.memory_space<hbm>> -> memref<16x125xi32, #tpu.memory_space<hbm>>
        %dma_start3A_49 = arith.constant 0 : i32
        %dma_start3A_50 = tpu.memref_slice %arg4[%add3A, %mul3A_30, %dma_start3A_49] : memref<32x80x125xi32, #tpu.memory_space<hbm>> -> memref<1x16x125xi32, #tpu.memory_space<hbm>>
        %dma_start3A_51 = tpu.memref_squeeze %dma_start3A_50 : memref<1x16x125xi32, #tpu.memory_space<hbm>> -> memref<16x125xi32, #tpu.memory_space<hbm>>
        tpu.enqueue_dma source(%dma_start3A_51 : memref<16x125xi32, #tpu.memory_space<hbm>>) target(%arg7 : memref<16x125xi32, #tpu.memory_space<vmem>>) target_semaphore(%run_scoped3A : memref<!tpu.dma_semaphore, #tpu.memory_space<semaphore_mem>>)
        %dma_wait3A = arith.constant 0 : i32
        %dma_wait3A_52 = tpu.memref_slice %arg4[%add3A, %mul3A_30, %dma_wait3A] : memref<32x80x125xi32, #tpu.memory_space<hbm>> -> memref<1x16x125xi32, #tpu.memory_space<hbm>>
        %dma_wait3A_53 = tpu.memref_squeeze %dma_wait3A_52 : memref<1x16x125xi32, #tpu.memory_space<hbm>> -> memref<16x125xi32, #tpu.memory_space<hbm>>
        %dma_wait3A_54 = arith.constant 0 : i32
        %dma_wait3A_55 = tpu.memref_slice %arg4[%add3A, %mul3A_30, %dma_wait3A_54] : memref<32x80x125xi32, #tpu.memory_space<hbm>> -> memref<1x16x125xi32, #tpu.memory_space<hbm>>
        %dma_wait3A_56 = tpu.memref_squeeze %dma_wait3A_55 : memref<1x16x125xi32, #tpu.memory_space<hbm>> -> memref<16x125xi32, #tpu.memory_space<hbm>>
        tpu.wait_dma2 semaphore(%run_scoped3A : memref<!tpu.dma_semaphore, #tpu.memory_space<semaphore_mem>>) src(%dma_wait3A_56 : memref<16x125xi32, #tpu.memory_space<hbm>>) dst(%arg7 : memref<16x125xi32, #tpu.memory_space<vmem>>)
        tpu.yield
      }) : () -> ()
      %dma_start3A = arith.constant 0 : i32
      %dma_start3A_31 = arith.constant 0 : i32
      %dma_start3A_32 = arith.constant 0 : i32
      %dma_start3A_33 = tpu.memref_slice %arg8[%dma_start3A_31, %dma_start3A_32] : memref<128x128xf32, #tpu.memory_space<vmem>> -> memref<125x128xf32, #tpu.memory_space<vmem>>
      %dma_start3A_34 = arith.constant 0 : i32
      %dma_start3A_35 = tpu.memref_slice %arg6[%dma_start3A, %dma_start3A_34] : memref<16x125xi32, #tpu.memory_space<vmem>> -> memref<1x125xi32, #tpu.memory_space<vmem>>
      %dma_start3A_36 = tpu.memref_squeeze %dma_start3A_35 : memref<1x125xi32, #tpu.memory_space<vmem>> -> memref<125xi32, #tpu.memory_space<vmem>>
      %dma_start3A_37 = arith.constant 0 : i32
      %dma_start3A_38 = arith.constant 0 : i32
      %dma_start3A_39 = tpu.memref_slice %arg2[%dma_start3A_37, %dma_start3A_38] : memref<10000x128xf32, #tpu.memory_space<hbm>> -> memref<10000x128xf32, #tpu.memory_space<hbm>>
      tpu.enqueue_indirect_dma source(%dma_start3A_39 : memref<10000x128xf32, #tpu.memory_space<hbm>>) target(%dma_start3A_33 : memref<125x128xf32, #tpu.memory_space<vmem>>) offsets(%dma_start3A_36 : memref<125xi32, #tpu.memory_space<vmem>>) semaphore(%arg11 : memref<!tpu.dma_semaphore, #tpu.memory_space<semaphore_mem>>)
      %scan3A_40 = arith.constant 0 : i32
      %scan3A_41 = arith.constant 0 : i32
      %scan3A_42 = arith.constant 8 : i32
      %scan3A_43 = arith.addi %scan3A_41, %scan3A_42 : i32
      %scan3A_44 = arith.constant 1 : i32
      scf.for %scan3A_46 = %scan3A_41 to %scan3A_43 step %scan3A_44  : i32 {
        %mul3A_47 = arith.constant 2 : i32
        %mul3A_48 = arith.muli %mul3A_47, %scan3A_46 : i32
        %add3A_49 = arith.constant 0 : i32
        %add3A_50 = arith.addi %mul3A_48, %add3A_49 : i32
        %dma_wait3A = arith.constant 0 : i32
        %dma_wait3A_51 = arith.constant 0 : i32
        %dma_wait3A_52 = tpu.memref_slice %arg8[%dma_wait3A, %dma_wait3A_51] : memref<128x128xf32, #tpu.memory_space<vmem>> -> memref<125x128xf32, #tpu.memory_space<vmem>>
        %dma_wait3A_53 = arith.constant 0 : i32
        %dma_wait3A_54 = tpu.memref_slice %arg6[%add3A_50, %dma_wait3A_53] : memref<16x125xi32, #tpu.memory_space<vmem>> -> memref<1x125xi32, #tpu.memory_space<vmem>>
        %dma_wait3A_55 = tpu.memref_squeeze %dma_wait3A_54 : memref<1x125xi32, #tpu.memory_space<vmem>> -> memref<125xi32, #tpu.memory_space<vmem>>
        %dma_wait3A_56 = arith.constant 0 : i32
        %dma_wait3A_57 = arith.constant 0 : i32
        %dma_wait3A_58 = tpu.memref_slice %arg2[%dma_wait3A_56, %dma_wait3A_57] : memref<10000x128xf32, #tpu.memory_space<hbm>> -> memref<10000x128xf32, #tpu.memory_space<hbm>>
        tpu.wait_indirect_dma semaphore(%arg11 : memref<!tpu.dma_semaphore, #tpu.memory_space<semaphore_mem>>) src(%dma_wait3A_58 : memref<10000x128xf32, #tpu.memory_space<hbm>>) dst(%dma_wait3A_52 : memref<125x128xf32, #tpu.memory_space<vmem>>)
        %add3A_59 = arith.constant 1 : i32
        %add3A_60 = arith.addi %add3A_50, %add3A_59 : i32
        %lt3A = arith.constant 16 : i32
        %lt3A_61 = arith.cmpi slt, %add3A_60, %lt3A : i32
        %convert_element_type3A = arith.extui %lt3A_61 : i1 to i32
        %cond3A = arith.constant 0 : i32
        %cond3A_62 = arith.cmpi ne, %convert_element_type3A, %cond3A : i32
        scf.if %cond3A_62 {
          %add3A_83 = arith.constant 1 : i32
          %add3A_84 = arith.addi %add3A_50, %add3A_83 : i32
          %dma_start3A_85 = arith.constant 0 : i32
          %dma_start3A_86 = arith.constant 0 : i32
          %dma_start3A_87 = tpu.memref_slice %arg9[%dma_start3A_85, %dma_start3A_86] : memref<128x128xf32, #tpu.memory_space<vmem>> -> memref<125x128xf32, #tpu.memory_space<vmem>>
          %dma_start3A_88 = arith.constant 0 : i32
          %dma_start3A_89 = tpu.memref_slice %arg6[%add3A_84, %dma_start3A_88] : memref<16x125xi32, #tpu.memory_space<vmem>> -> memref<1x125xi32, #tpu.memory_space<vmem>>
          %dma_start3A_90 = tpu.memref_squeeze %dma_start3A_89 : memref<1x125xi32, #tpu.memory_space<vmem>> -> memref<125xi32, #tpu.memory_space<vmem>>
          %dma_start3A_91 = arith.constant 0 : i32
          %dma_start3A_92 = arith.constant 0 : i32
          %dma_start3A_93 = tpu.memref_slice %arg2[%dma_start3A_91, %dma_start3A_92] : memref<10000x128xf32, #tpu.memory_space<hbm>> -> memref<10000x128xf32, #tpu.memory_space<hbm>>
          tpu.enqueue_indirect_dma source(%dma_start3A_93 : memref<10000x128xf32, #tpu.memory_space<hbm>>) target(%dma_start3A_87 : memref<125x128xf32, #tpu.memory_space<vmem>>) offsets(%dma_start3A_90 : memref<125xi32, #tpu.memory_space<vmem>>) semaphore(%arg12 : memref<!tpu.dma_semaphore, #tpu.memory_space<semaphore_mem>>)
        } else {
        }
        "tpu.region"() ({
          %run_scoped3A = tpu.sem_alloc : memref<!tpu.dma_semaphore, #tpu.memory_space<semaphore_mem>>
          %dma_start3A_83 = arith.constant 0 : i32
          %dma_start3A_84 = arith.constant 0 : i32
          %dma_start3A_85 = tpu.memref_slice %arg8[%dma_start3A_83, %dma_start3A_84] : memref<128x128xf32, #tpu.memory_space<vmem>> -> memref<125x128xf32, #tpu.memory_space<vmem>>
          %dma_start3A_86 = arith.constant 0 : i32
          %dma_start3A_87 = tpu.memref_slice %arg7[%add3A_50, %dma_start3A_86] : memref<16x125xi32, #tpu.memory_space<vmem>> -> memref<1x125xi32, #tpu.memory_space<vmem>>
          %dma_start3A_88 = tpu.memref_squeeze %dma_start3A_87 : memref<1x125xi32, #tpu.memory_space<vmem>> -> memref<125xi32, #tpu.memory_space<vmem>>
          %dma_start3A_89 = arith.constant 0 : i32
          %dma_start3A_90 = arith.constant 0 : i32
          %dma_start3A_91 = tpu.memref_slice %arg10[%dma_start3A_89, %dma_start3A_90] : memref<10240x128xf32, #tpu.memory_space<vmem_shared>> -> memref<10240x128xf32, #tpu.memory_space<vmem_shared>>
          tpu.enqueue_indirect_dma source(%dma_start3A_85 : memref<125x128xf32, #tpu.memory_space<vmem>>) target(%dma_start3A_91 : memref<10240x128xf32, #tpu.memory_space<vmem_shared>>) offsets(%dma_start3A_88 : memref<125xi32, #tpu.memory_space<vmem>>) semaphore(%run_scoped3A : memref<!tpu.dma_semaphore, #tpu.memory_space<semaphore_mem>>) {add = true}
          %dma_wait3A_92 = arith.constant 0 : i32
          %dma_wait3A_93 = arith.constant 0 : i32
          %dma_wait3A_94 = tpu.memref_slice %arg8[%dma_wait3A_92, %dma_wait3A_93] : memref<128x128xf32, #tpu.memory_space<vmem>> -> memref<125x128xf32, #tpu.memory_space<vmem>>
          %dma_wait3A_95 = arith.constant 0 : i32
          %dma_wait3A_96 = tpu.memref_slice %arg7[%add3A_50, %dma_wait3A_95] : memref<16x125xi32, #tpu.memory_space<vmem>> -> memref<1x125xi32, #tpu.memory_space<vmem>>
          %dma_wait3A_97 = tpu.memref_squeeze %dma_wait3A_96 : memref<1x125xi32, #tpu.memory_space<vmem>> -> memref<125xi32, #tpu.memory_space<vmem>>
          %dma_wait3A_98 = arith.constant 0 : i32
          %dma_wait3A_99 = arith.constant 0 : i32
          %dma_wait3A_100 = tpu.memref_slice %arg10[%dma_wait3A_98, %dma_wait3A_99] : memref<10240x128xf32, #tpu.memory_space<vmem_shared>> -> memref<10240x128xf32, #tpu.memory_space<vmem_shared>>
          tpu.wait_indirect_dma semaphore(%run_scoped3A : memref<!tpu.dma_semaphore, #tpu.memory_space<semaphore_mem>>) src(%dma_wait3A_94 : memref<125x128xf32, #tpu.memory_space<vmem>>) dst(%dma_wait3A_100 : memref<10240x128xf32, #tpu.memory_space<vmem_shared>>)
          tpu.yield
        }) : () -> ()
        %mul3A_63 = arith.constant 2 : i32
        %mul3A_64 = arith.muli %mul3A_63, %scan3A_46 : i32
        %add3A_65 = arith.constant 1 : i32
        %add3A_66 = arith.addi %mul3A_64, %add3A_65 : i32
        %dma_wait3A_67 = arith.constant 0 : i32
        %dma_wait3A_68 = arith.constant 0 : i32
        %dma_wait3A_69 = tpu.memref_slice %arg9[%dma_wait3A_67, %dma_wait3A_68] : memref<128x128xf32, #tpu.memory_space<vmem>> -> memref<125x128xf32, #tpu.memory_space<vmem>>
        %dma_wait3A_70 = arith.constant 0 : i32
        %dma_wait3A_71 = tpu.memref_slice %arg6[%add3A_66, %dma_wait3A_70] : memref<16x125xi32, #tpu.memory_space<vmem>> -> memref<1x125xi32, #tpu.memory_space<vmem>>
        %dma_wait3A_72 = tpu.memref_squeeze %dma_wait3A_71 : memref<1x125xi32, #tpu.memory_space<vmem>> -> memref<125xi32, #tpu.memory_space<vmem>>
        %dma_wait3A_73 = arith.constant 0 : i32
        %dma_wait3A_74 = arith.constant 0 : i32
        %dma_wait3A_75 = tpu.memref_slice %arg2[%dma_wait3A_73, %dma_wait3A_74] : memref<10000x128xf32, #tpu.memory_space<hbm>> -> memref<10000x128xf32, #tpu.memory_space<hbm>>
        tpu.wait_indirect_dma semaphore(%arg12 : memref<!tpu.dma_semaphore, #tpu.memory_space<semaphore_mem>>) src(%dma_wait3A_75 : memref<10000x128xf32, #tpu.memory_space<hbm>>) dst(%dma_wait3A_69 : memref<125x128xf32, #tpu.memory_space<vmem>>)
        %add3A_76 = arith.constant 1 : i32
        %add3A_77 = arith.addi %add3A_66, %add3A_76 : i32
        %lt3A_78 = arith.constant 16 : i32
        %lt3A_79 = arith.cmpi slt, %add3A_77, %lt3A_78 : i32
        %convert_element_type3A_80 = arith.extui %lt3A_79 : i1 to i32
        %cond3A_81 = arith.constant 0 : i32
        %cond3A_82 = arith.cmpi ne, %convert_element_type3A_80, %cond3A_81 : i32
        scf.if %cond3A_82 {
          %add3A_83 = arith.constant 1 : i32
          %add3A_84 = arith.addi %add3A_66, %add3A_83 : i32
          %dma_start3A_85 = arith.constant 0 : i32
          %dma_start3A_86 = arith.constant 0 : i32
          %dma_start3A_87 = tpu.memref_slice %arg8[%dma_start3A_85, %dma_start3A_86] : memref<128x128xf32, #tpu.memory_space<vmem>> -> memref<125x128xf32, #tpu.memory_space<vmem>>
          %dma_start3A_88 = arith.constant 0 : i32
          %dma_start3A_89 = tpu.memref_slice %arg6[%add3A_84, %dma_start3A_88] : memref<16x125xi32, #tpu.memory_space<vmem>> -> memref<1x125xi32, #tpu.memory_space<vmem>>
          %dma_start3A_90 = tpu.memref_squeeze %dma_start3A_89 : memref<1x125xi32, #tpu.memory_space<vmem>> -> memref<125xi32, #tpu.memory_space<vmem>>
          %dma_start3A_91 = arith.constant 0 : i32
          %dma_start3A_92 = arith.constant 0 : i32
          %dma_start3A_93 = tpu.memref_slice %arg2[%dma_start3A_91, %dma_start3A_92] : memref<10000x128xf32, #tpu.memory_space<hbm>> -> memref<10000x128xf32, #tpu.memory_space<hbm>>
          tpu.enqueue_indirect_dma source(%dma_start3A_93 : memref<10000x128xf32, #tpu.memory_space<hbm>>) target(%dma_start3A_87 : memref<125x128xf32, #tpu.memory_space<vmem>>) offsets(%dma_start3A_90 : memref<125xi32, #tpu.memory_space<vmem>>) semaphore(%arg11 : memref<!tpu.dma_semaphore, #tpu.memory_space<semaphore_mem>>)
        } else {
        }
        "tpu.region"() ({
          %run_scoped3A = tpu.sem_alloc : memref<!tpu.dma_semaphore, #tpu.memory_space<semaphore_mem>>
          %dma_start3A_83 = arith.constant 0 : i32
          %dma_start3A_84 = arith.constant 0 : i32
          %dma_start3A_85 = tpu.memref_slice %arg9[%dma_start3A_83, %dma_start3A_84] : memref<128x128xf32, #tpu.memory_space<vmem>> -> memref<125x128xf32, #tpu.memory_space<vmem>>
          %dma_start3A_86 = arith.constant 0 : i32
          %dma_start3A_87 = tpu.memref_slice %arg7[%add3A_66, %dma_start3A_86] : memref<16x125xi32, #tpu.memory_space<vmem>> -> memref<1x125xi32, #tpu.memory_space<vmem>>
          %dma_start3A_88 = tpu.memref_squeeze %dma_start3A_87 : memref<1x125xi32, #tpu.memory_space<vmem>> -> memref<125xi32, #tpu.memory_space<vmem>>
          %dma_start3A_89 = arith.constant 0 : i32
          %dma_start3A_90 = arith.constant 0 : i32
          %dma_start3A_91 = tpu.memref_slice %arg10[%dma_start3A_89, %dma_start3A_90] : memref<10240x128xf32, #tpu.memory_space<vmem_shared>> -> memref<10240x128xf32, #tpu.memory_space<vmem_shared>>
          tpu.enqueue_indirect_dma source(%dma_start3A_85 : memref<125x128xf32, #tpu.memory_space<vmem>>) target(%dma_start3A_91 : memref<10240x128xf32, #tpu.memory_space<vmem_shared>>) offsets(%dma_start3A_88 : memref<125xi32, #tpu.memory_space<vmem>>) semaphore(%run_scoped3A : memref<!tpu.dma_semaphore, #tpu.memory_space<semaphore_mem>>) {add = true}
          %dma_wait3A_92 = arith.constant 0 : i32
          %dma_wait3A_93 = arith.constant 0 : i32
          %dma_wait3A_94 = tpu.memref_slice %arg9[%dma_wait3A_92, %dma_wait3A_93] : memref<128x128xf32, #tpu.memory_space<vmem>> -> memref<125x128xf32, #tpu.memory_space<vmem>>
          %dma_wait3A_95 = arith.constant 0 : i32
          %dma_wait3A_96 = tpu.memref_slice %arg7[%add3A_66, %dma_wait3A_95] : memref<16x125xi32, #tpu.memory_space<vmem>> -> memref<1x125xi32, #tpu.memory_space<vmem>>
          %dma_wait3A_97 = tpu.memref_squeeze %dma_wait3A_96 : memref<1x125xi32, #tpu.memory_space<vmem>> -> memref<125xi32, #tpu.memory_space<vmem>>
          %dma_wait3A_98 = arith.constant 0 : i32
          %dma_wait3A_99 = arith.constant 0 : i32
          %dma_wait3A_100 = tpu.memref_slice %arg10[%dma_wait3A_98, %dma_wait3A_99] : memref<10240x128xf32, #tpu.memory_space<vmem_shared>> -> memref<10240x128xf32, #tpu.memory_space<vmem_shared>>
          tpu.wait_indirect_dma semaphore(%run_scoped3A : memref<!tpu.dma_semaphore, #tpu.memory_space<semaphore_mem>>) src(%dma_wait3A_94 : memref<125x128xf32, #tpu.memory_space<vmem>>) dst(%dma_wait3A_100 : memref<10240x128xf32, #tpu.memory_space<vmem_shared>>)
          tpu.yield
        }) : () -> ()
      }
      %scan3A_45 = arith.constant 8 : i32
    }
    %scan3A_18 = arith.constant 5 : i32
    %barrier3A_19 = arith.constant 0 : index
    tpu.barrier barrier_id(%barrier3A_19)
    %scan3A_20 = arith.constant 0 : i32
    %scan3A_21 = arith.constant 0 : i32
    %scan3A_22 = arith.constant 5 : i32
    %scan3A_23 = arith.addi %scan3A_21, %scan3A_22 : i32
    %scan3A_24 = arith.constant 1 : i32
    scf.for %scan3A_26 = %scan3A_21 to %scan3A_23 step %scan3A_24  : i32 {
      %mul3A_27 = arith.constant 640 : i32
      %mul3A_28 = arith.muli %arg1, %mul3A_27 : i32
      %mul3A_29 = arith.constant 128 : i32
      %mul3A_30 = arith.muli %scan3A_26, %mul3A_29 : i32
      %add3A_31 = arith.addi %mul3A_28, %mul3A_30 : i32
      "tpu.region"() ({
        %run_scoped3A = tpu.sem_alloc : memref<!tpu.dma_semaphore, #tpu.memory_space<semaphore_mem>>
        %dma_start3A = arith.constant 0 : i32
        %dma_start3A_37 = tpu.memref_slice %arg10[%add3A_31, %dma_start3A] : memref<10240x128xf32, #tpu.memory_space<vmem_shared>> -> memref<128x128xf32, #tpu.memory_space<vmem_shared>>
        %dma_start3A_38 = arith.constant 0 : i32
        %dma_start3A_39 = tpu.memref_slice %arg10[%add3A_31, %dma_start3A_38] : memref<10240x128xf32, #tpu.memory_space<vmem_shared>> -> memref<128x128xf32, #tpu.memory_space<vmem_shared>>
        tpu.enqueue_dma source(%dma_start3A_39 : memref<128x128xf32, #tpu.memory_space<vmem_shared>>) target(%arg8 : memref<128x128xf32, #tpu.memory_space<vmem>>) target_semaphore(%run_scoped3A : memref<!tpu.dma_semaphore, #tpu.memory_space<semaphore_mem>>)
        %dma_wait3A = arith.constant 0 : i32
        %dma_wait3A_40 = tpu.memref_slice %arg10[%add3A_31, %dma_wait3A] : memref<10240x128xf32, #tpu.memory_space<vmem_shared>> -> memref<128x128xf32, #tpu.memory_space<vmem_shared>>
        %dma_wait3A_41 = arith.constant 0 : i32
        %dma_wait3A_42 = tpu.memref_slice %arg10[%add3A_31, %dma_wait3A_41] : memref<10240x128xf32, #tpu.memory_space<vmem_shared>> -> memref<128x128xf32, #tpu.memory_space<vmem_shared>>
        tpu.wait_dma2 semaphore(%run_scoped3A : memref<!tpu.dma_semaphore, #tpu.memory_space<semaphore_mem>>) src(%dma_wait3A_42 : memref<128x128xf32, #tpu.memory_space<vmem_shared>>) dst(%arg8 : memref<128x128xf32, #tpu.memory_space<vmem>>)
        tpu.yield
      }) : () -> ()
      %mul3A_32 = arith.constant 640 : i32
      %mul3A_33 = arith.muli %arg1, %mul3A_32 : i32
      %mul3A_34 = arith.constant 128 : i32
      %mul3A_35 = arith.muli %scan3A_26, %mul3A_34 : i32
      %add3A_36 = arith.addi %mul3A_33, %mul3A_35 : i32
      "tpu.region"() ({
        %run_scoped3A = tpu.sem_alloc : memref<!tpu.dma_semaphore, #tpu.memory_space<semaphore_mem>>
        %dma_start3A = arith.constant 0 : i32
        %dma_start3A_37 = tpu.memref_slice %arg5[%arg0, %add3A_36, %dma_start3A] : memref<2x10240x128xf32, #tpu.memory_space<hbm>> -> memref<1x128x128xf32, #tpu.memory_space<hbm>>
        %dma_start3A_38 = tpu.memref_squeeze %dma_start3A_37 : memref<1x128x128xf32, #tpu.memory_space<hbm>> -> memref<128x128xf32, #tpu.memory_space<hbm>>
        %dma_start3A_39 = arith.constant 0 : i32
        %dma_start3A_40 = tpu.memref_slice %arg5[%arg0, %add3A_36, %dma_start3A_39] : memref<2x10240x128xf32, #tpu.memory_space<hbm>> -> memref<1x128x128xf32, #tpu.memory_space<hbm>>
        %dma_start3A_41 = tpu.memref_squeeze %dma_start3A_40 : memref<1x128x128xf32, #tpu.memory_space<hbm>> -> memref<128x128xf32, #tpu.memory_space<hbm>>
        tpu.enqueue_dma source(%arg8 : memref<128x128xf32, #tpu.memory_space<vmem>>) target(%dma_start3A_41 : memref<128x128xf32, #tpu.memory_space<hbm>>) target_semaphore(%run_scoped3A : memref<!tpu.dma_semaphore, #tpu.memory_space<semaphore_mem>>)
        %dma_wait3A = arith.constant 0 : i32
        %dma_wait3A_42 = tpu.memref_slice %arg5[%arg0, %add3A_36, %dma_wait3A] : memref<2x10240x128xf32, #tpu.memory_space<hbm>> -> memref<1x128x128xf32, #tpu.memory_space<hbm>>
        %dma_wait3A_43 = tpu.memref_squeeze %dma_wait3A_42 : memref<1x128x128xf32, #tpu.memory_space<hbm>> -> memref<128x128xf32, #tpu.memory_space<hbm>>
        %dma_wait3A_44 = arith.constant 0 : i32
        %dma_wait3A_45 = tpu.memref_slice %arg5[%arg0, %add3A_36, %dma_wait3A_44] : memref<2x10240x128xf32, #tpu.memory_space<hbm>> -> memref<1x128x128xf32, #tpu.memory_space<hbm>>
        %dma_wait3A_46 = tpu.memref_squeeze %dma_wait3A_45 : memref<1x128x128xf32, #tpu.memory_space<hbm>> -> memref<128x128xf32, #tpu.memory_space<hbm>>
        tpu.wait_dma2 semaphore(%run_scoped3A : memref<!tpu.dma_semaphore, #tpu.memory_space<semaphore_mem>>) src(%arg8 : memref<128x128xf32, #tpu.memory_space<vmem>>) dst(%dma_wait3A_46 : memref<128x128xf32, #tpu.memory_space<hbm>>)
        tpu.yield
      }) : () -> ()
    }
    %scan3A_25 = arith.constant 5 : i32
    return
  }
}

#map = affine_map<(d0, d1) -> (0, 0)>
#map1 = affine_map<(d0, d1) -> (0, 0, 0)>
module attributes {stable_mosaic.version = 14 : i64} {
  func.func @edge_kernel(%arg0: i32, %arg1: i32, %arg2: memref<10000x128xf32, #tpu.memory_space<hbm>>, %arg3: memref<32x80x125xi32, #tpu.memory_space<hbm>>, %arg4: memref<32x80x125xi32, #tpu.memory_space<hbm>>, %arg5: memref<2x10240x128xf32, #tpu.memory_space<hbm>>, %arg6: memref<16x125xi32, #tpu.memory_space<vmem>>, %arg7: memref<16x125xi32, #tpu.memory_space<vmem>>, %arg8: memref<128x128xf32, #tpu.memory_space<vmem>>, %arg9: memref<128x128xf32, #tpu.memory_space<vmem>>, %arg10: memref<10240x128xf32, #tpu.memory_space<vmem_shared>>, %arg11: memref<!tpu.dma_semaphore, #tpu.memory_space<semaphore_mem>>, %arg12: memref<!tpu.dma_semaphore, #tpu.memory_space<semaphore_mem>>) attributes {dimension_semantics = [#tpu.dimension_semantics<core_parallel>, #tpu.dimension_semantics<subcore_parallel>], iteration_bounds = array<i64: 2, 16>, scalar_prefetch = 0 : i64, scratch_operands = 7 : i64, tpu.core_type = #tpu.core_type<sc_vector_subcore>, window_params = [{transform_indices = #map}, {transform_indices = #map1}, {transform_indices = #map1}, {transform_indices = #map1}]} {
    %mul3A = arith.constant 16 : i32
    %mul3A_0 = arith.muli %arg0, %mul3A : i32
    %add3A = arith.addi %mul3A_0, %arg1 : i32
    %broadcast_in_dim3A = arith.constant 0.000000e+00 : f32
    %broadcast_in_dim3A_1 = vector.broadcast %broadcast_in_dim3A : f32 to vector<16xf32>
    %scan3A = arith.constant 0 : i32
    %scan3A_2 = arith.constant 0 : i32
    %scan3A_3 = arith.constant 128 : i32
    %scan3A_4 = arith.addi %scan3A_2, %scan3A_3 : i32
    %scan3A_5 = arith.constant 1 : i32
    scf.for %scan3A_26 = %scan3A_2 to %scan3A_4 step %scan3A_5  : i32 {
      %swap3A = arith.index_cast %scan3A_26 : i32 to index
      %swap3A_27 = arith.constant 0 : index
      %swap3A_28 = tpu.vector_load %arg8[%swap3A, %swap3A_27] {strides = array<i32>} : memref<128x128xf32, #tpu.memory_space<vmem>>, vector<1x16xf32>,
      %swap3A_29 = vector.shape_cast %swap3A_28 : vector<1x16xf32> to vector<16xf32>
      %swap3A_30 = vector.shape_cast %broadcast_in_dim3A_1 : vector<16xf32> to vector<1x16xf32>
      tpu.vector_store %arg8[%swap3A, %swap3A_27], %swap3A_30 {strides = array<i32>} : memref<128x128xf32, #tpu.memory_space<vmem>>, vector<1x16xf32>,
      %swap3A_31 = arith.index_cast %scan3A_26 : i32 to index
      %swap3A_32 = arith.constant 16 : index
      %swap3A_33 = tpu.vector_load %arg8[%swap3A_31, %swap3A_32] {strides = array<i32>} : memref<128x128xf32, #tpu.memory_space<vmem>>, vector<1x16xf32>,
      %swap3A_34 = vector.shape_cast %swap3A_33 : vector<1x16xf32> to vector<16xf32>
      %swap3A_35 = vector.shape_cast %broadcast_in_dim3A_1 : vector<16xf32> to vector<1x16xf32>
      tpu.vector_store %arg8[%swap3A_31, %swap3A_32], %swap3A_35 {strides = array<i32>} : memref<128x128xf32, #tpu.memory_space<vmem>>, vector<1x16xf32>,
      %swap3A_36 = arith.index_cast %scan3A_26 : i32 to index
      %swap3A_37 = arith.constant 32 : index
      %swap3A_38 = tpu.vector_load %arg8[%swap3A_36, %swap3A_37] {strides = array<i32>} : memref<128x128xf32, #tpu.memory_space<vmem>>, vector<1x16xf32>,
      %swap3A_39 = vector.shape_cast %swap3A_38 : vector<1x16xf32> to vector<16xf32>
      %swap3A_40 = vector.shape_cast %broadcast_in_dim3A_1 : vector<16xf32> to vector<1x16xf32>
      tpu.vector_store %arg8[%swap3A_36, %swap3A_37], %swap3A_40 {strides = array<i32>} : memref<128x128xf32, #tpu.memory_space<vmem>>, vector<1x16xf32>,
      %swap3A_41 = arith.index_cast %scan3A_26 : i32 to index
      %swap3A_42 = arith.constant 48 : index
      %swap3A_43 = tpu.vector_load %arg8[%swap3A_41, %swap3A_42] {strides = array<i32>} : memref<128x128xf32, #tpu.memory_space<vmem>>, vector<1x16xf32>,
      %swap3A_44 = vector.shape_cast %swap3A_43 : vector<1x16xf32> to vector<16xf32>
      %swap3A_45 = vector.shape_cast %broadcast_in_dim3A_1 : vector<16xf32> to vector<1x16xf32>
      tpu.vector_store %arg8[%swap3A_41, %swap3A_42], %swap3A_45 {strides = array<i32>} : memref<128x128xf32, #tpu.memory_space<vmem>>, vector<1x16xf32>,
      %swap3A_46 = arith.index_cast %scan3A_26 : i32 to index
      %swap3A_47 = arith.constant 64 : index
      %swap3A_48 = tpu.vector_load %arg8[%swap3A_46, %swap3A_47] {strides = array<i32>} : memref<128x128xf32, #tpu.memory_space<vmem>>, vector<1x16xf32>,
      %swap3A_49 = vector.shape_cast %swap3A_48 : vector<1x16xf32> to vector<16xf32>
      %swap3A_50 = vector.shape_cast %broadcast_in_dim3A_1 : vector<16xf32> to vector<1x16xf32>
      tpu.vector_store %arg8[%swap3A_46, %swap3A_47], %swap3A_50 {strides = array<i32>} : memref<128x128xf32, #tpu.memory_space<vmem>>, vector<1x16xf32>,
      %swap3A_51 = arith.index_cast %scan3A_26 : i32 to index
      %swap3A_52 = arith.constant 80 : index
      %swap3A_53 = tpu.vector_load %arg8[%swap3A_51, %swap3A_52] {strides = array<i32>} : memref<128x128xf32, #tpu.memory_space<vmem>>, vector<1x16xf32>,
      %swap3A_54 = vector.shape_cast %swap3A_53 : vector<1x16xf32> to vector<16xf32>
      %swap3A_55 = vector.shape_cast %broadcast_in_dim3A_1 : vector<16xf32> to vector<1x16xf32>
      tpu.vector_store %arg8[%swap3A_51, %swap3A_52], %swap3A_55 {strides = array<i32>} : memref<128x128xf32, #tpu.memory_space<vmem>>, vector<1x16xf32>,
      %swap3A_56 = arith.index_cast %scan3A_26 : i32 to index
      %swap3A_57 = arith.constant 96 : index
      %swap3A_58 = tpu.vector_load %arg8[%swap3A_56, %swap3A_57] {strides = array<i32>} : memref<128x128xf32, #tpu.memory_space<vmem>>, vector<1x16xf32>,
      %swap3A_59 = vector.shape_cast %swap3A_58 : vector<1x16xf32> to vector<16xf32>
      %swap3A_60 = vector.shape_cast %broadcast_in_dim3A_1 : vector<16xf32> to vector<1x16xf32>
      tpu.vector_store %arg8[%swap3A_56, %swap3A_57], %swap3A_60 {strides = array<i32>} : memref<128x128xf32, #tpu.memory_space<vmem>>, vector<1x16xf32>,
      %swap3A_61 = arith.index_cast %scan3A_26 : i32 to index
      %swap3A_62 = arith.constant 112 : index
      %swap3A_63 = tpu.vector_load %arg8[%swap3A_61, %swap3A_62] {strides = array<i32>} : memref<128x128xf32, #tpu.memory_space<vmem>>, vector<1x16xf32>,
      %swap3A_64 = vector.shape_cast %swap3A_63 : vector<1x16xf32> to vector<16xf32>
      %swap3A_65 = vector.shape_cast %broadcast_in_dim3A_1 : vector<16xf32> to vector<1x16xf32>
      tpu.vector_store %arg8[%swap3A_61, %swap3A_62], %swap3A_65 {strides = array<i32>} : memref<128x128xf32, #tpu.memory_space<vmem>>, vector<1x16xf32>,
    }
    %scan3A_6 = arith.constant 128 : i32
    %scan3A_7 = arith.constant 0 : i32
    %scan3A_8 = arith.constant 0 : i32
    %scan3A_9 = arith.constant 5 : i32
    %scan3A_10 = arith.addi %scan3A_8, %scan3A_9 : i32
    %scan3A_11 = arith.constant 1 : i32
    scf.for %scan3A_26 = %scan3A_8 to %scan3A_10 step %scan3A_11  : i32 {
      %mul3A_27 = arith.constant 640 : i32
      %mul3A_28 = arith.muli %arg1, %mul3A_27 : i32
      %mul3A_29 = arith.constant 128 : i32
      %mul3A_30 = arith.muli %scan3A_26, %mul3A_29 : i32
      %add3A_31 = arith.addi %mul3A_28, %mul3A_30 : i32
      "tpu.region"() ({
        %run_scoped3A = tpu.sem_alloc : memref<!tpu.dma_semaphore, #tpu.memory_space<semaphore_mem>>
        %dma_start3A = arith.constant 0 : i32
        %dma_start3A_32 = tpu.memref_slice %arg10[%add3A_31, %dma_start3A] : memref<10240x128xf32, #tpu.memory_space<vmem_shared>> -> memref<128x128xf32, #tpu.memory_space<vmem_shared>>
        %dma_start3A_33 = arith.constant 0 : i32
        %dma_start3A_34 = tpu.memref_slice %arg10[%add3A_31, %dma_start3A_33] : memref<10240x128xf32, #tpu.memory_space<vmem_shared>> -> memref<128x128xf32, #tpu.memory_space<vmem_shared>>
        tpu.enqueue_dma source(%arg8 : memref<128x128xf32, #tpu.memory_space<vmem>>) target(%dma_start3A_34 : memref<128x128xf32, #tpu.memory_space<vmem_shared>>) target_semaphore(%run_scoped3A : memref<!tpu.dma_semaphore, #tpu.memory_space<semaphore_mem>>)
        %dma_wait3A = arith.constant 0 : i32
        %dma_wait3A_35 = tpu.memref_slice %arg10[%add3A_31, %dma_wait3A] : memref<10240x128xf32, #tpu.memory_space<vmem_shared>> -> memref<128x128xf32, #tpu.memory_space<vmem_shared>>
        %dma_wait3A_36 = arith.constant 0 : i32
        %dma_wait3A_37 = tpu.memref_slice %arg10[%add3A_31, %dma_wait3A_36] : memref<10240x128xf32, #tpu.memory_space<vmem_shared>> -> memref<128x128xf32, #tpu.memory_space<vmem_shared>>
        tpu.wait_dma2 semaphore(%run_scoped3A : memref<!tpu.dma_semaphore, #tpu.memory_space<semaphore_mem>>) src(%arg8 : memref<128x128xf32, #tpu.memory_space<vmem>>) dst(%dma_wait3A_37 : memref<128x128xf32, #tpu.memory_space<vmem_shared>>)
        tpu.yield
      }) : () -> ()
    }
    %scan3A_12 = arith.constant 5 : i32
    %barrier3A = arith.constant 0 : index
    tpu.barrier barrier_id(%barrier3A)
    %scan3A_13 = arith.constant 0 : i32
    %scan3A_14 = arith.constant 0 : i32
    %scan3A_15 = arith.constant 5 : i32
    %scan3A_16 = arith.addi %scan3A_14, %scan3A_15 : i32
    %scan3A_17 = arith.constant 1 : i32
    scf.for %scan3A_26 = %scan3A_14 to %scan3A_16 step %scan3A_17  : i32 {
      %mul3A_27 = arith.constant 16 : i32
      %mul3A_28 = arith.muli %scan3A_26, %mul3A_27 : i32
      "tpu.region"() ({
        %run_scoped3A = tpu.sem_alloc : memref<!tpu.dma_semaphore, #tpu.memory_space<semaphore_mem>>
        %dma_start3A_46 = arith.constant 0 : i32
        %dma_start3A_47 = tpu.memref_slice %arg3[%add3A, %mul3A_28, %dma_start3A_46] : memref<32x80x125xi32, #tpu.memory_space<hbm>> -> memref<1x16x125xi32, #tpu.memory_space<hbm>>
        %dma_start3A_48 = tpu.memref_squeeze %dma_start3A_47 : memref<1x16x125xi32, #tpu.memory_space<hbm>> -> memref<16x125xi32, #tpu.memory_space<hbm>>
        %dma_start3A_49 = arith.constant 0 : i32
        %dma_start3A_50 = tpu.memref_slice %arg3[%add3A, %mul3A_28, %dma_start3A_49] : memref<32x80x125xi32, #tpu.memory_space<hbm>> -> memref<1x16x125xi32, #tpu.memory_space<hbm>>
        %dma_start3A_51 = tpu.memref_squeeze %dma_start3A_50 : memref<1x16x125xi32, #tpu.memory_space<hbm>> -> memref<16x125xi32, #tpu.memory_space<hbm>>
        tpu.enqueue_dma source(%dma_start3A_51 : memref<16x125xi32, #tpu.memory_space<hbm>>) target(%arg6 : memref<16x125xi32, #tpu.memory_space<vmem>>) target_semaphore(%run_scoped3A : memref<!tpu.dma_semaphore, #tpu.memory_space<semaphore_mem>>)
        %dma_wait3A = arith.constant 0 : i32
        %dma_wait3A_52 = tpu.memref_slice %arg3[%add3A, %mul3A_28, %dma_wait3A] : memref<32x80x125xi32, #tpu.memory_space<hbm>> -> memref<1x16x125xi32, #tpu.memory_space<hbm>>
        %dma_wait3A_53 = tpu.memref_squeeze %dma_wait3A_52 : memref<1x16x125xi32, #tpu.memory_space<hbm>> -> memref<16x125xi32, #tpu.memory_space<hbm>>
        %dma_wait3A_54 = arith.constant 0 : i32
        %dma_wait3A_55 = tpu.memref_slice %arg3[%add3A, %mul3A_28, %dma_wait3A_54] : memref<32x80x125xi32, #tpu.memory_space<hbm>> -> memref<1x16x125xi32, #tpu.memory_space<hbm>>
        %dma_wait3A_56 = tpu.memref_squeeze %dma_wait3A_55 : memref<1x16x125xi32, #tpu.memory_space<hbm>> -> memref<16x125xi32, #tpu.memory_space<hbm>>
        tpu.wait_dma2 semaphore(%run_scoped3A : memref<!tpu.dma_semaphore, #tpu.memory_space<semaphore_mem>>) src(%dma_wait3A_56 : memref<16x125xi32, #tpu.memory_space<hbm>>) dst(%arg6 : memref<16x125xi32, #tpu.memory_space<vmem>>)
        tpu.yield
      }) : () -> ()
      %mul3A_29 = arith.constant 16 : i32
      %mul3A_30 = arith.muli %scan3A_26, %mul3A_29 : i32
      "tpu.region"() ({
        %run_scoped3A = tpu.sem_alloc : memref<!tpu.dma_semaphore, #tpu.memory_space<semaphore_mem>>
        %dma_start3A_46 = arith.constant 0 : i32
        %dma_start3A_47 = tpu.memref_slice %arg4[%add3A, %mul3A_30, %dma_start3A_46] : memref<32x80x125xi32, #tpu.memory_space<hbm>> -> memref<1x16x125xi32, #tpu.memory_space<hbm>>
        %dma_start3A_48 = tpu.memref_squeeze %dma_start3A_47 : memref<1x16x125xi32, #tpu.memory_space<hbm>> -> memref<16x125xi32, #tpu.memory_space<hbm>>
        %dma_start3A_49 = arith.constant 0 : i32
        %dma_start3A_50 = tpu.memref_slice %arg4[%add3A, %mul3A_30, %dma_start3A_49] : memref<32x80x125xi32, #tpu.memory_space<hbm>> -> memref<1x16x125xi32, #tpu.memory_space<hbm>>
        %dma_start3A_51 = tpu.memref_squeeze %dma_start3A_50 : memref<1x16x125xi32, #tpu.memory_space<hbm>> -> memref<16x125xi32, #tpu.memory_space<hbm>>
        tpu.enqueue_dma source(%dma_start3A_51 : memref<16x125xi32, #tpu.memory_space<hbm>>) target(%arg7 : memref<16x125xi32, #tpu.memory_space<vmem>>) target_semaphore(%run_scoped3A : memref<!tpu.dma_semaphore, #tpu.memory_space<semaphore_mem>>)
        %dma_wait3A = arith.constant 0 : i32
        %dma_wait3A_52 = tpu.memref_slice %arg4[%add3A, %mul3A_30, %dma_wait3A] : memref<32x80x125xi32, #tpu.memory_space<hbm>> -> memref<1x16x125xi32, #tpu.memory_space<hbm>>
        %dma_wait3A_53 = tpu.memref_squeeze %dma_wait3A_52 : memref<1x16x125xi32, #tpu.memory_space<hbm>> -> memref<16x125xi32, #tpu.memory_space<hbm>>
        %dma_wait3A_54 = arith.constant 0 : i32
        %dma_wait3A_55 = tpu.memref_slice %arg4[%add3A, %mul3A_30, %dma_wait3A_54] : memref<32x80x125xi32, #tpu.memory_space<hbm>> -> memref<1x16x125xi32, #tpu.memory_space<hbm>>
        %dma_wait3A_56 = tpu.memref_squeeze %dma_wait3A_55 : memref<1x16x125xi32, #tpu.memory_space<hbm>> -> memref<16x125xi32, #tpu.memory_space<hbm>>
        tpu.wait_dma2 semaphore(%run_scoped3A : memref<!tpu.dma_semaphore, #tpu.memory_space<semaphore_mem>>) src(%dma_wait3A_56 : memref<16x125xi32, #tpu.memory_space<hbm>>) dst(%arg7 : memref<16x125xi32, #tpu.memory_space<vmem>>)
        tpu.yield
      }) : () -> ()
      %dma_start3A = arith.constant 0 : i32
      %dma_start3A_31 = arith.constant 0 : i32
      %dma_start3A_32 = arith.constant 0 : i32
      %dma_start3A_33 = tpu.memref_slice %arg8[%dma_start3A_31, %dma_start3A_32] : memref<128x128xf32, #tpu.memory_space<vmem>> -> memref<125x128xf32, #tpu.memory_space<vmem>>
      %dma_start3A_34 = arith.constant 0 : i32
      %dma_start3A_35 = tpu.memref_slice %arg6[%dma_start3A, %dma_start3A_34] : memref<16x125xi32, #tpu.memory_space<vmem>> -> memref<1x125xi32, #tpu.memory_space<vmem>>
      %dma_start3A_36 = tpu.memref_squeeze %dma_start3A_35 : memref<1x125xi32, #tpu.memory_space<vmem>> -> memref<125xi32, #tpu.memory_space<vmem>>
      %dma_start3A_37 = arith.constant 0 : i32
      %dma_start3A_38 = arith.constant 0 : i32
      %dma_start3A_39 = tpu.memref_slice %arg2[%dma_start3A_37, %dma_start3A_38] : memref<10000x128xf32, #tpu.memory_space<hbm>> -> memref<10000x128xf32, #tpu.memory_space<hbm>>
      tpu.enqueue_indirect_dma source(%dma_start3A_39 : memref<10000x128xf32, #tpu.memory_space<hbm>>) target(%dma_start3A_33 : memref<125x128xf32, #tpu.memory_space<vmem>>) offsets(%dma_start3A_36 : memref<125xi32, #tpu.memory_space<vmem>>) semaphore(%arg11 : memref<!tpu.dma_semaphore, #tpu.memory_space<semaphore_mem>>)
      %scan3A_40 = arith.constant 0 : i32
      %scan3A_41 = arith.constant 0 : i32
      %scan3A_42 = arith.constant 8 : i32
      %scan3A_43 = arith.addi %scan3A_41, %scan3A_42 : i32
      %scan3A_44 = arith.constant 1 : i32
      scf.for %scan3A_46 = %scan3A_41 to %scan3A_43 step %scan3A_44  : i32 {
        %mul3A_47 = arith.constant 2 : i32
        %mul3A_48 = arith.muli %mul3A_47, %scan3A_46 : i32
        %add3A_49 = arith.constant 0 : i32
        %add3A_50 = arith.addi %mul3A_48, %add3A_49 : i32
        %dma_wait3A = arith.constant 0 : i32
        %dma_wait3A_51 = arith.constant 0 : i32
        %dma_wait3A_52 = tpu.memref_slice %arg8[%dma_wait3A, %dma_wait3A_51] : memref<128x128xf32, #tpu.memory_space<vmem>> -> memref<125x128xf32, #tpu.memory_space<vmem>>
        %dma_wait3A_53 = arith.constant 0 : i32
        %dma_wait3A_54 = tpu.memref_slice %arg6[%add3A_50, %dma_wait3A_53] : memref<16x125xi32, #tpu.memory_space<vmem>> -> memref<1x125xi32, #tpu.memory_space<vmem>>
        %dma_wait3A_55 = tpu.memref_squeeze %dma_wait3A_54 : memref<1x125xi32, #tpu.memory_space<vmem>> -> memref<125xi32, #tpu.memory_space<vmem>>
        %dma_wait3A_56 = arith.constant 0 : i32
        %dma_wait3A_57 = arith.constant 0 : i32
        %dma_wait3A_58 = tpu.memref_slice %arg2[%dma_wait3A_56, %dma_wait3A_57] : memref<10000x128xf32, #tpu.memory_space<hbm>> -> memref<10000x128xf32, #tpu.memory_space<hbm>>
        tpu.wait_indirect_dma semaphore(%arg11 : memref<!tpu.dma_semaphore, #tpu.memory_space<semaphore_mem>>) src(%dma_wait3A_58 : memref<10000x128xf32, #tpu.memory_space<hbm>>) dst(%dma_wait3A_52 : memref<125x128xf32, #tpu.memory_space<vmem>>)
        %add3A_59 = arith.constant 1 : i32
        %add3A_60 = arith.addi %add3A_50, %add3A_59 : i32
        %lt3A = arith.constant 16 : i32
        %lt3A_61 = arith.cmpi slt, %add3A_60, %lt3A : i32
        %convert_element_type3A = arith.extui %lt3A_61 : i1 to i32
        %cond3A = arith.constant 0 : i32
        %cond3A_62 = arith.cmpi ne, %convert_element_type3A, %cond3A : i32
        scf.if %cond3A_62 {
          %add3A_83 = arith.constant 1 : i32
          %add3A_84 = arith.addi %add3A_50, %add3A_83 : i32
          %dma_start3A_85 = arith.constant 0 : i32
          %dma_start3A_86 = arith.constant 0 : i32
          %dma_start3A_87 = tpu.memref_slice %arg9[%dma_start3A_85, %dma_start3A_86] : memref<128x128xf32, #tpu.memory_space<vmem>> -> memref<125x128xf32, #tpu.memory_space<vmem>>
          %dma_start3A_88 = arith.constant 0 : i32
          %dma_start3A_89 = tpu.memref_slice %arg6[%add3A_84, %dma_start3A_88] : memref<16x125xi32, #tpu.memory_space<vmem>> -> memref<1x125xi32, #tpu.memory_space<vmem>>
          %dma_start3A_90 = tpu.memref_squeeze %dma_start3A_89 : memref<1x125xi32, #tpu.memory_space<vmem>> -> memref<125xi32, #tpu.memory_space<vmem>>
          %dma_start3A_91 = arith.constant 0 : i32
          %dma_start3A_92 = arith.constant 0 : i32
          %dma_start3A_93 = tpu.memref_slice %arg2[%dma_start3A_91, %dma_start3A_92] : memref<10000x128xf32, #tpu.memory_space<hbm>> -> memref<10000x128xf32, #tpu.memory_space<hbm>>
          tpu.enqueue_indirect_dma source(%dma_start3A_93 : memref<10000x128xf32, #tpu.memory_space<hbm>>) target(%dma_start3A_87 : memref<125x128xf32, #tpu.memory_space<vmem>>) offsets(%dma_start3A_90 : memref<125xi32, #tpu.memory_space<vmem>>) semaphore(%arg12 : memref<!tpu.dma_semaphore, #tpu.memory_space<semaphore_mem>>)
        } else {
        }
        "tpu.region"() ({
          %run_scoped3A = tpu.sem_alloc : memref<!tpu.dma_semaphore, #tpu.memory_space<semaphore_mem>>
          %dma_start3A_83 = arith.constant 0 : i32
          %dma_start3A_84 = arith.constant 0 : i32
          %dma_start3A_85 = tpu.memref_slice %arg8[%dma_start3A_83, %dma_start3A_84] : memref<128x128xf32, #tpu.memory_space<vmem>> -> memref<125x128xf32, #tpu.memory_space<vmem>>
          %dma_start3A_86 = arith.constant 0 : i32
          %dma_start3A_87 = tpu.memref_slice %arg7[%add3A_50, %dma_start3A_86] : memref<16x125xi32, #tpu.memory_space<vmem>> -> memref<1x125xi32, #tpu.memory_space<vmem>>
          %dma_start3A_88 = tpu.memref_squeeze %dma_start3A_87 : memref<1x125xi32, #tpu.memory_space<vmem>> -> memref<125xi32, #tpu.memory_space<vmem>>
          %dma_start3A_89 = arith.constant 0 : i32
          %dma_start3A_90 = arith.constant 0 : i32
          %dma_start3A_91 = tpu.memref_slice %arg10[%dma_start3A_89, %dma_start3A_90] : memref<10240x128xf32, #tpu.memory_space<vmem_shared>> -> memref<10240x128xf32, #tpu.memory_space<vmem_shared>>
          tpu.enqueue_indirect_dma source(%dma_start3A_85 : memref<125x128xf32, #tpu.memory_space<vmem>>) target(%dma_start3A_91 : memref<10240x128xf32, #tpu.memory_space<vmem_shared>>) offsets(%dma_start3A_88 : memref<125xi32, #tpu.memory_space<vmem>>) semaphore(%run_scoped3A : memref<!tpu.dma_semaphore, #tpu.memory_space<semaphore_mem>>) {add = true}
          %dma_wait3A_92 = arith.constant 0 : i32
          %dma_wait3A_93 = arith.constant 0 : i32
          %dma_wait3A_94 = tpu.memref_slice %arg8[%dma_wait3A_92, %dma_wait3A_93] : memref<128x128xf32, #tpu.memory_space<vmem>> -> memref<125x128xf32, #tpu.memory_space<vmem>>
          %dma_wait3A_95 = arith.constant 0 : i32
          %dma_wait3A_96 = tpu.memref_slice %arg7[%add3A_50, %dma_wait3A_95] : memref<16x125xi32, #tpu.memory_space<vmem>> -> memref<1x125xi32, #tpu.memory_space<vmem>>
          %dma_wait3A_97 = tpu.memref_squeeze %dma_wait3A_96 : memref<1x125xi32, #tpu.memory_space<vmem>> -> memref<125xi32, #tpu.memory_space<vmem>>
          %dma_wait3A_98 = arith.constant 0 : i32
          %dma_wait3A_99 = arith.constant 0 : i32
          %dma_wait3A_100 = tpu.memref_slice %arg10[%dma_wait3A_98, %dma_wait3A_99] : memref<10240x128xf32, #tpu.memory_space<vmem_shared>> -> memref<10240x128xf32, #tpu.memory_space<vmem_shared>>
          tpu.wait_indirect_dma semaphore(%run_scoped3A : memref<!tpu.dma_semaphore, #tpu.memory_space<semaphore_mem>>) src(%dma_wait3A_94 : memref<125x128xf32, #tpu.memory_space<vmem>>) dst(%dma_wait3A_100 : memref<10240x128xf32, #tpu.memory_space<vmem_shared>>)
          tpu.yield
        }) : () -> ()
        %mul3A_63 = arith.constant 2 : i32
        %mul3A_64 = arith.muli %mul3A_63, %scan3A_46 : i32
        %add3A_65 = arith.constant 1 : i32
        %add3A_66 = arith.addi %mul3A_64, %add3A_65 : i32
        %dma_wait3A_67 = arith.constant 0 : i32
        %dma_wait3A_68 = arith.constant 0 : i32
        %dma_wait3A_69 = tpu.memref_slice %arg9[%dma_wait3A_67, %dma_wait3A_68] : memref<128x128xf32, #tpu.memory_space<vmem>> -> memref<125x128xf32, #tpu.memory_space<vmem>>
        %dma_wait3A_70 = arith.constant 0 : i32
        %dma_wait3A_71 = tpu.memref_slice %arg6[%add3A_66, %dma_wait3A_70] : memref<16x125xi32, #tpu.memory_space<vmem>> -> memref<1x125xi32, #tpu.memory_space<vmem>>
        %dma_wait3A_72 = tpu.memref_squeeze %dma_wait3A_71 : memref<1x125xi32, #tpu.memory_space<vmem>> -> memref<125xi32, #tpu.memory_space<vmem>>
        %dma_wait3A_73 = arith.constant 0 : i32
        %dma_wait3A_74 = arith.constant 0 : i32
        %dma_wait3A_75 = tpu.memref_slice %arg2[%dma_wait3A_73, %dma_wait3A_74] : memref<10000x128xf32, #tpu.memory_space<hbm>> -> memref<10000x128xf32, #tpu.memory_space<hbm>>
        tpu.wait_indirect_dma semaphore(%arg12 : memref<!tpu.dma_semaphore, #tpu.memory_space<semaphore_mem>>) src(%dma_wait3A_75 : memref<10000x128xf32, #tpu.memory_space<hbm>>) dst(%dma_wait3A_69 : memref<125x128xf32, #tpu.memory_space<vmem>>)
        %add3A_76 = arith.constant 1 : i32
        %add3A_77 = arith.addi %add3A_66, %add3A_76 : i32
        %lt3A_78 = arith.constant 16 : i32
        %lt3A_79 = arith.cmpi slt, %add3A_77, %lt3A_78 : i32
        %convert_element_type3A_80 = arith.extui %lt3A_79 : i1 to i32
        %cond3A_81 = arith.constant 0 : i32
        %cond3A_82 = arith.cmpi ne, %convert_element_type3A_80, %cond3A_81 : i32
        scf.if %cond3A_82 {
          %add3A_83 = arith.constant 1 : i32
          %add3A_84 = arith.addi %add3A_66, %add3A_83 : i32
          %dma_start3A_85 = arith.constant 0 : i32
          %dma_start3A_86 = arith.constant 0 : i32
          %dma_start3A_87 = tpu.memref_slice %arg8[%dma_start3A_85, %dma_start3A_86] : memref<128x128xf32, #tpu.memory_space<vmem>> -> memref<125x128xf32, #tpu.memory_space<vmem>>
          %dma_start3A_88 = arith.constant 0 : i32
          %dma_start3A_89 = tpu.memref_slice %arg6[%add3A_84, %dma_start3A_88] : memref<16x125xi32, #tpu.memory_space<vmem>> -> memref<1x125xi32, #tpu.memory_space<vmem>>
          %dma_start3A_90 = tpu.memref_squeeze %dma_start3A_89 : memref<1x125xi32, #tpu.memory_space<vmem>> -> memref<125xi32, #tpu.memory_space<vmem>>
          %dma_start3A_91 = arith.constant 0 : i32
          %dma_start3A_92 = arith.constant 0 : i32
          %dma_start3A_93 = tpu.memref_slice %arg2[%dma_start3A_91, %dma_start3A_92] : memref<10000x128xf32, #tpu.memory_space<hbm>> -> memref<10000x128xf32, #tpu.memory_space<hbm>>
          tpu.enqueue_indirect_dma source(%dma_start3A_93 : memref<10000x128xf32, #tpu.memory_space<hbm>>) target(%dma_start3A_87 : memref<125x128xf32, #tpu.memory_space<vmem>>) offsets(%dma_start3A_90 : memref<125xi32, #tpu.memory_space<vmem>>) semaphore(%arg11 : memref<!tpu.dma_semaphore, #tpu.memory_space<semaphore_mem>>)
        } else {
        }
        "tpu.region"() ({
          %run_scoped3A = tpu.sem_alloc : memref<!tpu.dma_semaphore, #tpu.memory_space<semaphore_mem>>
          %dma_start3A_83 = arith.constant 0 : i32
          %dma_start3A_84 = arith.constant 0 : i32
          %dma_start3A_85 = tpu.memref_slice %arg9[%dma_start3A_83, %dma_start3A_84] : memref<128x128xf32, #tpu.memory_space<vmem>> -> memref<125x128xf32, #tpu.memory_space<vmem>>
          %dma_start3A_86 = arith.constant 0 : i32
          %dma_start3A_87 = tpu.memref_slice %arg7[%add3A_66, %dma_start3A_86] : memref<16x125xi32, #tpu.memory_space<vmem>> -> memref<1x125xi32, #tpu.memory_space<vmem>>
          %dma_start3A_88 = tpu.memref_squeeze %dma_start3A_87 : memref<1x125xi32, #tpu.memory_space<vmem>> -> memref<125xi32, #tpu.memory_space<vmem>>
          %dma_start3A_89 = arith.constant 0 : i32
          %dma_start3A_90 = arith.constant 0 : i32
          %dma_start3A_91 = tpu.memref_slice %arg10[%dma_start3A_89, %dma_start3A_90] : memref<10240x128xf32, #tpu.memory_space<vmem_shared>> -> memref<10240x128xf32, #tpu.memory_space<vmem_shared>>
          tpu.enqueue_indirect_dma source(%dma_start3A_85 : memref<125x128xf32, #tpu.memory_space<vmem>>) target(%dma_start3A_91 : memref<10240x128xf32, #tpu.memory_space<vmem_shared>>) offsets(%dma_start3A_88 : memref<125xi32, #tpu.memory_space<vmem>>) semaphore(%run_scoped3A : memref<!tpu.dma_semaphore, #tpu.memory_space<semaphore_mem>>) {add = true}
          %dma_wait3A_92 = arith.constant 0 : i32
          %dma_wait3A_93 = arith.constant 0 : i32
          %dma_wait3A_94 = tpu.memref_slice %arg9[%dma_wait3A_92, %dma_wait3A_93] : memref<128x128xf32, #tpu.memory_space<vmem>> -> memref<125x128xf32, #tpu.memory_space<vmem>>
          %dma_wait3A_95 = arith.constant 0 : i32
          %dma_wait3A_96 = tpu.memref_slice %arg7[%add3A_66, %dma_wait3A_95] : memref<16x125xi32, #tpu.memory_space<vmem>> -> memref<1x125xi32, #tpu.memory_space<vmem>>
          %dma_wait3A_97 = tpu.memref_squeeze %dma_wait3A_96 : memref<1x125xi32, #tpu.memory_space<vmem>> -> memref<125xi32, #tpu.memory_space<vmem>>
          %dma_wait3A_98 = arith.constant 0 : i32
          %dma_wait3A_99 = arith.constant 0 : i32
          %dma_wait3A_100 = tpu.memref_slice %arg10[%dma_wait3A_98, %dma_wait3A_99] : memref<10240x128xf32, #tpu.memory_space<vmem_shared>> -> memref<10240x128xf32, #tpu.memory_space<vmem_shared>>
          tpu.wait_indirect_dma semaphore(%run_scoped3A : memref<!tpu.dma_semaphore, #tpu.memory_space<semaphore_mem>>) src(%dma_wait3A_94 : memref<125x128xf32, #tpu.memory_space<vmem>>) dst(%dma_wait3A_100 : memref<10240x128xf32, #tpu.memory_space<vmem_shared>>)
          tpu.yield
        }) : () -> ()
      }
      %scan3A_45 = arith.constant 8 : i32
    }
    %scan3A_18 = arith.constant 5 : i32
    %barrier3A_19 = arith.constant 0 : index
    tpu.barrier barrier_id(%barrier3A_19)
    %scan3A_20 = arith.constant 0 : i32
    %scan3A_21 = arith.constant 0 : i32
    %scan3A_22 = arith.constant 5 : i32
    %scan3A_23 = arith.addi %scan3A_21, %scan3A_22 : i32
    %scan3A_24 = arith.constant 1 : i32
    scf.for %scan3A_26 = %scan3A_21 to %scan3A_23 step %scan3A_24  : i32 {
      %mul3A_27 = arith.constant 640 : i32
      %mul3A_28 = arith.muli %arg1, %mul3A_27 : i32
      %mul3A_29 = arith.constant 128 : i32
      %mul3A_30 = arith.muli %scan3A_26, %mul3A_29 : i32
      %add3A_31 = arith.addi %mul3A_28, %mul3A_30 : i32
      "tpu.region"() ({
        %run_scoped3A = tpu.sem_alloc : memref<!tpu.dma_semaphore, #tpu.memory_space<semaphore_mem>>
        %dma_start3A = arith.constant 0 : i32
        %dma_start3A_37 = tpu.memref_slice %arg10[%add3A_31, %dma_start3A] : memref<10240x128xf32, #tpu.memory_space<vmem_shared>> -> memref<128x128xf32, #tpu.memory_space<vmem_shared>>
        %dma_start3A_38 = arith.constant 0 : i32
        %dma_start3A_39 = tpu.memref_slice %arg10[%add3A_31, %dma_start3A_38] : memref<10240x128xf32, #tpu.memory_space<vmem_shared>> -> memref<128x128xf32, #tpu.memory_space<vmem_shared>>
        tpu.enqueue_dma source(%dma_start3A_39 : memref<128x128xf32, #tpu.memory_space<vmem_shared>>) target(%arg8 : memref<128x128xf32, #tpu.memory_space<vmem>>) target_semaphore(%run_scoped3A : memref<!tpu.dma_semaphore, #tpu.memory_space<semaphore_mem>>)
        %dma_wait3A = arith.constant 0 : i32
        %dma_wait3A_40 = tpu.memref_slice %arg10[%add3A_31, %dma_wait3A] : memref<10240x128xf32, #tpu.memory_space<vmem_shared>> -> memref<128x128xf32, #tpu.memory_space<vmem_shared>>
        %dma_wait3A_41 = arith.constant 0 : i32
        %dma_wait3A_42 = tpu.memref_slice %arg10[%add3A_31, %dma_wait3A_41] : memref<10240x128xf32, #tpu.memory_space<vmem_shared>> -> memref<128x128xf32, #tpu.memory_space<vmem_shared>>
        tpu.wait_dma2 semaphore(%run_scoped3A : memref<!tpu.dma_semaphore, #tpu.memory_space<semaphore_mem>>) src(%dma_wait3A_42 : memref<128x128xf32, #tpu.memory_space<vmem_shared>>) dst(%arg8 : memref<128x128xf32, #tpu.memory_space<vmem>>)
        tpu.yield
      }) : () -> ()
      %mul3A_32 = arith.constant 640 : i32
      %mul3A_33 = arith.muli %arg1, %mul3A_32 : i32
      %mul3A_34 = arith.constant 128 : i32
      %mul3A_35 = arith.muli %scan3A_26, %mul3A_34 : i32
      %add3A_36 = arith.addi %mul3A_33, %mul3A_35 : i32
      "tpu.region"() ({
        %run_scoped3A = tpu.sem_alloc : memref<!tpu.dma_semaphore, #tpu.memory_space<semaphore_mem>>
        %dma_start3A = arith.constant 0 : i32
        %dma_start3A_37 = tpu.memref_slice %arg5[%arg0, %add3A_36, %dma_start3A] : memref<2x10240x128xf32, #tpu.memory_space<hbm>> -> memref<1x128x128xf32, #tpu.memory_space<hbm>>
        %dma_start3A_38 = tpu.memref_squeeze %dma_start3A_37 : memref<1x128x128xf32, #tpu.memory_space<hbm>> -> memref<128x128xf32, #tpu.memory_space<hbm>>
        %dma_start3A_39 = arith.constant 0 : i32
        %dma_start3A_40 = tpu.memref_slice %arg5[%arg0, %add3A_36, %dma_start3A_39] : memref<2x10240x128xf32, #tpu.memory_space<hbm>> -> memref<1x128x128xf32, #tpu.memory_space<hbm>>
        %dma_start3A_41 = tpu.memref_squeeze %dma_start3A_40 : memref<1x128x128xf32, #tpu.memory_space<hbm>> -> memref<128x128xf32, #tpu.memory_space<hbm>>
        tpu.enqueue_dma source(%arg8 : memref<128x128xf32, #tpu.memory_space<vmem>>) target(%dma_start3A_41 : memref<128x128xf32, #tpu.memory_space<hbm>>) target_semaphore(%run_scoped3A : memref<!tpu.dma_semaphore, #tpu.memory_space<semaphore_mem>>)
        %dma_wait3A = arith.constant 0 : i32
        %dma_wait3A_42 = tpu.memref_slice %arg5[%arg0, %add3A_36, %dma_wait3A] : memref<2x10240x128xf32, #tpu.memory_space<hbm>> -> memref<1x128x128xf32, #tpu.memory_space<hbm>>
        %dma_wait3A_43 = tpu.memref_squeeze %dma_wait3A_42 : memref<1x128x128xf32, #tpu.memory_space<hbm>> -> memref<128x128xf32, #tpu.memory_space<hbm>>
        %dma_wait3A_44 = arith.constant 0 : i32
        %dma_wait3A_45 = tpu.memref_slice %arg5[%arg0, %add3A_36, %dma_wait3A_44] : memref<2x10240x128xf32, #tpu.memory_space<hbm>> -> memref<1x128x128xf32, #tpu.memory_space<hbm>>
        %dma_wait3A_46 = tpu.memref_squeeze %dma_wait3A_45 : memref<1x128x128xf32, #tpu.memory_space<hbm>> -> memref<128x128xf32, #tpu.memory_space<hbm>>
        tpu.wait_dma2 semaphore(%run_scoped3A : memref<!tpu.dma_semaphore, #tpu.memory_space<semaphore_mem>>) src(%arg8 : memref<128x128xf32, #tpu.memory_space<vmem>>) dst(%dma_wait3A_46 : memref<128x128xf32, #tpu.memory_space<hbm>>)
        tpu.yield
      }) : () -> ()
    }
    %scan3A_25 = arith.constant 5 : i32
    return
  }
}

module attributes {stable_mosaic.version = 14 : i64} {
  func.func @body(%arg0: memref<2x10240x128xf32, #tpu.memory_space<vmem>>, %arg1: memref<10000x128xf32, #tpu.memory_space<vmem>>, %arg2: memref<128x32xf32, #tpu.memory_space<vmem>>, %arg3: memref<10000x1xf32, #tpu.memory_space<vmem>>, %arg4: memref<10000x128xf32, #tpu.memory_space<vmem>>) attributes {dimension_semantics = [], scalar_prefetch = 0 : i64, scratch_operands = 0 : i64, tpu.core_type = #tpu.core_type<tc>} {
    %get3A = arith.constant 0 : index
    %get3A_0 = arith.constant 0 : index
    %get3A_1 = arith.constant 0 : index
    %get3A_2 = vector.load %arg0[%get3A, %get3A_0, %get3A_1] : memref<2x10240x128xf32, #tpu.memory_space<vmem>>, vector<2x10240x128xf32>
    %slice3A = vector.extract_strided_slice %get3A_2 {offsets = [0, 0, 0], sizes = [1, 10000, 1], strides = [1, 1, 1]} : vector<2x10240x128xf32> to vector<1x10000x1xf32>
    %squeeze3A = vector.shape_cast %slice3A : vector<1x10000x1xf32> to vector<10000xf32>
    %add3A = arith.constant 1.000000e+00 : f32
    %add3A_3 = vector.broadcast %add3A : f32 to vector<10000xf32>
    %add3A_4 = arith.addf %add3A_3, %squeeze3A : vector<10000xf32>
    %slice3A_5 = vector.extract_strided_slice %get3A_2 {offsets = [1, 0, 0], sizes = [1, 10000, 1], strides = [1, 1, 1]} : vector<2x10240x128xf32> to vector<1x10000x1xf32>
    %squeeze3A_6 = vector.shape_cast %slice3A_5 : vector<1x10000x1xf32> to vector<10000xf32>
    %add3A_7 = arith.addf %add3A_4, %squeeze3A_6 : vector<10000xf32>
    %sqrt3A = math.sqrt %add3A_7 : vector<10000xf32>
    %div3A = arith.constant 1.000000e+00 : f32
    %div3A_8 = vector.broadcast %div3A : f32 to vector<10000xf32>
    %div3A_9 = arith.divf %div3A_8, %sqrt3A : vector<10000xf32>
    %broadcast_in_dim3A = vector.shape_cast %div3A_9 : vector<10000xf32> to vector<10000x1xf32>
    %swap3A = arith.constant 0 : index
    %swap3A_10 = arith.constant 0 : index
    %swap3A_11 = vector.load %arg3[%swap3A, %swap3A_10] : memref<10000x1xf32, #tpu.memory_space<vmem>>, vector<10000x1xf32>
    tpu.vector_store %arg3[%swap3A, %swap3A_10], %broadcast_in_dim3A {strides = array<i32>} : memref<10000x1xf32, #tpu.memory_space<vmem>>, vector<10000x1xf32>,
    %get3A_12 = arith.constant 0 : index
    %get3A_13 = arith.constant 0 : index
    %get3A_14 = vector.load %arg1[%get3A_12, %get3A_13] : memref<10000x128xf32, #tpu.memory_space<vmem>>, vector<10000x128xf32>
    %get3A_15 = arith.constant 0 : index
    %get3A_16 = arith.constant 0 : index
    %get3A_17 = vector.load %arg2[%get3A_15, %get3A_16] : memref<128x32xf32, #tpu.memory_space<vmem>>, vector<128x32xf32>
    %dot_general3A = arith.constant dense<0.000000e+00> : vector<10000x32xf32>
    %dot_general3A_18 = tpu.matmul %get3A_14, %get3A_17, %dot_general3A {dimension_numbers = #tpu.dot_dimension_numbers<[1], [0], [0], [1], [0, 0, 1, 1], [], []>, transpose_lhs_hint = false} : vector<10000x128xf32>, vector<128x32xf32>, vector<10000x32xf32> -> vector<10000x32xf32>
    %mul3A = vector.broadcast %broadcast_in_dim3A : vector<10000x1xf32> to vector<10000x32xf32>
    %mul3A_19 = arith.mulf %dot_general3A_18, %mul3A : vector<10000x32xf32>
    %broadcast_in_dim3A_20 = arith.constant 0.000000e+00 : f32
    %broadcast_in_dim3A_21 = vector.broadcast %broadcast_in_dim3A_20 : f32 to vector<10000x96xf32>
    %concatenate3A = tpu.concatenate %mul3A_19, %broadcast_in_dim3A_21 in 1 : vector<10000x32xf32>, vector<10000x96xf32> -> vector<10000x128xf32>
    %swap3A_22 = arith.constant 0 : index
    %swap3A_23 = arith.constant 0 : index
    %swap3A_24 = vector.load %arg4[%swap3A_22, %swap3A_23] : memref<10000x128xf32, #tpu.memory_space<vmem>>, vector<10000x128xf32>
    tpu.vector_store %arg4[%swap3A_22, %swap3A_23], %concatenate3A {strides = array<i32>} : memref<10000x128xf32, #tpu.memory_space<vmem>>, vector<10000x128xf32>,
    return
  }
}

module attributes {stable_mosaic.version = 14 : i64} {
  func.func @body(%arg0: memref<2x10240x128xf32, #tpu.memory_space<vmem>>, %arg1: memref<10000x128xf32, #tpu.memory_space<vmem>>, %arg2: memref<10000x1xf32, #tpu.memory_space<vmem>>, %arg3: memref<1x32xf32, #tpu.memory_space<vmem>>, %arg4: memref<32x64xf32, #tpu.memory_space<vmem>>, %arg5: memref<10000x128xf32, #tpu.memory_space<vmem>>) attributes {dimension_semantics = [], scalar_prefetch = 0 : i64, scratch_operands = 0 : i64, tpu.core_type = #tpu.core_type<tc>} {
    %get3A = arith.constant 0 : index
    %get3A_0 = arith.constant 0 : index
    %get3A_1 = arith.constant 0 : index
    %get3A_2 = vector.load %arg0[%get3A, %get3A_0, %get3A_1] : memref<2x10240x128xf32, #tpu.memory_space<vmem>>, vector<2x10240x128xf32>
    %get3A_3 = arith.constant 0 : index
    %get3A_4 = arith.constant 0 : index
    %get3A_5 = vector.load %arg2[%get3A_3, %get3A_4] : memref<10000x1xf32, #tpu.memory_space<vmem>>, vector<10000x1xf32>
    %slice3A = vector.extract_strided_slice %get3A_2 {offsets = [0, 0, 0], sizes = [1, 10000, 32], strides = [1, 1, 1]} : vector<2x10240x128xf32> to vector<1x10000x32xf32>
    %squeeze3A = vector.shape_cast %slice3A : vector<1x10000x32xf32> to vector<10000x32xf32>
    %slice3A_6 = vector.extract_strided_slice %get3A_2 {offsets = [1, 0, 0], sizes = [1, 10000, 32], strides = [1, 1, 1]} : vector<2x10240x128xf32> to vector<1x10000x32xf32>
    %squeeze3A_7 = vector.shape_cast %slice3A_6 : vector<1x10000x32xf32> to vector<10000x32xf32>
    %add3A = arith.addf %squeeze3A, %squeeze3A_7 : vector<10000x32xf32>
    %get3A_8 = arith.constant 0 : index
    %get3A_9 = arith.constant 0 : index
    %get3A_10 = vector.load %arg1[%get3A_8, %get3A_9] : memref<10000x128xf32, #tpu.memory_space<vmem>>, vector<10000x32xf32>
    %add3A_11 = arith.addf %add3A, %get3A_10 : vector<10000x32xf32>
    %mul3A = vector.broadcast %get3A_5 : vector<10000x1xf32> to vector<10000x32xf32>
    %mul3A_12 = arith.mulf %mul3A, %add3A_11 : vector<10000x32xf32>
    %get3A_13 = arith.constant 0 : index
    %get3A_14 = arith.constant 0 : index
    %get3A_15 = vector.load %arg3[%get3A_13, %get3A_14] : memref<1x32xf32, #tpu.memory_space<vmem>>, vector<1x32xf32>
    %add3A_16 = vector.broadcast %get3A_15 : vector<1x32xf32> to vector<10000x32xf32>
    %add3A_17 = arith.addf %mul3A_12, %add3A_16 : vector<10000x32xf32>
    %max3A = arith.constant 0.000000e+00 : f32
    %max3A_18 = vector.broadcast %max3A : f32 to vector<10000x32xf32>
    %max3A_19 = arith.maximumf %add3A_17, %max3A_18 : vector<10000x32xf32>
    %get3A_20 = arith.constant 0 : index
    %get3A_21 = arith.constant 0 : index
    %get3A_22 = vector.load %arg4[%get3A_20, %get3A_21] : memref<32x64xf32, #tpu.memory_space<vmem>>, vector<32x64xf32>
    %dot_general3A = arith.constant dense<0.000000e+00> : vector<10000x64xf32>
    %dot_general3A_23 = tpu.matmul %max3A_19, %get3A_22, %dot_general3A {dimension_numbers = #tpu.dot_dimension_numbers<[1], [0], [0], [1], [0, 0, 1, 1], [], []>, transpose_lhs_hint = false} : vector<10000x32xf32>, vector<32x64xf32>, vector<10000x64xf32> -> vector<10000x64xf32>
    %mul3A_24 = vector.broadcast %get3A_5 : vector<10000x1xf32> to vector<10000x64xf32>
    %mul3A_25 = arith.mulf %dot_general3A_23, %mul3A_24 : vector<10000x64xf32>
    %broadcast_in_dim3A = arith.constant 0.000000e+00 : f32
    %broadcast_in_dim3A_26 = vector.broadcast %broadcast_in_dim3A : f32 to vector<10000x64xf32>
    %concatenate3A = tpu.concatenate %mul3A_25, %broadcast_in_dim3A_26 in 1 : vector<10000x64xf32>, vector<10000x64xf32> -> vector<10000x128xf32>
    %swap3A = arith.constant 0 : index
    %swap3A_27 = arith.constant 0 : index
    %swap3A_28 = vector.load %arg5[%swap3A, %swap3A_27] : memref<10000x128xf32, #tpu.memory_space<vmem>>, vector<10000x128xf32>
    tpu.vector_store %arg5[%swap3A, %swap3A_27], %concatenate3A {strides = array<i32>} : memref<10000x128xf32, #tpu.memory_space<vmem>>, vector<10000x128xf32>,
    return
  }
}

module attributes {stable_mosaic.version = 14 : i64} {
  func.func @body(%arg0: memref<2x10240x128xf32, #tpu.memory_space<vmem>>, %arg1: memref<10000x128xf32, #tpu.memory_space<vmem>>, %arg2: memref<10000x1xf32, #tpu.memory_space<vmem>>, %arg3: memref<1x64xf32, #tpu.memory_space<vmem>>, %arg4: memref<64x64xf32, #tpu.memory_space<vmem>>, %arg5: memref<10000x128xf32, #tpu.memory_space<vmem>>) attributes {dimension_semantics = [], scalar_prefetch = 0 : i64, scratch_operands = 0 : i64, tpu.core_type = #tpu.core_type<tc>} {
    %get3A = arith.constant 0 : index
    %get3A_0 = arith.constant 0 : index
    %get3A_1 = arith.constant 0 : index
    %get3A_2 = vector.load %arg0[%get3A, %get3A_0, %get3A_1] : memref<2x10240x128xf32, #tpu.memory_space<vmem>>, vector<2x10240x128xf32>
    %get3A_3 = arith.constant 0 : index
    %get3A_4 = arith.constant 0 : index
    %get3A_5 = vector.load %arg2[%get3A_3, %get3A_4] : memref<10000x1xf32, #tpu.memory_space<vmem>>, vector<10000x1xf32>
    %slice3A = vector.extract_strided_slice %get3A_2 {offsets = [0, 0, 0], sizes = [1, 10000, 64], strides = [1, 1, 1]} : vector<2x10240x128xf32> to vector<1x10000x64xf32>
    %squeeze3A = vector.shape_cast %slice3A : vector<1x10000x64xf32> to vector<10000x64xf32>
    %slice3A_6 = vector.extract_strided_slice %get3A_2 {offsets = [1, 0, 0], sizes = [1, 10000, 64], strides = [1, 1, 1]} : vector<2x10240x128xf32> to vector<1x10000x64xf32>
    %squeeze3A_7 = vector.shape_cast %slice3A_6 : vector<1x10000x64xf32> to vector<10000x64xf32>
    %add3A = arith.addf %squeeze3A, %squeeze3A_7 : vector<10000x64xf32>
    %get3A_8 = arith.constant 0 : index
    %get3A_9 = arith.constant 0 : index
    %get3A_10 = vector.load %arg1[%get3A_8, %get3A_9] : memref<10000x128xf32, #tpu.memory_space<vmem>>, vector<10000x64xf32>
    %add3A_11 = arith.addf %add3A, %get3A_10 : vector<10000x64xf32>
    %mul3A = vector.broadcast %get3A_5 : vector<10000x1xf32> to vector<10000x64xf32>
    %mul3A_12 = arith.mulf %mul3A, %add3A_11 : vector<10000x64xf32>
    %get3A_13 = arith.constant 0 : index
    %get3A_14 = arith.constant 0 : index
    %get3A_15 = vector.load %arg3[%get3A_13, %get3A_14] : memref<1x64xf32, #tpu.memory_space<vmem>>, vector<1x64xf32>
    %add3A_16 = vector.broadcast %get3A_15 : vector<1x64xf32> to vector<10000x64xf32>
    %add3A_17 = arith.addf %mul3A_12, %add3A_16 : vector<10000x64xf32>
    %max3A = arith.constant 0.000000e+00 : f32
    %max3A_18 = vector.broadcast %max3A : f32 to vector<10000x64xf32>
    %max3A_19 = arith.maximumf %add3A_17, %max3A_18 : vector<10000x64xf32>
    %get3A_20 = arith.constant 0 : index
    %get3A_21 = arith.constant 0 : index
    %get3A_22 = vector.load %arg4[%get3A_20, %get3A_21] : memref<64x64xf32, #tpu.memory_space<vmem>>, vector<64x64xf32>
    %dot_general3A = arith.constant dense<0.000000e+00> : vector<10000x64xf32>
    %dot_general3A_23 = tpu.matmul %max3A_19, %get3A_22, %dot_general3A {dimension_numbers = #tpu.dot_dimension_numbers<[1], [0], [0], [1], [0, 0, 1, 1], [], []>, transpose_lhs_hint = false} : vector<10000x64xf32>, vector<64x64xf32>, vector<10000x64xf32> -> vector<10000x64xf32>
    %mul3A_24 = vector.broadcast %get3A_5 : vector<10000x1xf32> to vector<10000x64xf32>
    %mul3A_25 = arith.mulf %dot_general3A_23, %mul3A_24 : vector<10000x64xf32>
    %broadcast_in_dim3A = arith.constant 0.000000e+00 : f32
    %broadcast_in_dim3A_26 = vector.broadcast %broadcast_in_dim3A : f32 to vector<10000x64xf32>
    %concatenate3A = tpu.concatenate %mul3A_25, %broadcast_in_dim3A_26 in 1 : vector<10000x64xf32>, vector<10000x64xf32> -> vector<10000x128xf32>
    %swap3A = arith.constant 0 : index
    %swap3A_27 = arith.constant 0 : index
    %swap3A_28 = vector.load %arg5[%swap3A, %swap3A_27] : memref<10000x128xf32, #tpu.memory_space<vmem>>, vector<10000x128xf32>
    tpu.vector_store %arg5[%swap3A, %swap3A_27], %concatenate3A {strides = array<i32>} : memref<10000x128xf32, #tpu.memory_space<vmem>>, vector<10000x128xf32>,
    return
  }
}

module attributes {stable_mosaic.version = 14 : i64} {
  func.func @body(%arg0: memref<2x10240x128xf32, #tpu.memory_space<vmem>>, %arg1: memref<10000x128xf32, #tpu.memory_space<vmem>>, %arg2: memref<10000x1xf32, #tpu.memory_space<vmem>>, %arg3: memref<1x64xf32, #tpu.memory_space<vmem>>, %arg4: memref<10000x1xi32, #tpu.memory_space<vmem>>, %arg5: memref<64x32xf32, #tpu.memory_space<vmem>>, %arg6: memref<1x32xf32, #tpu.memory_space<vmem>>, %arg7: memref<32x1xf32, #tpu.memory_space<vmem>>, %arg8: memref<1x1xf32, #tpu.memory_space<vmem>>, %arg9: memref<64x1xf32, #tpu.memory_space<vmem>>) attributes {dimension_semantics = [], scalar_prefetch = 0 : i64, scratch_operands = 0 : i64, tpu.core_type = #tpu.core_type<tc>} {
    %get3A = arith.constant 0 : index
    %get3A_0 = arith.constant 0 : index
    %get3A_1 = arith.constant 0 : index
    %get3A_2 = vector.load %arg0[%get3A, %get3A_0, %get3A_1] : memref<2x10240x128xf32, #tpu.memory_space<vmem>>, vector<2x10240x128xf32>
    %slice3A = vector.extract_strided_slice %get3A_2 {offsets = [0, 0, 0], sizes = [1, 10000, 64], strides = [1, 1, 1]} : vector<2x10240x128xf32> to vector<1x10000x64xf32>
    %squeeze3A = vector.shape_cast %slice3A : vector<1x10000x64xf32> to vector<10000x64xf32>
    %slice3A_3 = vector.extract_strided_slice %get3A_2 {offsets = [1, 0, 0], sizes = [1, 10000, 64], strides = [1, 1, 1]} : vector<2x10240x128xf32> to vector<1x10000x64xf32>
    %squeeze3A_4 = vector.shape_cast %slice3A_3 : vector<1x10000x64xf32> to vector<10000x64xf32>
    %add3A = arith.addf %squeeze3A, %squeeze3A_4 : vector<10000x64xf32>
    %get3A_5 = arith.constant 0 : index
    %get3A_6 = arith.constant 0 : index
    %get3A_7 = vector.load %arg1[%get3A_5, %get3A_6] : memref<10000x128xf32, #tpu.memory_space<vmem>>, vector<10000x64xf32>
    %add3A_8 = arith.addf %add3A, %get3A_7 : vector<10000x64xf32>
    %get3A_9 = arith.constant 0 : index
    %get3A_10 = arith.constant 0 : index
    %get3A_11 = vector.load %arg2[%get3A_9, %get3A_10] : memref<10000x1xf32, #tpu.memory_space<vmem>>, vector<10000x1xf32>
    %mul3A = vector.broadcast %get3A_11 : vector<10000x1xf32> to vector<10000x64xf32>
    %mul3A_12 = arith.mulf %mul3A, %add3A_8 : vector<10000x64xf32>
    %get3A_13 = arith.constant 0 : index
    %get3A_14 = arith.constant 0 : index
    %get3A_15 = vector.load %arg3[%get3A_13, %get3A_14] : memref<1x64xf32, #tpu.memory_space<vmem>>, vector<1x64xf32>
    %add3A_16 = vector.broadcast %get3A_15 : vector<1x64xf32> to vector<10000x64xf32>
    %add3A_17 = arith.addf %mul3A_12, %add3A_16 : vector<10000x64xf32>
    %max3A = arith.constant 0.000000e+00 : f32
    %max3A_18 = vector.broadcast %max3A : f32 to vector<10000x64xf32>
    %max3A_19 = arith.maximumf %add3A_17, %max3A_18 : vector<10000x64xf32>
    %iota3A = tpu.iota {dimensions = array<i32: 1>} : vector<10000x64xi32>
    %get3A_20 = arith.constant 0 : index
    %get3A_21 = arith.constant 0 : index
    %get3A_22 = vector.load %arg4[%get3A_20, %get3A_21] : memref<10000x1xi32, #tpu.memory_space<vmem>>, vector<10000x1xi32>
    %eq3A = vector.broadcast %get3A_22 : vector<10000x1xi32> to vector<10000x64xi32>
    %eq3A_23 = arith.cmpi eq, %eq3A, %iota3A : vector<10000x64xi32>
    %convert_element_type3A = arith.extui %eq3A_23 : vector<10000x64xi1> to vector<10000x64xi32>
    %convert_element_type3A_24 = arith.sitofp %convert_element_type3A : vector<10000x64xi32> to vector<10000x64xf32>
    %dot_general3A = arith.constant dense<0.000000e+00> : vector<64x64xf32>
    %dot_general3A_25 = tpu.matmul %convert_element_type3A_24, %max3A_19, %dot_general3A {dimension_numbers = #tpu.dot_dimension_numbers<[0], [0], [1], [1], [0, 1, 1, 1], [], []>, precision = #tpu.contract_precision<fp32>, transpose_lhs_hint = false} : vector<10000x64xf32>, vector<10000x64xf32>, vector<64x64xf32> -> vector<64x64xf32>
    %reduce_sum3A = arith.constant dense<0.000000e+00> : vector<64xf32>
    %reduce_sum3A_26 = vector.multi_reduction <add>, %convert_element_type3A_24, %reduce_sum3A [0] : vector<10000x64xf32> to vector<64xf32>
    %broadcast_in_dim3A = vector.shape_cast %reduce_sum3A_26 : vector<64xf32> to vector<64x1xf32>
    %max3A_27 = arith.constant 1.000000e+00 : f32
    %max3A_28 = vector.broadcast %max3A_27 : f32 to vector<64x1xf32>
    %max3A_29 = arith.maximumf %broadcast_in_dim3A, %max3A_28 : vector<64x1xf32>
    %div3A = vector.broadcast %max3A_29 : vector<64x1xf32> to vector<64x64xf32>
    %div3A_30 = arith.divf %dot_general3A_25, %div3A : vector<64x64xf32>
    %get3A_31 = arith.constant 0 : index
    %get3A_32 = arith.constant 0 : index
    %get3A_33 = vector.load %arg5[%get3A_31, %get3A_32] : memref<64x32xf32, #tpu.memory_space<vmem>>, vector<64x32xf32>
    %dot_general3A_34 = arith.constant dense<0.000000e+00> : vector<64x32xf32>
    %dot_general3A_35 = tpu.matmul %div3A_30, %get3A_33, %dot_general3A_34 {dimension_numbers = #tpu.dot_dimension_numbers<[1], [0], [0], [1], [0, 0, 1, 1], [], []>, transpose_lhs_hint = false} : vector<64x64xf32>, vector<64x32xf32>, vector<64x32xf32> -> vector<64x32xf32>
    %get3A_36 = arith.constant 0 : index
    %get3A_37 = arith.constant 0 : index
    %get3A_38 = vector.load %arg6[%get3A_36, %get3A_37] : memref<1x32xf32, #tpu.memory_space<vmem>>, vector<1x32xf32>
    %add3A_39 = vector.broadcast %get3A_38 : vector<1x32xf32> to vector<64x32xf32>
    %add3A_40 = arith.addf %dot_general3A_35, %add3A_39 : vector<64x32xf32>
    %max3A_41 = arith.constant 0.000000e+00 : f32
    %max3A_42 = vector.broadcast %max3A_41 : f32 to vector<64x32xf32>
    %max3A_43 = arith.maximumf %add3A_40, %max3A_42 : vector<64x32xf32>
    %get3A_44 = arith.constant 0 : index
    %get3A_45 = arith.constant 0 : index
    %get3A_46 = vector.load %arg7[%get3A_44, %get3A_45] : memref<32x1xf32, #tpu.memory_space<vmem>>, vector<32x1xf32>
    %dot_general3A_47 = arith.constant dense<0.000000e+00> : vector<64x1xf32>
    %dot_general3A_48 = tpu.matmul %max3A_43, %get3A_46, %dot_general3A_47 {dimension_numbers = #tpu.dot_dimension_numbers<[1], [0], [0], [1], [0, 0, 1, 1], [], []>, transpose_lhs_hint = false} : vector<64x32xf32>, vector<32x1xf32>, vector<64x1xf32> -> vector<64x1xf32>
    %get3A_49 = arith.constant 0 : index
    %get3A_50 = arith.constant 0 : index
    %get3A_51 = vector.load %arg8[%get3A_49, %get3A_50] : memref<1x1xf32, #tpu.memory_space<vmem>>, vector<1x1xf32>
    %add3A_52 = vector.broadcast %get3A_51 : vector<1x1xf32> to vector<64x1xf32>
    %add3A_53 = arith.addf %dot_general3A_48, %add3A_52 : vector<64x1xf32>
    %swap3A = arith.constant 0 : index
    %swap3A_54 = arith.constant 0 : index
    %swap3A_55 = vector.load %arg9[%swap3A, %swap3A_54] : memref<64x1xf32, #tpu.memory_space<vmem>>, vector<64x1xf32>
    tpu.vector_store %arg9[%swap3A, %swap3A_54], %add3A_53 {strides = array<i32>} : memref<64x1xf32, #tpu.memory_space<vmem>>, vector<64x1xf32>,
    return
  }
}

</mosaic_0001>

<sc_bundles>
// kernel: kernel.10.cloned.1.call-start
scs
__scs_entry_jumppad:
0x0: {  	(pc) =	sbr.rel $0x88, $3  }
0x1: {  	(tag) =	ssettag $0x0;
	lr =	simm.s32 $0x1  }
0x2: {  	[smem:$0x3F94] =	sst lr;
	_ =	strace $0xD0000000  }
0x3: {  	_ = 	snop  }
0x4: {  	_ = 	snop  }
0x5: {  	_ = 	snop  }
0x6: {  	_ = 	snop  }
0x7: {  	_ = 	snop  }
__scs_overlays_trampoline_lowered:
0x8: {  	[smem:$0x3FA3] =	sst s0  }
0x9: {  	[smem:$0x3FA4] =	sst s1  }
0xa: {  	[smem:$0x3FA5] =	sst s2  }
0xb: {  	[smem:$0x3FA6] =	sst s3  }
0xc: {  	[smem:$0x3FA7] =	sst s4  }
0xd: {  	[smem:$0x3FA8] =	sst s5  }
0xe: {  	[smem:$0x3FA9] =	sst s6  }
0xf: {  	[smem:$0x3FAA] =	sst s7  }
0x10: {  	[smem:$0x3FAB] =	sst s8  }
0x11: {  	[smem:$0x3FAC] =	sst s9;
	s0 =	simm.s32 @!p0 $0x0  }
0x12: {  	s1 =	sld [smem:$0x3F92];
	s0 =	simm.s32 @p0 $0x1  }
0x13: {  	[smem:$0x3FAD] =	sst s0;
	s0 =	simm.s32 @!p1 $0x0  }
0x14: {  	s2 =	sld [smem:$0x3F91];
	s0 =	simm.s32 @p1 $0x1  }
0x15: {  	[smem:$0x3FAE] =	sst s0;
	s0 =	simm.s32 @!p2 $0x0  }
0x16: {  	s3 =	sld [smem:$0x3FDB];
	s0 =	simm.s32 @p2 $0x1  }
0x17: {  	s4 =	simm.s32 $0x1BF5;
	[smem:$0x3FB0] =	sst s0  }
0x18: {  	s0 =	sld [smem:$0x3F93];
	_ =	swait.ge [sflag:s4], $0x0  }
0x19: {  	s7 =	sld [smem:$0x3F94]  }
0x1a: {  	s8 =	sadd.s32 $0xFFFFE003, lr  }
0x1b: {  	s9 =	sadd.s32 $0xFFFFFEF7, lr;
	s5 =	simm.s32 $0xFFFFFFFF;
	p2 =	slt.u32 s8, $0xFFFFF086  }
0x1c: {  	p1 =	slt.u32 s9, $0xF7A;
	s5 =	simm.s32 @!p2 $0x0  }
0x1d: {  	s5 =	simm.s32 @p1 $0x1;
	p0 =	seq.s32 s7, s2  }
0x1e: {  	s7 =	smul.u32 @!p0 $0xF7A, s2;
	p2 =	seq.s32 @!p0 s5, $0x0  }
0x1f: {  	s9 =	smul.u32 $0xF7A, s1;
	s8 =	simm.s32 @!p0 $0x1BF5;
	p2 =	por !p2, p0  }
0x20: {  	[sflag:s8] =	ssyncset.s32 @!p0 $0xFFFFF086;
	s6 =	sadd.s32 @!p0 s3, s7;
	s7 =	simm.s32 @!p0 $0x108  }
0x21: {  	s3 =	sadd.s32 s3, s9;
	s6 =	sadd.s32 @!p0 $0x88, s6;
	s7 =	simm.s32 @p2 $0x1082  }
0x22: {  	[simem:s7], [sflag:s8] =	dma.local @!p0 [hbm:s6], $0xF7A  }
0x23: {  	s9 =	sor.u32 $0xD0000000, s2;
	s6 =	simm.s32 $0x108;
	_ =	swait.ge @!p0 [sflag:s8], $0x0  }
0x24: {  	s3 =	sadd.s32 $0x88, s3;
	s6 =	simm.s32 @!p1 $0x1082;
	[sflag:s4] =	ssyncset.s32 $0xFFFFF086  }
0x25: {  	[simem:s6], [sflag:s4] =	dma.local [hbm:s3], $0xF7A  }
0x26: {  	[smem:$0x3F94] =	sst s1;
	(tag) =	ssettag s2;
	_ =	strace s9  }
0x27: {  	s1 =	sld [smem:$0x3FA4]  }
0x28: {  	s2 =	sld [smem:$0x3FA5]  }
0x29: {  	s4 =	sld [smem:$0x3FA7]  }
0x2a: {  	p0 =	seq.s32 s5, $0x0;
	s5 =	sld [smem:$0x3FA8]  }
0x2b: {  	s6 =	sld [smem:$0x3FA9]  }
0x2c: {  	s7 =	sld [smem:$0x3FAA]  }
0x2d: {  	s3 =	simm.s32 $0x108;
	s8 =	sld [smem:$0x3FAB]  }
0x2e: {  	s3 =	simm.s32 @!p0 $0x1082;
	s9 =	sld [smem:$0x3FAC]  }
0x2f: {  	lr =	sadd.s32 s0, s3;
	s0 =	sld [smem:$0x3FA3]  }
0x30: {  	s3 =	sld [smem:$0x3FA6]  }
0x31: {  	[smem:$0x3FAF] =	sst s10  }
0x32: {  	s10 =	sld [smem:$0x3FAD];
	_ =	sdelay $0x3  }
0x33: {  	p0 =	seq.s32 s10, $0x1;
	s10 =	sld [smem:$0x3FAF];
	_ =	sdelay $0x3  }
0x34: {  	[smem:$0x3FAF] =	sst s10  }
0x35: {  	s10 =	sld [smem:$0x3FAE];
	_ =	sdelay $0x3  }
0x36: {  	p1 =	seq.s32 s10, $0x1;
	s10 =	sld [smem:$0x3FAF];
	_ =	sdelay $0x3  }
0x37: {  	[smem:$0x3FAF] =	sst s10  }
0x38: {  	s10 =	sld [smem:$0x3FB0]  }
0x39: {  	_ = 	snop;
	(pc) =	sbr.ind lr, $3  }
0x3a: {  	_ = 	snop  }
0x3b: {  	_ = 	snop  }
0x3c: {  	p2 =	seq.s32 s10, $0x1;
	s10 =	sld [smem:$0x3FAF]  }
0x3d: {  	_ =	shalt  }
0x3e: {  	_ =	shalt  }
0x3f: {  	_ =	shalt  }
0x40: {  	_ =	shalt  }
0x41: {  	_ =	shalt  }
0x42: {  	_ =	shalt  }
0x43: {  	_ =	shalt  }
0x44: {  	_ =	shalt  }
0x45: {  	_ =	shalt  }
0x46: {  	_ =	shalt  }
0x47: {  	_ =	shalt  }
0x48: {  	_ =	shalt  }
0x49: {  	_ =	shalt  }
0x4a: {  	_ =	shalt  }
0x4b: {  	_ =	shalt  }
0x4c: {  	_ =	shalt  }
0x4d: {  	_ =	shalt  }
0x4e: {  	_ =	shalt  }
0x4f: {  	_ =	shalt  }
0x50: {  	_ =	shalt  }
0x51: {  	_ =	shalt  }
0x52: {  	_ =	shalt  }
0x53: {  	_ =	shalt  }
0x54: {  	_ =	shalt  }
0x55: {  	_ =	shalt  }
0x56: {  	_ =	shalt  }
0x57: {  	_ =	shalt  }
0x58: {  	_ =	shalt  }
0x59: {  	_ =	shalt  }
0x5a: {  	_ =	shalt  }
0x5b: {  	_ =	shalt  }
0x5c: {  	_ =	shalt  }
0x5d: {  	_ =	shalt  }
0x5e: {  	_ =	shalt  }
0x5f: {  	_ =	shalt  }
0x60: {  	_ =	shalt  }
0x61: {  	_ =	shalt  }
0x62: {  	_ =	shalt  }
0x63: {  	_ =	shalt  }
0x64: {  	_ =	shalt  }
0x65: {  	_ =	shalt  }
0x66: {  	_ =	shalt  }
0x67: {  	_ =	shalt  }
0x68: {  	_ =	shalt  }
0x69: {  	_ =	shalt  }
0x6a: {  	_ =	shalt  }
0x6b: {  	_ =	shalt  }
0x6c: {  	_ =	shalt  }
0x6d: {  	_ =	shalt  }
0x6e: {  	_ =	shalt  }
0x6f: {  	_ =	shalt  }
0x70: {  	_ =	shalt  }
0x71: {  	_ =	shalt  }
0x72: {  	_ =	shalt  }
0x73: {  	_ =	shalt  }
0x74: {  	_ =	shalt  }
0x75: {  	_ =	shalt  }
0x76: {  	_ =	shalt  }
0x77: {  	_ =	shalt  }
0x78: {  	_ =	shalt  }
0x79: {  	_ =	shalt  }
0x7a: {  	_ =	shalt  }
0x7b: {  	_ =	shalt  }
0x7c: {  	_ =	shalt  }
0x7d: {  	_ =	shalt  }
0x7e: {  	_ =	shalt  }
0x7f: {  	_ =	shalt  }
0x80: {  	_ =	shalt  }
0x81: {  	_ =	shalt  }
0x82: {  	_ =	shalt  }
0x83: {  	_ =	shalt  }
0x84: {  	_ =	shalt  }
0x85: {  	_ =	shalt  }
0x86: {  	_ =	shalt  }
0x87: {  	_ =	shalt  }
.Lfunc_end0:
.L_simem_size_0:
called_computation_lowered:
.L_overlay_start_0:
0x88: {  	s2 =	sld [smem:$0x3FD9]  }
0x89: {  	s3 =	sld [smem:$0x3FFE];
	_ =	sdelay $0x1  }
0x8a: {  	s1 =	srdreg.scid  }
0x8b: {  	s0 =	sand.u32 $0x1, s1  }
0x8c: {  	s16 =	sshll.u32 s0, $0xA;
	s2 =	sadd.s32 s3, s2  }
0x8d: {  	s2 =	sadd.s32 s2, s16  }
0x8e: {  	[smem:$0x3FBB] =	sst s2  }
0x8f: {  	_ = 	snop  }
0x90: {  	(tm) =	ssettm $0x1  }
0x91: {  	s17 =	sld [smem:$0x3FFB];
	_ =	sdelay $0x3  }
0x92: {  	_ =	strace s17  }
0x93: {  	s2 =	sld [smem:$0x3FFC];
	_ =	sdelay $0x3  }
0x94: {  	_ =	strace s2  }
0x95: {  	s2 =	sld [smem:$0x3FFD];
	_ =	sdelay $0x3  }
0x96: {  	_ =	strace s2  }
0x97: {  	_ =	strace $0x8FFFFFFF  }
0x98: {  	s18 =	sld [smem:$0x3FDB];
	_ =	sdelay $0x1  }
0x99: {  	s19 =	simm.s32 $_scs_section_size  }
0x9a: {  	s4 =	simm.s32 $_size__tile_overlayer_lowered;
	s5 =	simm.s32 $_tile_overlayer_lowered  }
0x9b: {  	s22 =	simm.s32 $0x1BFF;
	s21 =	sshll.u32 s5, $0x1;
	s2 =	sadd.s32 s19, s18  }
0x9c: {  	s6 =	simm.s32 $0x0;
	s20 =	sshll.u32 s4, $0x1;
	s4 =	sadd.s32 s21, s2  }
0x9d: {  	[timem:s6], [sflag:s22] =	dma.local [hbm:s4], s20  }
0x9e: {  	_ =	swait.ge [sflag:s22], s20  }
0x9f: {  	s3 =	ssub.s32 $0x0, s20;
	[sflag:s22] =	ssyncset.done $0x0  }
0xa0: {  	[sflag:s22] =	ssyncadd.s32 s3;
	_ =	sdelay $0x1  }
0xa1: {  	s23 =	simm.s32 $0x1B8B  }
0xa2: {  	_ =	swait.ge [sflag:s23], $0x1  }
0xa3: {  	[sflag:s23] =	ssyncset.done $0x0  }
0xa4: {  	s25 =	simm.s32 $0x1B8E;
	s24 =	sld [smem:$0x3FFE];
	[sflag:s23] =	ssyncadd.s32 $0xFFFFFFFF  }
0xa5: {  	s26 =	simm.s32 $execute0_lowered;
	[smem:$0x3FD2] =	sst s25  }
0xa6: {  	s4 =	sshll.u32 s26, $0x1;
	_ =	strace $0x80000046;
	[dreg:$0x1] =	wrdreg $0xFFFFFFFF  }
0xa7: {  	s28 =	simm.s32 $_size_execute0_lowered;
	s2 =	sadd.s32 s2, s4;
	[dreg:$0x0] =	wrdreg $0x0  }
0xa8: {  	s4 =	sshll.u32 s28, $0x1;
	[dreg:$0x2] =	wrdreg s2  }
0xa9: {  	[dreg:$0x3] =	wrdreg s4  }
0xaa: {  	[dreg:$0x4] =	wrdreg $0xC0  }
0xab: {  	_ =	task [dreg:s6], $0x5FFFF  }
0xac: {  	[dreg:$0x1] =	wrdreg $0xFFFFFFFF  }
0xad: {  	[dreg:$0x0] =	wrdreg $0x60  }
0xae: {  	[dreg:$0x2] =	wrdreg s24  }
0xaf: {  	[dreg:$0x3] =	wrdreg $0x68000  }
0xb0: {  	[dreg:$0x4] =	wrdreg $0x9  }
0xb1: {  	_ =	task.clear_ibuf [dreg:s6], $0x5FFFF;
	_ =	strace $0x90000046  }
0xb2: {  	s29 =	simm.s32 $0x9;
	_ =	strace $0x80000048  }
0xb3: {  	_ =	swait.ge [sflag:s29], $0x1  }
0xb4: {  	[sflag:s29] =	ssyncadd.s32 $0xFFFFFFFF  }
0xb5: {  	_ =	strace $0x90000048  }
0xb6: {  	_ =	sfence  }
0xb7: {  	s30 =	sld [smem:$0x0];
	_ =	sdelay $0x2  }
0xb8: {  	s31 =	sshll.u32 s1, $0xD;
	s1 =	sshrl.u32 s1, $0x2  }
0xb9: {  	s3 =	sand.u32 $0x4000, s31;
	s1 =	sadd.s32 s1, s30  }
0xba: {  	s0 =	sor.u32 s3, s0;
	s1 =	sshll.u32 s1, $0x11  }
0xbb: {  	s0 =	sor.u32 s1, s0  }
0xbc: {  	s0 =	sadd.s32 $0x8F2B, s0  }
0xbd: {  	[sflag:s0] =	ssyncadd.remote.s32 $0x1  }
0xbe: {  	_ =	sfence.sel $0xFFFF  }
0xbf: {  	[dreg:$0x0] =	wrdreg $0xFFFFFFFF;
	(pc) =	sbr.abs _section_cstart, $3  }
0xc0: {  	[dreg:$0x1] =	wrdreg $0xFFFFFFFF  }
0xc1: {  	_ =	task.clear_ibuf [dreg:s6], $0x2FFFF;
	_ =	strace $0x9FFFFFFF  }
0xc2: {  	(tm) =	ssettm $0x7FFFFFFF  }
0xc3: {  	_ =	shalt  }
tec
execute0_lowered:
.L_overlay_start_1:
0x0: {  	(tag) =	ssettag $0x1  }
0x1: {  	s0 =	srdreg.scid;
	s4 =	rddreg [dreg:$0x0]  }
0x2: {  	s2 =	rddreg [dreg:$0x1];
	s1 =	stileid.u32  }
0x3: {  	s3 =	simm.s32 $0x0;
	s22 =	simm.s32 $0x7D;
	s23 =	simm.s32 $0x0  }
0x4: {  	s5 =	sand.u32 $0x1, s0;
	s0 =	rddreg [dreg:$0x2];
	s7 =	smul.u32 $0x50000, s1  }
0x5: {  	[smem:$0x7FF] =	sst s3;
	s19 =	sadd.s32 $0xD200, s4;
	s15 =	smul.u32 $0x14000, s1  }
0x6: {  	s6 =	sshll.u32 s5, $0x4;
	_ =	strace $0x80000047;
	s29 =	ssub.s32 $0x2, s5  }
0x7: {  	s16 =	smul.u32 $0x140000, s5;
	s6 =	sor.u32 s1, s6;
	s8 =	sshrl.u32 s29, $0x1  }
0x8: {  	s7 =	sshrl.u32 s7, $0x2;
	s12 =	sadd.s32 $0x4000, s15;
	s17 =	sadd.s32 $0x8000, s15  }
0x9: {  	s18 =	sadd.s32 $0xC000, s15;
	s21 =	sadd.s32 $0x10000, s15;
	s6 =	smul.u32 $0x500, s6  }
0xa: {  	s8 =	ssub.s32 s29, s8;
	s10 =	sadd.s32 s16, s15;
	s13 =	sadd.s32 s16, s12  }
0xb: {  	s12 =	sadd.s32 s12, s2;
	s14 =	sadd.s32 s17, s2;
	s17 =	sadd.s32 s16, s17  }
0xc: {  	s20 =	sadd.s32 s16, s18;
	s31 =	sadd.s32 s16, s21;
	s16 =	sadd.s32 s18, s2  }
0xd: {  	s18 =	sadd.s32 s21, s2;
	s21 =	simm.s32 $0x2800;
	s11 =	sshrl.u32 s10, $0x3  }
0xe: {  	s13 =	sshrl.u32 s13, $0x3;
	s17 =	sshrl.u32 s17, $0x3;
	s30 =	sshrl.u32 s20, $0x3  }
0xf: {  	s20 =	sshrl.u32 s31, $0x3;
	s6 =	sadd.s32 s6, s4;
	s4 =	sadd.s32 s7, s2  }
0x10: {  	s11 =	sadd.s32 s19, s11;
	s13 =	sadd.s32 s19, s13;
	s15 =	sadd.s32 s19, s17  }
0x11: {  	s17 =	sadd.s32 s19, s30;
	s19 =	sadd.s32 s19, s20;
	s20 =	simm.s32 $0x1  }
0x12: {  	s5 =	sadd.s32 $0x3200, s6;
	s6 =	smax.u32 s8, $0x1;
	s7 =	sadd.s32 $0x4000, s4  }
0x13: {  	v0 =	vimm.f32 $0.0e+00;
	v1 =	vimm.f32 $1.000000000e+00;
	s8 =	sadd.s32 $0x8000, s4;
	s9 =	sadd.s32 $0xC000, s4;
	s10 =	sadd.s32 $0x10000, s4  }
.LBB2_1:
0x14: {  	[tilespmem:s3], [sflag:$0x1] =	stream.linear.gather [hbm4b:s5+s3], $0x2800, $0x38;
	[tilespmem:$0x1A800] =	vst v63  }
0x15: {  	_ =	swait.ge [sflag:s20], $0x2800  }
0x16: {  	[sflag:s20] =	ssyncset.done $0x0  }
0x17: {  	s24 =	simm.s32 $0x0;
	s25 =	simm.s32 $0x200;
	[sflag:s20] =	ssyncadd.s32 $0xFFFFD800  }
.LBB2_2:
0x18: {  	p0 =	sne.s32 s25, $0xFE00;
	[tilespmem:s24+$0x2870] =	vst v0  }
0x19: {  	[tilespmem:s24+$0x2800] =	vst v0  }
0x1a: {  	[tilespmem:s24+$0x2810] =	vst v0  }
.Ltmp0:
0x1b: {  	[tilespmem:s24+$0x2820] =	vst v0;
	(pc) =	sbr.rel @p0 .LBB2_2-.Ltmp0, $4  }
0x1c: {  	[tilespmem:s24+$0x2830] =	vst v0  }
0x1d: {  	[tilespmem:s24+$0x2840] =	vst v0  }
0x1e: {  	[tilespmem:s24+$0x2850] =	vst v0  }
0x1f: {  	[tilespmem:s24+$0x2860] =	vst v0;
	s24 =	sshra.s32 s25, $0x2;
	s25 =	sadd.s32 $0x200, s25  }
0x20: {  	[tilespmem:s24+$0x2870] =	vst v0  }
0x21: {  	[tilespmem:s24+$0x2800] =	vst v0  }
0x22: {  	[tilespmem:s24+$0x2810] =	vst v0  }
0x23: {  	[tilespmem:s24+$0x2820] =	vst v0  }
0x24: {  	[tilespmem:s24+$0x2830] =	vst v0  }
0x25: {  	[tilespmem:s24+$0x2840] =	vst v0  }
0x26: {  	[tilespmem:s24+$0x2850] =	vst v0  }
0x27: {  	[tilespmem:s24+$0x2860] =	vst v0  }
0x28: {  	[spmem:s4] =	stream.linear.scatter [tilespmem:s21], [sflag:$0x1], $0x4000, $0x38;
	[tilespmem:$0x1A800] =	vst v63  }
0x29: {  	_ =	swait.ge [sflag:s20], $0x4000  }
0x2a: {  	[sflag:s20] =	ssyncset.done $0x0  }
0x2b: {  	[sflag:s20] =	ssyncadd.s32 $0xFFFFC000  }
0x2c: {  	[spmem:s7] =	stream.linear.scatter [tilespmem:s21], [sflag:$0x1], $0x4000, $0x38;
	[tilespmem:$0x1A800] =	vst v63  }
0x2d: {  	_ =	swait.ge [sflag:s20], $0x4000  }
0x2e: {  	[sflag:s20] =	ssyncset.done $0x0  }
0x2f: {  	[sflag:s20] =	ssyncadd.s32 $0xFFFFC000  }
0x30: {  	[spmem:s8] =	stream.linear.scatter [tilespmem:s21], [sflag:$0x1], $0x4000, $0x38;
	[tilespmem:$0x1A800] =	vst v63  }
0x31: {  	_ =	swait.ge [sflag:s20], $0x4000  }
0x32: {  	[sflag:s20] =	ssyncset.done $0x0  }
0x33: {  	[sflag:s20] =	ssyncadd.s32 $0xFFFFC000  }
0x34: {  	[spmem:s9] =	stream.linear.scatter [tilespmem:s21], [sflag:$0x1], $0x4000, $0x38;
	[tilespmem:$0x1A800] =	vst v63  }
0x35: {  	_ =	swait.ge [sflag:s20], $0x4000  }
0x36: {  	[sflag:s20] =	ssyncset.done $0x0  }
0x37: {  	[sflag:s20] =	ssyncadd.s32 $0xFFFFC000  }
0x38: {  	[spmem:s10] =	stream.linear.scatter [tilespmem:s21], [sflag:$0x1], $0x4000, $0x38;
	[tilespmem:$0x1A800] =	vst v63  }
0x39: {  	_ =	swait.ge [sflag:s20], $0x4000  }
0x3a: {  	[sflag:s20] =	ssyncset.done $0x0  }
0x3b: {  	s24 =	simm.s32 $0x200;
	s25 =	simm.s32 $0x0;
	[sflag:s20] =	ssyncadd.s32 $0xFFFFC000  }
.LBB2_4:
0x3c: {  	p0 =	sne.s32 s24, $0xF800;
	[tilespmem:s25+$0x2800] =	vst v1;
	s25 =	smov.u32 s24;
	s24 =	sadd.s32 $0x200, s24  }
.Ltmp1:
0x3d: {  	(pc) =	sbr.rel @p0 .LBB2_4-.Ltmp1, $2  }
0x3e: {  	_ =	sdelay $0x2  }
0x3f: {  	s25 =	sshra.s32 s25, $0x2  }
0x40: {  	[tilespmem:s25+$0x2800] =	vst v1  }
0x41: {  	s24 =	simm.s32 $0x0;
	[bflag:$0x0] =	sbarrier.arrive $0xFFFF  }
0x42: {  	[spmem:s2] =	stream.indirect.scatter.add.f32 [tilespmem:s21], [sflag:$0x1], $0x80, s24, s22, $0xb8;
	[tilespmem:$0x1A800] =	vst v63  }
0x43: {  	_ =	swait.ge [sflag:s20], $0x3E80  }
0x44: {  	s24 =	simm.s32 $0x200;
	[sflag:s20] =	ssyncset.done $0x0  }
.LBB2_6:
0x45: {  	s25 =	sshra.s32 s24, $0x2;
	[sflag:s20] =	ssyncadd.s32 $0xFFFFC180;
	p0 =	sne.s32 s24, $0x9E00  }
0x46: {  	[spmem:s2] =	stream.indirect.scatter.add.f32 [tilespmem:s21], [sflag:$0x1], $0x80, s25, s22, $0xb8;
	[tilespmem:$0x1A800] =	vst v63  }
.Ltmp2:
0x47: {  	_ = 	snop;
	(pc) =	sbr.rel @p0 .LBB2_6-.Ltmp2, $4  }
0x48: {  	_ = 	snop  }
0x49: {  	s24 =	sadd.s32 $0x200, s24  }
0x4a: {  	_ =	swait.ge [sflag:s20], $0x3E80  }
0x4b: {  	[sflag:s20] =	ssyncset.done $0x0  }
0x4c: {  	[sflag:s20] =	ssyncadd.s32 $0xFFFFC180  }
0x4d: {  	[bflag:$0x0] =	sbarrier.arrive $0xFFFF  }
0x4e: {  	[tilespmem:s21], [sflag:$0x1] =	stream.linear.gather [spmem:s4], $0x4000, $0x38;
	[tilespmem:$0x1A800] =	vst v63  }
0x4f: {  	_ =	swait.ge [sflag:s20], $0x4000  }
0x50: {  	[sflag:s20] =	ssyncset.done $0x0  }
0x51: {  	[sflag:s20] =	ssyncadd.s32 $0xFFFFC000  }
0x52: {  	[hbm4b:s11+s3] =	stream.linear.scatter [tilespmem:s21], [sflag:$0x1], $0x4000, $0x38;
	[tilespmem:$0x1A800] =	vst v63  }
0x53: {  	_ =	swait.ge [sflag:s20], $0x4000  }
0x54: {  	[sflag:s20] =	ssyncset.done $0x0  }
0x55: {  	[sflag:s20] =	ssyncadd.s32 $0xFFFFC000  }
0x56: {  	[tilespmem:s21], [sflag:$0x1] =	stream.linear.gather [spmem:s12], $0x4000, $0x38;
	[tilespmem:$0x1A800] =	vst v63  }
0x57: {  	_ =	swait.ge [sflag:s20], $0x4000  }
0x58: {  	[sflag:s20] =	ssyncset.done $0x0  }
0x59: {  	[sflag:s20] =	ssyncadd.s32 $0xFFFFC000  }
0x5a: {  	[hbm4b:s13+s3] =	stream.linear.scatter [tilespmem:s21], [sflag:$0x1], $0x4000, $0x38;
	[tilespmem:$0x1A800] =	vst v63  }
0x5b: {  	_ =	swait.ge [sflag:s20], $0x4000  }
0x5c: {  	[sflag:s20] =	ssyncset.done $0x0  }
0x5d: {  	[sflag:s20] =	ssyncadd.s32 $0xFFFFC000  }
0x5e: {  	[tilespmem:s21], [sflag:$0x1] =	stream.linear.gather [spmem:s14], $0x4000, $0x38;
	[tilespmem:$0x1A800] =	vst v63  }
0x5f: {  	_ =	swait.ge [sflag:s20], $0x4000  }
0x60: {  	[sflag:s20] =	ssyncset.done $0x0  }
0x61: {  	[sflag:s20] =	ssyncadd.s32 $0xFFFFC000  }
0x62: {  	[hbm4b:s15+s3] =	stream.linear.scatter [tilespmem:s21], [sflag:$0x1], $0x4000, $0x38;
	[tilespmem:$0x1A800] =	vst v63  }
0x63: {  	_ =	swait.ge [sflag:s20], $0x4000  }
0x64: {  	[sflag:s20] =	ssyncset.done $0x0  }
0x65: {  	[sflag:s20] =	ssyncadd.s32 $0xFFFFC000  }
0x66: {  	[tilespmem:s21], [sflag:$0x1] =	stream.linear.gather [spmem:s16], $0x4000, $0x38;
	[tilespmem:$0x1A800] =	vst v63  }
0x67: {  	_ =	swait.ge [sflag:s20], $0x4000  }
0x68: {  	[sflag:s20] =	ssyncset.done $0x0  }
0x69: {  	[sflag:s20] =	ssyncadd.s32 $0xFFFFC000  }
0x6a: {  	[hbm4b:s17+s3] =	stream.linear.scatter [tilespmem:s21], [sflag:$0x1], $0x4000, $0x38;
	[tilespmem:$0x1A800] =	vst v63  }
0x6b: {  	_ =	swait.ge [sflag:s20], $0x4000  }
0x6c: {  	[sflag:s20] =	ssyncset.done $0x0  }
0x6d: {  	[sflag:s20] =	ssyncadd.s32 $0xFFFFC000  }
0x6e: {  	[tilespmem:s21], [sflag:$0x1] =	stream.linear.gather [spmem:s18], $0x4000, $0x38;
	[tilespmem:$0x1A800] =	vst v63  }
0x6f: {  	s23 =	sadd.s32 $0x1, s23;
	_ =	swait.ge [sflag:s20], $0x4000  }
0x70: {  	p0 =	sne.s32 s23, s6;
	[sflag:s20] =	ssyncset.done $0x0  }
.Ltmp3:
0x71: {  	[sflag:s20] =	ssyncadd.s32 $0xFFFFC000;
	(pc) =	sbr.rel @p0 .LBB2_1-.Ltmp3, $4  }
0x72: {  	[hbm4b:s19+s3] =	stream.linear.scatter [tilespmem:s21], [sflag:$0x1], $0x4000, $0x38;
	[tilespmem:$0x1A800] =	vst v63  }
0x73: {  	_ =	swait.ge [sflag:s20], $0x4000  }
0x74: {  	[sflag:s20] =	ssyncset.done $0x0  }
0x75: {  	[sflag:s20] =	ssyncadd.s32 $0xFFFFC000  }
0x76: {  	_ =	sfence.sel $0x180000  }
0x77: {  	[bflag:$0x0] =	sbarrier.arrive $0xFFFF  }
0x78: {  	p0 =	sne.s32 s1, $0x0;
	_ =	strace $0x90000047  }
0x79: {  	s0 =	sadd.s32 @!p0 $0x100000, s0;
	[bflag:$0x2] =	sbarrier.arrive $0xFFFF  }
0x7a: {  	[sflag:s0] =	ssyncadd.tile.s32 @!p0 $0x1;
	_ =	shalt  }
.Lfunc_end2:
_tile_overlayer_lowered:
.L_overlay_start_2:
0x7b: {  	(tag) =	ssettag $0x2  }
0x7c: {  	s0 =	rddreg [dreg:$0x0];
	s2 =	stileid.u32  }
0x7d: {  	s1 =	rddreg [dreg:$0x1];
	p0 =	sne.s32 s2, $0x0  }
0x7e: {  	s3 =	rddreg [dreg:$0x2];
	[bflag:$0x3] =	sbarrier.arrive $0xFFFF;
	s2 =	simm.s32 @!p0 $0x1C01  }
0x7f: {  	[timem:s3], [sflag:s2] =	dma.local @!p0 [hbm:s0], s1  }
0x80: {  	s0 =	simm.s32 @!p0 $0x1  }
0x81: {  	_ =	swait.ge @!p0 [sflag:s0], s1  }
0x82: {  	s1 =	ssub.s32 @!p0 $0x0, s1;
	[sflag:s0] =	ssyncset.done @!p0 $0x0  }
0x83: {  	[sflag:s0] =	ssyncadd.s32 @!p0 s1  }
0x84: {  	[bflag:$0x3] =	sbarrier.arrive $0xFFFF  }
0x85: {  	_ =	shalt  }

// kernel: kernel.13.cloned.1.call-start
scs
__scs_entry_jumppad:
0x0: {  	(pc) =	sbr.rel $0x88, $3  }
0x1: {  	(tag) =	ssettag $0x0;
	lr =	simm.s32 $0x1  }
0x2: {  	[smem:$0x3F94] =	sst lr;
	_ =	strace $0xD0000000  }
0x3: {  	_ = 	snop  }
0x4: {  	_ = 	snop  }
0x5: {  	_ = 	snop  }
0x6: {  	_ = 	snop  }
0x7: {  	_ = 	snop  }
__scs_overlays_trampoline_lowered:
0x8: {  	[smem:$0x3FA3] =	sst s0  }
0x9: {  	[smem:$0x3FA4] =	sst s1  }
0xa: {  	[smem:$0x3FA5] =	sst s2  }
0xb: {  	[smem:$0x3FA6] =	sst s3  }
0xc: {  	[smem:$0x3FA7] =	sst s4  }
0xd: {  	[smem:$0x3FA8] =	sst s5  }
0xe: {  	[smem:$0x3FA9] =	sst s6  }
0xf: {  	[smem:$0x3FAA] =	sst s7  }
0x10: {  	[smem:$0x3FAB] =	sst s8  }
0x11: {  	[smem:$0x3FAC] =	sst s9;
	s0 =	simm.s32 @!p0 $0x0  }
0x12: {  	s1 =	sld [smem:$0x3F92];
	s0 =	simm.s32 @p0 $0x1  }
0x13: {  	[smem:$0x3FAD] =	sst s0;
	s0 =	simm.s32 @!p1 $0x0  }
0x14: {  	s2 =	sld [smem:$0x3F91];
	s0 =	simm.s32 @p1 $0x1  }
0x15: {  	[smem:$0x3FAE] =	sst s0;
	s0 =	simm.s32 @!p2 $0x0  }
0x16: {  	s3 =	sld [smem:$0x3FDB];
	s0 =	simm.s32 @p2 $0x1  }
0x17: {  	s4 =	simm.s32 $0x1BF5;
	[smem:$0x3FB0] =	sst s0  }
0x18: {  	s0 =	sld [smem:$0x3F93];
	_ =	swait.ge [sflag:s4], $0x0  }
0x19: {  	s7 =	sld [smem:$0x3F94]  }
0x1a: {  	s8 =	sadd.s32 $0xFFFFE003, lr  }
0x1b: {  	s9 =	sadd.s32 $0xFFFFFEF7, lr;
	s5 =	simm.s32 $0xFFFFFFFF;
	p2 =	slt.u32 s8, $0xFFFFF086  }
0x1c: {  	p1 =	slt.u32 s9, $0xF7A;
	s5 =	simm.s32 @!p2 $0x0  }
0x1d: {  	s5 =	simm.s32 @p1 $0x1;
	p0 =	seq.s32 s7, s2  }
0x1e: {  	s7 =	smul.u32 @!p0 $0xF7A, s2;
	p2 =	seq.s32 @!p0 s5, $0x0  }
0x1f: {  	s9 =	smul.u32 $0xF7A, s1;
	s8 =	simm.s32 @!p0 $0x1BF5;
	p2 =	por !p2, p0  }
0x20: {  	[sflag:s8] =	ssyncset.s32 @!p0 $0xFFFFF086;
	s6 =	sadd.s32 @!p0 s3, s7;
	s7 =	simm.s32 @!p0 $0x108  }
0x21: {  	s3 =	sadd.s32 s3, s9;
	s6 =	sadd.s32 @!p0 $0x88, s6;
	s7 =	simm.s32 @p2 $0x1082  }
0x22: {  	[simem:s7], [sflag:s8] =	dma.local @!p0 [hbm:s6], $0xF7A  }
0x23: {  	s9 =	sor.u32 $0xD0000000, s2;
	s6 =	simm.s32 $0x108;
	_ =	swait.ge @!p0 [sflag:s8], $0x0  }
0x24: {  	s3 =	sadd.s32 $0x88, s3;
	s6 =	simm.s32 @!p1 $0x1082;
	[sflag:s4] =	ssyncset.s32 $0xFFFFF086  }
0x25: {  	[simem:s6], [sflag:s4] =	dma.local [hbm:s3], $0xF7A  }
0x26: {  	[smem:$0x3F94] =	sst s1;
	(tag) =	ssettag s2;
	_ =	strace s9  }
0x27: {  	s1 =	sld [smem:$0x3FA4]  }
0x28: {  	s2 =	sld [smem:$0x3FA5]  }
0x29: {  	s4 =	sld [smem:$0x3FA7]  }
0x2a: {  	p0 =	seq.s32 s5, $0x0;
	s5 =	sld [smem:$0x3FA8]  }
0x2b: {  	s6 =	sld [smem:$0x3FA9]  }
0x2c: {  	s7 =	sld [smem:$0x3FAA]  }
0x2d: {  	s3 =	simm.s32 $0x108;
	s8 =	sld [smem:$0x3FAB]  }
0x2e: {  	s3 =	simm.s32 @!p0 $0x1082;
	s9 =	sld [smem:$0x3FAC]  }
0x2f: {  	lr =	sadd.s32 s0, s3;
	s0 =	sld [smem:$0x3FA3]  }
0x30: {  	s3 =	sld [smem:$0x3FA6]  }
0x31: {  	[smem:$0x3FAF] =	sst s10  }
0x32: {  	s10 =	sld [smem:$0x3FAD];
	_ =	sdelay $0x3  }
0x33: {  	p0 =	seq.s32 s10, $0x1;
	s10 =	sld [smem:$0x3FAF];
	_ =	sdelay $0x3  }
0x34: {  	[smem:$0x3FAF] =	sst s10  }
0x35: {  	s10 =	sld [smem:$0x3FAE];
	_ =	sdelay $0x3  }
0x36: {  	p1 =	seq.s32 s10, $0x1;
	s10 =	sld [smem:$0x3FAF];
	_ =	sdelay $0x3  }
0x37: {  	[smem:$0x3FAF] =	sst s10  }
0x38: {  	s10 =	sld [smem:$0x3FB0]  }
0x39: {  	_ = 	snop;
	(pc) =	sbr.ind lr, $3  }
0x3a: {  	_ = 	snop  }
0x3b: {  	_ = 	snop  }
0x3c: {  	p2 =	seq.s32 s10, $0x1;
	s10 =	sld [smem:$0x3FAF]  }
0x3d: {  	_ =	shalt  }
0x3e: {  	_ =	shalt  }
0x3f: {  	_ =	shalt  }
0x40: {  	_ =	shalt  }
0x41: {  	_ =	shalt  }
0x42: {  	_ =	shalt  }
0x43: {  	_ =	shalt  }
0x44: {  	_ =	shalt  }
0x45: {  	_ =	shalt  }
0x46: {  	_ =	shalt  }
0x47: {  	_ =	shalt  }
0x48: {  	_ =	shalt  }
0x49: {  	_ =	shalt  }
0x4a: {  	_ =	shalt  }
0x4b: {  	_ =	shalt  }
0x4c: {  	_ =	shalt  }
0x4d: {  	_ =	shalt  }
0x4e: {  	_ =	shalt  }
0x4f: {  	_ =	shalt  }
0x50: {  	_ =	shalt  }
0x51: {  	_ =	shalt  }
0x52: {  	_ =	shalt  }
0x53: {  	_ =	shalt  }
0x54: {  	_ =	shalt  }
0x55: {  	_ =	shalt  }
0x56: {  	_ =	shalt  }
0x57: {  	_ =	shalt  }
0x58: {  	_ =	shalt  }
0x59: {  	_ =	shalt  }
0x5a: {  	_ =	shalt  }
0x5b: {  	_ =	shalt  }
0x5c: {  	_ =	shalt  }
0x5d: {  	_ =	shalt  }
0x5e: {  	_ =	shalt  }
0x5f: {  	_ =	shalt  }
0x60: {  	_ =	shalt  }
0x61: {  	_ =	shalt  }
0x62: {  	_ =	shalt  }
0x63: {  	_ =	shalt  }
0x64: {  	_ =	shalt  }
0x65: {  	_ =	shalt  }
0x66: {  	_ =	shalt  }
0x67: {  	_ =	shalt  }
0x68: {  	_ =	shalt  }
0x69: {  	_ =	shalt  }
0x6a: {  	_ =	shalt  }
0x6b: {  	_ =	shalt  }
0x6c: {  	_ =	shalt  }
0x6d: {  	_ =	shalt  }
0x6e: {  	_ =	shalt  }
0x6f: {  	_ =	shalt  }
0x70: {  	_ =	shalt  }
0x71: {  	_ =	shalt  }
0x72: {  	_ =	shalt  }
0x73: {  	_ =	shalt  }
0x74: {  	_ =	shalt  }
0x75: {  	_ =	shalt  }
0x76: {  	_ =	shalt  }
0x77: {  	_ =	shalt  }
0x78: {  	_ =	shalt  }
0x79: {  	_ =	shalt  }
0x7a: {  	_ =	shalt  }
0x7b: {  	_ =	shalt  }
0x7c: {  	_ =	shalt  }
0x7d: {  	_ =	shalt  }
0x7e: {  	_ =	shalt  }
0x7f: {  	_ =	shalt  }
0x80: {  	_ =	shalt  }
0x81: {  	_ =	shalt  }
0x82: {  	_ =	shalt  }
0x83: {  	_ =	shalt  }
0x84: {  	_ =	shalt  }
0x85: {  	_ =	shalt  }
0x86: {  	_ =	shalt  }
0x87: {  	_ =	shalt  }
.Lfunc_end0:
.L_simem_size_0:
called_computation.1_lowered:
.L_overlay_start_0:
0x88: {  	s2 =	sld [smem:$0x3FD9]  }
0x89: {  	s3 =	sld [smem:$0x3FFE];
	_ =	sdelay $0x1  }
0x8a: {  	s1 =	srdreg.scid  }
0x8b: {  	s0 =	sand.u32 $0x1, s1  }
0x8c: {  	s16 =	sshll.u32 s0, $0xA;
	s2 =	sadd.s32 s3, s2  }
0x8d: {  	s2 =	sadd.s32 s2, s16  }
0x8e: {  	[smem:$0x3FBB] =	sst s2  }
0x8f: {  	_ = 	snop  }
0x90: {  	(tm) =	ssettm $0x1  }
0x91: {  	s17 =	sld [smem:$0x3FFB];
	_ =	sdelay $0x3  }
0x92: {  	_ =	strace s17  }
0x93: {  	s2 =	sld [smem:$0x3FFC];
	_ =	sdelay $0x3  }
0x94: {  	_ =	strace s2  }
0x95: {  	s2 =	sld [smem:$0x3FFD];
	_ =	sdelay $0x3  }
0x96: {  	_ =	strace s2  }
0x97: {  	_ =	strace $0x8FFFFFFF  }
0x98: {  	s18 =	sld [smem:$0x3FDB];
	_ =	sdelay $0x1  }
0x99: {  	s19 =	simm.s32 $_scs_section_size  }
0x9a: {  	s4 =	simm.s32 $_size__tile_overlayer_lowered;
	s5 =	simm.s32 $_tile_overlayer_lowered  }
0x9b: {  	s22 =	simm.s32 $0x1BFF;
	s21 =	sshll.u32 s5, $0x1;
	s2 =	sadd.s32 s19, s18  }
0x9c: {  	s6 =	simm.s32 $0x0;
	s20 =	sshll.u32 s4, $0x1;
	s4 =	sadd.s32 s21, s2  }
0x9d: {  	[timem:s6], [sflag:s22] =	dma.local [hbm:s4], s20  }
0x9e: {  	_ =	swait.ge [sflag:s22], s20  }
0x9f: {  	s3 =	ssub.s32 $0x0, s20;
	[sflag:s22] =	ssyncset.done $0x0  }
0xa0: {  	[sflag:s22] =	ssyncadd.s32 s3;
	_ =	sdelay $0x1  }
0xa1: {  	s23 =	simm.s32 $0x1B8B  }
0xa2: {  	_ =	swait.ge [sflag:s23], $0x1  }
0xa3: {  	[sflag:s23] =	ssyncset.done $0x0  }
0xa4: {  	s25 =	simm.s32 $0x1B8E;
	s24 =	sld [smem:$0x3FFE];
	[sflag:s23] =	ssyncadd.s32 $0xFFFFFFFF  }
0xa5: {  	s26 =	simm.s32 $execute0_lowered;
	[smem:$0x3FD2] =	sst s25  }
0xa6: {  	s4 =	sshll.u32 s26, $0x1;
	_ =	strace $0x80000049;
	[dreg:$0x1] =	wrdreg $0xFFFFFFFF  }
0xa7: {  	s28 =	simm.s32 $_size_execute0_lowered;
	s2 =	sadd.s32 s2, s4;
	[dreg:$0x0] =	wrdreg $0x0  }
0xa8: {  	s4 =	sshll.u32 s28, $0x1;
	[dreg:$0x2] =	wrdreg s2  }
0xa9: {  	[dreg:$0x3] =	wrdreg s4  }
0xaa: {  	[dreg:$0x4] =	wrdreg $0xC0  }
0xab: {  	_ =	task [dreg:s6], $0x5FFFF  }
0xac: {  	[dreg:$0x1] =	wrdreg $0xFFFFFFFF  }
0xad: {  	[dreg:$0x0] =	wrdreg $0x60  }
0xae: {  	[dreg:$0x2] =	wrdreg s24  }
0xaf: {  	[dreg:$0x3] =	wrdreg $0x90000  }
0xb0: {  	[dreg:$0x4] =	wrdreg $0x9  }
0xb1: {  	_ =	task.clear_ibuf [dreg:s6], $0x5FFFF;
	_ =	strace $0x90000049  }
0xb2: {  	s29 =	simm.s32 $0x9;
	_ =	strace $0x8000004B  }
0xb3: {  	_ =	swait.ge [sflag:s29], $0x1  }
0xb4: {  	[sflag:s29] =	ssyncadd.s32 $0xFFFFFFFF  }
0xb5: {  	_ =	strace $0x9000004B  }
0xb6: {  	_ =	sfence  }
0xb7: {  	s30 =	sld [smem:$0x0];
	_ =	sdelay $0x2  }
0xb8: {  	s31 =	sshll.u32 s1, $0xD;
	s1 =	sshrl.u32 s1, $0x2  }
0xb9: {  	s3 =	sand.u32 $0x4000, s31;
	s1 =	sadd.s32 s1, s30  }
0xba: {  	s0 =	sor.u32 s3, s0;
	s1 =	sshll.u32 s1, $0x11  }
0xbb: {  	s0 =	sor.u32 s1, s0  }
0xbc: {  	s0 =	sadd.s32 $0x8F2B, s0  }
0xbd: {  	[sflag:s0] =	ssyncadd.remote.s32 $0x1  }
0xbe: {  	_ =	sfence.sel $0xFFFF  }
0xbf: {  	[dreg:$0x0] =	wrdreg $0xFFFFFFFF;
	(pc) =	sbr.abs _section_cstart, $3  }
0xc0: {  	[dreg:$0x1] =	wrdreg $0xFFFFFFFF  }
0xc1: {  	_ =	task.clear_ibuf [dreg:s6], $0x2FFFF;
	_ =	strace $0x9FFFFFFF  }
0xc2: {  	(tm) =	ssettm $0x7FFFFFFF  }
0xc3: {  	_ =	shalt  }
tec
execute0_lowered:
.L_overlay_start_1:
0x0: {  	(tag) =	ssettag $0x1  }
0x1: {  	s0 =	srdreg.scid;
	s1 =	rddreg [dreg:$0x0]  }
0x2: {  	s9 =	stileid.u32;
	s2 =	rddreg [dreg:$0x1]  }
0x3: {  	s3 =	simm.s32 $0x0;
	s12 =	simm.s32 $0x80;
	s13 =	simm.s32 $0x100  }
0x4: {  	s14 =	simm.s32 $0x880;
	s28 =	simm.s32 $0x400;
	s29 =	simm.s32 $0xB80  }
0x5: {  	s30 =	simm.s32 $0x480;
	s31 =	simm.s32 $0xC00;
	s5 =	smul.u32 $0x2800, s9  }
0x6: {  	s0 =	sand.u32 $0x1, s0;
	[smem:$0x7FF] =	sst s3;
	s6 =	smul.u32 $0x50000, s9  }
0x7: {  	s4 =	smul.u32 $0x28000, s0;
	_ =	strace $0x8000004A;
	[dreg:$0x5] =	wrdreg s12  }
0x8: {  	s7 =	ssub.s32 $0x2, s0;
	s0 =	smul.u32 $0x140000, s0;
	[dreg:$0x6] =	wrdreg s13  }
0x9: {  	[dreg:$0x7] =	wrdreg s14;
	s12 =	simm.s32 $0x700;
	s13 =	simm.s32 $0xE80  }
0xa: {  	s14 =	simm.s32 $0x780;
	s8 =	sshrl.u32 s7, $0x1;
	s6 =	sshrl.u32 s6, $0x2  }
0xb: {  	s4 =	sadd.s32 s5, s4;
	s7 =	ssub.s32 s7, s8;
	s17 =	sadd.s32 s6, s2  }
0xc: {  	s6 =	smul.u32 $0x14000, s9;
	s7 =	smax.u32 s7, $0x1;
	[dreg:$0x12] =	wrdreg s17  }
0xd: {  	s5 =	sshrl.u32 s4, $0x3;
	s15 =	sadd.s32 $0x4000, s17;
	[dreg:$0x13] =	wrdreg s7  }
0xe: {  	s4 =	sadd.s32 $0xD200, s1;
	s16 =	sadd.s32 $0x8000, s17;
	[dreg:$0x14] =	wrdreg s15  }
0xf: {  	s18 =	sadd.s32 $0xC000, s17;
	s20 =	sadd.s32 $0x10000, s17;
	[dreg:$0x15] =	wrdreg s16  }
0x10: {  	s5 =	sadd.s32 s5, s1;
	s1 =	sadd.s32 $0x67200, s1;
	[dreg:$0x16] =	wrdreg s18  }
0x11: {  	s19 =	sadd.s32 s0, s6;
	[dreg:$0x17] =	wrdreg s20;
	s21 =	sadd.s32 $0x4000, s6  }
0x12: {  	s9 =	sadd.s32 $0x8000, s6;
	s26 =	sadd.s32 $0xC000, s6;
	s15 =	simm.s32 $0x180  }
0x13: {  	s6 =	sadd.s32 $0x10000, s6;
	s18 =	simm.s32 $0x900;
	[dreg:$0x8] =	wrdreg s15  }
0x14: {  	s20 =	simm.s32 $0x980;
	s7 =	sshrl.u32 s19, $0x3;
	[dreg:$0x9] =	wrdreg s18  }
0x15: {  	s22 =	sadd.s32 s0, s21;
	s8 =	sadd.s32 s21, s2;
	[dreg:$0xb] =	wrdreg s20  }
0x16: {  	s23 =	sadd.s32 s0, s9;
	s24 =	sadd.s32 s9, s2;
	[dreg:$0x19] =	wrdreg s8  }
0x17: {  	s10 =	sadd.s32 $0x3200, s5;
	s11 =	sadd.s32 s26, s2;
	[dreg:$0x1b] =	wrdreg s24  }
0x18: {  	s5 =	sadd.s32 $0x5D200, s5;
	s16 =	sadd.s32 s6, s2;
	[dreg:$0x1d] =	wrdreg s11  }
0x19: {  	s19 =	simm.s32 $0x200;
	s21 =	simm.s32 $0x280;
	[dreg:$0x3] =	wrdreg s10  }
0x1a: {  	s20 =	simm.s32 $0x1000;
	s9 =	simm.s32 $0xD80;
	[dreg:$0x4] =	wrdreg s5  }
0x1b: {  	s15 =	simm.s32 $0xF00;
	s18 =	simm.s32 $0x0;
	[dreg:$0x1f] =	wrdreg s16  }
0x1c: {  	s7 =	sadd.s32 s1, s7;
	s25 =	sshrl.u32 s23, $0x3;
	[dreg:$0xa] =	wrdreg s19  }
0x1d: {  	[dreg:$0xc] =	wrdreg s21;
	s21 =	simm.s32 $0x3;
	s23 =	simm.s32 $0x300  }
0x1e: {  	s24 =	simm.s32 $0xA80;
	s8 =	simm.s32 $0x600;
	s10 =	simm.s32 $0x680  }
0x1f: {  	s11 =	simm.s32 $0xE00;
	s16 =	simm.s32 $0xF80;
	[dreg:$0x18] =	wrdreg s7  }
0x20: {  	s7 =	sshrl.u32 s22, $0x3;
	s22 =	simm.s32 $0xA00;
	[dreg:$0xe] =	wrdreg s23  }
0x21: {  	s23 =	simm.s32 $0x7D;
	[dreg:$0xf] =	wrdreg s24;
	s24 =	simm.s32 $0x1  }
0x22: {  	s7 =	sadd.s32 s1, s7;
	[dreg:$0xd] =	wrdreg s22;
	s22 =	simm.s32 $0x800  }
0x23: {  	[dreg:$0x1a] =	wrdreg s7;
	s7 =	sadd.s32 s1, s25;
	s25 =	simm.s32 $0x380  }
0x24: {  	[dreg:$0x1c] =	wrdreg s7;
	s7 =	sadd.s32 s0, s26;
	s0 =	sadd.s32 s0, s6  }
0x25: {  	[dreg:$0x10] =	wrdreg s25;
	s26 =	simm.s32 $0xB00;
	s25 =	simm.s32 $0x5000  }
0x26: {  	s6 =	simm.s32 $0x580;
	s7 =	sshrl.u32 s7, $0x3;
	s0 =	sshrl.u32 s0, $0x3  }
0x27: {  	[dreg:$0x11] =	wrdreg s26;
	s26 =	simm.s32 $0x2;
	s7 =	sadd.s32 s1, s7  }
0x28: {  	s0 =	sadd.s32 s1, s0;
	s1 =	simm.s32 $0x500;
	[dreg:$0x1e] =	wrdreg s7  }
0x29: {  	v0 =	vimm.f32 $0.0e+00;
	[smem:$0x7FD] =	sst s0;
	s0 =	simm.s32 $0xC80;
	s7 =	simm.s32 $0xD00  }
.LBB2_1:
0x2a: {  	[smem:$0x7FC] =	sst s18;
	s18 =	simm.s32 $0x0;
	s19 =	simm.s32 $0x200  }
.LBB2_2:
0x2b: {  	p0 =	sne.s32 s19, $0xFE00;
	[tilespmem:s18+$0x1070] =	vst v0  }
0x2c: {  	[tilespmem:s18+$0x1000] =	vst v0  }
0x2d: {  	[tilespmem:s18+$0x1010] =	vst v0  }
.Ltmp0:
0x2e: {  	[tilespmem:s18+$0x1020] =	vst v0;
	(pc) =	sbr.rel @p0 .LBB2_2-.Ltmp0, $4  }
0x2f: {  	[tilespmem:s18+$0x1030] =	vst v0  }
0x30: {  	[tilespmem:s18+$0x1040] =	vst v0  }
0x31: {  	[tilespmem:s18+$0x1050] =	vst v0  }
0x32: {  	[tilespmem:s18+$0x1060] =	vst v0;
	s18 =	sshra.s32 s19, $0x2;
	s19 =	sadd.s32 $0x200, s19  }
0x33: {  	[tilespmem:s18+$0x1070] =	vst v0  }
0x34: {  	[tilespmem:s18+$0x1000] =	vst v0  }
0x35: {  	[tilespmem:s18+$0x1010] =	vst v0  }
0x36: {  	[tilespmem:s18+$0x1020] =	vst v0  }
0x37: {  	[tilespmem:s18+$0x1030] =	vst v0  }
0x38: {  	[tilespmem:s18+$0x1040] =	vst v0  }
0x39: {  	[tilespmem:s18+$0x1050] =	vst v0  }
0x3a: {  	[tilespmem:s18+$0x1060] =	vst v0  }
0x3b: {  	[spmem:s17] =	stream.linear.scatter [tilespmem:s20], [sflag:$0x3], $0x4000, $0x38;
	[tilespmem:$0x1D000] =	vst v63  }
0x3c: {  	_ =	swait.ge [sflag:s21], $0x4000  }
0x3d: {  	[sflag:s21] =	ssyncset.done $0x0  }
0x3e: {  	s5 =	rddreg [dreg:$0x14];
	[sflag:s21] =	ssyncadd.s32 $0xFFFFC000  }
0x3f: {  	[spmem:s5] =	stream.linear.scatter [tilespmem:s20], [sflag:$0x3], $0x4000, $0x38;
	[tilespmem:$0x1D000] =	vst v63  }
0x40: {  	_ =	swait.ge [sflag:s21], $0x4000  }
0x41: {  	[sflag:s21] =	ssyncset.done $0x0  }
0x42: {  	s19 =	rddreg [dreg:$0x15];
	[sflag:s21] =	ssyncadd.s32 $0xFFFFC000  }
0x43: {  	[spmem:s19] =	stream.linear.scatter [tilespmem:s20], [sflag:$0x3], $0x4000, $0x38;
	[tilespmem:$0x1D000] =	vst v63  }
0x44: {  	_ =	swait.ge [sflag:s21], $0x4000  }
0x45: {  	[sflag:s21] =	ssyncset.done $0x0  }
0x46: {  	s17 =	rddreg [dreg:$0x16];
	[sflag:s21] =	ssyncadd.s32 $0xFFFFC000  }
0x47: {  	[spmem:s17] =	stream.linear.scatter [tilespmem:s20], [sflag:$0x3], $0x4000, $0x38;
	[tilespmem:$0x1D000] =	vst v63  }
0x48: {  	_ =	swait.ge [sflag:s21], $0x4000  }
0x49: {  	[sflag:s21] =	ssyncset.done $0x0  }
0x4a: {  	s18 =	rddreg [dreg:$0x17];
	[sflag:s21] =	ssyncadd.s32 $0xFFFFC000  }
0x4b: {  	[spmem:s18] =	stream.linear.scatter [tilespmem:s20], [sflag:$0x3], $0x4000, $0x38;
	[tilespmem:$0x1D000] =	vst v63  }
0x4c: {  	_ =	swait.ge [sflag:s21], $0x4000  }
0x4d: {  	[sflag:s21] =	ssyncset.done $0x0  }
0x4e: {  	[sflag:s21] =	ssyncadd.s32 $0xFFFFC000  }
0x4f: {  	[bflag:$0x0] =	sbarrier.arrive $0xFFFF  }
0x50: {  	s19 =	rddreg [dreg:$0x4]  }
0x51: {  	s5 =	sadd.s32 $0x0, s19  }
0x52: {  	[tilespmem:s3], [sflag:$0x3] =	stream.linear.gather [hbm4b:s5+s3], $0x800, $0x38;
	[tilespmem:$0x1D000] =	vst v63  }
0x53: {  	_ =	swait.ge [sflag:s21], $0x800  }
0x54: {  	s17 =	rddreg [dreg:$0x3];
	[sflag:s21] =	ssyncset.done $0x0  }
0x55: {  	[sflag:s21] =	ssyncadd.s32 $0xFFFFF800;
	s5 =	sadd.s32 $0x0, s17  }
0x56: {  	[tilespmem:s22], [sflag:$0x3] =	stream.linear.gather [hbm4b:s5+s3], $0x800, $0x38;
	[tilespmem:$0x1D000] =	vst v63  }
0x57: {  	_ =	swait.ge [sflag:s21], $0x800  }
0x58: {  	[sflag:s21] =	ssyncset.done $0x0  }
0x59: {  	[sflag:s21] =	ssyncadd.s32 $0xFFFFF800  }
0x5a: {  	[tilespmem:s20], [sflag:$0x1] =	stream.indirect.gather [hbm4b:s4+s23], $0x80, s3, s23, $0xb8;
	[tilespmem:$0x1D000] =	vst v63  }
0x5b: {  	_ =	swait.ge [sflag:s24], $0x3E80  }
0x5c: {  	[sflag:s24] =	ssyncset.done $0x0  }
0x5d: {  	s18 =	rddreg [dreg:$0x5];
	[sflag:s24] =	ssyncadd.s32 $0xFFFFC180  }
0x5e: {  	[tilespmem:s25], [sflag:$0x2] =	stream.indirect.gather [hbm4b:s4+s23], $0x80, s18, s23, $0xb8;
	[tilespmem:$0x1D000] =	vst v63  }
0x5f: {  	_ = 	snop  }
0x60: {  	[spmem:s2] =	stream.indirect.scatter.add.f32 [tilespmem:s20], [sflag:$0x3], $0x80, s22, s23, $0xb8;
	[tilespmem:$0x1D000] =	vst v63  }
0x61: {  	_ =	swait.ge [sflag:s21], $0x3E80  }
0x62: {  	[sflag:s21] =	ssyncset.done $0x0  }
0x63: {  	[sflag:s21] =	ssyncadd.s32 $0xFFFFC180  }
0x64: {  	_ =	swait.ge [sflag:s26], $0x3E80  }
0x65: {  	[sflag:s26] =	ssyncset.done $0x0  }
0x66: {  	s19 =	rddreg [dreg:$0x6];
	[sflag:s26] =	ssyncadd.s32 $0xFFFFC180  }
0x67: {  	[tilespmem:s20], [sflag:$0x1] =	stream.indirect.gather [hbm4b:s4+s23], $0x80, s19, s23, $0xb8;
	[tilespmem:$0x1D000] =	vst v63  }
0x68: {  	s17 =	rddreg [dreg:$0x7]  }
0x69: {  	[spmem:s2] =	stream.indirect.scatter.add.f32 [tilespmem:s25], [sflag:$0x3], $0x80, s17, s23, $0xb8;
	[tilespmem:$0x1D000] =	vst v63  }
0x6a: {  	_ =	swait.ge [sflag:s21], $0x3E80  }
0x6b: {  	[sflag:s21] =	ssyncset.done $0x0  }
0x6c: {  	[sflag:s21] =	ssyncadd.s32 $0xFFFFC180  }
0x6d: {  	_ =	swait.ge [sflag:s24], $0x3E80  }
0x6e: {  	[sflag:s24] =	ssyncset.done $0x0  }
0x6f: {  	s19 =	rddreg [dreg:$0x8];
	[sflag:s24] =	ssyncadd.s32 $0xFFFFC180  }
0x70: {  	[tilespmem:s25], [sflag:$0x2] =	stream.indirect.gather [hbm4b:s4+s23], $0x80, s19, s23, $0xb8;
	[tilespmem:$0x1D000] =	vst v63  }
0x71: {  	s17 =	rddreg [dreg:$0x9]  }
0x72: {  	[spmem:s2] =	stream.indirect.scatter.add.f32 [tilespmem:s20], [sflag:$0x3], $0x80, s17, s23, $0xb8;
	[tilespmem:$0x1D000] =	vst v63  }
0x73: {  	_ =	swait.ge [sflag:s21], $0x3E80  }
0x74: {  	[sflag:s21] =	ssyncset.done $0x0  }
0x75: {  	[sflag:s21] =	ssyncadd.s32 $0xFFFFC180  }
0x76: {  	_ =	swait.ge [sflag:s26], $0x3E80  }
0x77: {  	[sflag:s26] =	ssyncset.done $0x0  }
0x78: {  	s19 =	rddreg [dreg:$0xa];
	[sflag:s26] =	ssyncadd.s32 $0xFFFFC180  }
0x79: {  	[tilespmem:s20], [sflag:$0x1] =	stream.indirect.gather [hbm4b:s4+s23], $0x80, s19, s23, $0xb8;
	[tilespmem:$0x1D000] =	vst v63  }
0x7a: {  	s17 =	rddreg [dreg:$0xb]  }
0x7b: {  	[spmem:s2] =	stream.indirect.scatter.add.f32 [tilespmem:s25], [sflag:$0x3], $0x80, s17, s23, $0xb8;
	[tilespmem:$0x1D000] =	vst v63  }
0x7c: {  	_ =	swait.ge [sflag:s21], $0x3E80  }
0x7d: {  	[sflag:s21] =	ssyncset.done $0x0  }
0x7e: {  	[sflag:s21] =	ssyncadd.s32 $0xFFFFC180  }
0x7f: {  	_ =	swait.ge [sflag:s24], $0x3E80  }
0x80: {  	[sflag:s24] =	ssyncset.done $0x0  }
0x81: {  	s19 =	rddreg [dreg:$0xc];
	[sflag:s24] =	ssyncadd.s32 $0xFFFFC180  }
0x82: {  	[tilespmem:s25], [sflag:$0x2] =	stream.indirect.gather [hbm4b:s4+s23], $0x80, s19, s23, $0xb8;
	[tilespmem:$0x1D000] =	vst v63  }
0x83: {  	s17 =	rddreg [dreg:$0xd]  }
0x84: {  	[spmem:s2] =	stream.indirect.scatter.add.f32 [tilespmem:s20], [sflag:$0x3], $0x80, s17, s23, $0xb8;
	[tilespmem:$0x1D000] =	vst v63  }
0x85: {  	_ =	swait.ge [sflag:s21], $0x3E80  }
0x86: {  	[sflag:s21] =	ssyncset.done $0x0  }
0x87: {  	[sflag:s21] =	ssyncadd.s32 $0xFFFFC180  }
0x88: {  	_ =	swait.ge [sflag:s26], $0x3E80  }
0x89: {  	[sflag:s26] =	ssyncset.done $0x0  }
0x8a: {  	s19 =	rddreg [dreg:$0xe];
	[sflag:s26] =	ssyncadd.s32 $0xFFFFC180  }
0x8b: {  	[tilespmem:s20], [sflag:$0x1] =	stream.indirect.gather [hbm4b:s4+s23], $0x80, s19, s23, $0xb8;
	[tilespmem:$0x1D000] =	vst v63  }
0x8c: {  	s17 =	rddreg [dreg:$0xf]  }
0x8d: {  	[spmem:s2] =	stream.indirect.scatter.add.f32 [tilespmem:s25], [sflag:$0x3], $0x80, s17, s23, $0xb8;
	[tilespmem:$0x1D000] =	vst v63  }
0x8e: {  	_ =	swait.ge [sflag:s21], $0x3E80  }
0x8f: {  	[sflag:s21] =	ssyncset.done $0x0  }
0x90: {  	[sflag:s21] =	ssyncadd.s32 $0xFFFFC180  }
0x91: {  	_ =	swait.ge [sflag:s24], $0x3E80  }
0x92: {  	[sflag:s24] =	ssyncset.done $0x0  }
0x93: {  	s18 =	rddreg [dreg:$0x10];
	[sflag:s24] =	ssyncadd.s32 $0xFFFFC180  }
0x94: {  	[tilespmem:s25], [sflag:$0x2] =	stream.indirect.gather [hbm4b:s4+s23], $0x80, s18, s23, $0xb8;
	[tilespmem:$0x1D000] =	vst v63  }
0x95: {  	s19 =	rddreg [dreg:$0x11]  }
0x96: {  	[spmem:s2] =	stream.indirect.scatter.add.f32 [tilespmem:s20], [sflag:$0x3], $0x80, s19, s23, $0xb8;
	[tilespmem:$0x1D000] =	vst v63  }
0x97: {  	_ =	swait.ge [sflag:s21], $0x3E80  }
0x98: {  	[sflag:s21] =	ssyncset.done $0x0  }
0x99: {  	[sflag:s21] =	ssyncadd.s32 $0xFFFFC180  }
0x9a: {  	_ =	swait.ge [sflag:s26], $0x3E80  }
0x9b: {  	[sflag:s26] =	ssyncset.done $0x0  }
0x9c: {  	[sflag:s26] =	ssyncadd.s32 $0xFFFFC180  }
0x9d: {  	[tilespmem:s20], [sflag:$0x1] =	stream.indirect.gather [hbm4b:s4+s23], $0x80, s28, s23, $0xb8;
	[tilespmem:$0x1D000] =	vst v63  }
0x9e: {  	_ = 	snop  }
0x9f: {  	[spmem:s2] =	stream.indirect.scatter.add.f32 [tilespmem:s25], [sflag:$0x3], $0x80, s29, s23, $0xb8;
	[tilespmem:$0x1D000] =	vst v63  }
0xa0: {  	_ =	swait.ge [sflag:s21], $0x3E80  }
0xa1: {  	[sflag:s21] =	ssyncset.done $0x0  }
0xa2: {  	[sflag:s21] =	ssyncadd.s32 $0xFFFFC180  }
0xa3: {  	_ =	swait.ge [sflag:s24], $0x3E80  }
0xa4: {  	[sflag:s24] =	ssyncset.done $0x0  }
0xa5: {  	[sflag:s24] =	ssyncadd.s32 $0xFFFFC180  }
0xa6: {  	[tilespmem:s25], [sflag:$0x2] =	stream.indirect.gather [hbm4b:s4+s23], $0x80, s30, s23, $0xb8;
	[tilespmem:$0x1D000] =	vst v63  }
0xa7: {  	_ = 	snop  }
0xa8: {  	[spmem:s2] =	stream.indirect.scatter.add.f32 [tilespmem:s20], [sflag:$0x3], $0x80, s31, s23, $0xb8;
	[tilespmem:$0x1D000] =	vst v63  }
0xa9: {  	_ =	swait.ge [sflag:s21], $0x3E80  }
0xaa: {  	[sflag:s21] =	ssyncset.done $0x0  }
0xab: {  	[sflag:s21] =	ssyncadd.s32 $0xFFFFC180  }
0xac: {  	_ =	swait.ge [sflag:s26], $0x3E80  }
0xad: {  	[sflag:s26] =	ssyncset.done $0x0  }
0xae: {  	[sflag:s26] =	ssyncadd.s32 $0xFFFFC180  }
0xaf: {  	[tilespmem:s20], [sflag:$0x1] =	stream.indirect.gather [hbm4b:s4+s23], $0x80, s1, s23, $0xb8;
	[tilespmem:$0x1D000] =	vst v63  }
0xb0: {  	_ = 	snop  }
0xb1: {  	[spmem:s2] =	stream.indirect.scatter.add.f32 [tilespmem:s25], [sflag:$0x3], $0x80, s0, s23, $0xb8;
	[tilespmem:$0x1D000] =	vst v63  }
0xb2: {  	_ =	swait.ge [sflag:s21], $0x3E80  }
0xb3: {  	[sflag:s21] =	ssyncset.done $0x0  }
0xb4: {  	[sflag:s21] =	ssyncadd.s32 $0xFFFFC180  }
0xb5: {  	_ =	swait.ge [sflag:s24], $0x3E80  }
0xb6: {  	[sflag:s24] =	ssyncset.done $0x0  }
0xb7: {  	[sflag:s24] =	ssyncadd.s32 $0xFFFFC180  }
0xb8: {  	[tilespmem:s25], [sflag:$0x2] =	stream.indirect.gather [hbm4b:s4+s23], $0x80, s6, s23, $0xb8;
	[tilespmem:$0x1D000] =	vst v63  }
0xb9: {  	_ = 	snop  }
0xba: {  	[spmem:s2] =	stream.indirect.scatter.add.f32 [tilespmem:s20], [sflag:$0x3], $0x80, s7, s23, $0xb8;
	[tilespmem:$0x1D000] =	vst v63  }
0xbb: {  	_ =	swait.ge [sflag:s21], $0x3E80  }
0xbc: {  	[sflag:s21] =	ssyncset.done $0x0  }
0xbd: {  	[sflag:s21] =	ssyncadd.s32 $0xFFFFC180  }
0xbe: {  	_ =	swait.ge [sflag:s26], $0x3E80  }
0xbf: {  	[sflag:s26] =	ssyncset.done $0x0  }
0xc0: {  	[sflag:s26] =	ssyncadd.s32 $0xFFFFC180  }
0xc1: {  	[tilespmem:s20], [sflag:$0x1] =	stream.indirect.gather [hbm4b:s4+s23], $0x80, s8, s23, $0xb8;
	[tilespmem:$0x1D000] =	vst v63  }
0xc2: {  	_ = 	snop  }
0xc3: {  	[spmem:s2] =	stream.indirect.scatter.add.f32 [tilespmem:s25], [sflag:$0x3], $0x80, s9, s23, $0xb8;
	[tilespmem:$0x1D000] =	vst v63  }
0xc4: {  	_ =	swait.ge [sflag:s21], $0x3E80  }
0xc5: {  	[sflag:s21] =	ssyncset.done $0x0  }
0xc6: {  	[sflag:s21] =	ssyncadd.s32 $0xFFFFC180  }
0xc7: {  	_ =	swait.ge [sflag:s24], $0x3E80  }
0xc8: {  	[sflag:s24] =	ssyncset.done $0x0  }
0xc9: {  	[sflag:s24] =	ssyncadd.s32 $0xFFFFC180  }
0xca: {  	[tilespmem:s25], [sflag:$0x2] =	stream.indirect.gather [hbm4b:s4+s23], $0x80, s10, s23, $0xb8;
	[tilespmem:$0x1D000] =	vst v63  }
0xcb: {  	_ = 	snop  }
0xcc: {  	[spmem:s2] =	stream.indirect.scatter.add.f32 [tilespmem:s20], [sflag:$0x3], $0x80, s11, s23, $0xb8;
	[tilespmem:$0x1D000] =	vst v63  }
0xcd: {  	_ =	swait.ge [sflag:s21], $0x3E80  }
0xce: {  	[sflag:s21] =	ssyncset.done $0x0  }
0xcf: {  	[sflag:s21] =	ssyncadd.s32 $0xFFFFC180  }
0xd0: {  	_ =	swait.ge [sflag:s26], $0x3E80  }
0xd1: {  	[sflag:s26] =	ssyncset.done $0x0  }
0xd2: {  	[sflag:s26] =	ssyncadd.s32 $0xFFFFC180  }
0xd3: {  	[tilespmem:s20], [sflag:$0x1] =	stream.indirect.gather [hbm4b:s4+s23], $0x80, s12, s23, $0xb8;
	[tilespmem:$0x1D000] =	vst v63  }
0xd4: {  	_ = 	snop  }
0xd5: {  	[spmem:s2] =	stream.indirect.scatter.add.f32 [tilespmem:s25], [sflag:$0x3], $0x80, s13, s23, $0xb8;
	[tilespmem:$0x1D000] =	vst v63  }
0xd6: {  	_ =	swait.ge [sflag:s21], $0x3E80  }
0xd7: {  	[sflag:s21] =	ssyncset.done $0x0  }
0xd8: {  	[sflag:s21] =	ssyncadd.s32 $0xFFFFC180  }
0xd9: {  	_ =	swait.ge [sflag:s24], $0x3E80  }
0xda: {  	[sflag:s24] =	ssyncset.done $0x0  }
0xdb: {  	[sflag:s24] =	ssyncadd.s32 $0xFFFFC180  }
0xdc: {  	[tilespmem:s25], [sflag:$0x2] =	stream.indirect.gather [hbm4b:s4+s23], $0x80, s14, s23, $0xb8;
	[tilespmem:$0x1D000] =	vst v63  }
0xdd: {  	_ = 	snop  }
0xde: {  	[spmem:s2] =	stream.indirect.scatter.add.f32 [tilespmem:s20], [sflag:$0x3], $0x80, s15, s23, $0xb8;
	[tilespmem:$0x1D000] =	vst v63  }
0xdf: {  	_ =	swait.ge [sflag:s21], $0x3E80  }
0xe0: {  	[sflag:s21] =	ssyncset.done $0x0  }
0xe1: {  	[sflag:s21] =	ssyncadd.s32 $0xFFFFC180  }
0xe2: {  	_ =	swait.ge [sflag:s26], $0x3E80  }
0xe3: {  	[sflag:s26] =	ssyncset.done $0x0  }
0xe4: {  	[sflag:s26] =	ssyncadd.s32 $0xFFFFC180  }
0xe5: {  	[spmem:s2] =	stream.indirect.scatter.add.f32 [tilespmem:s25], [sflag:$0x3], $0x80, s16, s23, $0xb8;
	[tilespmem:$0x1D000] =	vst v63  }
0xe6: {  	s18 =	simm.s32 $0x100;
	_ =	swait.ge [sflag:s21], $0x3E80  }
0xe7: {  	s19 =	simm.s32 $0x200;
	s5 =	rddreg [dreg:$0x4];
	[sflag:s21] =	ssyncset.done $0x0  }
.LBB2_4:
0xe8: {  	[sflag:s21] =	ssyncadd.s32 $0xFFFFC180;
	s5 =	sadd.s32 s18, s5  }
0xe9: {  	[tilespmem:s3], [sflag:$0x3] =	stream.linear.gather [hbm4b:s5+s3], $0x800, $0x38;
	[tilespmem:$0x1D000] =	vst v63  }
0xea: {  	_ =	swait.ge [sflag:s21], $0x800  }
0xeb: {  	s5 =	rddreg [dreg:$0x3];
	[sflag:s21] =	ssyncset.done $0x0  }
0xec: {  	[sflag:s21] =	ssyncadd.s32 $0xFFFFF800;
	s5 =	sadd.s32 s18, s5  }
0xed: {  	[tilespmem:s22], [sflag:$0x3] =	stream.linear.gather [hbm4b:s5+s3], $0x800, $0x38;
	[tilespmem:$0x1D000] =	vst v63  }
0xee: {  	_ =	swait.ge [sflag:s21], $0x800  }
0xef: {  	[sflag:s21] =	ssyncset.done $0x0  }
0xf0: {  	[sflag:s21] =	ssyncadd.s32 $0xFFFFF800  }
0xf1: {  	[tilespmem:s20], [sflag:$0x1] =	stream.indirect.gather [hbm4b:s4+s23], $0x80, s3, s23, $0xb8;
	[tilespmem:$0x1D000] =	vst v63  }
0xf2: {  	_ =	swait.ge [sflag:s24], $0x3E80  }
0xf3: {  	s17 =	smov.u32 s19;
	[sflag:s24] =	ssyncset.done $0x0  }
0xf4: {  	s18 =	smov.u32 s17;
	s17 =	rddreg [dreg:$0x5];
	[sflag:s24] =	ssyncadd.s32 $0xFFFFC180  }
0xf5: {  	[tilespmem:s25], [sflag:$0x2] =	stream.indirect.gather [hbm4b:s4+s23], $0x80, s17, s23, $0xb8;
	[tilespmem:$0x1D000] =	vst v63  }
0xf6: {  	_ = 	snop  }
0xf7: {  	[spmem:s2] =	stream.indirect.scatter.add.f32 [tilespmem:s20], [sflag:$0x3], $0x80, s22, s23, $0xb8;
	[tilespmem:$0x1D000] =	vst v63  }
0xf8: {  	_ =	swait.ge [sflag:s21], $0x3E80  }
0xf9: {  	[sflag:s21] =	ssyncset.done $0x0  }
0xfa: {  	[sflag:s21] =	ssyncadd.s32 $0xFFFFC180  }
0xfb: {  	_ =	swait.ge [sflag:s26], $0x3E80  }
0xfc: {  	[sflag:s26] =	ssyncset.done $0x0  }
0xfd: {  	s5 =	rddreg [dreg:$0x6];
	[sflag:s26] =	ssyncadd.s32 $0xFFFFC180  }
0xfe: {  	[tilespmem:s20], [sflag:$0x1] =	stream.indirect.gather [hbm4b:s4+s23], $0x80, s5, s23, $0xb8;
	[tilespmem:$0x1D000] =	vst v63  }
0xff: {  	s17 =	rddreg [dreg:$0x7]  }
0x100: {  	[spmem:s2] =	stream.indirect.scatter.add.f32 [tilespmem:s25], [sflag:$0x3], $0x80, s17, s23, $0xb8;
	[tilespmem:$0x1D000] =	vst v63  }
0x101: {  	_ =	swait.ge [sflag:s21], $0x3E80  }
0x102: {  	[sflag:s21] =	ssyncset.done $0x0  }
0x103: {  	[sflag:s21] =	ssyncadd.s32 $0xFFFFC180  }
0x104: {  	_ =	swait.ge [sflag:s24], $0x3E80  }
0x105: {  	[sflag:s24] =	ssyncset.done $0x0  }
0x106: {  	s5 =	rddreg [dreg:$0x8];
	[sflag:s24] =	ssyncadd.s32 $0xFFFFC180  }
0x107: {  	[tilespmem:s25], [sflag:$0x2] =	stream.indirect.gather [hbm4b:s4+s23], $0x80, s5, s23, $0xb8;
	[tilespmem:$0x1D000] =	vst v63  }
0x108: {  	s17 =	rddreg [dreg:$0x9]  }
0x109: {  	[spmem:s2] =	stream.indirect.scatter.add.f32 [tilespmem:s20], [sflag:$0x3], $0x80, s17, s23, $0xb8;
	[tilespmem:$0x1D000] =	vst v63  }
0x10a: {  	_ =	swait.ge [sflag:s21], $0x3E80  }
0x10b: {  	[sflag:s21] =	ssyncset.done $0x0  }
0x10c: {  	[sflag:s21] =	ssyncadd.s32 $0xFFFFC180  }
0x10d: {  	_ =	swait.ge [sflag:s26], $0x3E80  }
0x10e: {  	[sflag:s26] =	ssyncset.done $0x0  }
0x10f: {  	s5 =	rddreg [dreg:$0xa];
	[sflag:s26] =	ssyncadd.s32 $0xFFFFC180  }
0x110: {  	[tilespmem:s20], [sflag:$0x1] =	stream.indirect.gather [hbm4b:s4+s23], $0x80, s5, s23, $0xb8;
	[tilespmem:$0x1D000] =	vst v63  }
0x111: {  	s17 =	rddreg [dreg:$0xb]  }
0x112: {  	[spmem:s2] =	stream.indirect.scatter.add.f32 [tilespmem:s25], [sflag:$0x3], $0x80, s17, s23, $0xb8;
	[tilespmem:$0x1D000] =	vst v63  }
0x113: {  	_ =	swait.ge [sflag:s21], $0x3E80  }
0x114: {  	[sflag:s21] =	ssyncset.done $0x0  }
0x115: {  	[sflag:s21] =	ssyncadd.s32 $0xFFFFC180  }
0x116: {  	_ =	swait.ge [sflag:s24], $0x3E80  }
0x117: {  	[sflag:s24] =	ssyncset.done $0x0  }
0x118: {  	s5 =	rddreg [dreg:$0xc];
	[sflag:s24] =	ssyncadd.s32 $0xFFFFC180  }
0x119: {  	[tilespmem:s25], [sflag:$0x2] =	stream.indirect.gather [hbm4b:s4+s23], $0x80, s5, s23, $0xb8;
	[tilespmem:$0x1D000] =	vst v63  }
0x11a: {  	s17 =	rddreg [dreg:$0xd]  }
0x11b: {  	[spmem:s2] =	stream.indirect.scatter.add.f32 [tilespmem:s20], [sflag:$0x3], $0x80, s17, s23, $0xb8;
	[tilespmem:$0x1D000] =	vst v63  }
0x11c: {  	_ =	swait.ge [sflag:s21], $0x3E80  }
0x11d: {  	[sflag:s21] =	ssyncset.done $0x0  }
0x11e: {  	[sflag:s21] =	ssyncadd.s32 $0xFFFFC180  }
0x11f: {  	_ =	swait.ge [sflag:s26], $0x3E80  }
0x120: {  	[sflag:s26] =	ssyncset.done $0x0  }
0x121: {  	s5 =	rddreg [dreg:$0xe];
	[sflag:s26] =	ssyncadd.s32 $0xFFFFC180  }
0x122: {  	[tilespmem:s20], [sflag:$0x1] =	stream.indirect.gather [hbm4b:s4+s23], $0x80, s5, s23, $0xb8;
	[tilespmem:$0x1D000] =	vst v63  }
0x123: {  	s17 =	rddreg [dreg:$0xf]  }
0x124: {  	[spmem:s2] =	stream.indirect.scatter.add.f32 [tilespmem:s25], [sflag:$0x3], $0x80, s17, s23, $0xb8;
	[tilespmem:$0x1D000] =	vst v63  }
0x125: {  	_ =	swait.ge [sflag:s21], $0x3E80  }
0x126: {  	[sflag:s21] =	ssyncset.done $0x0  }
0x127: {  	[sflag:s21] =	ssyncadd.s32 $0xFFFFC180  }
0x128: {  	_ =	swait.ge [sflag:s24], $0x3E80  }
0x129: {  	[sflag:s24] =	ssyncset.done $0x0  }
0x12a: {  	s5 =	rddreg [dreg:$0x10];
	[sflag:s24] =	ssyncadd.s32 $0xFFFFC180  }
0x12b: {  	[tilespmem:s25], [sflag:$0x2] =	stream.indirect.gather [hbm4b:s4+s23], $0x80, s5, s23, $0xb8;
	[tilespmem:$0x1D000] =	vst v63  }
0x12c: {  	s17 =	rddreg [dreg:$0x11]  }
0x12d: {  	[spmem:s2] =	stream.indirect.scatter.add.f32 [tilespmem:s20], [sflag:$0x3], $0x80, s17, s23, $0xb8;
	[tilespmem:$0x1D000] =	vst v63  }
0x12e: {  	_ =	swait.ge [sflag:s21], $0x3E80  }
0x12f: {  	[sflag:s21] =	ssyncset.done $0x0  }
0x130: {  	[sflag:s21] =	ssyncadd.s32 $0xFFFFC180  }
0x131: {  	_ =	swait.ge [sflag:s26], $0x3E80  }
0x132: {  	[sflag:s26] =	ssyncset.done $0x0  }
0x133: {  	[sflag:s26] =	ssyncadd.s32 $0xFFFFC180  }
0x134: {  	[tilespmem:s20], [sflag:$0x1] =	stream.indirect.gather [hbm4b:s4+s23], $0x80, s28, s23, $0xb8;
	[tilespmem:$0x1D000] =	vst v63  }
0x135: {  	_ = 	snop  }
0x136: {  	[spmem:s2] =	stream.indirect.scatter.add.f32 [tilespmem:s25], [sflag:$0x3], $0x80, s29, s23, $0xb8;
	[tilespmem:$0x1D000] =	vst v63  }
0x137: {  	_ =	swait.ge [sflag:s21], $0x3E80  }
0x138: {  	[sflag:s21] =	ssyncset.done $0x0  }
0x139: {  	[sflag:s21] =	ssyncadd.s32 $0xFFFFC180  }
0x13a: {  	_ =	swait.ge [sflag:s24], $0x3E80  }
0x13b: {  	[sflag:s24] =	ssyncset.done $0x0  }
0x13c: {  	[sflag:s24] =	ssyncadd.s32 $0xFFFFC180  }
0x13d: {  	[tilespmem:s25], [sflag:$0x2] =	stream.indirect.gather [hbm4b:s4+s23], $0x80, s30, s23, $0xb8;
	[tilespmem:$0x1D000] =	vst v63  }
0x13e: {  	_ = 	snop  }
0x13f: {  	[spmem:s2] =	stream.indirect.scatter.add.f32 [tilespmem:s20], [sflag:$0x3], $0x80, s31, s23, $0xb8;
	[tilespmem:$0x1D000] =	vst v63  }
0x140: {  	_ =	swait.ge [sflag:s21], $0x3E80  }
0x141: {  	[sflag:s21] =	ssyncset.done $0x0  }
0x142: {  	[sflag:s21] =	ssyncadd.s32 $0xFFFFC180  }
0x143: {  	_ =	swait.ge [sflag:s26], $0x3E80  }
0x144: {  	[sflag:s26] =	ssyncset.done $0x0  }
0x145: {  	[sflag:s26] =	ssyncadd.s32 $0xFFFFC180  }
0x146: {  	[tilespmem:s20], [sflag:$0x1] =	stream.indirect.gather [hbm4b:s4+s23], $0x80, s1, s23, $0xb8;
	[tilespmem:$0x1D000] =	vst v63  }
0x147: {  	_ = 	snop  }
0x148: {  	[spmem:s2] =	stream.indirect.scatter.add.f32 [tilespmem:s25], [sflag:$0x3], $0x80, s0, s23, $0xb8;
	[tilespmem:$0x1D000] =	vst v63  }
0x149: {  	_ =	swait.ge [sflag:s21], $0x3E80  }
0x14a: {  	[sflag:s21] =	ssyncset.done $0x0  }
0x14b: {  	[sflag:s21] =	ssyncadd.s32 $0xFFFFC180  }
0x14c: {  	_ =	swait.ge [sflag:s24], $0x3E80  }
0x14d: {  	[sflag:s24] =	ssyncset.done $0x0  }
0x14e: {  	[sflag:s24] =	ssyncadd.s32 $0xFFFFC180  }
0x14f: {  	[tilespmem:s25], [sflag:$0x2] =	stream.indirect.gather [hbm4b:s4+s23], $0x80, s6, s23, $0xb8;
	[tilespmem:$0x1D000] =	vst v63  }
0x150: {  	_ = 	snop  }
0x151: {  	[spmem:s2] =	stream.indirect.scatter.add.f32 [tilespmem:s20], [sflag:$0x3], $0x80, s7, s23, $0xb8;
	[tilespmem:$0x1D000] =	vst v63  }
0x152: {  	_ =	swait.ge [sflag:s21], $0x3E80  }
0x153: {  	[sflag:s21] =	ssyncset.done $0x0  }
0x154: {  	[sflag:s21] =	ssyncadd.s32 $0xFFFFC180  }
0x155: {  	_ =	swait.ge [sflag:s26], $0x3E80  }
0x156: {  	[sflag:s26] =	ssyncset.done $0x0  }
0x157: {  	[sflag:s26] =	ssyncadd.s32 $0xFFFFC180  }
0x158: {  	[tilespmem:s20], [sflag:$0x1] =	stream.indirect.gather [hbm4b:s4+s23], $0x80, s8, s23, $0xb8;
	[tilespmem:$0x1D000] =	vst v63  }
0x159: {  	_ = 	snop  }
0x15a: {  	[spmem:s2] =	stream.indirect.scatter.add.f32 [tilespmem:s25], [sflag:$0x3], $0x80, s9, s23, $0xb8;
	[tilespmem:$0x1D000] =	vst v63  }
0x15b: {  	_ =	swait.ge [sflag:s21], $0x3E80  }
0x15c: {  	[sflag:s21] =	ssyncset.done $0x0  }
0x15d: {  	[sflag:s21] =	ssyncadd.s32 $0xFFFFC180  }
0x15e: {  	_ =	swait.ge [sflag:s24], $0x3E80  }
0x15f: {  	[sflag:s24] =	ssyncset.done $0x0  }
0x160: {  	[sflag:s24] =	ssyncadd.s32 $0xFFFFC180  }
0x161: {  	[tilespmem:s25], [sflag:$0x2] =	stream.indirect.gather [hbm4b:s4+s23], $0x80, s10, s23, $0xb8;
	[tilespmem:$0x1D000] =	vst v63  }
0x162: {  	_ = 	snop  }
0x163: {  	[spmem:s2] =	stream.indirect.scatter.add.f32 [tilespmem:s20], [sflag:$0x3], $0x80, s11, s23, $0xb8;
	[tilespmem:$0x1D000] =	vst v63  }
0x164: {  	_ =	swait.ge [sflag:s21], $0x3E80  }
0x165: {  	[sflag:s21] =	ssyncset.done $0x0  }
0x166: {  	[sflag:s21] =	ssyncadd.s32 $0xFFFFC180  }
0x167: {  	_ =	swait.ge [sflag:s26], $0x3E80  }
0x168: {  	[sflag:s26] =	ssyncset.done $0x0  }
0x169: {  	[sflag:s26] =	ssyncadd.s32 $0xFFFFC180  }
0x16a: {  	[tilespmem:s20], [sflag:$0x1] =	stream.indirect.gather [hbm4b:s4+s23], $0x80, s12, s23, $0xb8;
	[tilespmem:$0x1D000] =	vst v63  }
0x16b: {  	_ = 	snop  }
0x16c: {  	[spmem:s2] =	stream.indirect.scatter.add.f32 [tilespmem:s25], [sflag:$0x3], $0x80, s13, s23, $0xb8;
	[tilespmem:$0x1D000] =	vst v63  }
0x16d: {  	_ =	swait.ge [sflag:s21], $0x3E80  }
0x16e: {  	[sflag:s21] =	ssyncset.done $0x0  }
0x16f: {  	[sflag:s21] =	ssyncadd.s32 $0xFFFFC180  }
0x170: {  	_ =	swait.ge [sflag:s24], $0x3E80  }
0x171: {  	[sflag:s24] =	ssyncset.done $0x0  }
0x172: {  	[sflag:s24] =	ssyncadd.s32 $0xFFFFC180  }
0x173: {  	[tilespmem:s25], [sflag:$0x2] =	stream.indirect.gather [hbm4b:s4+s23], $0x80, s14, s23, $0xb8;
	[tilespmem:$0x1D000] =	vst v63  }
0x174: {  	_ = 	snop  }
0x175: {  	[spmem:s2] =	stream.indirect.scatter.add.f32 [tilespmem:s20], [sflag:$0x3], $0x80, s15, s23, $0xb8;
	[tilespmem:$0x1D000] =	vst v63  }
0x176: {  	_ =	swait.ge [sflag:s21], $0x3E80  }
0x177: {  	[sflag:s21] =	ssyncset.done $0x0  }
0x178: {  	[sflag:s21] =	ssyncadd.s32 $0xFFFFC180  }
0x179: {  	p0 =	sne.s32 s19, $0x400;
	_ =	swait.ge [sflag:s26], $0x3E80  }
.Ltmp1:
0x17a: {  	[sflag:s26] =	ssyncset.done $0x0;
	(pc) =	sbr.rel @p0 .LBB2_4-.Ltmp1, $4  }
0x17b: {  	[sflag:s26] =	ssyncadd.s32 $0xFFFFC180  }
0x17c: {  	[spmem:s2] =	stream.indirect.scatter.add.f32 [tilespmem:s25], [sflag:$0x3], $0x80, s16, s23, $0xb8;
	[tilespmem:$0x1D000] =	vst v63  }
0x17d: {  	_ =	swait.ge [sflag:s21], $0x3E80  }
0x17e: {  	s19 =	sadd.s32 $0x100, s19;
	s5 =	rddreg [dreg:$0x4];
	[sflag:s21] =	ssyncset.done $0x0  }
0x17f: {  	[sflag:s21] =	ssyncadd.s32 $0xFFFFC180;
	s5 =	sadd.s32 s18, s5  }
0x180: {  	[tilespmem:s3], [sflag:$0x3] =	stream.linear.gather [hbm4b:s5+s3], $0x800, $0x38;
	[tilespmem:$0x1D000] =	vst v63  }
0x181: {  	_ =	swait.ge [sflag:s21], $0x800  }
0x182: {  	s17 =	rddreg [dreg:$0x3];
	[sflag:s21] =	ssyncset.done $0x0  }
0x183: {  	[sflag:s21] =	ssyncadd.s32 $0xFFFFF800;
	s5 =	sadd.s32 s18, s17  }
0x184: {  	[tilespmem:s22], [sflag:$0x3] =	stream.linear.gather [hbm4b:s5+s3], $0x800, $0x38;
	[tilespmem:$0x1D000] =	vst v63  }
0x185: {  	_ =	swait.ge [sflag:s21], $0x800  }
0x186: {  	[sflag:s21] =	ssyncset.done $0x0  }
0x187: {  	[sflag:s21] =	ssyncadd.s32 $0xFFFFF800  }
0x188: {  	[tilespmem:s20], [sflag:$0x1] =	stream.indirect.gather [hbm4b:s4+s23], $0x80, s3, s23, $0xb8;
	[tilespmem:$0x1D000] =	vst v63  }
0x189: {  	_ =	swait.ge [sflag:s24], $0x3E80  }
0x18a: {  	[sflag:s24] =	ssyncset.done $0x0  }
0x18b: {  	s18 =	rddreg [dreg:$0x5];
	[sflag:s24] =	ssyncadd.s32 $0xFFFFC180  }
0x18c: {  	[tilespmem:s25], [sflag:$0x2] =	stream.indirect.gather [hbm4b:s4+s23], $0x80, s18, s23, $0xb8;
	[tilespmem:$0x1D000] =	vst v63  }
0x18d: {  	_ = 	snop  }
0x18e: {  	[spmem:s2] =	stream.indirect.scatter.add.f32 [tilespmem:s20], [sflag:$0x3], $0x80, s22, s23, $0xb8;
	[tilespmem:$0x1D000] =	vst v63  }
0x18f: {  	_ =	swait.ge [sflag:s21], $0x3E80  }
0x190: {  	[sflag:s21] =	ssyncset.done $0x0  }
0x191: {  	[sflag:s21] =	ssyncadd.s32 $0xFFFFC180  }
0x192: {  	_ =	swait.ge [sflag:s26], $0x3E80  }
0x193: {  	[sflag:s26] =	ssyncset.done $0x0  }
0x194: {  	s19 =	rddreg [dreg:$0x6];
	[sflag:s26] =	ssyncadd.s32 $0xFFFFC180  }
0x195: {  	[tilespmem:s20], [sflag:$0x1] =	stream.indirect.gather [hbm4b:s4+s23], $0x80, s19, s23, $0xb8;
	[tilespmem:$0x1D000] =	vst v63  }
0x196: {  	s17 =	rddreg [dreg:$0x7]  }
0x197: {  	[spmem:s2] =	stream.indirect.scatter.add.f32 [tilespmem:s25], [sflag:$0x3], $0x80, s17, s23, $0xb8;
	[tilespmem:$0x1D000] =	vst v63  }
0x198: {  	_ =	swait.ge [sflag:s21], $0x3E80  }
0x199: {  	[sflag:s21] =	ssyncset.done $0x0  }
0x19a: {  	[sflag:s21] =	ssyncadd.s32 $0xFFFFC180  }
0x19b: {  	_ =	swait.ge [sflag:s24], $0x3E80  }
0x19c: {  	[sflag:s24] =	ssyncset.done $0x0  }
0x19d: {  	s18 =	rddreg [dreg:$0x8];
	[sflag:s24] =	ssyncadd.s32 $0xFFFFC180  }
0x19e: {  	[tilespmem:s25], [sflag:$0x2] =	stream.indirect.gather [hbm4b:s4+s23], $0x80, s18, s23, $0xb8;
	[tilespmem:$0x1D000] =	vst v63  }
0x19f: {  	s19 =	rddreg [dreg:$0x9]  }
0x1a0: {  	[spmem:s2] =	stream.indirect.scatter.add.f32 [tilespmem:s20], [sflag:$0x3], $0x80, s19, s23, $0xb8;
	[tilespmem:$0x1D000] =	vst v63  }
0x1a1: {  	_ =	swait.ge [sflag:s21], $0x3E80  }
0x1a2: {  	[sflag:s21] =	ssyncset.done $0x0  }
0x1a3: {  	[sflag:s21] =	ssyncadd.s32 $0xFFFFC180  }
0x1a4: {  	_ =	swait.ge [sflag:s26], $0x3E80  }
0x1a5: {  	[sflag:s26] =	ssyncset.done $0x0  }
0x1a6: {  	s18 =	rddreg [dreg:$0xa];
	[sflag:s26] =	ssyncadd.s32 $0xFFFFC180  }
0x1a7: {  	[tilespmem:s20], [sflag:$0x1] =	stream.indirect.gather [hbm4b:s4+s23], $0x80, s18, s23, $0xb8;
	[tilespmem:$0x1D000] =	vst v63  }
0x1a8: {  	s19 =	rddreg [dreg:$0xb]  }
0x1a9: {  	[spmem:s2] =	stream.indirect.scatter.add.f32 [tilespmem:s25], [sflag:$0x3], $0x80, s19, s23, $0xb8;
	[tilespmem:$0x1D000] =	vst v63  }
0x1aa: {  	_ =	swait.ge [sflag:s21], $0x3E80  }
0x1ab: {  	[sflag:s21] =	ssyncset.done $0x0  }
0x1ac: {  	[sflag:s21] =	ssyncadd.s32 $0xFFFFC180  }
0x1ad: {  	_ =	swait.ge [sflag:s24], $0x3E80  }
0x1ae: {  	[sflag:s24] =	ssyncset.done $0x0  }
0x1af: {  	s18 =	rddreg [dreg:$0xc];
	[sflag:s24] =	ssyncadd.s32 $0xFFFFC180  }
0x1b0: {  	[tilespmem:s25], [sflag:$0x2] =	stream.indirect.gather [hbm4b:s4+s23], $0x80, s18, s23, $0xb8;
	[tilespmem:$0x1D000] =	vst v63  }
0x1b1: {  	s19 =	rddreg [dreg:$0xd]  }
0x1b2: {  	[spmem:s2] =	stream.indirect.scatter.add.f32 [tilespmem:s20], [sflag:$0x3], $0x80, s19, s23, $0xb8;
	[tilespmem:$0x1D000] =	vst v63  }
0x1b3: {  	_ =	swait.ge [sflag:s21], $0x3E80  }
0x1b4: {  	[sflag:s21] =	ssyncset.done $0x0  }
0x1b5: {  	[sflag:s21] =	ssyncadd.s32 $0xFFFFC180  }
0x1b6: {  	_ =	swait.ge [sflag:s26], $0x3E80  }
0x1b7: {  	[sflag:s26] =	ssyncset.done $0x0  }
0x1b8: {  	s18 =	rddreg [dreg:$0xe];
	[sflag:s26] =	ssyncadd.s32 $0xFFFFC180  }
0x1b9: {  	[tilespmem:s20], [sflag:$0x1] =	stream.indirect.gather [hbm4b:s4+s23], $0x80, s18, s23, $0xb8;
	[tilespmem:$0x1D000] =	vst v63  }
0x1ba: {  	s19 =	rddreg [dreg:$0xf]  }
0x1bb: {  	[spmem:s2] =	stream.indirect.scatter.add.f32 [tilespmem:s25], [sflag:$0x3], $0x80, s19, s23, $0xb8;
	[tilespmem:$0x1D000] =	vst v63  }
0x1bc: {  	_ =	swait.ge [sflag:s21], $0x3E80  }
0x1bd: {  	[sflag:s21] =	ssyncset.done $0x0  }
0x1be: {  	[sflag:s21] =	ssyncadd.s32 $0xFFFFC180  }
0x1bf: {  	_ =	swait.ge [sflag:s24], $0x3E80  }
0x1c0: {  	[sflag:s24] =	ssyncset.done $0x0  }
0x1c1: {  	s17 =	rddreg [dreg:$0x10];
	[sflag:s24] =	ssyncadd.s32 $0xFFFFC180  }
0x1c2: {  	[tilespmem:s25], [sflag:$0x2] =	stream.indirect.gather [hbm4b:s4+s23], $0x80, s17, s23, $0xb8;
	[tilespmem:$0x1D000] =	vst v63  }
0x1c3: {  	s18 =	rddreg [dreg:$0x11]  }
0x1c4: {  	[spmem:s2] =	stream.indirect.scatter.add.f32 [tilespmem:s20], [sflag:$0x3], $0x80, s18, s23, $0xb8;
	[tilespmem:$0x1D000] =	vst v63  }
0x1c5: {  	_ =	swait.ge [sflag:s21], $0x3E80  }
0x1c6: {  	[sflag:s21] =	ssyncset.done $0x0  }
0x1c7: {  	[sflag:s21] =	ssyncadd.s32 $0xFFFFC180  }
0x1c8: {  	_ =	swait.ge [sflag:s26], $0x3E80  }
0x1c9: {  	[sflag:s26] =	ssyncset.done $0x0  }
0x1ca: {  	[sflag:s26] =	ssyncadd.s32 $0xFFFFC180  }
0x1cb: {  	[tilespmem:s20], [sflag:$0x1] =	stream.indirect.gather [hbm4b:s4+s23], $0x80, s28, s23, $0xb8;
	[tilespmem:$0x1D000] =	vst v63  }
0x1cc: {  	_ = 	snop  }
0x1cd: {  	[spmem:s2] =	stream.indirect.scatter.add.f32 [tilespmem:s25], [sflag:$0x3], $0x80, s29, s23, $0xb8;
	[tilespmem:$0x1D000] =	vst v63  }
0x1ce: {  	_ =	swait.ge [sflag:s21], $0x3E80  }
0x1cf: {  	[sflag:s21] =	ssyncset.done $0x0  }
0x1d0: {  	[sflag:s21] =	ssyncadd.s32 $0xFFFFC180  }
0x1d1: {  	_ =	swait.ge [sflag:s24], $0x3E80  }
0x1d2: {  	[sflag:s24] =	ssyncset.done $0x0  }
0x1d3: {  	[sflag:s24] =	ssyncadd.s32 $0xFFFFC180  }
0x1d4: {  	[tilespmem:s25], [sflag:$0x2] =	stream.indirect.gather [hbm4b:s4+s23], $0x80, s30, s23, $0xb8;
	[tilespmem:$0x1D000] =	vst v63  }
0x1d5: {  	_ = 	snop  }
0x1d6: {  	[spmem:s2] =	stream.indirect.scatter.add.f32 [tilespmem:s20], [sflag:$0x3], $0x80, s31, s23, $0xb8;
	[tilespmem:$0x1D000] =	vst v63  }
0x1d7: {  	_ =	swait.ge [sflag:s21], $0x3E80  }
0x1d8: {  	[sflag:s21] =	ssyncset.done $0x0  }
0x1d9: {  	[sflag:s21] =	ssyncadd.s32 $0xFFFFC180  }
0x1da: {  	_ =	swait.ge [sflag:s26], $0x3E80  }
0x1db: {  	[sflag:s26] =	ssyncset.done $0x0  }
0x1dc: {  	[sflag:s26] =	ssyncadd.s32 $0xFFFFC180  }
0x1dd: {  	[tilespmem:s20], [sflag:$0x1] =	stream.indirect.gather [hbm4b:s4+s23], $0x80, s1, s23, $0xb8;
	[tilespmem:$0x1D000] =	vst v63  }
0x1de: {  	_ = 	snop  }
0x1df: {  	[spmem:s2] =	stream.indirect.scatter.add.f32 [tilespmem:s25], [sflag:$0x3], $0x80, s0, s23, $0xb8;
	[tilespmem:$0x1D000] =	vst v63  }
0x1e0: {  	_ =	swait.ge [sflag:s21], $0x3E80  }
0x1e1: {  	[sflag:s21] =	ssyncset.done $0x0  }
0x1e2: {  	[sflag:s21] =	ssyncadd.s32 $0xFFFFC180  }
0x1e3: {  	_ =	swait.ge [sflag:s24], $0x3E80  }
0x1e4: {  	[sflag:s24] =	ssyncset.done $0x0  }
0x1e5: {  	[sflag:s24] =	ssyncadd.s32 $0xFFFFC180  }
0x1e6: {  	[tilespmem:s25], [sflag:$0x2] =	stream.indirect.gather [hbm4b:s4+s23], $0x80, s6, s23, $0xb8;
	[tilespmem:$0x1D000] =	vst v63  }
0x1e7: {  	_ = 	snop  }
0x1e8: {  	[spmem:s2] =	stream.indirect.scatter.add.f32 [tilespmem:s20], [sflag:$0x3], $0x80, s7, s23, $0xb8;
	[tilespmem:$0x1D000] =	vst v63  }
0x1e9: {  	_ =	swait.ge [sflag:s21], $0x3E80  }
0x1ea: {  	[sflag:s21] =	ssyncset.done $0x0  }
0x1eb: {  	[sflag:s21] =	ssyncadd.s32 $0xFFFFC180  }
0x1ec: {  	_ =	swait.ge [sflag:s26], $0x3E80  }
0x1ed: {  	[sflag:s26] =	ssyncset.done $0x0  }
0x1ee: {  	[sflag:s26] =	ssyncadd.s32 $0xFFFFC180  }
0x1ef: {  	[tilespmem:s20], [sflag:$0x1] =	stream.indirect.gather [hbm4b:s4+s23], $0x80, s8, s23, $0xb8;
	[tilespmem:$0x1D000] =	vst v63  }
0x1f0: {  	_ = 	snop  }
0x1f1: {  	[spmem:s2] =	stream.indirect.scatter.add.f32 [tilespmem:s25], [sflag:$0x3], $0x80, s9, s23, $0xb8;
	[tilespmem:$0x1D000] =	vst v63  }
0x1f2: {  	_ =	swait.ge [sflag:s21], $0x3E80  }
0x1f3: {  	[sflag:s21] =	ssyncset.done $0x0  }
0x1f4: {  	[sflag:s21] =	ssyncadd.s32 $0xFFFFC180  }
0x1f5: {  	_ =	swait.ge [sflag:s24], $0x3E80  }
0x1f6: {  	[sflag:s24] =	ssyncset.done $0x0  }
0x1f7: {  	[sflag:s24] =	ssyncadd.s32 $0xFFFFC180  }
0x1f8: {  	[tilespmem:s25], [sflag:$0x2] =	stream.indirect.gather [hbm4b:s4+s23], $0x80, s10, s23, $0xb8;
	[tilespmem:$0x1D000] =	vst v63  }
0x1f9: {  	_ = 	snop  }
0x1fa: {  	[spmem:s2] =	stream.indirect.scatter.add.f32 [tilespmem:s20], [sflag:$0x3], $0x80, s11, s23, $0xb8;
	[tilespmem:$0x1D000] =	vst v63  }
0x1fb: {  	_ =	swait.ge [sflag:s21], $0x3E80  }
0x1fc: {  	[sflag:s21] =	ssyncset.done $0x0  }
0x1fd: {  	[sflag:s21] =	ssyncadd.s32 $0xFFFFC180  }
0x1fe: {  	_ =	swait.ge [sflag:s26], $0x3E80  }
0x1ff: {  	[sflag:s26] =	ssyncset.done $0x0  }
0x200: {  	[sflag:s26] =	ssyncadd.s32 $0xFFFFC180  }
0x201: {  	[tilespmem:s20], [sflag:$0x1] =	stream.indirect.gather [hbm4b:s4+s23], $0x80, s12, s23, $0xb8;
	[tilespmem:$0x1D000] =	vst v63  }
0x202: {  	_ = 	snop  }
0x203: {  	[spmem:s2] =	stream.indirect.scatter.add.f32 [tilespmem:s25], [sflag:$0x3], $0x80, s13, s23, $0xb8;
	[tilespmem:$0x1D000] =	vst v63  }
0x204: {  	_ =	swait.ge [sflag:s21], $0x3E80  }
0x205: {  	[sflag:s21] =	ssyncset.done $0x0  }
0x206: {  	[sflag:s21] =	ssyncadd.s32 $0xFFFFC180  }
0x207: {  	_ =	swait.ge [sflag:s24], $0x3E80  }
0x208: {  	[sflag:s24] =	ssyncset.done $0x0  }
0x209: {  	[sflag:s24] =	ssyncadd.s32 $0xFFFFC180  }
0x20a: {  	[tilespmem:s25], [sflag:$0x2] =	stream.indirect.gather [hbm4b:s4+s23], $0x80, s14, s23, $0xb8;
	[tilespmem:$0x1D000] =	vst v63  }
0x20b: {  	_ = 	snop  }
0x20c: {  	[spmem:s2] =	stream.indirect.scatter.add.f32 [tilespmem:s20], [sflag:$0x3], $0x80, s15, s23, $0xb8;
	[tilespmem:$0x1D000] =	vst v63  }
0x20d: {  	_ =	swait.ge [sflag:s21], $0x3E80  }
0x20e: {  	[sflag:s21] =	ssyncset.done $0x0  }
0x20f: {  	[sflag:s21] =	ssyncadd.s32 $0xFFFFC180  }
0x210: {  	_ =	swait.ge [sflag:s26], $0x3E80  }
0x211: {  	[sflag:s26] =	ssyncset.done $0x0  }
0x212: {  	[sflag:s26] =	ssyncadd.s32 $0xFFFFC180  }
0x213: {  	[spmem:s2] =	stream.indirect.scatter.add.f32 [tilespmem:s25], [sflag:$0x3], $0x80, s16, s23, $0xb8;
	[tilespmem:$0x1D000] =	vst v63  }
0x214: {  	_ =	swait.ge [sflag:s21], $0x3E80  }
0x215: {  	[sflag:s21] =	ssyncset.done $0x0  }
0x216: {  	[sflag:s21] =	ssyncadd.s32 $0xFFFFC180  }
0x217: {  	[bflag:$0x0] =	sbarrier.arrive $0xFFFF  }
0x218: {  	s17 =	rddreg [dreg:$0x12]  }
0x219: {  	[tilespmem:s20], [sflag:$0x3] =	stream.linear.gather [spmem:s17], $0x4000, $0x38;
	[tilespmem:$0x1D000] =	vst v63  }
0x21a: {  	_ =	swait.ge [sflag:s21], $0x4000  }
0x21b: {  	[sflag:s21] =	ssyncset.done $0x0  }
0x21c: {  	s19 =	rddreg [dreg:$0x18];
	[sflag:s21] =	ssyncadd.s32 $0xFFFFC000  }
0x21d: {  	[hbm4b:s19+s3] =	stream.linear.scatter [tilespmem:s20], [sflag:$0x3], $0x4000, $0x38;
	[tilespmem:$0x1D000] =	vst v63  }
0x21e: {  	_ =	swait.ge [sflag:s21], $0x4000  }
0x21f: {  	[sflag:s21] =	ssyncset.done $0x0  }
0x220: {  	s18 =	rddreg [dreg:$0x19];
	[sflag:s21] =	ssyncadd.s32 $0xFFFFC000  }
0x221: {  	[tilespmem:s20], [sflag:$0x3] =	stream.linear.gather [spmem:s18], $0x4000, $0x38;
	[tilespmem:$0x1D000] =	vst v63  }
0x222: {  	_ =	swait.ge [sflag:s21], $0x4000  }
0x223: {  	[sflag:s21] =	ssyncset.done $0x0  }
0x224: {  	s19 =	rddreg [dreg:$0x1a];
	[sflag:s21] =	ssyncadd.s32 $0xFFFFC000  }
0x225: {  	[hbm4b:s19+s3] =	stream.linear.scatter [tilespmem:s20], [sflag:$0x3], $0x4000, $0x38;
	[tilespmem:$0x1D000] =	vst v63  }
0x226: {  	_ =	swait.ge [sflag:s21], $0x4000  }
0x227: {  	[sflag:s21] =	ssyncset.done $0x0  }
0x228: {  	s18 =	rddreg [dreg:$0x1b];
	[sflag:s21] =	ssyncadd.s32 $0xFFFFC000  }
0x229: {  	[tilespmem:s20], [sflag:$0x3] =	stream.linear.gather [spmem:s18], $0x4000, $0x38;
	[tilespmem:$0x1D000] =	vst v63  }
0x22a: {  	_ =	swait.ge [sflag:s21], $0x4000  }
0x22b: {  	[sflag:s21] =	ssyncset.done $0x0  }
0x22c: {  	s19 =	rddreg [dreg:$0x1c];
	[sflag:s21] =	ssyncadd.s32 $0xFFFFC000  }
0x22d: {  	[hbm4b:s19+s3] =	stream.linear.scatter [tilespmem:s20], [sflag:$0x3], $0x4000, $0x38;
	[tilespmem:$0x1D000] =	vst v63  }
0x22e: {  	_ =	swait.ge [sflag:s21], $0x4000  }
0x22f: {  	[sflag:s21] =	ssyncset.done $0x0  }
0x230: {  	s18 =	rddreg [dreg:$0x1d];
	[sflag:s21] =	ssyncadd.s32 $0xFFFFC000  }
0x231: {  	[tilespmem:s20], [sflag:$0x3] =	stream.linear.gather [spmem:s18], $0x4000, $0x38;
	[tilespmem:$0x1D000] =	vst v63  }
0x232: {  	_ =	swait.ge [sflag:s21], $0x4000  }
0x233: {  	[sflag:s21] =	ssyncset.done $0x0  }
0x234: {  	s19 =	rddreg [dreg:$0x1e];
	[sflag:s21] =	ssyncadd.s32 $0xFFFFC000  }
0x235: {  	[hbm4b:s19+s3] =	stream.linear.scatter [tilespmem:s20], [sflag:$0x3], $0x4000, $0x38;
	[tilespmem:$0x1D000] =	vst v63  }
0x236: {  	_ =	swait.ge [sflag:s21], $0x4000  }
0x237: {  	[sflag:s21] =	ssyncset.done $0x0  }
0x238: {  	s18 =	rddreg [dreg:$0x1f];
	[sflag:s21] =	ssyncadd.s32 $0xFFFFC000  }
0x239: {  	[tilespmem:s20], [sflag:$0x3] =	stream.linear.gather [spmem:s18], $0x4000, $0x38;
	[tilespmem:$0x1D000] =	vst v63  }
0x23a: {  	_ =	swait.ge [sflag:s21], $0x4000  }
0x23b: {  	s19 =	sld [smem:$0x7FD]  }
0x23c: {  	[sflag:s21] =	ssyncset.done $0x0  }
0x23d: {  	[sflag:s21] =	ssyncadd.s32 $0xFFFFC000  }
0x23e: {  	[hbm4b:s19+s3] =	stream.linear.scatter [tilespmem:s20], [sflag:$0x3], $0x4000, $0x38;
	[tilespmem:$0x1D000] =	vst v63  }
0x23f: {  	_ =	swait.ge [sflag:s21], $0x4000  }
0x240: {  	s5 =	sld [smem:$0x7FC];
	_ =	sdelay $0x2  }
0x241: {  	s19 =	rddreg [dreg:$0x13];
	s18 =	sadd.s32 $0x1, s5  }
0x242: {  	p0 =	sne.s32 s18, s19  }
.Ltmp2:
0x243: {  	_ = 	snop;
	(pc) =	sbr.rel @p0 .LBB2_1-.Ltmp2, $3  }
0x244: {  	_ =	sdelay $0x1  }
0x245: {  	[sflag:s21] =	ssyncset.done $0x0  }
0x246: {  	[sflag:s21] =	ssyncadd.s32 $0xFFFFC000  }
0x247: {  	_ =	sfence.sel $0x180000  }
0x248: {  	[bflag:$0x0] =	sbarrier.arrive $0xFFFF  }
0x249: {  	_ =	strace $0x9000004A  }
0x24a: {  	s0 =	stileid.u32;
	[bflag:$0x2] =	sbarrier.arrive $0xFFFF  }
0x24b: {  	p0 =	sne.s32 s0, $0x0;
	s0 =	rddreg [dreg:$0x2]  }
0x24c: {  	s0 =	sadd.s32 @!p0 $0x100000, s0  }
0x24d: {  	[sflag:s0] =	ssyncadd.tile.s32 @!p0 $0x1;
	_ =	shalt  }
.Lfunc_end2:
_tile_overlayer_lowered:
.L_overlay_start_2:
0x24e: {  	(tag) =	ssettag $0x2  }
0x24f: {  	s0 =	rddreg [dreg:$0x0];
	s2 =	stileid.u32  }
0x250: {  	s1 =	rddreg [dreg:$0x1];
	p0 =	sne.s32 s2, $0x0  }
0x251: {  	s3 =	rddreg [dreg:$0x2];
	[bflag:$0x3] =	sbarrier.arrive $0xFFFF;
	s2 =	simm.s32 @!p0 $0x1C03  }
0x252: {  	[timem:s3], [sflag:s2] =	dma.local @!p0 [hbm:s0], s1  }
0x253: {  	s0 =	simm.s32 @!p0 $0x3  }
0x254: {  	_ =	swait.ge @!p0 [sflag:s0], s1  }
0x255: {  	s1 =	ssub.s32 @!p0 $0x0, s1;
	[sflag:s0] =	ssyncset.done @!p0 $0x0  }
0x256: {  	[sflag:s0] =	ssyncadd.s32 @!p0 s1  }
0x257: {  	[bflag:$0x3] =	sbarrier.arrive $0xFFFF  }
0x258: {  	_ =	shalt  }

// kernel: kernel.16.cloned.1.call-start
scs
__scs_entry_jumppad:
0x0: {  	(pc) =	sbr.rel $0x88, $3  }
0x1: {  	(tag) =	ssettag $0x0;
	lr =	simm.s32 $0x1  }
0x2: {  	[smem:$0x3F94] =	sst lr;
	_ =	strace $0xD0000000  }
0x3: {  	_ = 	snop  }
0x4: {  	_ = 	snop  }
0x5: {  	_ = 	snop  }
0x6: {  	_ = 	snop  }
0x7: {  	_ = 	snop  }
__scs_overlays_trampoline_lowered:
0x8: {  	[smem:$0x3FA3] =	sst s0  }
0x9: {  	[smem:$0x3FA4] =	sst s1  }
0xa: {  	[smem:$0x3FA5] =	sst s2  }
0xb: {  	[smem:$0x3FA6] =	sst s3  }
0xc: {  	[smem:$0x3FA7] =	sst s4  }
0xd: {  	[smem:$0x3FA8] =	sst s5  }
0xe: {  	[smem:$0x3FA9] =	sst s6  }
0xf: {  	[smem:$0x3FAA] =	sst s7  }
0x10: {  	[smem:$0x3FAB] =	sst s8  }
0x11: {  	[smem:$0x3FAC] =	sst s9;
	s0 =	simm.s32 @!p0 $0x0  }
0x12: {  	s1 =	sld [smem:$0x3F92];
	s0 =	simm.s32 @p0 $0x1  }
0x13: {  	[smem:$0x3FAD] =	sst s0;
	s0 =	simm.s32 @!p1 $0x0  }
0x14: {  	s2 =	sld [smem:$0x3F91];
	s0 =	simm.s32 @p1 $0x1  }
0x15: {  	[smem:$0x3FAE] =	sst s0;
	s0 =	simm.s32 @!p2 $0x0  }
0x16: {  	s3 =	sld [smem:$0x3FDB];
	s0 =	simm.s32 @p2 $0x1  }
0x17: {  	s4 =	simm.s32 $0x1BF5;
	[smem:$0x3FB0] =	sst s0  }
0x18: {  	s0 =	sld [smem:$0x3F93];
	_ =	swait.ge [sflag:s4], $0x0  }
0x19: {  	s7 =	sld [smem:$0x3F94]  }
0x1a: {  	s8 =	sadd.s32 $0xFFFFE003, lr  }
0x1b: {  	s9 =	sadd.s32 $0xFFFFFEF7, lr;
	s5 =	simm.s32 $0xFFFFFFFF;
	p2 =	slt.u32 s8, $0xFFFFF086  }
0x1c: {  	p1 =	slt.u32 s9, $0xF7A;
	s5 =	simm.s32 @!p2 $0x0  }
0x1d: {  	s5 =	simm.s32 @p1 $0x1;
	p0 =	seq.s32 s7, s2  }
0x1e: {  	s7 =	smul.u32 @!p0 $0xF7A, s2;
	p2 =	seq.s32 @!p0 s5, $0x0  }
0x1f: {  	s9 =	smul.u32 $0xF7A, s1;
	s8 =	simm.s32 @!p0 $0x1BF5;
	p2 =	por !p2, p0  }
0x20: {  	[sflag:s8] =	ssyncset.s32 @!p0 $0xFFFFF086;
	s6 =	sadd.s32 @!p0 s3, s7;
	s7 =	simm.s32 @!p0 $0x108  }
0x21: {  	s3 =	sadd.s32 s3, s9;
	s6 =	sadd.s32 @!p0 $0x88, s6;
	s7 =	simm.s32 @p2 $0x1082  }
0x22: {  	[simem:s7], [sflag:s8] =	dma.local @!p0 [hbm:s6], $0xF7A  }
0x23: {  	s9 =	sor.u32 $0xD0000000, s2;
	s6 =	simm.s32 $0x108;
	_ =	swait.ge @!p0 [sflag:s8], $0x0  }
0x24: {  	s3 =	sadd.s32 $0x88, s3;
	s6 =	simm.s32 @!p1 $0x1082;
	[sflag:s4] =	ssyncset.s32 $0xFFFFF086  }
0x25: {  	[simem:s6], [sflag:s4] =	dma.local [hbm:s3], $0xF7A  }
0x26: {  	[smem:$0x3F94] =	sst s1;
	(tag) =	ssettag s2;
	_ =	strace s9  }
0x27: {  	s1 =	sld [smem:$0x3FA4]  }
0x28: {  	s2 =	sld [smem:$0x3FA5]  }
0x29: {  	s4 =	sld [smem:$0x3FA7]  }
0x2a: {  	p0 =	seq.s32 s5, $0x0;
	s5 =	sld [smem:$0x3FA8]  }
0x2b: {  	s6 =	sld [smem:$0x3FA9]  }
0x2c: {  	s7 =	sld [smem:$0x3FAA]  }
0x2d: {  	s3 =	simm.s32 $0x108;
	s8 =	sld [smem:$0x3FAB]  }
0x2e: {  	s3 =	simm.s32 @!p0 $0x1082;
	s9 =	sld [smem:$0x3FAC]  }
0x2f: {  	lr =	sadd.s32 s0, s3;
	s0 =	sld [smem:$0x3FA3]  }
0x30: {  	s3 =	sld [smem:$0x3FA6]  }
0x31: {  	[smem:$0x3FAF] =	sst s10  }
0x32: {  	s10 =	sld [smem:$0x3FAD];
	_ =	sdelay $0x3  }
0x33: {  	p0 =	seq.s32 s10, $0x1;
	s10 =	sld [smem:$0x3FAF];
	_ =	sdelay $0x3  }
0x34: {  	[smem:$0x3FAF] =	sst s10  }
0x35: {  	s10 =	sld [smem:$0x3FAE];
	_ =	sdelay $0x3  }
0x36: {  	p1 =	seq.s32 s10, $0x1;
	s10 =	sld [smem:$0x3FAF];
	_ =	sdelay $0x3  }
0x37: {  	[smem:$0x3FAF] =	sst s10  }
0x38: {  	s10 =	sld [smem:$0x3FB0]  }
0x39: {  	_ = 	snop;
	(pc) =	sbr.ind lr, $3  }
0x3a: {  	_ = 	snop  }
0x3b: {  	_ = 	snop  }
0x3c: {  	p2 =	seq.s32 s10, $0x1;
	s10 =	sld [smem:$0x3FAF]  }
0x3d: {  	_ =	shalt  }
0x3e: {  	_ =	shalt  }
0x3f: {  	_ =	shalt  }
0x40: {  	_ =	shalt  }
0x41: {  	_ =	shalt  }
0x42: {  	_ =	shalt  }
0x43: {  	_ =	shalt  }
0x44: {  	_ =	shalt  }
0x45: {  	_ =	shalt  }
0x46: {  	_ =	shalt  }
0x47: {  	_ =	shalt  }
0x48: {  	_ =	shalt  }
0x49: {  	_ =	shalt  }
0x4a: {  	_ =	shalt  }
0x4b: {  	_ =	shalt  }
0x4c: {  	_ =	shalt  }
0x4d: {  	_ =	shalt  }
0x4e: {  	_ =	shalt  }
0x4f: {  	_ =	shalt  }
0x50: {  	_ =	shalt  }
0x51: {  	_ =	shalt  }
0x52: {  	_ =	shalt  }
0x53: {  	_ =	shalt  }
0x54: {  	_ =	shalt  }
0x55: {  	_ =	shalt  }
0x56: {  	_ =	shalt  }
0x57: {  	_ =	shalt  }
0x58: {  	_ =	shalt  }
0x59: {  	_ =	shalt  }
0x5a: {  	_ =	shalt  }
0x5b: {  	_ =	shalt  }
0x5c: {  	_ =	shalt  }
0x5d: {  	_ =	shalt  }
0x5e: {  	_ =	shalt  }
0x5f: {  	_ =	shalt  }
0x60: {  	_ =	shalt  }
0x61: {  	_ =	shalt  }
0x62: {  	_ =	shalt  }
0x63: {  	_ =	shalt  }
0x64: {  	_ =	shalt  }
0x65: {  	_ =	shalt  }
0x66: {  	_ =	shalt  }
0x67: {  	_ =	shalt  }
0x68: {  	_ =	shalt  }
0x69: {  	_ =	shalt  }
0x6a: {  	_ =	shalt  }
0x6b: {  	_ =	shalt  }
0x6c: {  	_ =	shalt  }
0x6d: {  	_ =	shalt  }
0x6e: {  	_ =	shalt  }
0x6f: {  	_ =	shalt  }
0x70: {  	_ =	shalt  }
0x71: {  	_ =	shalt  }
0x72: {  	_ =	shalt  }
0x73: {  	_ =	shalt  }
0x74: {  	_ =	shalt  }
0x75: {  	_ =	shalt  }
0x76: {  	_ =	shalt  }
0x77: {  	_ =	shalt  }
0x78: {  	_ =	shalt  }
0x79: {  	_ =	shalt  }
0x7a: {  	_ =	shalt  }
0x7b: {  	_ =	shalt  }
0x7c: {  	_ =	shalt  }
0x7d: {  	_ =	shalt  }
0x7e: {  	_ =	shalt  }
0x7f: {  	_ =	shalt  }
0x80: {  	_ =	shalt  }
0x81: {  	_ =	shalt  }
0x82: {  	_ =	shalt  }
0x83: {  	_ =	shalt  }
0x84: {  	_ =	shalt  }
0x85: {  	_ =	shalt  }
0x86: {  	_ =	shalt  }
0x87: {  	_ =	shalt  }
.Lfunc_end0:
.L_simem_size_0:
called_computation.2_lowered:
.L_overlay_start_0:
0x88: {  	s2 =	sld [smem:$0x3FD9]  }
0x89: {  	s3 =	sld [smem:$0x3FFE];
	_ =	sdelay $0x1  }
0x8a: {  	s1 =	srdreg.scid  }
0x8b: {  	s0 =	sand.u32 $0x1, s1  }
0x8c: {  	s16 =	sshll.u32 s0, $0xA;
	s2 =	sadd.s32 s3, s2  }
0x8d: {  	s2 =	sadd.s32 s2, s16  }
0x8e: {  	[smem:$0x3FBB] =	sst s2  }
0x8f: {  	_ = 	snop  }
0x90: {  	(tm) =	ssettm $0x1  }
0x91: {  	s17 =	sld [smem:$0x3FFB];
	_ =	sdelay $0x3  }
0x92: {  	_ =	strace s17  }
0x93: {  	s2 =	sld [smem:$0x3FFC];
	_ =	sdelay $0x3  }
0x94: {  	_ =	strace s2  }
0x95: {  	s2 =	sld [smem:$0x3FFD];
	_ =	sdelay $0x3  }
0x96: {  	_ =	strace s2  }
0x97: {  	_ =	strace $0x8FFFFFFF  }
0x98: {  	s18 =	sld [smem:$0x3FDB];
	_ =	sdelay $0x1  }
0x99: {  	s19 =	simm.s32 $_scs_section_size  }
0x9a: {  	s4 =	simm.s32 $_size__tile_overlayer_lowered;
	s5 =	simm.s32 $_tile_overlayer_lowered  }
0x9b: {  	s22 =	simm.s32 $0x1BFF;
	s21 =	sshll.u32 s5, $0x1;
	s2 =	sadd.s32 s19, s18  }
0x9c: {  	s6 =	simm.s32 $0x0;
	s20 =	sshll.u32 s4, $0x1;
	s4 =	sadd.s32 s21, s2  }
0x9d: {  	[timem:s6], [sflag:s22] =	dma.local [hbm:s4], s20  }
0x9e: {  	_ =	swait.ge [sflag:s22], s20  }
0x9f: {  	s3 =	ssub.s32 $0x0, s20;
	[sflag:s22] =	ssyncset.done $0x0  }
0xa0: {  	[sflag:s22] =	ssyncadd.s32 s3;
	_ =	sdelay $0x1  }
0xa1: {  	s23 =	simm.s32 $0x1B8B  }
0xa2: {  	_ =	swait.ge [sflag:s23], $0x1  }
0xa3: {  	[sflag:s23] =	ssyncset.done $0x0  }
0xa4: {  	s25 =	simm.s32 $0x1B8E;
	s24 =	sld [smem:$0x3FFE];
	[sflag:s23] =	ssyncadd.s32 $0xFFFFFFFF  }
0xa5: {  	s26 =	simm.s32 $execute0_lowered;
	[smem:$0x3FD2] =	sst s25  }
0xa6: {  	s4 =	sshll.u32 s26, $0x1;
	_ =	strace $0x8000004C;
	[dreg:$0x1] =	wrdreg $0xFFFFFFFF  }
0xa7: {  	s28 =	simm.s32 $_size_execute0_lowered;
	s2 =	sadd.s32 s2, s4;
	[dreg:$0x0] =	wrdreg $0x0  }
0xa8: {  	s4 =	sshll.u32 s28, $0x1;
	[dreg:$0x2] =	wrdreg s2  }
0xa9: {  	[dreg:$0x3] =	wrdreg s4  }
0xaa: {  	[dreg:$0x4] =	wrdreg $0xC0  }
0xab: {  	_ =	task [dreg:s6], $0x5FFFF  }
0xac: {  	[dreg:$0x1] =	wrdreg $0xFFFFFFFF  }
0xad: {  	[dreg:$0x0] =	wrdreg $0x60  }
0xae: {  	[dreg:$0x2] =	wrdreg s24  }
0xaf: {  	[dreg:$0x3] =	wrdreg $0x90000  }
0xb0: {  	[dreg:$0x4] =	wrdreg $0x9  }
0xb1: {  	_ =	task.clear_ibuf [dreg:s6], $0x5FFFF;
	_ =	strace $0x9000004C  }
0xb2: {  	s29 =	simm.s32 $0x9;
	_ =	strace $0x8000004E  }
0xb3: {  	_ =	swait.ge [sflag:s29], $0x1  }
0xb4: {  	[sflag:s29] =	ssyncadd.s32 $0xFFFFFFFF  }
0xb5: {  	_ =	strace $0x9000004E  }
0xb6: {  	_ =	sfence  }
0xb7: {  	s30 =	sld [smem:$0x0];
	_ =	sdelay $0x2  }
0xb8: {  	s31 =	sshll.u32 s1, $0xD;
	s1 =	sshrl.u32 s1, $0x2  }
0xb9: {  	s3 =	sand.u32 $0x4000, s31;
	s1 =	sadd.s32 s1, s30  }
0xba: {  	s0 =	sor.u32 s3, s0;
	s1 =	sshll.u32 s1, $0x11  }
0xbb: {  	s0 =	sor.u32 s1, s0  }
0xbc: {  	s0 =	sadd.s32 $0x8F2B, s0  }
0xbd: {  	[sflag:s0] =	ssyncadd.remote.s32 $0x1  }
0xbe: {  	_ =	sfence.sel $0xFFFF  }
0xbf: {  	[dreg:$0x0] =	wrdreg $0xFFFFFFFF;
	(pc) =	sbr.abs _section_cstart, $3  }
0xc0: {  	[dreg:$0x1] =	wrdreg $0xFFFFFFFF  }
0xc1: {  	_ =	task.clear_ibuf [dreg:s6], $0x2FFFF;
	_ =	strace $0x9FFFFFFF  }
0xc2: {  	(tm) =	ssettm $0x7FFFFFFF  }
0xc3: {  	_ =	shalt  }
tec
execute0_lowered:
.L_overlay_start_1:
0x0: {  	(tag) =	ssettag $0x1  }
0x1: {  	s0 =	srdreg.scid;
	s1 =	rddreg [dreg:$0x0]  }
0x2: {  	s9 =	stileid.u32;
	s2 =	rddreg [dreg:$0x1]  }
0x3: {  	s3 =	simm.s32 $0x0;
	s12 =	simm.s32 $0x80;
	s13 =	simm.s32 $0x100  }
0x4: {  	s14 =	simm.s32 $0x880;
	s28 =	simm.s32 $0x400;
	s29 =	simm.s32 $0xB80  }
0x5: {  	s30 =	simm.s32 $0x480;
	s31 =	simm.s32 $0xC00;
	s5 =	smul.u32 $0x2800, s9  }
0x6: {  	s0 =	sand.u32 $0x1, s0;
	[smem:$0x7FF] =	sst s3;
	s6 =	smul.u32 $0x50000, s9  }
0x7: {  	s4 =	smul.u32 $0x28000, s0;
	_ =	strace $0x8000004D;
	[dreg:$0x5] =	wrdreg s12  }
0x8: {  	s7 =	ssub.s32 $0x2, s0;
	s0 =	smul.u32 $0x140000, s0;
	[dreg:$0x6] =	wrdreg s13  }
0x9: {  	[dreg:$0x7] =	wrdreg s14;
	s12 =	simm.s32 $0x700;
	s13 =	simm.s32 $0xE80  }
0xa: {  	s14 =	simm.s32 $0x780;
	s8 =	sshrl.u32 s7, $0x1;
	s6 =	sshrl.u32 s6, $0x2  }
0xb: {  	s4 =	sadd.s32 s5, s4;
	s7 =	ssub.s32 s7, s8;
	s17 =	sadd.s32 s6, s2  }
0xc: {  	s6 =	smul.u32 $0x14000, s9;
	s7 =	smax.u32 s7, $0x1;
	[dreg:$0x12] =	wrdreg s17  }
0xd: {  	s5 =	sshrl.u32 s4, $0x3;
	s15 =	sadd.s32 $0x4000, s17;
	[dreg:$0x13] =	wrdreg s7  }
0xe: {  	s4 =	sadd.s32 $0xD200, s1;
	s16 =	sadd.s32 $0x8000, s17;
	[dreg:$0x14] =	wrdreg s15  }
0xf: {  	s18 =	sadd.s32 $0xC000, s17;
	s20 =	sadd.s32 $0x10000, s17;
	[dreg:$0x15] =	wrdreg s16  }
0x10: {  	s5 =	sadd.s32 s5, s1;
	s1 =	sadd.s32 $0x67200, s1;
	[dreg:$0x16] =	wrdreg s18  }
0x11: {  	s19 =	sadd.s32 s0, s6;
	[dreg:$0x17] =	wrdreg s20;
	s21 =	sadd.s32 $0x4000, s6  }
0x12: {  	s9 =	sadd.s32 $0x8000, s6;
	s26 =	sadd.s32 $0xC000, s6;
	s15 =	simm.s32 $0x180  }
0x13: {  	s6 =	sadd.s32 $0x10000, s6;
	s18 =	simm.s32 $0x900;
	[dreg:$0x8] =	wrdreg s15  }
0x14: {  	s20 =	simm.s32 $0x980;
	s7 =	sshrl.u32 s19, $0x3;
	[dreg:$0x9] =	wrdreg s18  }
0x15: {  	s22 =	sadd.s32 s0, s21;
	s8 =	sadd.s32 s21, s2;
	[dreg:$0xb] =	wrdreg s20  }
0x16: {  	s23 =	sadd.s32 s0, s9;
	s24 =	sadd.s32 s9, s2;
	[dreg:$0x19] =	wrdreg s8  }
0x17: {  	s10 =	sadd.s32 $0x3200, s5;
	s11 =	sadd.s32 s26, s2;
	[dreg:$0x1b] =	wrdreg s24  }
0x18: {  	s5 =	sadd.s32 $0x5D200, s5;
	s16 =	sadd.s32 s6, s2;
	[dreg:$0x1d] =	wrdreg s11  }
0x19: {  	s19 =	simm.s32 $0x200;
	s21 =	simm.s32 $0x280;
	[dreg:$0x3] =	wrdreg s10  }
0x1a: {  	s20 =	simm.s32 $0x1000;
	s9 =	simm.s32 $0xD80;
	[dreg:$0x4] =	wrdreg s5  }
0x1b: {  	s15 =	simm.s32 $0xF00;
	s18 =	simm.s32 $0x0;
	[dreg:$0x1f] =	wrdreg s16  }
0x1c: {  	s7 =	sadd.s32 s1, s7;
	s25 =	sshrl.u32 s23, $0x3;
	[dreg:$0xa] =	wrdreg s19  }
0x1d: {  	[dreg:$0xc] =	wrdreg s21;
	s21 =	simm.s32 $0x3;
	s23 =	simm.s32 $0x300  }
0x1e: {  	s24 =	simm.s32 $0xA80;
	s8 =	simm.s32 $0x600;
	s10 =	simm.s32 $0x680  }
0x1f: {  	s11 =	simm.s32 $0xE00;
	s16 =	simm.s32 $0xF80;
	[dreg:$0x18] =	wrdreg s7  }
0x20: {  	s7 =	sshrl.u32 s22, $0x3;
	s22 =	simm.s32 $0xA00;
	[dreg:$0xe] =	wrdreg s23  }
0x21: {  	s23 =	simm.s32 $0x7D;
	[dreg:$0xf] =	wrdreg s24;
	s24 =	simm.s32 $0x1  }
0x22: {  	s7 =	sadd.s32 s1, s7;
	[dreg:$0xd] =	wrdreg s22;
	s22 =	simm.s32 $0x800  }
0x23: {  	[dreg:$0x1a] =	wrdreg s7;
	s7 =	sadd.s32 s1, s25;
	s25 =	simm.s32 $0x380  }
0x24: {  	[dreg:$0x1c] =	wrdreg s7;
	s7 =	sadd.s32 s0, s26;
	s0 =	sadd.s32 s0, s6  }
0x25: {  	[dreg:$0x10] =	wrdreg s25;
	s26 =	simm.s32 $0xB00;
	s25 =	simm.s32 $0x5000  }
0x26: {  	s6 =	simm.s32 $0x580;
	s7 =	sshrl.u32 s7, $0x3;
	s0 =	sshrl.u32 s0, $0x3  }
0x27: {  	[dreg:$0x11] =	wrdreg s26;
	s26 =	simm.s32 $0x2;
	s7 =	sadd.s32 s1, s7  }
0x28: {  	s0 =	sadd.s32 s1, s0;
	s1 =	simm.s32 $0x500;
	[dreg:$0x1e] =	wrdreg s7  }
0x29: {  	v0 =	vimm.f32 $0.0e+00;
	[smem:$0x7FD] =	sst s0;
	s0 =	simm.s32 $0xC80;
	s7 =	simm.s32 $0xD00  }
.LBB2_1:
0x2a: {  	[smem:$0x7FC] =	sst s18;
	s18 =	simm.s32 $0x0;
	s19 =	simm.s32 $0x200  }
.LBB2_2:
0x2b: {  	p0 =	sne.s32 s19, $0xFE00;
	[tilespmem:s18+$0x1070] =	vst v0  }
0x2c: {  	[tilespmem:s18+$0x1000] =	vst v0  }
0x2d: {  	[tilespmem:s18+$0x1010] =	vst v0  }
.Ltmp0:
0x2e: {  	[tilespmem:s18+$0x1020] =	vst v0;
	(pc) =	sbr.rel @p0 .LBB2_2-.Ltmp0, $4  }
0x2f: {  	[tilespmem:s18+$0x1030] =	vst v0  }
0x30: {  	[tilespmem:s18+$0x1040] =	vst v0  }
0x31: {  	[tilespmem:s18+$0x1050] =	vst v0  }
0x32: {  	[tilespmem:s18+$0x1060] =	vst v0;
	s18 =	sshra.s32 s19, $0x2;
	s19 =	sadd.s32 $0x200, s19  }
0x33: {  	[tilespmem:s18+$0x1070] =	vst v0  }
0x34: {  	[tilespmem:s18+$0x1000] =	vst v0  }
0x35: {  	[tilespmem:s18+$0x1010] =	vst v0  }
0x36: {  	[tilespmem:s18+$0x1020] =	vst v0  }
0x37: {  	[tilespmem:s18+$0x1030] =	vst v0  }
0x38: {  	[tilespmem:s18+$0x1040] =	vst v0  }
0x39: {  	[tilespmem:s18+$0x1050] =	vst v0  }
0x3a: {  	[tilespmem:s18+$0x1060] =	vst v0  }
0x3b: {  	[spmem:s17] =	stream.linear.scatter [tilespmem:s20], [sflag:$0x3], $0x4000, $0x38;
	[tilespmem:$0x1D000] =	vst v63  }
0x3c: {  	_ =	swait.ge [sflag:s21], $0x4000  }
0x3d: {  	[sflag:s21] =	ssyncset.done $0x0  }
0x3e: {  	s5 =	rddreg [dreg:$0x14];
	[sflag:s21] =	ssyncadd.s32 $0xFFFFC000  }
0x3f: {  	[spmem:s5] =	stream.linear.scatter [tilespmem:s20], [sflag:$0x3], $0x4000, $0x38;
	[tilespmem:$0x1D000] =	vst v63  }
0x40: {  	_ =	swait.ge [sflag:s21], $0x4000  }
0x41: {  	[sflag:s21] =	ssyncset.done $0x0  }
0x42: {  	s19 =	rddreg [dreg:$0x15];
	[sflag:s21] =	ssyncadd.s32 $0xFFFFC000  }
0x43: {  	[spmem:s19] =	stream.linear.scatter [tilespmem:s20], [sflag:$0x3], $0x4000, $0x38;
	[tilespmem:$0x1D000] =	vst v63  }
0x44: {  	_ =	swait.ge [sflag:s21], $0x4000  }
0x45: {  	[sflag:s21] =	ssyncset.done $0x0  }
0x46: {  	s17 =	rddreg [dreg:$0x16];
	[sflag:s21] =	ssyncadd.s32 $0xFFFFC000  }
0x47: {  	[spmem:s17] =	stream.linear.scatter [tilespmem:s20], [sflag:$0x3], $0x4000, $0x38;
	[tilespmem:$0x1D000] =	vst v63  }
0x48: {  	_ =	swait.ge [sflag:s21], $0x4000  }
0x49: {  	[sflag:s21] =	ssyncset.done $0x0  }
0x4a: {  	s18 =	rddreg [dreg:$0x17];
	[sflag:s21] =	ssyncadd.s32 $0xFFFFC000  }
0x4b: {  	[spmem:s18] =	stream.linear.scatter [tilespmem:s20], [sflag:$0x3], $0x4000, $0x38;
	[tilespmem:$0x1D000] =	vst v63  }
0x4c: {  	_ =	swait.ge [sflag:s21], $0x4000  }
0x4d: {  	[sflag:s21] =	ssyncset.done $0x0  }
0x4e: {  	[sflag:s21] =	ssyncadd.s32 $0xFFFFC000  }
0x4f: {  	[bflag:$0x0] =	sbarrier.arrive $0xFFFF  }
0x50: {  	s19 =	rddreg [dreg:$0x4]  }
0x51: {  	s5 =	sadd.s32 $0x0, s19  }
0x52: {  	[tilespmem:s3], [sflag:$0x3] =	stream.linear.gather [hbm4b:s5+s3], $0x800, $0x38;
	[tilespmem:$0x1D000] =	vst v63  }
0x53: {  	_ =	swait.ge [sflag:s21], $0x800  }
0x54: {  	s17 =	rddreg [dreg:$0x3];
	[sflag:s21] =	ssyncset.done $0x0  }
0x55: {  	[sflag:s21] =	ssyncadd.s32 $0xFFFFF800;
	s5 =	sadd.s32 $0x0, s17  }
0x56: {  	[tilespmem:s22], [sflag:$0x3] =	stream.linear.gather [hbm4b:s5+s3], $0x800, $0x38;
	[tilespmem:$0x1D000] =	vst v63  }
0x57: {  	_ =	swait.ge [sflag:s21], $0x800  }
0x58: {  	[sflag:s21] =	ssyncset.done $0x0  }
0x59: {  	[sflag:s21] =	ssyncadd.s32 $0xFFFFF800  }
0x5a: {  	[tilespmem:s20], [sflag:$0x1] =	stream.indirect.gather [hbm4b:s4+s23], $0x80, s3, s23, $0xb8;
	[tilespmem:$0x1D000] =	vst v63  }
0x5b: {  	_ =	swait.ge [sflag:s24], $0x3E80  }
0x5c: {  	[sflag:s24] =	ssyncset.done $0x0  }
0x5d: {  	s18 =	rddreg [dreg:$0x5];
	[sflag:s24] =	ssyncadd.s32 $0xFFFFC180  }
0x5e: {  	[tilespmem:s25], [sflag:$0x2] =	stream.indirect.gather [hbm4b:s4+s23], $0x80, s18, s23, $0xb8;
	[tilespmem:$0x1D000] =	vst v63  }
0x5f: {  	_ = 	snop  }
0x60: {  	[spmem:s2] =	stream.indirect.scatter.add.f32 [tilespmem:s20], [sflag:$0x3], $0x80, s22, s23, $0xb8;
	[tilespmem:$0x1D000] =	vst v63  }
0x61: {  	_ =	swait.ge [sflag:s21], $0x3E80  }
0x62: {  	[sflag:s21] =	ssyncset.done $0x0  }
0x63: {  	[sflag:s21] =	ssyncadd.s32 $0xFFFFC180  }
0x64: {  	_ =	swait.ge [sflag:s26], $0x3E80  }
0x65: {  	[sflag:s26] =	ssyncset.done $0x0  }
0x66: {  	s19 =	rddreg [dreg:$0x6];
	[sflag:s26] =	ssyncadd.s32 $0xFFFFC180  }
0x67: {  	[tilespmem:s20], [sflag:$0x1] =	stream.indirect.gather [hbm4b:s4+s23], $0x80, s19, s23, $0xb8;
	[tilespmem:$0x1D000] =	vst v63  }
0x68: {  	s17 =	rddreg [dreg:$0x7]  }
0x69: {  	[spmem:s2] =	stream.indirect.scatter.add.f32 [tilespmem:s25], [sflag:$0x3], $0x80, s17, s23, $0xb8;
	[tilespmem:$0x1D000] =	vst v63  }
0x6a: {  	_ =	swait.ge [sflag:s21], $0x3E80  }
0x6b: {  	[sflag:s21] =	ssyncset.done $0x0  }
0x6c: {  	[sflag:s21] =	ssyncadd.s32 $0xFFFFC180  }
0x6d: {  	_ =	swait.ge [sflag:s24], $0x3E80  }
0x6e: {  	[sflag:s24] =	ssyncset.done $0x0  }
0x6f: {  	s19 =	rddreg [dreg:$0x8];
	[sflag:s24] =	ssyncadd.s32 $0xFFFFC180  }
0x70: {  	[tilespmem:s25], [sflag:$0x2] =	stream.indirect.gather [hbm4b:s4+s23], $0x80, s19, s23, $0xb8;
	[tilespmem:$0x1D000] =	vst v63  }
0x71: {  	s17 =	rddreg [dreg:$0x9]  }
0x72: {  	[spmem:s2] =	stream.indirect.scatter.add.f32 [tilespmem:s20], [sflag:$0x3], $0x80, s17, s23, $0xb8;
	[tilespmem:$0x1D000] =	vst v63  }
0x73: {  	_ =	swait.ge [sflag:s21], $0x3E80  }
0x74: {  	[sflag:s21] =	ssyncset.done $0x0  }
0x75: {  	[sflag:s21] =	ssyncadd.s32 $0xFFFFC180  }
0x76: {  	_ =	swait.ge [sflag:s26], $0x3E80  }
0x77: {  	[sflag:s26] =	ssyncset.done $0x0  }
0x78: {  	s19 =	rddreg [dreg:$0xa];
	[sflag:s26] =	ssyncadd.s32 $0xFFFFC180  }
0x79: {  	[tilespmem:s20], [sflag:$0x1] =	stream.indirect.gather [hbm4b:s4+s23], $0x80, s19, s23, $0xb8;
	[tilespmem:$0x1D000] =	vst v63  }
0x7a: {  	s17 =	rddreg [dreg:$0xb]  }
0x7b: {  	[spmem:s2] =	stream.indirect.scatter.add.f32 [tilespmem:s25], [sflag:$0x3], $0x80, s17, s23, $0xb8;
	[tilespmem:$0x1D000] =	vst v63  }
0x7c: {  	_ =	swait.ge [sflag:s21], $0x3E80  }
0x7d: {  	[sflag:s21] =	ssyncset.done $0x0  }
0x7e: {  	[sflag:s21] =	ssyncadd.s32 $0xFFFFC180  }
0x7f: {  	_ =	swait.ge [sflag:s24], $0x3E80  }
0x80: {  	[sflag:s24] =	ssyncset.done $0x0  }
0x81: {  	s19 =	rddreg [dreg:$0xc];
	[sflag:s24] =	ssyncadd.s32 $0xFFFFC180  }
0x82: {  	[tilespmem:s25], [sflag:$0x2] =	stream.indirect.gather [hbm4b:s4+s23], $0x80, s19, s23, $0xb8;
	[tilespmem:$0x1D000] =	vst v63  }
0x83: {  	s17 =	rddreg [dreg:$0xd]  }
0x84: {  	[spmem:s2] =	stream.indirect.scatter.add.f32 [tilespmem:s20], [sflag:$0x3], $0x80, s17, s23, $0xb8;
	[tilespmem:$0x1D000] =	vst v63  }
0x85: {  	_ =	swait.ge [sflag:s21], $0x3E80  }
0x86: {  	[sflag:s21] =	ssyncset.done $0x0  }
0x87: {  	[sflag:s21] =	ssyncadd.s32 $0xFFFFC180  }
0x88: {  	_ =	swait.ge [sflag:s26], $0x3E80  }
0x89: {  	[sflag:s26] =	ssyncset.done $0x0  }
0x8a: {  	s19 =	rddreg [dreg:$0xe];
	[sflag:s26] =	ssyncadd.s32 $0xFFFFC180  }
0x8b: {  	[tilespmem:s20], [sflag:$0x1] =	stream.indirect.gather [hbm4b:s4+s23], $0x80, s19, s23, $0xb8;
	[tilespmem:$0x1D000] =	vst v63  }
0x8c: {  	s17 =	rddreg [dreg:$0xf]  }
0x8d: {  	[spmem:s2] =	stream.indirect.scatter.add.f32 [tilespmem:s25], [sflag:$0x3], $0x80, s17, s23, $0xb8;
	[tilespmem:$0x1D000] =	vst v63  }
0x8e: {  	_ =	swait.ge [sflag:s21], $0x3E80  }
0x8f: {  	[sflag:s21] =	ssyncset.done $0x0  }
0x90: {  	[sflag:s21] =	ssyncadd.s32 $0xFFFFC180  }
0x91: {  	_ =	swait.ge [sflag:s24], $0x3E80  }
0x92: {  	[sflag:s24] =	ssyncset.done $0x0  }
0x93: {  	s18 =	rddreg [dreg:$0x10];
	[sflag:s24] =	ssyncadd.s32 $0xFFFFC180  }
0x94: {  	[tilespmem:s25], [sflag:$0x2] =	stream.indirect.gather [hbm4b:s4+s23], $0x80, s18, s23, $0xb8;
	[tilespmem:$0x1D000] =	vst v63  }
0x95: {  	s19 =	rddreg [dreg:$0x11]  }
0x96: {  	[spmem:s2] =	stream.indirect.scatter.add.f32 [tilespmem:s20], [sflag:$0x3], $0x80, s19, s23, $0xb8;
	[tilespmem:$0x1D000] =	vst v63  }
0x97: {  	_ =	swait.ge [sflag:s21], $0x3E80  }
0x98: {  	[sflag:s21] =	ssyncset.done $0x0  }
0x99: {  	[sflag:s21] =	ssyncadd.s32 $0xFFFFC180  }
0x9a: {  	_ =	swait.ge [sflag:s26], $0x3E80  }
0x9b: {  	[sflag:s26] =	ssyncset.done $0x0  }
0x9c: {  	[sflag:s26] =	ssyncadd.s32 $0xFFFFC180  }
0x9d: {  	[tilespmem:s20], [sflag:$0x1] =	stream.indirect.gather [hbm4b:s4+s23], $0x80, s28, s23, $0xb8;
	[tilespmem:$0x1D000] =	vst v63  }
0x9e: {  	_ = 	snop  }
0x9f: {  	[spmem:s2] =	stream.indirect.scatter.add.f32 [tilespmem:s25], [sflag:$0x3], $0x80, s29, s23, $0xb8;
	[tilespmem:$0x1D000] =	vst v63  }
0xa0: {  	_ =	swait.ge [sflag:s21], $0x3E80  }
0xa1: {  	[sflag:s21] =	ssyncset.done $0x0  }
0xa2: {  	[sflag:s21] =	ssyncadd.s32 $0xFFFFC180  }
0xa3: {  	_ =	swait.ge [sflag:s24], $0x3E80  }
0xa4: {  	[sflag:s24] =	ssyncset.done $0x0  }
0xa5: {  	[sflag:s24] =	ssyncadd.s32 $0xFFFFC180  }
0xa6: {  	[tilespmem:s25], [sflag:$0x2] =	stream.indirect.gather [hbm4b:s4+s23], $0x80, s30, s23, $0xb8;
	[tilespmem:$0x1D000] =	vst v63  }
0xa7: {  	_ = 	snop  }
0xa8: {  	[spmem:s2] =	stream.indirect.scatter.add.f32 [tilespmem:s20], [sflag:$0x3], $0x80, s31, s23, $0xb8;
	[tilespmem:$0x1D000] =	vst v63  }
0xa9: {  	_ =	swait.ge [sflag:s21], $0x3E80  }
0xaa: {  	[sflag:s21] =	ssyncset.done $0x0  }
0xab: {  	[sflag:s21] =	ssyncadd.s32 $0xFFFFC180  }
0xac: {  	_ =	swait.ge [sflag:s26], $0x3E80  }
0xad: {  	[sflag:s26] =	ssyncset.done $0x0  }
0xae: {  	[sflag:s26] =	ssyncadd.s32 $0xFFFFC180  }
0xaf: {  	[tilespmem:s20], [sflag:$0x1] =	stream.indirect.gather [hbm4b:s4+s23], $0x80, s1, s23, $0xb8;
	[tilespmem:$0x1D000] =	vst v63  }
0xb0: {  	_ = 	snop  }
0xb1: {  	[spmem:s2] =	stream.indirect.scatter.add.f32 [tilespmem:s25], [sflag:$0x3], $0x80, s0, s23, $0xb8;
	[tilespmem:$0x1D000] =	vst v63  }
0xb2: {  	_ =	swait.ge [sflag:s21], $0x3E80  }
0xb3: {  	[sflag:s21] =	ssyncset.done $0x0  }
0xb4: {  	[sflag:s21] =	ssyncadd.s32 $0xFFFFC180  }
0xb5: {  	_ =	swait.ge [sflag:s24], $0x3E80  }
0xb6: {  	[sflag:s24] =	ssyncset.done $0x0  }
0xb7: {  	[sflag:s24] =	ssyncadd.s32 $0xFFFFC180  }
0xb8: {  	[tilespmem:s25], [sflag:$0x2] =	stream.indirect.gather [hbm4b:s4+s23], $0x80, s6, s23, $0xb8;
	[tilespmem:$0x1D000] =	vst v63  }
0xb9: {  	_ = 	snop  }
0xba: {  	[spmem:s2] =	stream.indirect.scatter.add.f32 [tilespmem:s20], [sflag:$0x3], $0x80, s7, s23, $0xb8;
	[tilespmem:$0x1D000] =	vst v63  }
0xbb: {  	_ =	swait.ge [sflag:s21], $0x3E80  }
0xbc: {  	[sflag:s21] =	ssyncset.done $0x0  }
0xbd: {  	[sflag:s21] =	ssyncadd.s32 $0xFFFFC180  }
0xbe: {  	_ =	swait.ge [sflag:s26], $0x3E80  }
0xbf: {  	[sflag:s26] =	ssyncset.done $0x0  }
0xc0: {  	[sflag:s26] =	ssyncadd.s32 $0xFFFFC180  }
0xc1: {  	[tilespmem:s20], [sflag:$0x1] =	stream.indirect.gather [hbm4b:s4+s23], $0x80, s8, s23, $0xb8;
	[tilespmem:$0x1D000] =	vst v63  }
0xc2: {  	_ = 	snop  }
0xc3: {  	[spmem:s2] =	stream.indirect.scatter.add.f32 [tilespmem:s25], [sflag:$0x3], $0x80, s9, s23, $0xb8;
	[tilespmem:$0x1D000] =	vst v63  }
0xc4: {  	_ =	swait.ge [sflag:s21], $0x3E80  }
0xc5: {  	[sflag:s21] =	ssyncset.done $0x0  }
0xc6: {  	[sflag:s21] =	ssyncadd.s32 $0xFFFFC180  }
0xc7: {  	_ =	swait.ge [sflag:s24], $0x3E80  }
0xc8: {  	[sflag:s24] =	ssyncset.done $0x0  }
0xc9: {  	[sflag:s24] =	ssyncadd.s32 $0xFFFFC180  }
0xca: {  	[tilespmem:s25], [sflag:$0x2] =	stream.indirect.gather [hbm4b:s4+s23], $0x80, s10, s23, $0xb8;
	[tilespmem:$0x1D000] =	vst v63  }
0xcb: {  	_ = 	snop  }
0xcc: {  	[spmem:s2] =	stream.indirect.scatter.add.f32 [tilespmem:s20], [sflag:$0x3], $0x80, s11, s23, $0xb8;
	[tilespmem:$0x1D000] =	vst v63  }
0xcd: {  	_ =	swait.ge [sflag:s21], $0x3E80  }
0xce: {  	[sflag:s21] =	ssyncset.done $0x0  }
0xcf: {  	[sflag:s21] =	ssyncadd.s32 $0xFFFFC180  }
0xd0: {  	_ =	swait.ge [sflag:s26], $0x3E80  }
0xd1: {  	[sflag:s26] =	ssyncset.done $0x0  }
0xd2: {  	[sflag:s26] =	ssyncadd.s32 $0xFFFFC180  }
0xd3: {  	[tilespmem:s20], [sflag:$0x1] =	stream.indirect.gather [hbm4b:s4+s23], $0x80, s12, s23, $0xb8;
	[tilespmem:$0x1D000] =	vst v63  }
0xd4: {  	_ = 	snop  }
0xd5: {  	[spmem:s2] =	stream.indirect.scatter.add.f32 [tilespmem:s25], [sflag:$0x3], $0x80, s13, s23, $0xb8;
	[tilespmem:$0x1D000] =	vst v63  }
0xd6: {  	_ =	swait.ge [sflag:s21], $0x3E80  }
0xd7: {  	[sflag:s21] =	ssyncset.done $0x0  }
0xd8: {  	[sflag:s21] =	ssyncadd.s32 $0xFFFFC180  }
0xd9: {  	_ =	swait.ge [sflag:s24], $0x3E80  }
0xda: {  	[sflag:s24] =	ssyncset.done $0x0  }
0xdb: {  	[sflag:s24] =	ssyncadd.s32 $0xFFFFC180  }
0xdc: {  	[tilespmem:s25], [sflag:$0x2] =	stream.indirect.gather [hbm4b:s4+s23], $0x80, s14, s23, $0xb8;
	[tilespmem:$0x1D000] =	vst v63  }
0xdd: {  	_ = 	snop  }
0xde: {  	[spmem:s2] =	stream.indirect.scatter.add.f32 [tilespmem:s20], [sflag:$0x3], $0x80, s15, s23, $0xb8;
	[tilespmem:$0x1D000] =	vst v63  }
0xdf: {  	_ =	swait.ge [sflag:s21], $0x3E80  }
0xe0: {  	[sflag:s21] =	ssyncset.done $0x0  }
0xe1: {  	[sflag:s21] =	ssyncadd.s32 $0xFFFFC180  }
0xe2: {  	_ =	swait.ge [sflag:s26], $0x3E80  }
0xe3: {  	[sflag:s26] =	ssyncset.done $0x0  }
0xe4: {  	[sflag:s26] =	ssyncadd.s32 $0xFFFFC180  }
0xe5: {  	[spmem:s2] =	stream.indirect.scatter.add.f32 [tilespmem:s25], [sflag:$0x3], $0x80, s16, s23, $0xb8;
	[tilespmem:$0x1D000] =	vst v63  }
0xe6: {  	s18 =	simm.s32 $0x100;
	_ =	swait.ge [sflag:s21], $0x3E80  }
0xe7: {  	s19 =	simm.s32 $0x200;
	s5 =	rddreg [dreg:$0x4];
	[sflag:s21] =	ssyncset.done $0x0  }
.LBB2_4:
0xe8: {  	[sflag:s21] =	ssyncadd.s32 $0xFFFFC180;
	s5 =	sadd.s32 s18, s5  }
0xe9: {  	[tilespmem:s3], [sflag:$0x3] =	stream.linear.gather [hbm4b:s5+s3], $0x800, $0x38;
	[tilespmem:$0x1D000] =	vst v63  }
0xea: {  	_ =	swait.ge [sflag:s21], $0x800  }
0xeb: {  	s5 =	rddreg [dreg:$0x3];
	[sflag:s21] =	ssyncset.done $0x0  }
0xec: {  	[sflag:s21] =	ssyncadd.s32 $0xFFFFF800;
	s5 =	sadd.s32 s18, s5  }
0xed: {  	[tilespmem:s22], [sflag:$0x3] =	stream.linear.gather [hbm4b:s5+s3], $0x800, $0x38;
	[tilespmem:$0x1D000] =	vst v63  }
0xee: {  	_ =	swait.ge [sflag:s21], $0x800  }
0xef: {  	[sflag:s21] =	ssyncset.done $0x0  }
0xf0: {  	[sflag:s21] =	ssyncadd.s32 $0xFFFFF800  }
0xf1: {  	[tilespmem:s20], [sflag:$0x1] =	stream.indirect.gather [hbm4b:s4+s23], $0x80, s3, s23, $0xb8;
	[tilespmem:$0x1D000] =	vst v63  }
0xf2: {  	_ =	swait.ge [sflag:s24], $0x3E80  }
0xf3: {  	s17 =	smov.u32 s19;
	[sflag:s24] =	ssyncset.done $0x0  }
0xf4: {  	s18 =	smov.u32 s17;
	s17 =	rddreg [dreg:$0x5];
	[sflag:s24] =	ssyncadd.s32 $0xFFFFC180  }
0xf5: {  	[tilespmem:s25], [sflag:$0x2] =	stream.indirect.gather [hbm4b:s4+s23], $0x80, s17, s23, $0xb8;
	[tilespmem:$0x1D000] =	vst v63  }
0xf6: {  	_ = 	snop  }
0xf7: {  	[spmem:s2] =	stream.indirect.scatter.add.f32 [tilespmem:s20], [sflag:$0x3], $0x80, s22, s23, $0xb8;
	[tilespmem:$0x1D000] =	vst v63  }
0xf8: {  	_ =	swait.ge [sflag:s21], $0x3E80  }
0xf9: {  	[sflag:s21] =	ssyncset.done $0x0  }
0xfa: {  	[sflag:s21] =	ssyncadd.s32 $0xFFFFC180  }
0xfb: {  	_ =	swait.ge [sflag:s26], $0x3E80  }
0xfc: {  	[sflag:s26] =	ssyncset.done $0x0  }
0xfd: {  	s5 =	rddreg [dreg:$0x6];
	[sflag:s26] =	ssyncadd.s32 $0xFFFFC180  }
0xfe: {  	[tilespmem:s20], [sflag:$0x1] =	stream.indirect.gather [hbm4b:s4+s23], $0x80, s5, s23, $0xb8;
	[tilespmem:$0x1D000] =	vst v63  }
0xff: {  	s17 =	rddreg [dreg:$0x7]  }
0x100: {  	[spmem:s2] =	stream.indirect.scatter.add.f32 [tilespmem:s25], [sflag:$0x3], $0x80, s17, s23, $0xb8;
	[tilespmem:$0x1D000] =	vst v63  }
0x101: {  	_ =	swait.ge [sflag:s21], $0x3E80  }
0x102: {  	[sflag:s21] =	ssyncset.done $0x0  }
0x103: {  	[sflag:s21] =	ssyncadd.s32 $0xFFFFC180  }
0x104: {  	_ =	swait.ge [sflag:s24], $0x3E80  }
0x105: {  	[sflag:s24] =	ssyncset.done $0x0  }
0x106: {  	s5 =	rddreg [dreg:$0x8];
	[sflag:s24] =	ssyncadd.s32 $0xFFFFC180  }
0x107: {  	[tilespmem:s25], [sflag:$0x2] =	stream.indirect.gather [hbm4b:s4+s23], $0x80, s5, s23, $0xb8;
	[tilespmem:$0x1D000] =	vst v63  }
0x108: {  	s17 =	rddreg [dreg:$0x9]  }
0x109: {  	[spmem:s2] =	stream.indirect.scatter.add.f32 [tilespmem:s20], [sflag:$0x3], $0x80, s17, s23, $0xb8;
	[tilespmem:$0x1D000] =	vst v63  }
0x10a: {  	_ =	swait.ge [sflag:s21], $0x3E80  }
0x10b: {  	[sflag:s21] =	ssyncset.done $0x0  }
0x10c: {  	[sflag:s21] =	ssyncadd.s32 $0xFFFFC180  }
0x10d: {  	_ =	swait.ge [sflag:s26], $0x3E80  }
0x10e: {  	[sflag:s26] =	ssyncset.done $0x0  }
0x10f: {  	s5 =	rddreg [dreg:$0xa];
	[sflag:s26] =	ssyncadd.s32 $0xFFFFC180  }
0x110: {  	[tilespmem:s20], [sflag:$0x1] =	stream.indirect.gather [hbm4b:s4+s23], $0x80, s5, s23, $0xb8;
	[tilespmem:$0x1D000] =	vst v63  }
0x111: {  	s17 =	rddreg [dreg:$0xb]  }
0x112: {  	[spmem:s2] =	stream.indirect.scatter.add.f32 [tilespmem:s25], [sflag:$0x3], $0x80, s17, s23, $0xb8;
	[tilespmem:$0x1D000] =	vst v63  }
0x113: {  	_ =	swait.ge [sflag:s21], $0x3E80  }
0x114: {  	[sflag:s21] =	ssyncset.done $0x0  }
0x115: {  	[sflag:s21] =	ssyncadd.s32 $0xFFFFC180  }
0x116: {  	_ =	swait.ge [sflag:s24], $0x3E80  }
0x117: {  	[sflag:s24] =	ssyncset.done $0x0  }
0x118: {  	s5 =	rddreg [dreg:$0xc];
	[sflag:s24] =	ssyncadd.s32 $0xFFFFC180  }
0x119: {  	[tilespmem:s25], [sflag:$0x2] =	stream.indirect.gather [hbm4b:s4+s23], $0x80, s5, s23, $0xb8;
	[tilespmem:$0x1D000] =	vst v63  }
0x11a: {  	s17 =	rddreg [dreg:$0xd]  }
0x11b: {  	[spmem:s2] =	stream.indirect.scatter.add.f32 [tilespmem:s20], [sflag:$0x3], $0x80, s17, s23, $0xb8;
	[tilespmem:$0x1D000] =	vst v63  }
0x11c: {  	_ =	swait.ge [sflag:s21], $0x3E80  }
0x11d: {  	[sflag:s21] =	ssyncset.done $0x0  }
0x11e: {  	[sflag:s21] =	ssyncadd.s32 $0xFFFFC180  }
0x11f: {  	_ =	swait.ge [sflag:s26], $0x3E80  }
0x120: {  	[sflag:s26] =	ssyncset.done $0x0  }
0x121: {  	s5 =	rddreg [dreg:$0xe];
	[sflag:s26] =	ssyncadd.s32 $0xFFFFC180  }
0x122: {  	[tilespmem:s20], [sflag:$0x1] =	stream.indirect.gather [hbm4b:s4+s23], $0x80, s5, s23, $0xb8;
	[tilespmem:$0x1D000] =	vst v63  }
0x123: {  	s17 =	rddreg [dreg:$0xf]  }
0x124: {  	[spmem:s2] =	stream.indirect.scatter.add.f32 [tilespmem:s25], [sflag:$0x3], $0x80, s17, s23, $0xb8;
	[tilespmem:$0x1D000] =	vst v63  }
0x125: {  	_ =	swait.ge [sflag:s21], $0x3E80  }
0x126: {  	[sflag:s21] =	ssyncset.done $0x0  }
0x127: {  	[sflag:s21] =	ssyncadd.s32 $0xFFFFC180  }
0x128: {  	_ =	swait.ge [sflag:s24], $0x3E80  }
0x129: {  	[sflag:s24] =	ssyncset.done $0x0  }
0x12a: {  	s5 =	rddreg [dreg:$0x10];
	[sflag:s24] =	ssyncadd.s32 $0xFFFFC180  }
0x12b: {  	[tilespmem:s25], [sflag:$0x2] =	stream.indirect.gather [hbm4b:s4+s23], $0x80, s5, s23, $0xb8;
	[tilespmem:$0x1D000] =	vst v63  }
0x12c: {  	s17 =	rddreg [dreg:$0x11]  }
0x12d: {  	[spmem:s2] =	stream.indirect.scatter.add.f32 [tilespmem:s20], [sflag:$0x3], $0x80, s17, s23, $0xb8;
	[tilespmem:$0x1D000] =	vst v63  }
0x12e: {  	_ =	swait.ge [sflag:s21], $0x3E80  }
0x12f: {  	[sflag:s21] =	ssyncset.done $0x0  }
0x130: {  	[sflag:s21] =	ssyncadd.s32 $0xFFFFC180  }
0x131: {  	_ =	swait.ge [sflag:s26], $0x3E80  }
0x132: {  	[sflag:s26] =	ssyncset.done $0x0  }
0x133: {  	[sflag:s26] =	ssyncadd.s32 $0xFFFFC180  }
0x134: {  	[tilespmem:s20], [sflag:$0x1] =	stream.indirect.gather [hbm4b:s4+s23], $0x80, s28, s23, $0xb8;
	[tilespmem:$0x1D000] =	vst v63  }
0x135: {  	_ = 	snop  }
0x136: {  	[spmem:s2] =	stream.indirect.scatter.add.f32 [tilespmem:s25], [sflag:$0x3], $0x80, s29, s23, $0xb8;
	[tilespmem:$0x1D000] =	vst v63  }
0x137: {  	_ =	swait.ge [sflag:s21], $0x3E80  }
0x138: {  	[sflag:s21] =	ssyncset.done $0x0  }
0x139: {  	[sflag:s21] =	ssyncadd.s32 $0xFFFFC180  }
0x13a: {  	_ =	swait.ge [sflag:s24], $0x3E80  }
0x13b: {  	[sflag:s24] =	ssyncset.done $0x0  }
0x13c: {  	[sflag:s24] =	ssyncadd.s32 $0xFFFFC180  }
0x13d: {  	[tilespmem:s25], [sflag:$0x2] =	stream.indirect.gather [hbm4b:s4+s23], $0x80, s30, s23, $0xb8;
	[tilespmem:$0x1D000] =	vst v63  }
0x13e: {  	_ = 	snop  }
0x13f: {  	[spmem:s2] =	stream.indirect.scatter.add.f32 [tilespmem:s20], [sflag:$0x3], $0x80, s31, s23, $0xb8;
	[tilespmem:$0x1D000] =	vst v63  }
0x140: {  	_ =	swait.ge [sflag:s21], $0x3E80  }
0x141: {  	[sflag:s21] =	ssyncset.done $0x0  }
0x142: {  	[sflag:s21] =	ssyncadd.s32 $0xFFFFC180  }
0x143: {  	_ =	swait.ge [sflag:s26], $0x3E80  }
0x144: {  	[sflag:s26] =	ssyncset.done $0x0  }
0x145: {  	[sflag:s26] =	ssyncadd.s32 $0xFFFFC180  }
0x146: {  	[tilespmem:s20], [sflag:$0x1] =	stream.indirect.gather [hbm4b:s4+s23], $0x80, s1, s23, $0xb8;
	[tilespmem:$0x1D000] =	vst v63  }
0x147: {  	_ = 	snop  }
0x148: {  	[spmem:s2] =	stream.indirect.scatter.add.f32 [tilespmem:s25], [sflag:$0x3], $0x80, s0, s23, $0xb8;
	[tilespmem:$0x1D000] =	vst v63  }
0x149: {  	_ =	swait.ge [sflag:s21], $0x3E80  }
0x14a: {  	[sflag:s21] =	ssyncset.done $0x0  }
0x14b: {  	[sflag:s21] =	ssyncadd.s32 $0xFFFFC180  }
0x14c: {  	_ =	swait.ge [sflag:s24], $0x3E80  }
0x14d: {  	[sflag:s24] =	ssyncset.done $0x0  }
0x14e: {  	[sflag:s24] =	ssyncadd.s32 $0xFFFFC180  }
0x14f: {  	[tilespmem:s25], [sflag:$0x2] =	stream.indirect.gather [hbm4b:s4+s23], $0x80, s6, s23, $0xb8;
	[tilespmem:$0x1D000] =	vst v63  }
0x150: {  	_ = 	snop  }
0x151: {  	[spmem:s2] =	stream.indirect.scatter.add.f32 [tilespmem:s20], [sflag:$0x3], $0x80, s7, s23, $0xb8;
	[tilespmem:$0x1D000] =	vst v63  }
0x152: {  	_ =	swait.ge [sflag:s21], $0x3E80  }
0x153: {  	[sflag:s21] =	ssyncset.done $0x0  }
0x154: {  	[sflag:s21] =	ssyncadd.s32 $0xFFFFC180  }
0x155: {  	_ =	swait.ge [sflag:s26], $0x3E80  }
0x156: {  	[sflag:s26] =	ssyncset.done $0x0  }
0x157: {  	[sflag:s26] =	ssyncadd.s32 $0xFFFFC180  }
0x158: {  	[tilespmem:s20], [sflag:$0x1] =	stream.indirect.gather [hbm4b:s4+s23], $0x80, s8, s23, $0xb8;
	[tilespmem:$0x1D000] =	vst v63  }
0x159: {  	_ = 	snop  }
0x15a: {  	[spmem:s2] =	stream.indirect.scatter.add.f32 [tilespmem:s25], [sflag:$0x3], $0x80, s9, s23, $0xb8;
	[tilespmem:$0x1D000] =	vst v63  }
0x15b: {  	_ =	swait.ge [sflag:s21], $0x3E80  }
0x15c: {  	[sflag:s21] =	ssyncset.done $0x0  }
0x15d: {  	[sflag:s21] =	ssyncadd.s32 $0xFFFFC180  }
0x15e: {  	_ =	swait.ge [sflag:s24], $0x3E80  }
0x15f: {  	[sflag:s24] =	ssyncset.done $0x0  }
0x160: {  	[sflag:s24] =	ssyncadd.s32 $0xFFFFC180  }
0x161: {  	[tilespmem:s25], [sflag:$0x2] =	stream.indirect.gather [hbm4b:s4+s23], $0x80, s10, s23, $0xb8;
	[tilespmem:$0x1D000] =	vst v63  }
0x162: {  	_ = 	snop  }
0x163: {  	[spmem:s2] =	stream.indirect.scatter.add.f32 [tilespmem:s20], [sflag:$0x3], $0x80, s11, s23, $0xb8;
	[tilespmem:$0x1D000] =	vst v63  }
0x164: {  	_ =	swait.ge [sflag:s21], $0x3E80  }
0x165: {  	[sflag:s21] =	ssyncset.done $0x0  }
0x166: {  	[sflag:s21] =	ssyncadd.s32 $0xFFFFC180  }
0x167: {  	_ =	swait.ge [sflag:s26], $0x3E80  }
0x168: {  	[sflag:s26] =	ssyncset.done $0x0  }
0x169: {  	[sflag:s26] =	ssyncadd.s32 $0xFFFFC180  }
0x16a: {  	[tilespmem:s20], [sflag:$0x1] =	stream.indirect.gather [hbm4b:s4+s23], $0x80, s12, s23, $0xb8;
	[tilespmem:$0x1D000] =	vst v63  }
0x16b: {  	_ = 	snop  }
0x16c: {  	[spmem:s2] =	stream.indirect.scatter.add.f32 [tilespmem:s25], [sflag:$0x3], $0x80, s13, s23, $0xb8;
	[tilespmem:$0x1D000] =	vst v63  }
0x16d: {  	_ =	swait.ge [sflag:s21], $0x3E80  }
0x16e: {  	[sflag:s21] =	ssyncset.done $0x0  }
0x16f: {  	[sflag:s21] =	ssyncadd.s32 $0xFFFFC180  }
0x170: {  	_ =	swait.ge [sflag:s24], $0x3E80  }
0x171: {  	[sflag:s24] =	ssyncset.done $0x0  }
0x172: {  	[sflag:s24] =	ssyncadd.s32 $0xFFFFC180  }
0x173: {  	[tilespmem:s25], [sflag:$0x2] =	stream.indirect.gather [hbm4b:s4+s23], $0x80, s14, s23, $0xb8;
	[tilespmem:$0x1D000] =	vst v63  }
0x174: {  	_ = 	snop  }
0x175: {  	[spmem:s2] =	stream.indirect.scatter.add.f32 [tilespmem:s20], [sflag:$0x3], $0x80, s15, s23, $0xb8;
	[tilespmem:$0x1D000] =	vst v63  }
0x176: {  	_ =	swait.ge [sflag:s21], $0x3E80  }
0x177: {  	[sflag:s21] =	ssyncset.done $0x0  }
0x178: {  	[sflag:s21] =	ssyncadd.s32 $0xFFFFC180  }
0x179: {  	p0 =	sne.s32 s19, $0x400;
	_ =	swait.ge [sflag:s26], $0x3E80  }
.Ltmp1:
0x17a: {  	[sflag:s26] =	ssyncset.done $0x0;
	(pc) =	sbr.rel @p0 .LBB2_4-.Ltmp1, $4  }
0x17b: {  	[sflag:s26] =	ssyncadd.s32 $0xFFFFC180  }
0x17c: {  	[spmem:s2] =	stream.indirect.scatter.add.f32 [tilespmem:s25], [sflag:$0x3], $0x80, s16, s23, $0xb8;
	[tilespmem:$0x1D000] =	vst v63  }
0x17d: {  	_ =	swait.ge [sflag:s21], $0x3E80  }
0x17e: {  	s19 =	sadd.s32 $0x100, s19;
	s5 =	rddreg [dreg:$0x4];
	[sflag:s21] =	ssyncset.done $0x0  }
0x17f: {  	[sflag:s21] =	ssyncadd.s32 $0xFFFFC180;
	s5 =	sadd.s32 s18, s5  }
0x180: {  	[tilespmem:s3], [sflag:$0x3] =	stream.linear.gather [hbm4b:s5+s3], $0x800, $0x38;
	[tilespmem:$0x1D000] =	vst v63  }
0x181: {  	_ =	swait.ge [sflag:s21], $0x800  }
0x182: {  	s17 =	rddreg [dreg:$0x3];
	[sflag:s21] =	ssyncset.done $0x0  }
0x183: {  	[sflag:s21] =	ssyncadd.s32 $0xFFFFF800;
	s5 =	sadd.s32 s18, s17  }
0x184: {  	[tilespmem:s22], [sflag:$0x3] =	stream.linear.gather [hbm4b:s5+s3], $0x800, $0x38;
	[tilespmem:$0x1D000] =	vst v63  }
0x185: {  	_ =	swait.ge [sflag:s21], $0x800  }
0x186: {  	[sflag:s21] =	ssyncset.done $0x0  }
0x187: {  	[sflag:s21] =	ssyncadd.s32 $0xFFFFF800  }
0x188: {  	[tilespmem:s20], [sflag:$0x1] =	stream.indirect.gather [hbm4b:s4+s23], $0x80, s3, s23, $0xb8;
	[tilespmem:$0x1D000] =	vst v63  }
0x189: {  	_ =	swait.ge [sflag:s24], $0x3E80  }
0x18a: {  	[sflag:s24] =	ssyncset.done $0x0  }
0x18b: {  	s18 =	rddreg [dreg:$0x5];
	[sflag:s24] =	ssyncadd.s32 $0xFFFFC180  }
0x18c: {  	[tilespmem:s25], [sflag:$0x2] =	stream.indirect.gather [hbm4b:s4+s23], $0x80, s18, s23, $0xb8;
	[tilespmem:$0x1D000] =	vst v63  }
0x18d: {  	_ = 	snop  }
0x18e: {  	[spmem:s2] =	stream.indirect.scatter.add.f32 [tilespmem:s20], [sflag:$0x3], $0x80, s22, s23, $0xb8;
	[tilespmem:$0x1D000] =	vst v63  }
0x18f: {  	_ =	swait.ge [sflag:s21], $0x3E80  }
0x190: {  	[sflag:s21] =	ssyncset.done $0x0  }
0x191: {  	[sflag:s21] =	ssyncadd.s32 $0xFFFFC180  }
0x192: {  	_ =	swait.ge [sflag:s26], $0x3E80  }
0x193: {  	[sflag:s26] =	ssyncset.done $0x0  }
0x194: {  	s19 =	rddreg [dreg:$0x6];
	[sflag:s26] =	ssyncadd.s32 $0xFFFFC180  }
0x195: {  	[tilespmem:s20], [sflag:$0x1] =	stream.indirect.gather [hbm4b:s4+s23], $0x80, s19, s23, $0xb8;
	[tilespmem:$0x1D000] =	vst v63  }
0x196: {  	s17 =	rddreg [dreg:$0x7]  }
0x197: {  	[spmem:s2] =	stream.indirect.scatter.add.f32 [tilespmem:s25], [sflag:$0x3], $0x80, s17, s23, $0xb8;
	[tilespmem:$0x1D000] =	vst v63  }
0x198: {  	_ =	swait.ge [sflag:s21], $0x3E80  }
0x199: {  	[sflag:s21] =	ssyncset.done $0x0  }
0x19a: {  	[sflag:s21] =	ssyncadd.s32 $0xFFFFC180  }
0x19b: {  	_ =	swait.ge [sflag:s24], $0x3E80  }
0x19c: {  	[sflag:s24] =	ssyncset.done $0x0  }
0x19d: {  	s18 =	rddreg [dreg:$0x8];
	[sflag:s24] =	ssyncadd.s32 $0xFFFFC180  }
0x19e: {  	[tilespmem:s25], [sflag:$0x2] =	stream.indirect.gather [hbm4b:s4+s23], $0x80, s18, s23, $0xb8;
	[tilespmem:$0x1D000] =	vst v63  }
0x19f: {  	s19 =	rddreg [dreg:$0x9]  }
0x1a0: {  	[spmem:s2] =	stream.indirect.scatter.add.f32 [tilespmem:s20], [sflag:$0x3], $0x80, s19, s23, $0xb8;
	[tilespmem:$0x1D000] =	vst v63  }
0x1a1: {  	_ =	swait.ge [sflag:s21], $0x3E80  }
0x1a2: {  	[sflag:s21] =	ssyncset.done $0x0  }
0x1a3: {  	[sflag:s21] =	ssyncadd.s32 $0xFFFFC180  }
0x1a4: {  	_ =	swait.ge [sflag:s26], $0x3E80  }
0x1a5: {  	[sflag:s26] =	ssyncset.done $0x0  }
0x1a6: {  	s18 =	rddreg [dreg:$0xa];
	[sflag:s26] =	ssyncadd.s32 $0xFFFFC180  }
0x1a7: {  	[tilespmem:s20], [sflag:$0x1] =	stream.indirect.gather [hbm4b:s4+s23], $0x80, s18, s23, $0xb8;
	[tilespmem:$0x1D000] =	vst v63  }
0x1a8: {  	s19 =	rddreg [dreg:$0xb]  }
0x1a9: {  	[spmem:s2] =	stream.indirect.scatter.add.f32 [tilespmem:s25], [sflag:$0x3], $0x80, s19, s23, $0xb8;
	[tilespmem:$0x1D000] =	vst v63  }
0x1aa: {  	_ =	swait.ge [sflag:s21], $0x3E80  }
0x1ab: {  	[sflag:s21] =	ssyncset.done $0x0  }
0x1ac: {  	[sflag:s21] =	ssyncadd.s32 $0xFFFFC180  }
0x1ad: {  	_ =	swait.ge [sflag:s24], $0x3E80  }
0x1ae: {  	[sflag:s24] =	ssyncset.done $0x0  }
0x1af: {  	s18 =	rddreg [dreg:$0xc];
	[sflag:s24] =	ssyncadd.s32 $0xFFFFC180  }
0x1b0: {  	[tilespmem:s25], [sflag:$0x2] =	stream.indirect.gather [hbm4b:s4+s23], $0x80, s18, s23, $0xb8;
	[tilespmem:$0x1D000] =	vst v63  }
0x1b1: {  	s19 =	rddreg [dreg:$0xd]  }
0x1b2: {  	[spmem:s2] =	stream.indirect.scatter.add.f32 [tilespmem:s20], [sflag:$0x3], $0x80, s19, s23, $0xb8;
	[tilespmem:$0x1D000] =	vst v63  }
0x1b3: {  	_ =	swait.ge [sflag:s21], $0x3E80  }
0x1b4: {  	[sflag:s21] =	ssyncset.done $0x0  }
0x1b5: {  	[sflag:s21] =	ssyncadd.s32 $0xFFFFC180  }
0x1b6: {  	_ =	swait.ge [sflag:s26], $0x3E80  }
0x1b7: {  	[sflag:s26] =	ssyncset.done $0x0  }
0x1b8: {  	s18 =	rddreg [dreg:$0xe];
	[sflag:s26] =	ssyncadd.s32 $0xFFFFC180  }
0x1b9: {  	[tilespmem:s20], [sflag:$0x1] =	stream.indirect.gather [hbm4b:s4+s23], $0x80, s18, s23, $0xb8;
	[tilespmem:$0x1D000] =	vst v63  }
0x1ba: {  	s19 =	rddreg [dreg:$0xf]  }
0x1bb: {  	[spmem:s2] =	stream.indirect.scatter.add.f32 [tilespmem:s25], [sflag:$0x3], $0x80, s19, s23, $0xb8;
	[tilespmem:$0x1D000] =	vst v63  }
0x1bc: {  	_ =	swait.ge [sflag:s21], $0x3E80  }
0x1bd: {  	[sflag:s21] =	ssyncset.done $0x0  }
0x1be: {  	[sflag:s21] =	ssyncadd.s32 $0xFFFFC180  }
0x1bf: {  	_ =	swait.ge [sflag:s24], $0x3E80  }
0x1c0: {  	[sflag:s24] =	ssyncset.done $0x0  }
0x1c1: {  	s17 =	rddreg [dreg:$0x10];
	[sflag:s24] =	ssyncadd.s32 $0xFFFFC180  }
0x1c2: {  	[tilespmem:s25], [sflag:$0x2] =	stream.indirect.gather [hbm4b:s4+s23], $0x80, s17, s23, $0xb8;
	[tilespmem:$0x1D000] =	vst v63  }
0x1c3: {  	s18 =	rddreg [dreg:$0x11]  }
0x1c4: {  	[spmem:s2] =	stream.indirect.scatter.add.f32 [tilespmem:s20], [sflag:$0x3], $0x80, s18, s23, $0xb8;
	[tilespmem:$0x1D000] =	vst v63  }
0x1c5: {  	_ =	swait.ge [sflag:s21], $0x3E80  }
0x1c6: {  	[sflag:s21] =	ssyncset.done $0x0  }
0x1c7: {  	[sflag:s21] =	ssyncadd.s32 $0xFFFFC180  }
0x1c8: {  	_ =	swait.ge [sflag:s26], $0x3E80  }
0x1c9: {  	[sflag:s26] =	ssyncset.done $0x0  }
0x1ca: {  	[sflag:s26] =	ssyncadd.s32 $0xFFFFC180  }
0x1cb: {  	[tilespmem:s20], [sflag:$0x1] =	stream.indirect.gather [hbm4b:s4+s23], $0x80, s28, s23, $0xb8;
	[tilespmem:$0x1D000] =	vst v63  }
0x1cc: {  	_ = 	snop  }
0x1cd: {  	[spmem:s2] =	stream.indirect.scatter.add.f32 [tilespmem:s25], [sflag:$0x3], $0x80, s29, s23, $0xb8;
	[tilespmem:$0x1D000] =	vst v63  }
0x1ce: {  	_ =	swait.ge [sflag:s21], $0x3E80  }
0x1cf: {  	[sflag:s21] =	ssyncset.done $0x0  }
0x1d0: {  	[sflag:s21] =	ssyncadd.s32 $0xFFFFC180  }
0x1d1: {  	_ =	swait.ge [sflag:s24], $0x3E80  }
0x1d2: {  	[sflag:s24] =	ssyncset.done $0x0  }
0x1d3: {  	[sflag:s24] =	ssyncadd.s32 $0xFFFFC180  }
0x1d4: {  	[tilespmem:s25], [sflag:$0x2] =	stream.indirect.gather [hbm4b:s4+s23], $0x80, s30, s23, $0xb8;
	[tilespmem:$0x1D000] =	vst v63  }
0x1d5: {  	_ = 	snop  }
0x1d6: {  	[spmem:s2] =	stream.indirect.scatter.add.f32 [tilespmem:s20], [sflag:$0x3], $0x80, s31, s23, $0xb8;
	[tilespmem:$0x1D000] =	vst v63  }
0x1d7: {  	_ =	swait.ge [sflag:s21], $0x3E80  }
0x1d8: {  	[sflag:s21] =	ssyncset.done $0x0  }
0x1d9: {  	[sflag:s21] =	ssyncadd.s32 $0xFFFFC180  }
0x1da: {  	_ =	swait.ge [sflag:s26], $0x3E80  }
0x1db: {  	[sflag:s26] =	ssyncset.done $0x0  }
0x1dc: {  	[sflag:s26] =	ssyncadd.s32 $0xFFFFC180  }
0x1dd: {  	[tilespmem:s20], [sflag:$0x1] =	stream.indirect.gather [hbm4b:s4+s23], $0x80, s1, s23, $0xb8;
	[tilespmem:$0x1D000] =	vst v63  }
0x1de: {  	_ = 	snop  }
0x1df: {  	[spmem:s2] =	stream.indirect.scatter.add.f32 [tilespmem:s25], [sflag:$0x3], $0x80, s0, s23, $0xb8;
	[tilespmem:$0x1D000] =	vst v63  }
0x1e0: {  	_ =	swait.ge [sflag:s21], $0x3E80  }
0x1e1: {  	[sflag:s21] =	ssyncset.done $0x0  }
0x1e2: {  	[sflag:s21] =	ssyncadd.s32 $0xFFFFC180  }
0x1e3: {  	_ =	swait.ge [sflag:s24], $0x3E80  }
0x1e4: {  	[sflag:s24] =	ssyncset.done $0x0  }
0x1e5: {  	[sflag:s24] =	ssyncadd.s32 $0xFFFFC180  }
0x1e6: {  	[tilespmem:s25], [sflag:$0x2] =	stream.indirect.gather [hbm4b:s4+s23], $0x80, s6, s23, $0xb8;
	[tilespmem:$0x1D000] =	vst v63  }
0x1e7: {  	_ = 	snop  }
0x1e8: {  	[spmem:s2] =	stream.indirect.scatter.add.f32 [tilespmem:s20], [sflag:$0x3], $0x80, s7, s23, $0xb8;
	[tilespmem:$0x1D000] =	vst v63  }
0x1e9: {  	_ =	swait.ge [sflag:s21], $0x3E80  }
0x1ea: {  	[sflag:s21] =	ssyncset.done $0x0  }
0x1eb: {  	[sflag:s21] =	ssyncadd.s32 $0xFFFFC180  }
0x1ec: {  	_ =	swait.ge [sflag:s26], $0x3E80  }
0x1ed: {  	[sflag:s26] =	ssyncset.done $0x0  }
0x1ee: {  	[sflag:s26] =	ssyncadd.s32 $0xFFFFC180  }
0x1ef: {  	[tilespmem:s20], [sflag:$0x1] =	stream.indirect.gather [hbm4b:s4+s23], $0x80, s8, s23, $0xb8;
	[tilespmem:$0x1D000] =	vst v63  }
0x1f0: {  	_ = 	snop  }
0x1f1: {  	[spmem:s2] =	stream.indirect.scatter.add.f32 [tilespmem:s25], [sflag:$0x3], $0x80, s9, s23, $0xb8;
	[tilespmem:$0x1D000] =	vst v63  }
0x1f2: {  	_ =	swait.ge [sflag:s21], $0x3E80  }
0x1f3: {  	[sflag:s21] =	ssyncset.done $0x0  }
0x1f4: {  	[sflag:s21] =	ssyncadd.s32 $0xFFFFC180  }
0x1f5: {  	_ =	swait.ge [sflag:s24], $0x3E80  }
0x1f6: {  	[sflag:s24] =	ssyncset.done $0x0  }
0x1f7: {  	[sflag:s24] =	ssyncadd.s32 $0xFFFFC180  }
0x1f8: {  	[tilespmem:s25], [sflag:$0x2] =	stream.indirect.gather [hbm4b:s4+s23], $0x80, s10, s23, $0xb8;
	[tilespmem:$0x1D000] =	vst v63  }
0x1f9: {  	_ = 	snop  }
0x1fa: {  	[spmem:s2] =	stream.indirect.scatter.add.f32 [tilespmem:s20], [sflag:$0x3], $0x80, s11, s23, $0xb8;
	[tilespmem:$0x1D000] =	vst v63  }
0x1fb: {  	_ =	swait.ge [sflag:s21], $0x3E80  }
0x1fc: {  	[sflag:s21] =	ssyncset.done $0x0  }
0x1fd: {  	[sflag:s21] =	ssyncadd.s32 $0xFFFFC180  }
0x1fe: {  	_ =	swait.ge [sflag:s26], $0x3E80  }
0x1ff: {  	[sflag:s26] =	ssyncset.done $0x0  }
0x200: {  	[sflag:s26] =	ssyncadd.s32 $0xFFFFC180  }
0x201: {  	[tilespmem:s20], [sflag:$0x1] =	stream.indirect.gather [hbm4b:s4+s23], $0x80, s12, s23, $0xb8;
	[tilespmem:$0x1D000] =	vst v63  }
0x202: {  	_ = 	snop  }
0x203: {  	[spmem:s2] =	stream.indirect.scatter.add.f32 [tilespmem:s25], [sflag:$0x3], $0x80, s13, s23, $0xb8;
	[tilespmem:$0x1D000] =	vst v63  }
0x204: {  	_ =	swait.ge [sflag:s21], $0x3E80  }
0x205: {  	[sflag:s21] =	ssyncset.done $0x0  }
0x206: {  	[sflag:s21] =	ssyncadd.s32 $0xFFFFC180  }
0x207: {  	_ =	swait.ge [sflag:s24], $0x3E80  }
0x208: {  	[sflag:s24] =	ssyncset.done $0x0  }
0x209: {  	[sflag:s24] =	ssyncadd.s32 $0xFFFFC180  }
0x20a: {  	[tilespmem:s25], [sflag:$0x2] =	stream.indirect.gather [hbm4b:s4+s23], $0x80, s14, s23, $0xb8;
	[tilespmem:$0x1D000] =	vst v63  }
0x20b: {  	_ = 	snop  }
0x20c: {  	[spmem:s2] =	stream.indirect.scatter.add.f32 [tilespmem:s20], [sflag:$0x3], $0x80, s15, s23, $0xb8;
	[tilespmem:$0x1D000] =	vst v63  }
0x20d: {  	_ =	swait.ge [sflag:s21], $0x3E80  }
0x20e: {  	[sflag:s21] =	ssyncset.done $0x0  }
0x20f: {  	[sflag:s21] =	ssyncadd.s32 $0xFFFFC180  }
0x210: {  	_ =	swait.ge [sflag:s26], $0x3E80  }
0x211: {  	[sflag:s26] =	ssyncset.done $0x0  }
0x212: {  	[sflag:s26] =	ssyncadd.s32 $0xFFFFC180  }
0x213: {  	[spmem:s2] =	stream.indirect.scatter.add.f32 [tilespmem:s25], [sflag:$0x3], $0x80, s16, s23, $0xb8;
	[tilespmem:$0x1D000] =	vst v63  }
0x214: {  	_ =	swait.ge [sflag:s21], $0x3E80  }
0x215: {  	[sflag:s21] =	ssyncset.done $0x0  }
0x216: {  	[sflag:s21] =	ssyncadd.s32 $0xFFFFC180  }
0x217: {  	[bflag:$0x0] =	sbarrier.arrive $0xFFFF  }
0x218: {  	s17 =	rddreg [dreg:$0x12]  }
0x219: {  	[tilespmem:s20], [sflag:$0x3] =	stream.linear.gather [spmem:s17], $0x4000, $0x38;
	[tilespmem:$0x1D000] =	vst v63  }
0x21a: {  	_ =	swait.ge [sflag:s21], $0x4000  }
0x21b: {  	[sflag:s21] =	ssyncset.done $0x0  }
0x21c: {  	s19 =	rddreg [dreg:$0x18];
	[sflag:s21] =	ssyncadd.s32 $0xFFFFC000  }
0x21d: {  	[hbm4b:s19+s3] =	stream.linear.scatter [tilespmem:s20], [sflag:$0x3], $0x4000, $0x38;
	[tilespmem:$0x1D000] =	vst v63  }
0x21e: {  	_ =	swait.ge [sflag:s21], $0x4000  }
0x21f: {  	[sflag:s21] =	ssyncset.done $0x0  }
0x220: {  	s18 =	rddreg [dreg:$0x19];
	[sflag:s21] =	ssyncadd.s32 $0xFFFFC000  }
0x221: {  	[tilespmem:s20], [sflag:$0x3] =	stream.linear.gather [spmem:s18], $0x4000, $0x38;
	[tilespmem:$0x1D000] =	vst v63  }
0x222: {  	_ =	swait.ge [sflag:s21], $0x4000  }
0x223: {  	[sflag:s21] =	ssyncset.done $0x0  }
0x224: {  	s19 =	rddreg [dreg:$0x1a];
	[sflag:s21] =	ssyncadd.s32 $0xFFFFC000  }
0x225: {  	[hbm4b:s19+s3] =	stream.linear.scatter [tilespmem:s20], [sflag:$0x3], $0x4000, $0x38;
	[tilespmem:$0x1D000] =	vst v63  }
0x226: {  	_ =	swait.ge [sflag:s21], $0x4000  }
0x227: {  	[sflag:s21] =	ssyncset.done $0x0  }
0x228: {  	s18 =	rddreg [dreg:$0x1b];
	[sflag:s21] =	ssyncadd.s32 $0xFFFFC000  }
0x229: {  	[tilespmem:s20], [sflag:$0x3] =	stream.linear.gather [spmem:s18], $0x4000, $0x38;
	[tilespmem:$0x1D000] =	vst v63  }
0x22a: {  	_ =	swait.ge [sflag:s21], $0x4000  }
0x22b: {  	[sflag:s21] =	ssyncset.done $0x0  }
0x22c: {  	s19 =	rddreg [dreg:$0x1c];
	[sflag:s21] =	ssyncadd.s32 $0xFFFFC000  }
0x22d: {  	[hbm4b:s19+s3] =	stream.linear.scatter [tilespmem:s20], [sflag:$0x3], $0x4000, $0x38;
	[tilespmem:$0x1D000] =	vst v63  }
0x22e: {  	_ =	swait.ge [sflag:s21], $0x4000  }
0x22f: {  	[sflag:s21] =	ssyncset.done $0x0  }
0x230: {  	s18 =	rddreg [dreg:$0x1d];
	[sflag:s21] =	ssyncadd.s32 $0xFFFFC000  }
0x231: {  	[tilespmem:s20], [sflag:$0x3] =	stream.linear.gather [spmem:s18], $0x4000, $0x38;
	[tilespmem:$0x1D000] =	vst v63  }
0x232: {  	_ =	swait.ge [sflag:s21], $0x4000  }
0x233: {  	[sflag:s21] =	ssyncset.done $0x0  }
0x234: {  	s19 =	rddreg [dreg:$0x1e];
	[sflag:s21] =	ssyncadd.s32 $0xFFFFC000  }
0x235: {  	[hbm4b:s19+s3] =	stream.linear.scatter [tilespmem:s20], [sflag:$0x3], $0x4000, $0x38;
	[tilespmem:$0x1D000] =	vst v63  }
0x236: {  	_ =	swait.ge [sflag:s21], $0x4000  }
0x237: {  	[sflag:s21] =	ssyncset.done $0x0  }
0x238: {  	s18 =	rddreg [dreg:$0x1f];
	[sflag:s21] =	ssyncadd.s32 $0xFFFFC000  }
0x239: {  	[tilespmem:s20], [sflag:$0x3] =	stream.linear.gather [spmem:s18], $0x4000, $0x38;
	[tilespmem:$0x1D000] =	vst v63  }
0x23a: {  	_ =	swait.ge [sflag:s21], $0x4000  }
0x23b: {  	s19 =	sld [smem:$0x7FD]  }
0x23c: {  	[sflag:s21] =	ssyncset.done $0x0  }
0x23d: {  	[sflag:s21] =	ssyncadd.s32 $0xFFFFC000  }
0x23e: {  	[hbm4b:s19+s3] =	stream.linear.scatter [tilespmem:s20], [sflag:$0x3], $0x4000, $0x38;
	[tilespmem:$0x1D000] =	vst v63  }
0x23f: {  	_ =	swait.ge [sflag:s21], $0x4000  }
0x240: {  	s5 =	sld [smem:$0x7FC];
	_ =	sdelay $0x2  }
0x241: {  	s19 =	rddreg [dreg:$0x13];
	s18 =	sadd.s32 $0x1, s5  }
0x242: {  	p0 =	sne.s32 s18, s19  }
.Ltmp2:
0x243: {  	_ = 	snop;
	(pc) =	sbr.rel @p0 .LBB2_1-.Ltmp2, $3  }
0x244: {  	_ =	sdelay $0x1  }
0x245: {  	[sflag:s21] =	ssyncset.done $0x0  }
0x246: {  	[sflag:s21] =	ssyncadd.s32 $0xFFFFC000  }
0x247: {  	_ =	sfence.sel $0x180000  }
0x248: {  	[bflag:$0x0] =	sbarrier.arrive $0xFFFF  }
0x249: {  	_ =	strace $0x9000004D  }
0x24a: {  	s0 =	stileid.u32;
	[bflag:$0x2] =	sbarrier.arrive $0xFFFF  }
0x24b: {  	p0 =	sne.s32 s0, $0x0;
	s0 =	rddreg [dreg:$0x2]  }
0x24c: {  	s0 =	sadd.s32 @!p0 $0x100000, s0  }
0x24d: {  	[sflag:s0] =	ssyncadd.tile.s32 @!p0 $0x1;
	_ =	shalt  }
.Lfunc_end2:
_tile_overlayer_lowered:
.L_overlay_start_2:
0x24e: {  	(tag) =	ssettag $0x2  }
0x24f: {  	s0 =	rddreg [dreg:$0x0];
	s2 =	stileid.u32  }
0x250: {  	s1 =	rddreg [dreg:$0x1];
	p0 =	sne.s32 s2, $0x0  }
0x251: {  	s3 =	rddreg [dreg:$0x2];
	[bflag:$0x3] =	sbarrier.arrive $0xFFFF;
	s2 =	simm.s32 @!p0 $0x1C03  }
0x252: {  	[timem:s3], [sflag:s2] =	dma.local @!p0 [hbm:s0], s1  }
0x253: {  	s0 =	simm.s32 @!p0 $0x3  }
0x254: {  	_ =	swait.ge @!p0 [sflag:s0], s1  }
0x255: {  	s1 =	ssub.s32 @!p0 $0x0, s1;
	[sflag:s0] =	ssyncset.done @!p0 $0x0  }
0x256: {  	[sflag:s0] =	ssyncadd.s32 @!p0 s1  }
0x257: {  	[bflag:$0x3] =	sbarrier.arrive $0xFFFF  }
0x258: {  	_ =	shalt  }

// kernel: kernel.19.cloned.1.call-start
scs
__scs_entry_jumppad:
0x0: {  	(pc) =	sbr.rel $0x88, $3  }
0x1: {  	(tag) =	ssettag $0x0;
	lr =	simm.s32 $0x1  }
0x2: {  	[smem:$0x3F94] =	sst lr;
	_ =	strace $0xD0000000  }
0x3: {  	_ = 	snop  }
0x4: {  	_ = 	snop  }
0x5: {  	_ = 	snop  }
0x6: {  	_ = 	snop  }
0x7: {  	_ = 	snop  }
__scs_overlays_trampoline_lowered:
0x8: {  	[smem:$0x3FA3] =	sst s0  }
0x9: {  	[smem:$0x3FA4] =	sst s1  }
0xa: {  	[smem:$0x3FA5] =	sst s2  }
0xb: {  	[smem:$0x3FA6] =	sst s3  }
0xc: {  	[smem:$0x3FA7] =	sst s4  }
0xd: {  	[smem:$0x3FA8] =	sst s5  }
0xe: {  	[smem:$0x3FA9] =	sst s6  }
0xf: {  	[smem:$0x3FAA] =	sst s7  }
0x10: {  	[smem:$0x3FAB] =	sst s8  }
0x11: {  	[smem:$0x3FAC] =	sst s9;
	s0 =	simm.s32 @!p0 $0x0  }
0x12: {  	s1 =	sld [smem:$0x3F92];
	s0 =	simm.s32 @p0 $0x1  }
0x13: {  	[smem:$0x3FAD] =	sst s0;
	s0 =	simm.s32 @!p1 $0x0  }
0x14: {  	s2 =	sld [smem:$0x3F91];
	s0 =	simm.s32 @p1 $0x1  }
0x15: {  	[smem:$0x3FAE] =	sst s0;
	s0 =	simm.s32 @!p2 $0x0  }
0x16: {  	s3 =	sld [smem:$0x3FDB];
	s0 =	simm.s32 @p2 $0x1  }
0x17: {  	s4 =	simm.s32 $0x1BF5;
	[smem:$0x3FB0] =	sst s0  }
0x18: {  	s0 =	sld [smem:$0x3F93];
	_ =	swait.ge [sflag:s4], $0x0  }
0x19: {  	s7 =	sld [smem:$0x3F94]  }
0x1a: {  	s8 =	sadd.s32 $0xFFFFE003, lr  }
0x1b: {  	s9 =	sadd.s32 $0xFFFFFEF7, lr;
	s5 =	simm.s32 $0xFFFFFFFF;
	p2 =	slt.u32 s8, $0xFFFFF086  }
0x1c: {  	p1 =	slt.u32 s9, $0xF7A;
	s5 =	simm.s32 @!p2 $0x0  }
0x1d: {  	s5 =	simm.s32 @p1 $0x1;
	p0 =	seq.s32 s7, s2  }
0x1e: {  	s7 =	smul.u32 @!p0 $0xF7A, s2;
	p2 =	seq.s32 @!p0 s5, $0x0  }
0x1f: {  	s9 =	smul.u32 $0xF7A, s1;
	s8 =	simm.s32 @!p0 $0x1BF5;
	p2 =	por !p2, p0  }
0x20: {  	[sflag:s8] =	ssyncset.s32 @!p0 $0xFFFFF086;
	s6 =	sadd.s32 @!p0 s3, s7;
	s7 =	simm.s32 @!p0 $0x108  }
0x21: {  	s3 =	sadd.s32 s3, s9;
	s6 =	sadd.s32 @!p0 $0x88, s6;
	s7 =	simm.s32 @p2 $0x1082  }
0x22: {  	[simem:s7], [sflag:s8] =	dma.local @!p0 [hbm:s6], $0xF7A  }
0x23: {  	s9 =	sor.u32 $0xD0000000, s2;
	s6 =	simm.s32 $0x108;
	_ =	swait.ge @!p0 [sflag:s8], $0x0  }
0x24: {  	s3 =	sadd.s32 $0x88, s3;
	s6 =	simm.s32 @!p1 $0x1082;
	[sflag:s4] =	ssyncset.s32 $0xFFFFF086  }
0x25: {  	[simem:s6], [sflag:s4] =	dma.local [hbm:s3], $0xF7A  }
0x26: {  	[smem:$0x3F94] =	sst s1;
	(tag) =	ssettag s2;
	_ =	strace s9  }
0x27: {  	s1 =	sld [smem:$0x3FA4]  }
0x28: {  	s2 =	sld [smem:$0x3FA5]  }
0x29: {  	s4 =	sld [smem:$0x3FA7]  }
0x2a: {  	p0 =	seq.s32 s5, $0x0;
	s5 =	sld [smem:$0x3FA8]  }
0x2b: {  	s6 =	sld [smem:$0x3FA9]  }
0x2c: {  	s7 =	sld [smem:$0x3FAA]  }
0x2d: {  	s3 =	simm.s32 $0x108;
	s8 =	sld [smem:$0x3FAB]  }
0x2e: {  	s3 =	simm.s32 @!p0 $0x1082;
	s9 =	sld [smem:$0x3FAC]  }
0x2f: {  	lr =	sadd.s32 s0, s3;
	s0 =	sld [smem:$0x3FA3]  }
0x30: {  	s3 =	sld [smem:$0x3FA6]  }
0x31: {  	[smem:$0x3FAF] =	sst s10  }
0x32: {  	s10 =	sld [smem:$0x3FAD];
	_ =	sdelay $0x3  }
0x33: {  	p0 =	seq.s32 s10, $0x1;
	s10 =	sld [smem:$0x3FAF];
	_ =	sdelay $0x3  }
0x34: {  	[smem:$0x3FAF] =	sst s10  }
0x35: {  	s10 =	sld [smem:$0x3FAE];
	_ =	sdelay $0x3  }
0x36: {  	p1 =	seq.s32 s10, $0x1;
	s10 =	sld [smem:$0x3FAF];
	_ =	sdelay $0x3  }
0x37: {  	[smem:$0x3FAF] =	sst s10  }
0x38: {  	s10 =	sld [smem:$0x3FB0]  }
0x39: {  	_ = 	snop;
	(pc) =	sbr.ind lr, $3  }
0x3a: {  	_ = 	snop  }
0x3b: {  	_ = 	snop  }
0x3c: {  	p2 =	seq.s32 s10, $0x1;
	s10 =	sld [smem:$0x3FAF]  }
0x3d: {  	_ =	shalt  }
0x3e: {  	_ =	shalt  }
0x3f: {  	_ =	shalt  }
0x40: {  	_ =	shalt  }
0x41: {  	_ =	shalt  }
0x42: {  	_ =	shalt  }
0x43: {  	_ =	shalt  }
0x44: {  	_ =	shalt  }
0x45: {  	_ =	shalt  }
0x46: {  	_ =	shalt  }
0x47: {  	_ =	shalt  }
0x48: {  	_ =	shalt  }
0x49: {  	_ =	shalt  }
0x4a: {  	_ =	shalt  }
0x4b: {  	_ =	shalt  }
0x4c: {  	_ =	shalt  }
0x4d: {  	_ =	shalt  }
0x4e: {  	_ =	shalt  }
0x4f: {  	_ =	shalt  }
0x50: {  	_ =	shalt  }
0x51: {  	_ =	shalt  }
0x52: {  	_ =	shalt  }
0x53: {  	_ =	shalt  }
0x54: {  	_ =	shalt  }
0x55: {  	_ =	shalt  }
0x56: {  	_ =	shalt  }
0x57: {  	_ =	shalt  }
0x58: {  	_ =	shalt  }
0x59: {  	_ =	shalt  }
0x5a: {  	_ =	shalt  }
0x5b: {  	_ =	shalt  }
0x5c: {  	_ =	shalt  }
0x5d: {  	_ =	shalt  }
0x5e: {  	_ =	shalt  }
0x5f: {  	_ =	shalt  }
0x60: {  	_ =	shalt  }
0x61: {  	_ =	shalt  }
0x62: {  	_ =	shalt  }
0x63: {  	_ =	shalt  }
0x64: {  	_ =	shalt  }
0x65: {  	_ =	shalt  }
0x66: {  	_ =	shalt  }
0x67: {  	_ =	shalt  }
0x68: {  	_ =	shalt  }
0x69: {  	_ =	shalt  }
0x6a: {  	_ =	shalt  }
0x6b: {  	_ =	shalt  }
0x6c: {  	_ =	shalt  }
0x6d: {  	_ =	shalt  }
0x6e: {  	_ =	shalt  }
0x6f: {  	_ =	shalt  }
0x70: {  	_ =	shalt  }
0x71: {  	_ =	shalt  }
0x72: {  	_ =	shalt  }
0x73: {  	_ =	shalt  }
0x74: {  	_ =	shalt  }
0x75: {  	_ =	shalt  }
0x76: {  	_ =	shalt  }
0x77: {  	_ =	shalt  }
0x78: {  	_ =	shalt  }
0x79: {  	_ =	shalt  }
0x7a: {  	_ =	shalt  }
0x7b: {  	_ =	shalt  }
0x7c: {  	_ =	shalt  }
0x7d: {  	_ =	shalt  }
0x7e: {  	_ =	shalt  }
0x7f: {  	_ =	shalt  }
0x80: {  	_ =	shalt  }
0x81: {  	_ =	shalt  }
0x82: {  	_ =	shalt  }
0x83: {  	_ =	shalt  }
0x84: {  	_ =	shalt  }
0x85: {  	_ =	shalt  }
0x86: {  	_ =	shalt  }
0x87: {  	_ =	shalt  }
.Lfunc_end0:
.L_simem_size_0:
called_computation.3_lowered:
.L_overlay_start_0:
0x88: {  	s2 =	sld [smem:$0x3FD9]  }
0x89: {  	s3 =	sld [smem:$0x3FFE];
	_ =	sdelay $0x1  }
0x8a: {  	s1 =	srdreg.scid  }
0x8b: {  	s0 =	sand.u32 $0x1, s1  }
0x8c: {  	s16 =	sshll.u32 s0, $0xA;
	s2 =	sadd.s32 s3, s2  }
0x8d: {  	s2 =	sadd.s32 s2, s16  }
0x8e: {  	[smem:$0x3FBB] =	sst s2  }
0x8f: {  	_ = 	snop  }
0x90: {  	(tm) =	ssettm $0x1  }
0x91: {  	s17 =	sld [smem:$0x3FFB];
	_ =	sdelay $0x3  }
0x92: {  	_ =	strace s17  }
0x93: {  	s2 =	sld [smem:$0x3FFC];
	_ =	sdelay $0x3  }
0x94: {  	_ =	strace s2  }
0x95: {  	s2 =	sld [smem:$0x3FFD];
	_ =	sdelay $0x3  }
0x96: {  	_ =	strace s2  }
0x97: {  	_ =	strace $0x8FFFFFFF  }
0x98: {  	s18 =	sld [smem:$0x3FDB];
	_ =	sdelay $0x1  }
0x99: {  	s19 =	simm.s32 $_scs_section_size  }
0x9a: {  	s4 =	simm.s32 $_size__tile_overlayer_lowered;
	s5 =	simm.s32 $_tile_overlayer_lowered  }
0x9b: {  	s22 =	simm.s32 $0x1BFF;
	s21 =	sshll.u32 s5, $0x1;
	s2 =	sadd.s32 s19, s18  }
0x9c: {  	s6 =	simm.s32 $0x0;
	s20 =	sshll.u32 s4, $0x1;
	s4 =	sadd.s32 s21, s2  }
0x9d: {  	[timem:s6], [sflag:s22] =	dma.local [hbm:s4], s20  }
0x9e: {  	_ =	swait.ge [sflag:s22], s20  }
0x9f: {  	s3 =	ssub.s32 $0x0, s20;
	[sflag:s22] =	ssyncset.done $0x0  }
0xa0: {  	[sflag:s22] =	ssyncadd.s32 s3;
	_ =	sdelay $0x1  }
0xa1: {  	s23 =	simm.s32 $0x1B8B  }
0xa2: {  	_ =	swait.ge [sflag:s23], $0x1  }
0xa3: {  	[sflag:s23] =	ssyncset.done $0x0  }
0xa4: {  	s25 =	simm.s32 $0x1B8E;
	s24 =	sld [smem:$0x3FFE];
	[sflag:s23] =	ssyncadd.s32 $0xFFFFFFFF  }
0xa5: {  	s26 =	simm.s32 $execute0_lowered;
	[smem:$0x3FD2] =	sst s25  }
0xa6: {  	s4 =	sshll.u32 s26, $0x1;
	_ =	strace $0x8000004F;
	[dreg:$0x1] =	wrdreg $0xFFFFFFFF  }
0xa7: {  	s28 =	simm.s32 $_size_execute0_lowered;
	s2 =	sadd.s32 s2, s4;
	[dreg:$0x0] =	wrdreg $0x0  }
0xa8: {  	s4 =	sshll.u32 s28, $0x1;
	[dreg:$0x2] =	wrdreg s2  }
0xa9: {  	[dreg:$0x3] =	wrdreg s4  }
0xaa: {  	[dreg:$0x4] =	wrdreg $0xC0  }
0xab: {  	_ =	task [dreg:s6], $0x5FFFF  }
0xac: {  	[dreg:$0x1] =	wrdreg $0xFFFFFFFF  }
0xad: {  	[dreg:$0x0] =	wrdreg $0x60  }
0xae: {  	[dreg:$0x2] =	wrdreg s24  }
0xaf: {  	[dreg:$0x3] =	wrdreg $0x90000  }
0xb0: {  	[dreg:$0x4] =	wrdreg $0x9  }
0xb1: {  	_ =	task.clear_ibuf [dreg:s6], $0x5FFFF;
	_ =	strace $0x9000004F  }
0xb2: {  	s29 =	simm.s32 $0x9;
	_ =	strace $0x80000051  }
0xb3: {  	_ =	swait.ge [sflag:s29], $0x1  }
0xb4: {  	[sflag:s29] =	ssyncadd.s32 $0xFFFFFFFF  }
0xb5: {  	_ =	strace $0x90000051  }
0xb6: {  	_ =	sfence  }
0xb7: {  	s30 =	sld [smem:$0x0];
	_ =	sdelay $0x2  }
0xb8: {  	s31 =	sshll.u32 s1, $0xD;
	s1 =	sshrl.u32 s1, $0x2  }
0xb9: {  	s3 =	sand.u32 $0x4000, s31;
	s1 =	sadd.s32 s1, s30  }
0xba: {  	s0 =	sor.u32 s3, s0;
	s1 =	sshll.u32 s1, $0x11  }
0xbb: {  	s0 =	sor.u32 s1, s0  }
0xbc: {  	s0 =	sadd.s32 $0x8F2B, s0  }
0xbd: {  	[sflag:s0] =	ssyncadd.remote.s32 $0x1  }
0xbe: {  	_ =	sfence.sel $0xFFFF  }
0xbf: {  	[dreg:$0x0] =	wrdreg $0xFFFFFFFF;
	(pc) =	sbr.abs _section_cstart, $3  }
0xc0: {  	[dreg:$0x1] =	wrdreg $0xFFFFFFFF  }
0xc1: {  	_ =	task.clear_ibuf [dreg:s6], $0x2FFFF;
	_ =	strace $0x9FFFFFFF  }
0xc2: {  	(tm) =	ssettm $0x7FFFFFFF  }
0xc3: {  	_ =	shalt  }
tec
execute0_lowered:
.L_overlay_start_1:
0x0: {  	(tag) =	ssettag $0x1  }
0x1: {  	s0 =	srdreg.scid;
	s1 =	rddreg [dreg:$0x0]  }
0x2: {  	s9 =	stileid.u32;
	s2 =	rddreg [dreg:$0x1]  }
0x3: {  	s3 =	simm.s32 $0x0;
	s12 =	simm.s32 $0x80;
	s13 =	simm.s32 $0x100  }
0x4: {  	s14 =	simm.s32 $0x880;
	s28 =	simm.s32 $0x400;
	s29 =	simm.s32 $0xB80  }
0x5: {  	s30 =	simm.s32 $0x480;
	s31 =	simm.s32 $0xC00;
	s5 =	smul.u32 $0x2800, s9  }
0x6: {  	s0 =	sand.u32 $0x1, s0;
	[smem:$0x7FF] =	sst s3;
	s6 =	smul.u32 $0x50000, s9  }
0x7: {  	s4 =	smul.u32 $0x28000, s0;
	_ =	strace $0x80000050;
	[dreg:$0x5] =	wrdreg s12  }
0x8: {  	s7 =	ssub.s32 $0x2, s0;
	s0 =	smul.u32 $0x140000, s0;
	[dreg:$0x6] =	wrdreg s13  }
0x9: {  	[dreg:$0x7] =	wrdreg s14;
	s12 =	simm.s32 $0x700;
	s13 =	simm.s32 $0xE80  }
0xa: {  	s14 =	simm.s32 $0x780;
	s8 =	sshrl.u32 s7, $0x1;
	s6 =	sshrl.u32 s6, $0x2  }
0xb: {  	s4 =	sadd.s32 s5, s4;
	s7 =	ssub.s32 s7, s8;
	s17 =	sadd.s32 s6, s2  }
0xc: {  	s6 =	smul.u32 $0x14000, s9;
	s7 =	smax.u32 s7, $0x1;
	[dreg:$0x12] =	wrdreg s17  }
0xd: {  	s5 =	sshrl.u32 s4, $0x3;
	s15 =	sadd.s32 $0x4000, s17;
	[dreg:$0x13] =	wrdreg s7  }
0xe: {  	s4 =	sadd.s32 $0xD200, s1;
	s16 =	sadd.s32 $0x8000, s17;
	[dreg:$0x14] =	wrdreg s15  }
0xf: {  	s18 =	sadd.s32 $0xC000, s17;
	s20 =	sadd.s32 $0x10000, s17;
	[dreg:$0x15] =	wrdreg s16  }
0x10: {  	s5 =	sadd.s32 s5, s1;
	s1 =	sadd.s32 $0x67200, s1;
	[dreg:$0x16] =	wrdreg s18  }
0x11: {  	s19 =	sadd.s32 s0, s6;
	[dreg:$0x17] =	wrdreg s20;
	s21 =	sadd.s32 $0x4000, s6  }
0x12: {  	s9 =	sadd.s32 $0x8000, s6;
	s26 =	sadd.s32 $0xC000, s6;
	s15 =	simm.s32 $0x180  }
0x13: {  	s6 =	sadd.s32 $0x10000, s6;
	s18 =	simm.s32 $0x900;
	[dreg:$0x8] =	wrdreg s15  }
0x14: {  	s20 =	simm.s32 $0x980;
	s7 =	sshrl.u32 s19, $0x3;
	[dreg:$0x9] =	wrdreg s18  }
0x15: {  	s22 =	sadd.s32 s0, s21;
	s8 =	sadd.s32 s21, s2;
	[dreg:$0xb] =	wrdreg s20  }
0x16: {  	s23 =	sadd.s32 s0, s9;
	s24 =	sadd.s32 s9, s2;
	[dreg:$0x19] =	wrdreg s8  }
0x17: {  	s10 =	sadd.s32 $0x3200, s5;
	s11 =	sadd.s32 s26, s2;
	[dreg:$0x1b] =	wrdreg s24  }
0x18: {  	s5 =	sadd.s32 $0x5D200, s5;
	s16 =	sadd.s32 s6, s2;
	[dreg:$0x1d] =	wrdreg s11  }
0x19: {  	s19 =	simm.s32 $0x200;
	s21 =	simm.s32 $0x280;
	[dreg:$0x3] =	wrdreg s10  }
0x1a: {  	s20 =	simm.s32 $0x1000;
	s9 =	simm.s32 $0xD80;
	[dreg:$0x4] =	wrdreg s5  }
0x1b: {  	s15 =	simm.s32 $0xF00;
	s18 =	simm.s32 $0x0;
	[dreg:$0x1f] =	wrdreg s16  }
0x1c: {  	s7 =	sadd.s32 s1, s7;
	s25 =	sshrl.u32 s23, $0x3;
	[dreg:$0xa] =	wrdreg s19  }
0x1d: {  	[dreg:$0xc] =	wrdreg s21;
	s21 =	simm.s32 $0x3;
	s23 =	simm.s32 $0x300  }
0x1e: {  	s24 =	simm.s32 $0xA80;
	s8 =	simm.s32 $0x600;
	s10 =	simm.s32 $0x680  }
0x1f: {  	s11 =	simm.s32 $0xE00;
	s16 =	simm.s32 $0xF80;
	[dreg:$0x18] =	wrdreg s7  }
0x20: {  	s7 =	sshrl.u32 s22, $0x3;
	s22 =	simm.s32 $0xA00;
	[dreg:$0xe] =	wrdreg s23  }
0x21: {  	s23 =	simm.s32 $0x7D;
	[dreg:$0xf] =	wrdreg s24;
	s24 =	simm.s32 $0x1  }
0x22: {  	s7 =	sadd.s32 s1, s7;
	[dreg:$0xd] =	wrdreg s22;
	s22 =	simm.s32 $0x800  }
0x23: {  	[dreg:$0x1a] =	wrdreg s7;
	s7 =	sadd.s32 s1, s25;
	s25 =	simm.s32 $0x380  }
0x24: {  	[dreg:$0x1c] =	wrdreg s7;
	s7 =	sadd.s32 s0, s26;
	s0 =	sadd.s32 s0, s6  }
0x25: {  	[dreg:$0x10] =	wrdreg s25;
	s26 =	simm.s32 $0xB00;
	s25 =	simm.s32 $0x5000  }
0x26: {  	s6 =	simm.s32 $0x580;
	s7 =	sshrl.u32 s7, $0x3;
	s0 =	sshrl.u32 s0, $0x3  }
0x27: {  	[dreg:$0x11] =	wrdreg s26;
	s26 =	simm.s32 $0x2;
	s7 =	sadd.s32 s1, s7  }
0x28: {  	s0 =	sadd.s32 s1, s0;
	s1 =	simm.s32 $0x500;
	[dreg:$0x1e] =	wrdreg s7  }
0x29: {  	v0 =	vimm.f32 $0.0e+00;
	[smem:$0x7FD] =	sst s0;
	s0 =	simm.s32 $0xC80;
	s7 =	simm.s32 $0xD00  }
.LBB2_1:
0x2a: {  	[smem:$0x7FC] =	sst s18;
	s18 =	simm.s32 $0x0;
	s19 =	simm.s32 $0x200  }
.LBB2_2:
0x2b: {  	p0 =	sne.s32 s19, $0xFE00;
	[tilespmem:s18+$0x1070] =	vst v0  }
0x2c: {  	[tilespmem:s18+$0x1000] =	vst v0  }
0x2d: {  	[tilespmem:s18+$0x1010] =	vst v0  }
.Ltmp0:
0x2e: {  	[tilespmem:s18+$0x1020] =	vst v0;
	(pc) =	sbr.rel @p0 .LBB2_2-.Ltmp0, $4  }
0x2f: {  	[tilespmem:s18+$0x1030] =	vst v0  }
0x30: {  	[tilespmem:s18+$0x1040] =	vst v0  }
0x31: {  	[tilespmem:s18+$0x1050] =	vst v0  }
0x32: {  	[tilespmem:s18+$0x1060] =	vst v0;
	s18 =	sshra.s32 s19, $0x2;
	s19 =	sadd.s32 $0x200, s19  }
0x33: {  	[tilespmem:s18+$0x1070] =	vst v0  }
0x34: {  	[tilespmem:s18+$0x1000] =	vst v0  }
0x35: {  	[tilespmem:s18+$0x1010] =	vst v0  }
0x36: {  	[tilespmem:s18+$0x1020] =	vst v0  }
0x37: {  	[tilespmem:s18+$0x1030] =	vst v0  }
0x38: {  	[tilespmem:s18+$0x1040] =	vst v0  }
0x39: {  	[tilespmem:s18+$0x1050] =	vst v0  }
0x3a: {  	[tilespmem:s18+$0x1060] =	vst v0  }
0x3b: {  	[spmem:s17] =	stream.linear.scatter [tilespmem:s20], [sflag:$0x3], $0x4000, $0x38;
	[tilespmem:$0x1D000] =	vst v63  }
0x3c: {  	_ =	swait.ge [sflag:s21], $0x4000  }
0x3d: {  	[sflag:s21] =	ssyncset.done $0x0  }
0x3e: {  	s5 =	rddreg [dreg:$0x14];
	[sflag:s21] =	ssyncadd.s32 $0xFFFFC000  }
0x3f: {  	[spmem:s5] =	stream.linear.scatter [tilespmem:s20], [sflag:$0x3], $0x4000, $0x38;
	[tilespmem:$0x1D000] =	vst v63  }
0x40: {  	_ =	swait.ge [sflag:s21], $0x4000  }
0x41: {  	[sflag:s21] =	ssyncset.done $0x0  }
0x42: {  	s19 =	rddreg [dreg:$0x15];
	[sflag:s21] =	ssyncadd.s32 $0xFFFFC000  }
0x43: {  	[spmem:s19] =	stream.linear.scatter [tilespmem:s20], [sflag:$0x3], $0x4000, $0x38;
	[tilespmem:$0x1D000] =	vst v63  }
0x44: {  	_ =	swait.ge [sflag:s21], $0x4000  }
0x45: {  	[sflag:s21] =	ssyncset.done $0x0  }
0x46: {  	s17 =	rddreg [dreg:$0x16];
	[sflag:s21] =	ssyncadd.s32 $0xFFFFC000  }
0x47: {  	[spmem:s17] =	stream.linear.scatter [tilespmem:s20], [sflag:$0x3], $0x4000, $0x38;
	[tilespmem:$0x1D000] =	vst v63  }
0x48: {  	_ =	swait.ge [sflag:s21], $0x4000  }
0x49: {  	[sflag:s21] =	ssyncset.done $0x0  }
0x4a: {  	s18 =	rddreg [dreg:$0x17];
	[sflag:s21] =	ssyncadd.s32 $0xFFFFC000  }
0x4b: {  	[spmem:s18] =	stream.linear.scatter [tilespmem:s20], [sflag:$0x3], $0x4000, $0x38;
	[tilespmem:$0x1D000] =	vst v63  }
0x4c: {  	_ =	swait.ge [sflag:s21], $0x4000  }
0x4d: {  	[sflag:s21] =	ssyncset.done $0x0  }
0x4e: {  	[sflag:s21] =	ssyncadd.s32 $0xFFFFC000  }
0x4f: {  	[bflag:$0x0] =	sbarrier.arrive $0xFFFF  }
0x50: {  	s19 =	rddreg [dreg:$0x4]  }
0x51: {  	s5 =	sadd.s32 $0x0, s19  }
0x52: {  	[tilespmem:s3], [sflag:$0x3] =	stream.linear.gather [hbm4b:s5+s3], $0x800, $0x38;
	[tilespmem:$0x1D000] =	vst v63  }
0x53: {  	_ =	swait.ge [sflag:s21], $0x800  }
0x54: {  	s17 =	rddreg [dreg:$0x3];
	[sflag:s21] =	ssyncset.done $0x0  }
0x55: {  	[sflag:s21] =	ssyncadd.s32 $0xFFFFF800;
	s5 =	sadd.s32 $0x0, s17  }
0x56: {  	[tilespmem:s22], [sflag:$0x3] =	stream.linear.gather [hbm4b:s5+s3], $0x800, $0x38;
	[tilespmem:$0x1D000] =	vst v63  }
0x57: {  	_ =	swait.ge [sflag:s21], $0x800  }
0x58: {  	[sflag:s21] =	ssyncset.done $0x0  }
0x59: {  	[sflag:s21] =	ssyncadd.s32 $0xFFFFF800  }
0x5a: {  	[tilespmem:s20], [sflag:$0x1] =	stream.indirect.gather [hbm4b:s4+s23], $0x80, s3, s23, $0xb8;
	[tilespmem:$0x1D000] =	vst v63  }
0x5b: {  	_ =	swait.ge [sflag:s24], $0x3E80  }
0x5c: {  	[sflag:s24] =	ssyncset.done $0x0  }
0x5d: {  	s18 =	rddreg [dreg:$0x5];
	[sflag:s24] =	ssyncadd.s32 $0xFFFFC180  }
0x5e: {  	[tilespmem:s25], [sflag:$0x2] =	stream.indirect.gather [hbm4b:s4+s23], $0x80, s18, s23, $0xb8;
	[tilespmem:$0x1D000] =	vst v63  }
0x5f: {  	_ = 	snop  }
0x60: {  	[spmem:s2] =	stream.indirect.scatter.add.f32 [tilespmem:s20], [sflag:$0x3], $0x80, s22, s23, $0xb8;
	[tilespmem:$0x1D000] =	vst v63  }
0x61: {  	_ =	swait.ge [sflag:s21], $0x3E80  }
0x62: {  	[sflag:s21] =	ssyncset.done $0x0  }
0x63: {  	[sflag:s21] =	ssyncadd.s32 $0xFFFFC180  }
0x64: {  	_ =	swait.ge [sflag:s26], $0x3E80  }
0x65: {  	[sflag:s26] =	ssyncset.done $0x0  }
0x66: {  	s19 =	rddreg [dreg:$0x6];
	[sflag:s26] =	ssyncadd.s32 $0xFFFFC180  }
0x67: {  	[tilespmem:s20], [sflag:$0x1] =	stream.indirect.gather [hbm4b:s4+s23], $0x80, s19, s23, $0xb8;
	[tilespmem:$0x1D000] =	vst v63  }
0x68: {  	s17 =	rddreg [dreg:$0x7]  }
0x69: {  	[spmem:s2] =	stream.indirect.scatter.add.f32 [tilespmem:s25], [sflag:$0x3], $0x80, s17, s23, $0xb8;
	[tilespmem:$0x1D000] =	vst v63  }
0x6a: {  	_ =	swait.ge [sflag:s21], $0x3E80  }
0x6b: {  	[sflag:s21] =	ssyncset.done $0x0  }
0x6c: {  	[sflag:s21] =	ssyncadd.s32 $0xFFFFC180  }
0x6d: {  	_ =	swait.ge [sflag:s24], $0x3E80  }
0x6e: {  	[sflag:s24] =	ssyncset.done $0x0  }
0x6f: {  	s19 =	rddreg [dreg:$0x8];
	[sflag:s24] =	ssyncadd.s32 $0xFFFFC180  }
0x70: {  	[tilespmem:s25], [sflag:$0x2] =	stream.indirect.gather [hbm4b:s4+s23], $0x80, s19, s23, $0xb8;
	[tilespmem:$0x1D000] =	vst v63  }
0x71: {  	s17 =	rddreg [dreg:$0x9]  }
0x72: {  	[spmem:s2] =	stream.indirect.scatter.add.f32 [tilespmem:s20], [sflag:$0x3], $0x80, s17, s23, $0xb8;
	[tilespmem:$0x1D000] =	vst v63  }
0x73: {  	_ =	swait.ge [sflag:s21], $0x3E80  }
0x74: {  	[sflag:s21] =	ssyncset.done $0x0  }
0x75: {  	[sflag:s21] =	ssyncadd.s32 $0xFFFFC180  }
0x76: {  	_ =	swait.ge [sflag:s26], $0x3E80  }
0x77: {  	[sflag:s26] =	ssyncset.done $0x0  }
0x78: {  	s19 =	rddreg [dreg:$0xa];
	[sflag:s26] =	ssyncadd.s32 $0xFFFFC180  }
0x79: {  	[tilespmem:s20], [sflag:$0x1] =	stream.indirect.gather [hbm4b:s4+s23], $0x80, s19, s23, $0xb8;
	[tilespmem:$0x1D000] =	vst v63  }
0x7a: {  	s17 =	rddreg [dreg:$0xb]  }
0x7b: {  	[spmem:s2] =	stream.indirect.scatter.add.f32 [tilespmem:s25], [sflag:$0x3], $0x80, s17, s23, $0xb8;
	[tilespmem:$0x1D000] =	vst v63  }
0x7c: {  	_ =	swait.ge [sflag:s21], $0x3E80  }
0x7d: {  	[sflag:s21] =	ssyncset.done $0x0  }
0x7e: {  	[sflag:s21] =	ssyncadd.s32 $0xFFFFC180  }
0x7f: {  	_ =	swait.ge [sflag:s24], $0x3E80  }
0x80: {  	[sflag:s24] =	ssyncset.done $0x0  }
0x81: {  	s19 =	rddreg [dreg:$0xc];
	[sflag:s24] =	ssyncadd.s32 $0xFFFFC180  }
0x82: {  	[tilespmem:s25], [sflag:$0x2] =	stream.indirect.gather [hbm4b:s4+s23], $0x80, s19, s23, $0xb8;
	[tilespmem:$0x1D000] =	vst v63  }
0x83: {  	s17 =	rddreg [dreg:$0xd]  }
0x84: {  	[spmem:s2] =	stream.indirect.scatter.add.f32 [tilespmem:s20], [sflag:$0x3], $0x80, s17, s23, $0xb8;
	[tilespmem:$0x1D000] =	vst v63  }
0x85: {  	_ =	swait.ge [sflag:s21], $0x3E80  }
0x86: {  	[sflag:s21] =	ssyncset.done $0x0  }
0x87: {  	[sflag:s21] =	ssyncadd.s32 $0xFFFFC180  }
0x88: {  	_ =	swait.ge [sflag:s26], $0x3E80  }
0x89: {  	[sflag:s26] =	ssyncset.done $0x0  }
0x8a: {  	s19 =	rddreg [dreg:$0xe];
	[sflag:s26] =	ssyncadd.s32 $0xFFFFC180  }
0x8b: {  	[tilespmem:s20], [sflag:$0x1] =	stream.indirect.gather [hbm4b:s4+s23], $0x80, s19, s23, $0xb8;
	[tilespmem:$0x1D000] =	vst v63  }
0x8c: {  	s17 =	rddreg [dreg:$0xf]  }
0x8d: {  	[spmem:s2] =	stream.indirect.scatter.add.f32 [tilespmem:s25], [sflag:$0x3], $0x80, s17, s23, $0xb8;
	[tilespmem:$0x1D000] =	vst v63  }
0x8e: {  	_ =	swait.ge [sflag:s21], $0x3E80  }
0x8f: {  	[sflag:s21] =	ssyncset.done $0x0  }
0x90: {  	[sflag:s21] =	ssyncadd.s32 $0xFFFFC180  }
0x91: {  	_ =	swait.ge [sflag:s24], $0x3E80  }
0x92: {  	[sflag:s24] =	ssyncset.done $0x0  }
0x93: {  	s18 =	rddreg [dreg:$0x10];
	[sflag:s24] =	ssyncadd.s32 $0xFFFFC180  }
0x94: {  	[tilespmem:s25], [sflag:$0x2] =	stream.indirect.gather [hbm4b:s4+s23], $0x80, s18, s23, $0xb8;
	[tilespmem:$0x1D000] =	vst v63  }
0x95: {  	s19 =	rddreg [dreg:$0x11]  }
0x96: {  	[spmem:s2] =	stream.indirect.scatter.add.f32 [tilespmem:s20], [sflag:$0x3], $0x80, s19, s23, $0xb8;
	[tilespmem:$0x1D000] =	vst v63  }
0x97: {  	_ =	swait.ge [sflag:s21], $0x3E80  }
0x98: {  	[sflag:s21] =	ssyncset.done $0x0  }
0x99: {  	[sflag:s21] =	ssyncadd.s32 $0xFFFFC180  }
0x9a: {  	_ =	swait.ge [sflag:s26], $0x3E80  }
0x9b: {  	[sflag:s26] =	ssyncset.done $0x0  }
0x9c: {  	[sflag:s26] =	ssyncadd.s32 $0xFFFFC180  }
0x9d: {  	[tilespmem:s20], [sflag:$0x1] =	stream.indirect.gather [hbm4b:s4+s23], $0x80, s28, s23, $0xb8;
	[tilespmem:$0x1D000] =	vst v63  }
0x9e: {  	_ = 	snop  }
0x9f: {  	[spmem:s2] =	stream.indirect.scatter.add.f32 [tilespmem:s25], [sflag:$0x3], $0x80, s29, s23, $0xb8;
	[tilespmem:$0x1D000] =	vst v63  }
0xa0: {  	_ =	swait.ge [sflag:s21], $0x3E80  }
0xa1: {  	[sflag:s21] =	ssyncset.done $0x0  }
0xa2: {  	[sflag:s21] =	ssyncadd.s32 $0xFFFFC180  }
0xa3: {  	_ =	swait.ge [sflag:s24], $0x3E80  }
0xa4: {  	[sflag:s24] =	ssyncset.done $0x0  }
0xa5: {  	[sflag:s24] =	ssyncadd.s32 $0xFFFFC180  }
0xa6: {  	[tilespmem:s25], [sflag:$0x2] =	stream.indirect.gather [hbm4b:s4+s23], $0x80, s30, s23, $0xb8;
	[tilespmem:$0x1D000] =	vst v63  }
0xa7: {  	_ = 	snop  }
0xa8: {  	[spmem:s2] =	stream.indirect.scatter.add.f32 [tilespmem:s20], [sflag:$0x3], $0x80, s31, s23, $0xb8;
	[tilespmem:$0x1D000] =	vst v63  }
0xa9: {  	_ =	swait.ge [sflag:s21], $0x3E80  }
0xaa: {  	[sflag:s21] =	ssyncset.done $0x0  }
0xab: {  	[sflag:s21] =	ssyncadd.s32 $0xFFFFC180  }
0xac: {  	_ =	swait.ge [sflag:s26], $0x3E80  }
0xad: {  	[sflag:s26] =	ssyncset.done $0x0  }
0xae: {  	[sflag:s26] =	ssyncadd.s32 $0xFFFFC180  }
0xaf: {  	[tilespmem:s20], [sflag:$0x1] =	stream.indirect.gather [hbm4b:s4+s23], $0x80, s1, s23, $0xb8;
	[tilespmem:$0x1D000] =	vst v63  }
0xb0: {  	_ = 	snop  }
0xb1: {  	[spmem:s2] =	stream.indirect.scatter.add.f32 [tilespmem:s25], [sflag:$0x3], $0x80, s0, s23, $0xb8;
	[tilespmem:$0x1D000] =	vst v63  }
0xb2: {  	_ =	swait.ge [sflag:s21], $0x3E80  }
0xb3: {  	[sflag:s21] =	ssyncset.done $0x0  }
0xb4: {  	[sflag:s21] =	ssyncadd.s32 $0xFFFFC180  }
0xb5: {  	_ =	swait.ge [sflag:s24], $0x3E80  }
0xb6: {  	[sflag:s24] =	ssyncset.done $0x0  }
0xb7: {  	[sflag:s24] =	ssyncadd.s32 $0xFFFFC180  }
0xb8: {  	[tilespmem:s25], [sflag:$0x2] =	stream.indirect.gather [hbm4b:s4+s23], $0x80, s6, s23, $0xb8;
	[tilespmem:$0x1D000] =	vst v63  }
0xb9: {  	_ = 	snop  }
0xba: {  	[spmem:s2] =	stream.indirect.scatter.add.f32 [tilespmem:s20], [sflag:$0x3], $0x80, s7, s23, $0xb8;
	[tilespmem:$0x1D000] =	vst v63  }
0xbb: {  	_ =	swait.ge [sflag:s21], $0x3E80  }
0xbc: {  	[sflag:s21] =	ssyncset.done $0x0  }
0xbd: {  	[sflag:s21] =	ssyncadd.s32 $0xFFFFC180  }
0xbe: {  	_ =	swait.ge [sflag:s26], $0x3E80  }
0xbf: {  	[sflag:s26] =	ssyncset.done $0x0  }
0xc0: {  	[sflag:s26] =	ssyncadd.s32 $0xFFFFC180  }
0xc1: {  	[tilespmem:s20], [sflag:$0x1] =	stream.indirect.gather [hbm4b:s4+s23], $0x80, s8, s23, $0xb8;
	[tilespmem:$0x1D000] =	vst v63  }
0xc2: {  	_ = 	snop  }
0xc3: {  	[spmem:s2] =	stream.indirect.scatter.add.f32 [tilespmem:s25], [sflag:$0x3], $0x80, s9, s23, $0xb8;
	[tilespmem:$0x1D000] =	vst v63  }
0xc4: {  	_ =	swait.ge [sflag:s21], $0x3E80  }
0xc5: {  	[sflag:s21] =	ssyncset.done $0x0  }
0xc6: {  	[sflag:s21] =	ssyncadd.s32 $0xFFFFC180  }
0xc7: {  	_ =	swait.ge [sflag:s24], $0x3E80  }
0xc8: {  	[sflag:s24] =	ssyncset.done $0x0  }
0xc9: {  	[sflag:s24] =	ssyncadd.s32 $0xFFFFC180  }
0xca: {  	[tilespmem:s25], [sflag:$0x2] =	stream.indirect.gather [hbm4b:s4+s23], $0x80, s10, s23, $0xb8;
	[tilespmem:$0x1D000] =	vst v63  }
0xcb: {  	_ = 	snop  }
0xcc: {  	[spmem:s2] =	stream.indirect.scatter.add.f32 [tilespmem:s20], [sflag:$0x3], $0x80, s11, s23, $0xb8;
	[tilespmem:$0x1D000] =	vst v63  }
0xcd: {  	_ =	swait.ge [sflag:s21], $0x3E80  }
0xce: {  	[sflag:s21] =	ssyncset.done $0x0  }
0xcf: {  	[sflag:s21] =	ssyncadd.s32 $0xFFFFC180  }
0xd0: {  	_ =	swait.ge [sflag:s26], $0x3E80  }
0xd1: {  	[sflag:s26] =	ssyncset.done $0x0  }
0xd2: {  	[sflag:s26] =	ssyncadd.s32 $0xFFFFC180  }
0xd3: {  	[tilespmem:s20], [sflag:$0x1] =	stream.indirect.gather [hbm4b:s4+s23], $0x80, s12, s23, $0xb8;
	[tilespmem:$0x1D000] =	vst v63  }
0xd4: {  	_ = 	snop  }
0xd5: {  	[spmem:s2] =	stream.indirect.scatter.add.f32 [tilespmem:s25], [sflag:$0x3], $0x80, s13, s23, $0xb8;
	[tilespmem:$0x1D000] =	vst v63  }
0xd6: {  	_ =	swait.ge [sflag:s21], $0x3E80  }
0xd7: {  	[sflag:s21] =	ssyncset.done $0x0  }
0xd8: {  	[sflag:s21] =	ssyncadd.s32 $0xFFFFC180  }
0xd9: {  	_ =	swait.ge [sflag:s24], $0x3E80  }
0xda: {  	[sflag:s24] =	ssyncset.done $0x0  }
0xdb: {  	[sflag:s24] =	ssyncadd.s32 $0xFFFFC180  }
0xdc: {  	[tilespmem:s25], [sflag:$0x2] =	stream.indirect.gather [hbm4b:s4+s23], $0x80, s14, s23, $0xb8;
	[tilespmem:$0x1D000] =	vst v63  }
0xdd: {  	_ = 	snop  }
0xde: {  	[spmem:s2] =	stream.indirect.scatter.add.f32 [tilespmem:s20], [sflag:$0x3], $0x80, s15, s23, $0xb8;
	[tilespmem:$0x1D000] =	vst v63  }
0xdf: {  	_ =	swait.ge [sflag:s21], $0x3E80  }
0xe0: {  	[sflag:s21] =	ssyncset.done $0x0  }
0xe1: {  	[sflag:s21] =	ssyncadd.s32 $0xFFFFC180  }
0xe2: {  	_ =	swait.ge [sflag:s26], $0x3E80  }
0xe3: {  	[sflag:s26] =	ssyncset.done $0x0  }
0xe4: {  	[sflag:s26] =	ssyncadd.s32 $0xFFFFC180  }
0xe5: {  	[spmem:s2] =	stream.indirect.scatter.add.f32 [tilespmem:s25], [sflag:$0x3], $0x80, s16, s23, $0xb8;
	[tilespmem:$0x1D000] =	vst v63  }
0xe6: {  	s18 =	simm.s32 $0x100;
	_ =	swait.ge [sflag:s21], $0x3E80  }
0xe7: {  	s19 =	simm.s32 $0x200;
	s5 =	rddreg [dreg:$0x4];
	[sflag:s21] =	ssyncset.done $0x0  }
.LBB2_4:
0xe8: {  	[sflag:s21] =	ssyncadd.s32 $0xFFFFC180;
	s5 =	sadd.s32 s18, s5  }
0xe9: {  	[tilespmem:s3], [sflag:$0x3] =	stream.linear.gather [hbm4b:s5+s3], $0x800, $0x38;
	[tilespmem:$0x1D000] =	vst v63  }
0xea: {  	_ =	swait.ge [sflag:s21], $0x800  }
0xeb: {  	s5 =	rddreg [dreg:$0x3];
	[sflag:s21] =	ssyncset.done $0x0  }
0xec: {  	[sflag:s21] =	ssyncadd.s32 $0xFFFFF800;
	s5 =	sadd.s32 s18, s5  }
0xed: {  	[tilespmem:s22], [sflag:$0x3] =	stream.linear.gather [hbm4b:s5+s3], $0x800, $0x38;
	[tilespmem:$0x1D000] =	vst v63  }
0xee: {  	_ =	swait.ge [sflag:s21], $0x800  }
0xef: {  	[sflag:s21] =	ssyncset.done $0x0  }
0xf0: {  	[sflag:s21] =	ssyncadd.s32 $0xFFFFF800  }
0xf1: {  	[tilespmem:s20], [sflag:$0x1] =	stream.indirect.gather [hbm4b:s4+s23], $0x80, s3, s23, $0xb8;
	[tilespmem:$0x1D000] =	vst v63  }
0xf2: {  	_ =	swait.ge [sflag:s24], $0x3E80  }
0xf3: {  	s17 =	smov.u32 s19;
	[sflag:s24] =	ssyncset.done $0x0  }
0xf4: {  	s18 =	smov.u32 s17;
	s17 =	rddreg [dreg:$0x5];
	[sflag:s24] =	ssyncadd.s32 $0xFFFFC180  }
0xf5: {  	[tilespmem:s25], [sflag:$0x2] =	stream.indirect.gather [hbm4b:s4+s23], $0x80, s17, s23, $0xb8;
	[tilespmem:$0x1D000] =	vst v63  }
0xf6: {  	_ = 	snop  }
0xf7: {  	[spmem:s2] =	stream.indirect.scatter.add.f32 [tilespmem:s20], [sflag:$0x3], $0x80, s22, s23, $0xb8;
	[tilespmem:$0x1D000] =	vst v63  }
0xf8: {  	_ =	swait.ge [sflag:s21], $0x3E80  }
0xf9: {  	[sflag:s21] =	ssyncset.done $0x0  }
0xfa: {  	[sflag:s21] =	ssyncadd.s32 $0xFFFFC180  }
0xfb: {  	_ =	swait.ge [sflag:s26], $0x3E80  }
0xfc: {  	[sflag:s26] =	ssyncset.done $0x0  }
0xfd: {  	s5 =	rddreg [dreg:$0x6];
	[sflag:s26] =	ssyncadd.s32 $0xFFFFC180  }
0xfe: {  	[tilespmem:s20], [sflag:$0x1] =	stream.indirect.gather [hbm4b:s4+s23], $0x80, s5, s23, $0xb8;
	[tilespmem:$0x1D000] =	vst v63  }
0xff: {  	s17 =	rddreg [dreg:$0x7]  }
0x100: {  	[spmem:s2] =	stream.indirect.scatter.add.f32 [tilespmem:s25], [sflag:$0x3], $0x80, s17, s23, $0xb8;
	[tilespmem:$0x1D000] =	vst v63  }
0x101: {  	_ =	swait.ge [sflag:s21], $0x3E80  }
0x102: {  	[sflag:s21] =	ssyncset.done $0x0  }
0x103: {  	[sflag:s21] =	ssyncadd.s32 $0xFFFFC180  }
0x104: {  	_ =	swait.ge [sflag:s24], $0x3E80  }
0x105: {  	[sflag:s24] =	ssyncset.done $0x0  }
0x106: {  	s5 =	rddreg [dreg:$0x8];
	[sflag:s24] =	ssyncadd.s32 $0xFFFFC180  }
0x107: {  	[tilespmem:s25], [sflag:$0x2] =	stream.indirect.gather [hbm4b:s4+s23], $0x80, s5, s23, $0xb8;
	[tilespmem:$0x1D000] =	vst v63  }
0x108: {  	s17 =	rddreg [dreg:$0x9]  }
0x109: {  	[spmem:s2] =	stream.indirect.scatter.add.f32 [tilespmem:s20], [sflag:$0x3], $0x80, s17, s23, $0xb8;
	[tilespmem:$0x1D000] =	vst v63  }
0x10a: {  	_ =	swait.ge [sflag:s21], $0x3E80  }
0x10b: {  	[sflag:s21] =	ssyncset.done $0x0  }
0x10c: {  	[sflag:s21] =	ssyncadd.s32 $0xFFFFC180  }
0x10d: {  	_ =	swait.ge [sflag:s26], $0x3E80  }
0x10e: {  	[sflag:s26] =	ssyncset.done $0x0  }
0x10f: {  	s5 =	rddreg [dreg:$0xa];
	[sflag:s26] =	ssyncadd.s32 $0xFFFFC180  }
0x110: {  	[tilespmem:s20], [sflag:$0x1] =	stream.indirect.gather [hbm4b:s4+s23], $0x80, s5, s23, $0xb8;
	[tilespmem:$0x1D000] =	vst v63  }
0x111: {  	s17 =	rddreg [dreg:$0xb]  }
0x112: {  	[spmem:s2] =	stream.indirect.scatter.add.f32 [tilespmem:s25], [sflag:$0x3], $0x80, s17, s23, $0xb8;
	[tilespmem:$0x1D000] =	vst v63  }
0x113: {  	_ =	swait.ge [sflag:s21], $0x3E80  }
0x114: {  	[sflag:s21] =	ssyncset.done $0x0  }
0x115: {  	[sflag:s21] =	ssyncadd.s32 $0xFFFFC180  }
0x116: {  	_ =	swait.ge [sflag:s24], $0x3E80  }
0x117: {  	[sflag:s24] =	ssyncset.done $0x0  }
0x118: {  	s5 =	rddreg [dreg:$0xc];
	[sflag:s24] =	ssyncadd.s32 $0xFFFFC180  }
0x119: {  	[tilespmem:s25], [sflag:$0x2] =	stream.indirect.gather [hbm4b:s4+s23], $0x80, s5, s23, $0xb8;
	[tilespmem:$0x1D000] =	vst v63  }
0x11a: {  	s17 =	rddreg [dreg:$0xd]  }
0x11b: {  	[spmem:s2] =	stream.indirect.scatter.add.f32 [tilespmem:s20], [sflag:$0x3], $0x80, s17, s23, $0xb8;
	[tilespmem:$0x1D000] =	vst v63  }
0x11c: {  	_ =	swait.ge [sflag:s21], $0x3E80  }
0x11d: {  	[sflag:s21] =	ssyncset.done $0x0  }
0x11e: {  	[sflag:s21] =	ssyncadd.s32 $0xFFFFC180  }
0x11f: {  	_ =	swait.ge [sflag:s26], $0x3E80  }
0x120: {  	[sflag:s26] =	ssyncset.done $0x0  }
0x121: {  	s5 =	rddreg [dreg:$0xe];
	[sflag:s26] =	ssyncadd.s32 $0xFFFFC180  }
0x122: {  	[tilespmem:s20], [sflag:$0x1] =	stream.indirect.gather [hbm4b:s4+s23], $0x80, s5, s23, $0xb8;
	[tilespmem:$0x1D000] =	vst v63  }
0x123: {  	s17 =	rddreg [dreg:$0xf]  }
0x124: {  	[spmem:s2] =	stream.indirect.scatter.add.f32 [tilespmem:s25], [sflag:$0x3], $0x80, s17, s23, $0xb8;
	[tilespmem:$0x1D000] =	vst v63  }
0x125: {  	_ =	swait.ge [sflag:s21], $0x3E80  }
0x126: {  	[sflag:s21] =	ssyncset.done $0x0  }
0x127: {  	[sflag:s21] =	ssyncadd.s32 $0xFFFFC180  }
0x128: {  	_ =	swait.ge [sflag:s24], $0x3E80  }
0x129: {  	[sflag:s24] =	ssyncset.done $0x0  }
0x12a: {  	s5 =	rddreg [dreg:$0x10];
	[sflag:s24] =	ssyncadd.s32 $0xFFFFC180  }
0x12b: {  	[tilespmem:s25], [sflag:$0x2] =	stream.indirect.gather [hbm4b:s4+s23], $0x80, s5, s23, $0xb8;
	[tilespmem:$0x1D000] =	vst v63  }
0x12c: {  	s17 =	rddreg [dreg:$0x11]  }
0x12d: {  	[spmem:s2] =	stream.indirect.scatter.add.f32 [tilespmem:s20], [sflag:$0x3], $0x80, s17, s23, $0xb8;
	[tilespmem:$0x1D000] =	vst v63  }
0x12e: {  	_ =	swait.ge [sflag:s21], $0x3E80  }
0x12f: {  	[sflag:s21] =	ssyncset.done $0x0  }
0x130: {  	[sflag:s21] =	ssyncadd.s32 $0xFFFFC180  }
0x131: {  	_ =	swait.ge [sflag:s26], $0x3E80  }
0x132: {  	[sflag:s26] =	ssyncset.done $0x0  }
0x133: {  	[sflag:s26] =	ssyncadd.s32 $0xFFFFC180  }
0x134: {  	[tilespmem:s20], [sflag:$0x1] =	stream.indirect.gather [hbm4b:s4+s23], $0x80, s28, s23, $0xb8;
	[tilespmem:$0x1D000] =	vst v63  }
0x135: {  	_ = 	snop  }
0x136: {  	[spmem:s2] =	stream.indirect.scatter.add.f32 [tilespmem:s25], [sflag:$0x3], $0x80, s29, s23, $0xb8;
	[tilespmem:$0x1D000] =	vst v63  }
0x137: {  	_ =	swait.ge [sflag:s21], $0x3E80  }
0x138: {  	[sflag:s21] =	ssyncset.done $0x0  }
0x139: {  	[sflag:s21] =	ssyncadd.s32 $0xFFFFC180  }
0x13a: {  	_ =	swait.ge [sflag:s24], $0x3E80  }
0x13b: {  	[sflag:s24] =	ssyncset.done $0x0  }
0x13c: {  	[sflag:s24] =	ssyncadd.s32 $0xFFFFC180  }
0x13d: {  	[tilespmem:s25], [sflag:$0x2] =	stream.indirect.gather [hbm4b:s4+s23], $0x80, s30, s23, $0xb8;
	[tilespmem:$0x1D000] =	vst v63  }
0x13e: {  	_ = 	snop  }
0x13f: {  	[spmem:s2] =	stream.indirect.scatter.add.f32 [tilespmem:s20], [sflag:$0x3], $0x80, s31, s23, $0xb8;
	[tilespmem:$0x1D000] =	vst v63  }
0x140: {  	_ =	swait.ge [sflag:s21], $0x3E80  }
0x141: {  	[sflag:s21] =	ssyncset.done $0x0  }
0x142: {  	[sflag:s21] =	ssyncadd.s32 $0xFFFFC180  }
0x143: {  	_ =	swait.ge [sflag:s26], $0x3E80  }
0x144: {  	[sflag:s26] =	ssyncset.done $0x0  }
0x145: {  	[sflag:s26] =	ssyncadd.s32 $0xFFFFC180  }
0x146: {  	[tilespmem:s20], [sflag:$0x1] =	stream.indirect.gather [hbm4b:s4+s23], $0x80, s1, s23, $0xb8;
	[tilespmem:$0x1D000] =	vst v63  }
0x147: {  	_ = 	snop  }
0x148: {  	[spmem:s2] =	stream.indirect.scatter.add.f32 [tilespmem:s25], [sflag:$0x3], $0x80, s0, s23, $0xb8;
	[tilespmem:$0x1D000] =	vst v63  }
0x149: {  	_ =	swait.ge [sflag:s21], $0x3E80  }
0x14a: {  	[sflag:s21] =	ssyncset.done $0x0  }
0x14b: {  	[sflag:s21] =	ssyncadd.s32 $0xFFFFC180  }
0x14c: {  	_ =	swait.ge [sflag:s24], $0x3E80  }
0x14d: {  	[sflag:s24] =	ssyncset.done $0x0  }
0x14e: {  	[sflag:s24] =	ssyncadd.s32 $0xFFFFC180  }
0x14f: {  	[tilespmem:s25], [sflag:$0x2] =	stream.indirect.gather [hbm4b:s4+s23], $0x80, s6, s23, $0xb8;
	[tilespmem:$0x1D000] =	vst v63  }
0x150: {  	_ = 	snop  }
0x151: {  	[spmem:s2] =	stream.indirect.scatter.add.f32 [tilespmem:s20], [sflag:$0x3], $0x80, s7, s23, $0xb8;
	[tilespmem:$0x1D000] =	vst v63  }
0x152: {  	_ =	swait.ge [sflag:s21], $0x3E80  }
0x153: {  	[sflag:s21] =	ssyncset.done $0x0  }
0x154: {  	[sflag:s21] =	ssyncadd.s32 $0xFFFFC180  }
0x155: {  	_ =	swait.ge [sflag:s26], $0x3E80  }
0x156: {  	[sflag:s26] =	ssyncset.done $0x0  }
0x157: {  	[sflag:s26] =	ssyncadd.s32 $0xFFFFC180  }
0x158: {  	[tilespmem:s20], [sflag:$0x1] =	stream.indirect.gather [hbm4b:s4+s23], $0x80, s8, s23, $0xb8;
	[tilespmem:$0x1D000] =	vst v63  }
0x159: {  	_ = 	snop  }
0x15a: {  	[spmem:s2] =	stream.indirect.scatter.add.f32 [tilespmem:s25], [sflag:$0x3], $0x80, s9, s23, $0xb8;
	[tilespmem:$0x1D000] =	vst v63  }
0x15b: {  	_ =	swait.ge [sflag:s21], $0x3E80  }
0x15c: {  	[sflag:s21] =	ssyncset.done $0x0  }
0x15d: {  	[sflag:s21] =	ssyncadd.s32 $0xFFFFC180  }
0x15e: {  	_ =	swait.ge [sflag:s24], $0x3E80  }
0x15f: {  	[sflag:s24] =	ssyncset.done $0x0  }
0x160: {  	[sflag:s24] =	ssyncadd.s32 $0xFFFFC180  }
0x161: {  	[tilespmem:s25], [sflag:$0x2] =	stream.indirect.gather [hbm4b:s4+s23], $0x80, s10, s23, $0xb8;
	[tilespmem:$0x1D000] =	vst v63  }
0x162: {  	_ = 	snop  }
0x163: {  	[spmem:s2] =	stream.indirect.scatter.add.f32 [tilespmem:s20], [sflag:$0x3], $0x80, s11, s23, $0xb8;
	[tilespmem:$0x1D000] =	vst v63  }
0x164: {  	_ =	swait.ge [sflag:s21], $0x3E80  }
0x165: {  	[sflag:s21] =	ssyncset.done $0x0  }
0x166: {  	[sflag:s21] =	ssyncadd.s32 $0xFFFFC180  }
0x167: {  	_ =	swait.ge [sflag:s26], $0x3E80  }
0x168: {  	[sflag:s26] =	ssyncset.done $0x0  }
0x169: {  	[sflag:s26] =	ssyncadd.s32 $0xFFFFC180  }
0x16a: {  	[tilespmem:s20], [sflag:$0x1] =	stream.indirect.gather [hbm4b:s4+s23], $0x80, s12, s23, $0xb8;
	[tilespmem:$0x1D000] =	vst v63  }
0x16b: {  	_ = 	snop  }
0x16c: {  	[spmem:s2] =	stream.indirect.scatter.add.f32 [tilespmem:s25], [sflag:$0x3], $0x80, s13, s23, $0xb8;
	[tilespmem:$0x1D000] =	vst v63  }
0x16d: {  	_ =	swait.ge [sflag:s21], $0x3E80  }
0x16e: {  	[sflag:s21] =	ssyncset.done $0x0  }
0x16f: {  	[sflag:s21] =	ssyncadd.s32 $0xFFFFC180  }
0x170: {  	_ =	swait.ge [sflag:s24], $0x3E80  }
0x171: {  	[sflag:s24] =	ssyncset.done $0x0  }
0x172: {  	[sflag:s24] =	ssyncadd.s32 $0xFFFFC180  }
0x173: {  	[tilespmem:s25], [sflag:$0x2] =	stream.indirect.gather [hbm4b:s4+s23], $0x80, s14, s23, $0xb8;
	[tilespmem:$0x1D000] =	vst v63  }
0x174: {  	_ = 	snop  }
0x175: {  	[spmem:s2] =	stream.indirect.scatter.add.f32 [tilespmem:s20], [sflag:$0x3], $0x80, s15, s23, $0xb8;
	[tilespmem:$0x1D000] =	vst v63  }
0x176: {  	_ =	swait.ge [sflag:s21], $0x3E80  }
0x177: {  	[sflag:s21] =	ssyncset.done $0x0  }
0x178: {  	[sflag:s21] =	ssyncadd.s32 $0xFFFFC180  }
0x179: {  	p0 =	sne.s32 s19, $0x400;
	_ =	swait.ge [sflag:s26], $0x3E80  }
.Ltmp1:
0x17a: {  	[sflag:s26] =	ssyncset.done $0x0;
	(pc) =	sbr.rel @p0 .LBB2_4-.Ltmp1, $4  }
0x17b: {  	[sflag:s26] =	ssyncadd.s32 $0xFFFFC180  }
0x17c: {  	[spmem:s2] =	stream.indirect.scatter.add.f32 [tilespmem:s25], [sflag:$0x3], $0x80, s16, s23, $0xb8;
	[tilespmem:$0x1D000] =	vst v63  }
0x17d: {  	_ =	swait.ge [sflag:s21], $0x3E80  }
0x17e: {  	s19 =	sadd.s32 $0x100, s19;
	s5 =	rddreg [dreg:$0x4];
	[sflag:s21] =	ssyncset.done $0x0  }
0x17f: {  	[sflag:s21] =	ssyncadd.s32 $0xFFFFC180;
	s5 =	sadd.s32 s18, s5  }
0x180: {  	[tilespmem:s3], [sflag:$0x3] =	stream.linear.gather [hbm4b:s5+s3], $0x800, $0x38;
	[tilespmem:$0x1D000] =	vst v63  }
0x181: {  	_ =	swait.ge [sflag:s21], $0x800  }
0x182: {  	s17 =	rddreg [dreg:$0x3];
	[sflag:s21] =	ssyncset.done $0x0  }
0x183: {  	[sflag:s21] =	ssyncadd.s32 $0xFFFFF800;
	s5 =	sadd.s32 s18, s17  }
0x184: {  	[tilespmem:s22], [sflag:$0x3] =	stream.linear.gather [hbm4b:s5+s3], $0x800, $0x38;
	[tilespmem:$0x1D000] =	vst v63  }
0x185: {  	_ =	swait.ge [sflag:s21], $0x800  }
0x186: {  	[sflag:s21] =	ssyncset.done $0x0  }
0x187: {  	[sflag:s21] =	ssyncadd.s32 $0xFFFFF800  }
0x188: {  	[tilespmem:s20], [sflag:$0x1] =	stream.indirect.gather [hbm4b:s4+s23], $0x80, s3, s23, $0xb8;
	[tilespmem:$0x1D000] =	vst v63  }
0x189: {  	_ =	swait.ge [sflag:s24], $0x3E80  }
0x18a: {  	[sflag:s24] =	ssyncset.done $0x0  }
0x18b: {  	s18 =	rddreg [dreg:$0x5];
	[sflag:s24] =	ssyncadd.s32 $0xFFFFC180  }
0x18c: {  	[tilespmem:s25], [sflag:$0x2] =	stream.indirect.gather [hbm4b:s4+s23], $0x80, s18, s23, $0xb8;
	[tilespmem:$0x1D000] =	vst v63  }
0x18d: {  	_ = 	snop  }
0x18e: {  	[spmem:s2] =	stream.indirect.scatter.add.f32 [tilespmem:s20], [sflag:$0x3], $0x80, s22, s23, $0xb8;
	[tilespmem:$0x1D000] =	vst v63  }
0x18f: {  	_ =	swait.ge [sflag:s21], $0x3E80  }
0x190: {  	[sflag:s21] =	ssyncset.done $0x0  }
0x191: {  	[sflag:s21] =	ssyncadd.s32 $0xFFFFC180  }
0x192: {  	_ =	swait.ge [sflag:s26], $0x3E80  }
0x193: {  	[sflag:s26] =	ssyncset.done $0x0  }
0x194: {  	s19 =	rddreg [dreg:$0x6];
	[sflag:s26] =	ssyncadd.s32 $0xFFFFC180  }
0x195: {  	[tilespmem:s20], [sflag:$0x1] =	stream.indirect.gather [hbm4b:s4+s23], $0x80, s19, s23, $0xb8;
	[tilespmem:$0x1D000] =	vst v63  }
0x196: {  	s17 =	rddreg [dreg:$0x7]  }
0x197: {  	[spmem:s2] =	stream.indirect.scatter.add.f32 [tilespmem:s25], [sflag:$0x3], $0x80, s17, s23, $0xb8;
	[tilespmem:$0x1D000] =	vst v63  }
0x198: {  	_ =	swait.ge [sflag:s21], $0x3E80  }
0x199: {  	[sflag:s21] =	ssyncset.done $0x0  }
0x19a: {  	[sflag:s21] =	ssyncadd.s32 $0xFFFFC180  }
0x19b: {  	_ =	swait.ge [sflag:s24], $0x3E80  }
0x19c: {  	[sflag:s24] =	ssyncset.done $0x0  }
0x19d: {  	s18 =	rddreg [dreg:$0x8];
	[sflag:s24] =	ssyncadd.s32 $0xFFFFC180  }
0x19e: {  	[tilespmem:s25], [sflag:$0x2] =	stream.indirect.gather [hbm4b:s4+s23], $0x80, s18, s23, $0xb8;
	[tilespmem:$0x1D000] =	vst v63  }
0x19f: {  	s19 =	rddreg [dreg:$0x9]  }
0x1a0: {  	[spmem:s2] =	stream.indirect.scatter.add.f32 [tilespmem:s20], [sflag:$0x3], $0x80, s19, s23, $0xb8;
	[tilespmem:$0x1D000] =	vst v63  }
0x1a1: {  	_ =	swait.ge [sflag:s21], $0x3E80  }
0x1a2: {  	[sflag:s21] =	ssyncset.done $0x0  }
0x1a3: {  	[sflag:s21] =	ssyncadd.s32 $0xFFFFC180  }
0x1a4: {  	_ =	swait.ge [sflag:s26], $0x3E80  }
0x1a5: {  	[sflag:s26] =	ssyncset.done $0x0  }
0x1a6: {  	s18 =	rddreg [dreg:$0xa];
	[sflag:s26] =	ssyncadd.s32 $0xFFFFC180  }
0x1a7: {  	[tilespmem:s20], [sflag:$0x1] =	stream.indirect.gather [hbm4b:s4+s23], $0x80, s18, s23, $0xb8;
	[tilespmem:$0x1D000] =	vst v63  }
0x1a8: {  	s19 =	rddreg [dreg:$0xb]  }
0x1a9: {  	[spmem:s2] =	stream.indirect.scatter.add.f32 [tilespmem:s25], [sflag:$0x3], $0x80, s19, s23, $0xb8;
	[tilespmem:$0x1D000] =	vst v63  }
0x1aa: {  	_ =	swait.ge [sflag:s21], $0x3E80  }
0x1ab: {  	[sflag:s21] =	ssyncset.done $0x0  }
0x1ac: {  	[sflag:s21] =	ssyncadd.s32 $0xFFFFC180  }
0x1ad: {  	_ =	swait.ge [sflag:s24], $0x3E80  }
0x1ae: {  	[sflag:s24] =	ssyncset.done $0x0  }
0x1af: {  	s18 =	rddreg [dreg:$0xc];
	[sflag:s24] =	ssyncadd.s32 $0xFFFFC180  }
0x1b0: {  	[tilespmem:s25], [sflag:$0x2] =	stream.indirect.gather [hbm4b:s4+s23], $0x80, s18, s23, $0xb8;
	[tilespmem:$0x1D000] =	vst v63  }
0x1b1: {  	s19 =	rddreg [dreg:$0xd]  }
0x1b2: {  	[spmem:s2] =	stream.indirect.scatter.add.f32 [tilespmem:s20], [sflag:$0x3], $0x80, s19, s23, $0xb8;
	[tilespmem:$0x1D000] =	vst v63  }
0x1b3: {  	_ =	swait.ge [sflag:s21], $0x3E80  }
0x1b4: {  	[sflag:s21] =	ssyncset.done $0x0  }
0x1b5: {  	[sflag:s21] =	ssyncadd.s32 $0xFFFFC180  }
0x1b6: {  	_ =	swait.ge [sflag:s26], $0x3E80  }
0x1b7: {  	[sflag:s26] =	ssyncset.done $0x0  }
0x1b8: {  	s18 =	rddreg [dreg:$0xe];
	[sflag:s26] =	ssyncadd.s32 $0xFFFFC180  }
0x1b9: {  	[tilespmem:s20], [sflag:$0x1] =	stream.indirect.gather [hbm4b:s4+s23], $0x80, s18, s23, $0xb8;
	[tilespmem:$0x1D000] =	vst v63  }
0x1ba: {  	s19 =	rddreg [dreg:$0xf]  }
0x1bb: {  	[spmem:s2] =	stream.indirect.scatter.add.f32 [tilespmem:s25], [sflag:$0x3], $0x80, s19, s23, $0xb8;
	[tilespmem:$0x1D000] =	vst v63  }
0x1bc: {  	_ =	swait.ge [sflag:s21], $0x3E80  }
0x1bd: {  	[sflag:s21] =	ssyncset.done $0x0  }
0x1be: {  	[sflag:s21] =	ssyncadd.s32 $0xFFFFC180  }
0x1bf: {  	_ =	swait.ge [sflag:s24], $0x3E80  }
0x1c0: {  	[sflag:s24] =	ssyncset.done $0x0  }
0x1c1: {  	s17 =	rddreg [dreg:$0x10];
	[sflag:s24] =	ssyncadd.s32 $0xFFFFC180  }
0x1c2: {  	[tilespmem:s25], [sflag:$0x2] =	stream.indirect.gather [hbm4b:s4+s23], $0x80, s17, s23, $0xb8;
	[tilespmem:$0x1D000] =	vst v63  }
0x1c3: {  	s18 =	rddreg [dreg:$0x11]  }
0x1c4: {  	[spmem:s2] =	stream.indirect.scatter.add.f32 [tilespmem:s20], [sflag:$0x3], $0x80, s18, s23, $0xb8;
	[tilespmem:$0x1D000] =	vst v63  }
0x1c5: {  	_ =	swait.ge [sflag:s21], $0x3E80  }
0x1c6: {  	[sflag:s21] =	ssyncset.done $0x0  }
0x1c7: {  	[sflag:s21] =	ssyncadd.s32 $0xFFFFC180  }
0x1c8: {  	_ =	swait.ge [sflag:s26], $0x3E80  }
0x1c9: {  	[sflag:s26] =	ssyncset.done $0x0  }
0x1ca: {  	[sflag:s26] =	ssyncadd.s32 $0xFFFFC180  }
0x1cb: {  	[tilespmem:s20], [sflag:$0x1] =	stream.indirect.gather [hbm4b:s4+s23], $0x80, s28, s23, $0xb8;
	[tilespmem:$0x1D000] =	vst v63  }
0x1cc: {  	_ = 	snop  }
0x1cd: {  	[spmem:s2] =	stream.indirect.scatter.add.f32 [tilespmem:s25], [sflag:$0x3], $0x80, s29, s23, $0xb8;
	[tilespmem:$0x1D000] =	vst v63  }
0x1ce: {  	_ =	swait.ge [sflag:s21], $0x3E80  }
0x1cf: {  	[sflag:s21] =	ssyncset.done $0x0  }
0x1d0: {  	[sflag:s21] =	ssyncadd.s32 $0xFFFFC180  }
0x1d1: {  	_ =	swait.ge [sflag:s24], $0x3E80  }
0x1d2: {  	[sflag:s24] =	ssyncset.done $0x0  }
0x1d3: {  	[sflag:s24] =	ssyncadd.s32 $0xFFFFC180  }
0x1d4: {  	[tilespmem:s25], [sflag:$0x2] =	stream.indirect.gather [hbm4b:s4+s23], $0x80, s30, s23, $0xb8;
	[tilespmem:$0x1D000] =	vst v63  }
0x1d5: {  	_ = 	snop  }
0x1d6: {  	[spmem:s2] =	stream.indirect.scatter.add.f32 [tilespmem:s20], [sflag:$0x3], $0x80, s31, s23, $0xb8;
	[tilespmem:$0x1D000] =	vst v63  }
0x1d7: {  	_ =	swait.ge [sflag:s21], $0x3E80  }
0x1d8: {  	[sflag:s21] =	ssyncset.done $0x0  }
0x1d9: {  	[sflag:s21] =	ssyncadd.s32 $0xFFFFC180  }
0x1da: {  	_ =	swait.ge [sflag:s26], $0x3E80  }
0x1db: {  	[sflag:s26] =	ssyncset.done $0x0  }
0x1dc: {  	[sflag:s26] =	ssyncadd.s32 $0xFFFFC180  }
0x1dd: {  	[tilespmem:s20], [sflag:$0x1] =	stream.indirect.gather [hbm4b:s4+s23], $0x80, s1, s23, $0xb8;
	[tilespmem:$0x1D000] =	vst v63  }
0x1de: {  	_ = 	snop  }
0x1df: {  	[spmem:s2] =	stream.indirect.scatter.add.f32 [tilespmem:s25], [sflag:$0x3], $0x80, s0, s23, $0xb8;
	[tilespmem:$0x1D000] =	vst v63  }
0x1e0: {  	_ =	swait.ge [sflag:s21], $0x3E80  }
0x1e1: {  	[sflag:s21] =	ssyncset.done $0x0  }
0x1e2: {  	[sflag:s21] =	ssyncadd.s32 $0xFFFFC180  }
0x1e3: {  	_ =	swait.ge [sflag:s24], $0x3E80  }
0x1e4: {  	[sflag:s24] =	ssyncset.done $0x0  }
0x1e5: {  	[sflag:s24] =	ssyncadd.s32 $0xFFFFC180  }
0x1e6: {  	[tilespmem:s25], [sflag:$0x2] =	stream.indirect.gather [hbm4b:s4+s23], $0x80, s6, s23, $0xb8;
	[tilespmem:$0x1D000] =	vst v63  }
0x1e7: {  	_ = 	snop  }
0x1e8: {  	[spmem:s2] =	stream.indirect.scatter.add.f32 [tilespmem:s20], [sflag:$0x3], $0x80, s7, s23, $0xb8;
	[tilespmem:$0x1D000] =	vst v63  }
0x1e9: {  	_ =	swait.ge [sflag:s21], $0x3E80  }
0x1ea: {  	[sflag:s21] =	ssyncset.done $0x0  }
0x1eb: {  	[sflag:s21] =	ssyncadd.s32 $0xFFFFC180  }
0x1ec: {  	_ =	swait.ge [sflag:s26], $0x3E80  }
0x1ed: {  	[sflag:s26] =	ssyncset.done $0x0  }
0x1ee: {  	[sflag:s26] =	ssyncadd.s32 $0xFFFFC180  }
0x1ef: {  	[tilespmem:s20], [sflag:$0x1] =	stream.indirect.gather [hbm4b:s4+s23], $0x80, s8, s23, $0xb8;
	[tilespmem:$0x1D000] =	vst v63  }
0x1f0: {  	_ = 	snop  }
0x1f1: {  	[spmem:s2] =	stream.indirect.scatter.add.f32 [tilespmem:s25], [sflag:$0x3], $0x80, s9, s23, $0xb8;
	[tilespmem:$0x1D000] =	vst v63  }
0x1f2: {  	_ =	swait.ge [sflag:s21], $0x3E80  }
0x1f3: {  	[sflag:s21] =	ssyncset.done $0x0  }
0x1f4: {  	[sflag:s21] =	ssyncadd.s32 $0xFFFFC180  }
0x1f5: {  	_ =	swait.ge [sflag:s24], $0x3E80  }
0x1f6: {  	[sflag:s24] =	ssyncset.done $0x0  }
0x1f7: {  	[sflag:s24] =	ssyncadd.s32 $0xFFFFC180  }
0x1f8: {  	[tilespmem:s25], [sflag:$0x2] =	stream.indirect.gather [hbm4b:s4+s23], $0x80, s10, s23, $0xb8;
	[tilespmem:$0x1D000] =	vst v63  }
0x1f9: {  	_ = 	snop  }
0x1fa: {  	[spmem:s2] =	stream.indirect.scatter.add.f32 [tilespmem:s20], [sflag:$0x3], $0x80, s11, s23, $0xb8;
	[tilespmem:$0x1D000] =	vst v63  }
0x1fb: {  	_ =	swait.ge [sflag:s21], $0x3E80  }
0x1fc: {  	[sflag:s21] =	ssyncset.done $0x0  }
0x1fd: {  	[sflag:s21] =	ssyncadd.s32 $0xFFFFC180  }
0x1fe: {  	_ =	swait.ge [sflag:s26], $0x3E80  }
0x1ff: {  	[sflag:s26] =	ssyncset.done $0x0  }
0x200: {  	[sflag:s26] =	ssyncadd.s32 $0xFFFFC180  }
0x201: {  	[tilespmem:s20], [sflag:$0x1] =	stream.indirect.gather [hbm4b:s4+s23], $0x80, s12, s23, $0xb8;
	[tilespmem:$0x1D000] =	vst v63  }
0x202: {  	_ = 	snop  }
0x203: {  	[spmem:s2] =	stream.indirect.scatter.add.f32 [tilespmem:s25], [sflag:$0x3], $0x80, s13, s23, $0xb8;
	[tilespmem:$0x1D000] =	vst v63  }
0x204: {  	_ =	swait.ge [sflag:s21], $0x3E80  }
0x205: {  	[sflag:s21] =	ssyncset.done $0x0  }
0x206: {  	[sflag:s21] =	ssyncadd.s32 $0xFFFFC180  }
0x207: {  	_ =	swait.ge [sflag:s24], $0x3E80  }
0x208: {  	[sflag:s24] =	ssyncset.done $0x0  }
0x209: {  	[sflag:s24] =	ssyncadd.s32 $0xFFFFC180  }
0x20a: {  	[tilespmem:s25], [sflag:$0x2] =	stream.indirect.gather [hbm4b:s4+s23], $0x80, s14, s23, $0xb8;
	[tilespmem:$0x1D000] =	vst v63  }
0x20b: {  	_ = 	snop  }
0x20c: {  	[spmem:s2] =	stream.indirect.scatter.add.f32 [tilespmem:s20], [sflag:$0x3], $0x80, s15, s23, $0xb8;
	[tilespmem:$0x1D000] =	vst v63  }
0x20d: {  	_ =	swait.ge [sflag:s21], $0x3E80  }
0x20e: {  	[sflag:s21] =	ssyncset.done $0x0  }
0x20f: {  	[sflag:s21] =	ssyncadd.s32 $0xFFFFC180  }
0x210: {  	_ =	swait.ge [sflag:s26], $0x3E80  }
0x211: {  	[sflag:s26] =	ssyncset.done $0x0  }
0x212: {  	[sflag:s26] =	ssyncadd.s32 $0xFFFFC180  }
0x213: {  	[spmem:s2] =	stream.indirect.scatter.add.f32 [tilespmem:s25], [sflag:$0x3], $0x80, s16, s23, $0xb8;
	[tilespmem:$0x1D000] =	vst v63  }
0x214: {  	_ =	swait.ge [sflag:s21], $0x3E80  }
0x215: {  	[sflag:s21] =	ssyncset.done $0x0  }
0x216: {  	[sflag:s21] =	ssyncadd.s32 $0xFFFFC180  }
0x217: {  	[bflag:$0x0] =	sbarrier.arrive $0xFFFF  }
0x218: {  	s17 =	rddreg [dreg:$0x12]  }
0x219: {  	[tilespmem:s20], [sflag:$0x3] =	stream.linear.gather [spmem:s17], $0x4000, $0x38;
	[tilespmem:$0x1D000] =	vst v63  }
0x21a: {  	_ =	swait.ge [sflag:s21], $0x4000  }
0x21b: {  	[sflag:s21] =	ssyncset.done $0x0  }
0x21c: {  	s19 =	rddreg [dreg:$0x18];
	[sflag:s21] =	ssyncadd.s32 $0xFFFFC000  }
0x21d: {  	[hbm4b:s19+s3] =	stream.linear.scatter [tilespmem:s20], [sflag:$0x3], $0x4000, $0x38;
	[tilespmem:$0x1D000] =	vst v63  }
0x21e: {  	_ =	swait.ge [sflag:s21], $0x4000  }
0x21f: {  	[sflag:s21] =	ssyncset.done $0x0  }
0x220: {  	s18 =	rddreg [dreg:$0x19];
	[sflag:s21] =	ssyncadd.s32 $0xFFFFC000  }
0x221: {  	[tilespmem:s20], [sflag:$0x3] =	stream.linear.gather [spmem:s18], $0x4000, $0x38;
	[tilespmem:$0x1D000] =	vst v63  }
0x222: {  	_ =	swait.ge [sflag:s21], $0x4000  }
0x223: {  	[sflag:s21] =	ssyncset.done $0x0  }
0x224: {  	s19 =	rddreg [dreg:$0x1a];
	[sflag:s21] =	ssyncadd.s32 $0xFFFFC000  }
0x225: {  	[hbm4b:s19+s3] =	stream.linear.scatter [tilespmem:s20], [sflag:$0x3], $0x4000, $0x38;
	[tilespmem:$0x1D000] =	vst v63  }
0x226: {  	_ =	swait.ge [sflag:s21], $0x4000  }
0x227: {  	[sflag:s21] =	ssyncset.done $0x0  }
0x228: {  	s18 =	rddreg [dreg:$0x1b];
	[sflag:s21] =	ssyncadd.s32 $0xFFFFC000  }
0x229: {  	[tilespmem:s20], [sflag:$0x3] =	stream.linear.gather [spmem:s18], $0x4000, $0x38;
	[tilespmem:$0x1D000] =	vst v63  }
0x22a: {  	_ =	swait.ge [sflag:s21], $0x4000  }
0x22b: {  	[sflag:s21] =	ssyncset.done $0x0  }
0x22c: {  	s19 =	rddreg [dreg:$0x1c];
	[sflag:s21] =	ssyncadd.s32 $0xFFFFC000  }
0x22d: {  	[hbm4b:s19+s3] =	stream.linear.scatter [tilespmem:s20], [sflag:$0x3], $0x4000, $0x38;
	[tilespmem:$0x1D000] =	vst v63  }
0x22e: {  	_ =	swait.ge [sflag:s21], $0x4000  }
0x22f: {  	[sflag:s21] =	ssyncset.done $0x0  }
0x230: {  	s18 =	rddreg [dreg:$0x1d];
	[sflag:s21] =	ssyncadd.s32 $0xFFFFC000  }
0x231: {  	[tilespmem:s20], [sflag:$0x3] =	stream.linear.gather [spmem:s18], $0x4000, $0x38;
	[tilespmem:$0x1D000] =	vst v63  }
0x232: {  	_ =	swait.ge [sflag:s21], $0x4000  }
0x233: {  	[sflag:s21] =	ssyncset.done $0x0  }
0x234: {  	s19 =	rddreg [dreg:$0x1e];
	[sflag:s21] =	ssyncadd.s32 $0xFFFFC000  }
0x235: {  	[hbm4b:s19+s3] =	stream.linear.scatter [tilespmem:s20], [sflag:$0x3], $0x4000, $0x38;
	[tilespmem:$0x1D000] =	vst v63  }
0x236: {  	_ =	swait.ge [sflag:s21], $0x4000  }
0x237: {  	[sflag:s21] =	ssyncset.done $0x0  }
0x238: {  	s18 =	rddreg [dreg:$0x1f];
	[sflag:s21] =	ssyncadd.s32 $0xFFFFC000  }
0x239: {  	[tilespmem:s20], [sflag:$0x3] =	stream.linear.gather [spmem:s18], $0x4000, $0x38;
	[tilespmem:$0x1D000] =	vst v63  }
0x23a: {  	_ =	swait.ge [sflag:s21], $0x4000  }
0x23b: {  	s19 =	sld [smem:$0x7FD]  }
0x23c: {  	[sflag:s21] =	ssyncset.done $0x0  }
0x23d: {  	[sflag:s21] =	ssyncadd.s32 $0xFFFFC000  }
0x23e: {  	[hbm4b:s19+s3] =	stream.linear.scatter [tilespmem:s20], [sflag:$0x3], $0x4000, $0x38;
	[tilespmem:$0x1D000] =	vst v63  }
0x23f: {  	_ =	swait.ge [sflag:s21], $0x4000  }
0x240: {  	s5 =	sld [smem:$0x7FC];
	_ =	sdelay $0x2  }
0x241: {  	s19 =	rddreg [dreg:$0x13];
	s18 =	sadd.s32 $0x1, s5  }
0x242: {  	p0 =	sne.s32 s18, s19  }
.Ltmp2:
0x243: {  	_ = 	snop;
	(pc) =	sbr.rel @p0 .LBB2_1-.Ltmp2, $3  }
0x244: {  	_ =	sdelay $0x1  }
0x245: {  	[sflag:s21] =	ssyncset.done $0x0  }
0x246: {  	[sflag:s21] =	ssyncadd.s32 $0xFFFFC000  }
0x247: {  	_ =	sfence.sel $0x180000  }
0x248: {  	[bflag:$0x0] =	sbarrier.arrive $0xFFFF  }
0x249: {  	_ =	strace $0x90000050  }
0x24a: {  	s0 =	stileid.u32;
	[bflag:$0x2] =	sbarrier.arrive $0xFFFF  }
0x24b: {  	p0 =	sne.s32 s0, $0x0;
	s0 =	rddreg [dreg:$0x2]  }
0x24c: {  	s0 =	sadd.s32 @!p0 $0x100000, s0  }
0x24d: {  	[sflag:s0] =	ssyncadd.tile.s32 @!p0 $0x1;
	_ =	shalt  }
.Lfunc_end2:
_tile_overlayer_lowered:
.L_overlay_start_2:
0x24e: {  	(tag) =	ssettag $0x2  }
0x24f: {  	s0 =	rddreg [dreg:$0x0];
	s2 =	stileid.u32  }
0x250: {  	s1 =	rddreg [dreg:$0x1];
	p0 =	sne.s32 s2, $0x0  }
0x251: {  	s3 =	rddreg [dreg:$0x2];
	[bflag:$0x3] =	sbarrier.arrive $0xFFFF;
	s2 =	simm.s32 @!p0 $0x1C03  }
0x252: {  	[timem:s3], [sflag:s2] =	dma.local @!p0 [hbm:s0], s1  }
0x253: {  	s0 =	simm.s32 @!p0 $0x3  }
0x254: {  	_ =	swait.ge @!p0 [sflag:s0], s1  }
0x255: {  	s1 =	ssub.s32 @!p0 $0x0, s1;
	[sflag:s0] =	ssyncset.done @!p0 $0x0  }
0x256: {  	[sflag:s0] =	ssyncadd.s32 @!p0 s1  }
0x257: {  	[bflag:$0x3] =	sbarrier.arrive $0xFFFF  }
0x258: {  	_ =	shalt  }

</sc_bundles>
